<compile_context>
chip_gen: v7x
topology: tpu7x:2x2x1
jax: 0.10.2.dev20260603
libtpu: 0.0.44.dev20260713+nightly
codegen_flags: <defaults>
</compile_context>

<pallas_src>
import functools

import jax
import jax.numpy as jnp
from jax import lax
from jax.experimental import pallas as pl
from jax.experimental.pallas import tpu as pltpu
from jax.experimental.pallas import tpu_sc as plsc

N = 20000
NP = 20480
PAD = NP - N
B = 256
NBLK = NP // B
T = 16
CHUNK = NP // T
VREGS = CHUNK // 16
BPAD = B + 16
SHMAX = (NP - B) // T
SPAD = NP + 1280
NMS_T = 0.3
SCORE_T = 0.05


def _iou_supp(ry1, rx1, ry2, rx2, ra, y1v, x1v, y2v, x2v, av):
    yy1 = jnp.maximum(ry1, y1v)
    xx1 = jnp.maximum(rx1, x1v)
    yy2 = jnp.minimum(ry2, y2v)
    xx2 = jnp.minimum(rx2, x2v)
    inter = jnp.maximum(yy2 - yy1, 0.0) * jnp.maximum(xx2 - xx1, 0.0)
    iou = inter / (ra + av - inter + 1e-9)
    return iou > NMS_T


def _make_kernel():
    mesh = plsc.VectorSubcoreMesh(
        core_axis_name="c", subcore_axis_name="s", num_cores=1, num_subcores=T
    )

    def body(y1h, x1h, y2h, x2h, sh, idxh,
             oy1, ox1, oy2, ox2, osv,
             sy1, sx1, sy2, sx2, sar, skp, ssv,
             by1, bx1, by2, bx2, bar, bkp,
             hy1, hx1, hy2, hx2, har, hkp,
             g1, g2, g3, g4, g5, ga, gk, gidx,
             my1, mx1, my2, mx2, mar, dsem, hsem):
        wid = lax.axis_index("s")
        base = pl.multiple_of(wid * CHUNK, 256)
        nrows = CHUNK // 128

        pltpu.sync_copy(idxh.at[wid], gidx)
        for c in range(nrows):
            dst = pl.ds(c * 128, 128)
            pltpu.sync_copy(y1h.at[gidx.at[c]], g1.at[dst])
            pltpu.sync_copy(x1h.at[gidx.at[c]], g2.at[dst])
            pltpu.sync_copy(y2h.at[gidx.at[c]], g3.at[dst])
            pltpu.sync_copy(x2h.at[gidx.at[c]], g4.at[dst])
            pltpu.sync_copy(sh.at[gidx.at[c]], g5.at[dst])

        def acomp(v, _):
            off = pl.ds(v * 16, 16)
            a = (jnp.maximum(g3[off] - g1[off], 0.0)
                 * jnp.maximum(g4[off] - g2[off], 0.0))
            ga[off] = a
            gk[off] = jnp.where(g5[off] > 0.0, 1.0, 0.0)
            return 0

        lax.fori_loop(0, VREGS, acomp, 0)

        dchunk = pl.ds(base, CHUNK)
        pltpu.sync_copy(g1, sy1.at[dchunk])
        pltpu.sync_copy(g2, sx1.at[dchunk])
        pltpu.sync_copy(g3, sy2.at[dchunk])
        pltpu.sync_copy(g4, sx2.at[dchunk])
        pltpu.sync_copy(ga, sar.at[dchunk])
        pltpu.sync_copy(gk, skp.at[dchunk])
        pltpu.sync_copy(g5, ssv.at[dchunk])
        plsc.subcore_barrier()

        def blk_body(blk, _):
            bs = pl.multiple_of(blk * B, 256)
            dblk = pl.ds(bs, B)
            head = pl.ds(0, B)
            s0 = bs + B
            share = (NP - s0) // T
            mystart = pl.multiple_of(s0 + wid * share, 16)
            nv = share // 16
            dsh = pl.ds(mystart, SHMAX)

            bdescs = [
                pltpu.async_copy(sy1.at[dblk], by1.at[head], dsem),
                pltpu.async_copy(sx1.at[dblk], bx1.at[head], dsem),
                pltpu.async_copy(sy2.at[dblk], by2.at[head], dsem),
                pltpu.async_copy(sx2.at[dblk], bx2.at[head], dsem),
                pltpu.async_copy(sar.at[dblk], bar.at[head], dsem),
                pltpu.async_copy(skp.at[dblk], bkp.at[head], dsem),
            ]
            sdescs = [
                pltpu.async_copy(sy1.at[dsh], hy1.at[pl.ds(0, SHMAX)], hsem),
                pltpu.async_copy(sx1.at[dsh], hx1.at[pl.ds(0, SHMAX)], hsem),
                pltpu.async_copy(sy2.at[dsh], hy2.at[pl.ds(0, SHMAX)], hsem),
                pltpu.async_copy(sx2.at[dsh], hx2.at[pl.ds(0, SHMAX)], hsem),
                pltpu.async_copy(sar.at[dsh], har.at[pl.ds(0, SHMAX)], hsem),
                pltpu.async_copy(skp.at[dsh], hkp.at[pl.ds(0, SHMAX)], hsem),
            ]
            for d in bdescs:
                d.wait()

            lane16 = lax.broadcasted_iota(jnp.int32, (16,), 0)

            def intra_r(r, nk):
                kr = bkp[pl.ds(r, 16)][0]

                def kept(nk):
                    ry1 = by1[pl.ds(r, 16)][0]
                    rx1 = bx1[pl.ds(r, 16)][0]
                    ry2 = by2[pl.ds(r, 16)][0]
                    rx2 = bx2[pl.ds(r, 16)][0]
                    ra = bar[pl.ds(r, 16)][0]
                    my1[nk] = ry1
                    mx1[nk] = rx1
                    my2[nk] = ry2
                    mx2[nk] = rx2
                    mar[nk] = ra

                    def iv(v, _):
                        off = pl.ds(v * 16, 16)
                        supp = _iou_supp(ry1, rx1, ry2, rx2, ra,
                                         by1[off], bx1[off], by2[off],
                                         bx2[off], bar[off])
                        supp = supp & ((v * 16 + lane16) > r)
                        bkp[off] = jnp.where(supp, 0.0, bkp[off])
                        return 0

                    lax.fori_loop(r // 16, B // 16, iv, 0)
                    return nk + 1

                return lax.cond(kr > 0.0, kept, lambda nk: nk, nk)

            nk = lax.fori_loop(0, B, intra_r, 0)

            @pl.when(wid == lax.rem(blk, T))
            def _():
                pltpu.sync_copy(bkp.at[head], skp.at[dblk])

            nk4 = ((nk + 7) // 8) * 8

            def zpad(i, _):
                my1[i] = 0.0
                mx1[i] = 0.0
                my2[i] = 0.0
                mx2[i] = 0.0
                mar[i] = 0.0
                return 0

            lax.fori_loop(nk, nk4, zpad, 0)

            for d in sdescs:
                d.wait()

            def quad_body(k, _):
                rows = []
                for j in range(8):
                    i = 8 * k + j
                    rows.append((my1[i], mx1[i], my2[i], mx2[i], mar[i]))

                def sv_(v2, _):
                    for h in range(2):
                        off = pl.ds((v2 * 2 + h) * 16, 16)
                        y1v = hy1[off]; x1v = hx1[off]
                        y2v = hy2[off]; x2v = hx2[off]; av = har[off]
                        supp = None
                        for (ry1, rx1, ry2, rx2, ra) in rows:
                            s = _iou_supp(ry1, rx1, ry2, rx2, ra,
                                          y1v, x1v, y2v, x2v, av)
                            supp = s if supp is None else (supp | s)
                        hkp[off] = jnp.where(supp, 0.0, hkp[off])
                    return 0

                lax.fori_loop(0, (nv + 1) // 2, sv_, 0)
                return 0

            lax.fori_loop(0, nk4 // 8, quad_body, 0)

            for bit in (64, 32, 16, 8, 4, 2, 1):
                off_elems = (nv & ~(2 * bit - 1)) * 16

                @pl.when((nv & bit) != 0)
                def _(bit=bit, off_elems=off_elems):
                    pltpu.sync_copy(
                        hkp.at[pl.ds(pl.multiple_of(off_elems, 16), bit * 16)],
                        skp.at[pl.ds(pl.multiple_of(mystart + off_elems, 16),
                                     bit * 16)])

            plsc.subcore_barrier()
            return 0

        lax.fori_loop(0, NBLK, blk_body, 0)

        pltpu.sync_copy(sy1.at[dchunk], g1)
        pltpu.sync_copy(sx1.at[dchunk], g2)
        pltpu.sync_copy(sy2.at[dchunk], g3)
        pltpu.sync_copy(sx2.at[dchunk], g4)
        pltpu.sync_copy(ssv.at[dchunk], g5)
        pltpu.sync_copy(skp.at[dchunk], gk)

        def ccomp(v, _):
            off = pl.ds(v * 16, 16)
            m = gk[off] > 0.0
            g1[off] = jnp.where(m, g1[off], 0.0)
            g2[off] = jnp.where(m, g2[off], 0.0)
            g3[off] = jnp.where(m, g3[off], 0.0)
            g4[off] = jnp.where(m, g4[off], 0.0)
            g5[off] = jnp.where(m, g5[off], 0.0)
            return 0

        lax.fori_loop(0, VREGS, ccomp, 0)

        pltpu.sync_copy(g1, oy1.at[dchunk])
        pltpu.sync_copy(g2, ox1.at[dchunk])
        pltpu.sync_copy(g3, oy2.at[dchunk])
        pltpu.sync_copy(g4, ox2.at[dchunk])
        pltpu.sync_copy(g5, osv.at[dchunk])

    f32 = jnp.float32
    out_type = [jax.ShapeDtypeStruct((NP,), f32) for _ in range(5)]
    scratch = (
        [pltpu.VMEM_SHARED((SPAD,), f32) for _ in range(7)]
        + [pltpu.VMEM((BPAD,), f32) for _ in range(6)]
        + [pltpu.VMEM((SHMAX + 16,), f32) for _ in range(6)]
        + [pltpu.VMEM((CHUNK,), f32) for _ in range(7)]
        + [pltpu.VMEM((CHUNK // 128, 128), jnp.int32)]
        + [pltpu.SMEM((B + 8,), f32) for _ in range(5)]
        + [pltpu.SemaphoreType.DMA, pltpu.SemaphoreType.DMA]
    )
    return pl.kernel(body, out_type=out_type, mesh=mesh, scratch_types=scratch)


_nms_sc = _make_kernel()


@jax.jit
def kernel(boxes, scores):
    s = jnp.where(scores > SCORE_T, scores, -1.0)
    s_pad = jnp.concatenate([s, jnp.full((PAD,), -1.0, jnp.float32)])
    order = jnp.argsort(-s_pad).astype(jnp.int32)
    idxh = order.reshape(T, CHUNK // 128, 128)
    bp = jnp.concatenate([boxes, jnp.zeros((PAD, 4), jnp.float32)], axis=0)
    y1, x1, y2, x2, sv = _nms_sc(
        bp[:, 0], bp[:, 1], bp[:, 2], bp[:, 3], s_pad, idxh)
    return jnp.stack([y1, x1, y2, x2, sv], axis=1)[:N]

# --- scband reference (transcript-rebuilt; emitter-appended) ---
"""Pipeline reference for scband-faster-rcnn-72662256714231 (READ-ONLY COPY).

The authoritative reference and input builder live on the scoring server;
editing this copy changes nothing except your own understanding.
"""

import jax, jax.numpy as jnp
import numpy as np
from jax import lax

N = 20000
NMS_THRESH = 0.3
SCORE_THRESH = 0.05


def setup_inputs(seed: int = 0) -> dict:
    key = jax.random.key(seed)
    k1, k2 = jax.random.split(key)
    raw = jax.random.uniform(k1, (N, 4), dtype=jnp.float32)
    # build valid (y1, x1, y2, x2) boxes on an ~800x800 image
    y1 = raw[:, 0] * 800.0
    x1 = raw[:, 1] * 800.0
    y2 = y1 + raw[:, 2] * 100.0 + 1.0
    x2 = x1 + raw[:, 3] * 100.0 + 1.0
    boxes = jnp.stack([y1, x1, y2, x2], axis=1)
    scores = jax.random.uniform(k2, (N,), dtype=jnp.float32)
    return {"boxes": boxes, "scores": scores}


def _nms_keep(b, sv, iou_thresh):
    # greedy NMS over score-sorted boxes b (fixed shape, mask-based)
    n = b.shape[0]
    areas = jnp.maximum(b[:, 2] - b[:, 0], 0.0) * jnp.maximum(b[:, 3] - b[:, 1], 0.0)
    idx = jnp.arange(n)

    def body(i, keep):
        yy1 = jnp.maximum(b[i, 0], b[:, 0])
        xx1 = jnp.maximum(b[i, 1], b[:, 1])
        yy2 = jnp.minimum(b[i, 2], b[:, 2])
        xx2 = jnp.minimum(b[i, 3], b[:, 3])
        inter = jnp.maximum(yy2 - yy1, 0.0) * jnp.maximum(xx2 - xx1, 0.0)
        iou = inter / (areas[i] + areas - inter + 1e-9)
        suppress = (iou > iou_thresh) & (idx > i) & keep[i]
        return keep & (~suppress)

    keep0 = sv > 0.0
    return lax.fori_loop(0, n, body, keep0)


def reference(boxes, scores):
    # faithful translation of FasterRcnn._suppress core for one class:
    #   score-threshold mask -> sort by score -> greedy NMS keep -> gather survivors
    valid = scores > SCORE_THRESH
    s = jnp.where(valid, scores, -1.0)
    order = jnp.argsort(-s)
    b = boxes[order]
    sv = s[order]
    keep = _nms_keep(lax.stop_gradient(b), lax.stop_gradient(sv), NMS_THRESH)
    keep = keep & (sv > 0.0)
    boxes_out = jnp.where(keep[:, None], b, 0.0)
    scores_out = jnp.where(keep, sv, 0.0)
    return jnp.concatenate([boxes_out, scores_out[:, None]], axis=1)

if __name__ == "__main__":
    import jax
    _d = setup_inputs()
    print(jax.jit(kernel)(*tuple(_d.values())))

</pallas_src>

<mosaic_0001>
#map = affine_map<(d0, d1) -> (0)>
#map1 = affine_map<(d0, d1) -> (0, 0, 0)>
module attributes {stable_mosaic.version = 14 : i64} {
  func.func @body(%arg0: i32, %arg1: i32, %arg2: memref<20480xf32, #tpu.memory_space<hbm>>, %arg3: memref<20480xf32, #tpu.memory_space<hbm>>, %arg4: memref<20480xf32, #tpu.memory_space<hbm>>, %arg5: memref<20480xf32, #tpu.memory_space<hbm>>, %arg6: memref<20480xf32, #tpu.memory_space<hbm>>, %arg7: memref<16x10x128xi32, #tpu.memory_space<hbm>>, %arg8: memref<20480xf32, #tpu.memory_space<hbm>>, %arg9: memref<20480xf32, #tpu.memory_space<hbm>>, %arg10: memref<20480xf32, #tpu.memory_space<hbm>>, %arg11: memref<20480xf32, #tpu.memory_space<hbm>>, %arg12: memref<20480xf32, #tpu.memory_space<hbm>>, %arg13: memref<21760xf32, #tpu.memory_space<vmem_shared>>, %arg14: memref<21760xf32, #tpu.memory_space<vmem_shared>>, %arg15: memref<21760xf32, #tpu.memory_space<vmem_shared>>, %arg16: memref<21760xf32, #tpu.memory_space<vmem_shared>>, %arg17: memref<21760xf32, #tpu.memory_space<vmem_shared>>, %arg18: memref<21760xf32, #tpu.memory_space<vmem_shared>>, %arg19: memref<21760xf32, #tpu.memory_space<vmem_shared>>, %arg20: memref<272xf32, #tpu.memory_space<vmem>>, %arg21: memref<272xf32, #tpu.memory_space<vmem>>, %arg22: memref<272xf32, #tpu.memory_space<vmem>>, %arg23: memref<272xf32, #tpu.memory_space<vmem>>, %arg24: memref<272xf32, #tpu.memory_space<vmem>>, %arg25: memref<272xf32, #tpu.memory_space<vmem>>, %arg26: memref<1280xf32, #tpu.memory_space<vmem>>, %arg27: memref<1280xf32, #tpu.memory_space<vmem>>, %arg28: memref<1280xf32, #tpu.memory_space<vmem>>, %arg29: memref<1280xf32, #tpu.memory_space<vmem>>, %arg30: memref<1280xf32, #tpu.memory_space<vmem>>, %arg31: memref<1280xf32, #tpu.memory_space<vmem>>, %arg32: memref<1280xf32, #tpu.memory_space<vmem>>, %arg33: memref<1280xf32, #tpu.memory_space<vmem>>, %arg34: memref<1280xf32, #tpu.memory_space<vmem>>, %arg35: memref<1280xf32, #tpu.memory_space<vmem>>, %arg36: memref<1280xf32, #tpu.memory_space<vmem>>, %arg37: memref<1280xf32, #tpu.memory_space<vmem>>, %arg38: memref<1280xf32, #tpu.memory_space<vmem>>, %arg39: memref<10x128xi32, #tpu.memory_space<vmem>>, %arg40: memref<264xf32, #tpu.memory_space<smem>>, %arg41: memref<264xf32, #tpu.memory_space<smem>>, %arg42: memref<264xf32, #tpu.memory_space<smem>>, %arg43: memref<264xf32, #tpu.memory_space<smem>>, %arg44: memref<264xf32, #tpu.memory_space<smem>>, %arg45: memref<!tpu.dma_semaphore, #tpu.memory_space<semaphore_mem>>, %arg46: memref<!tpu.dma_semaphore, #tpu.memory_space<semaphore_mem>>) attributes {dimension_semantics = [#tpu.dimension_semantics<core_parallel>, #tpu.dimension_semantics<subcore_parallel>], iteration_bounds = array<i64: 1, 16>, scalar_prefetch = 0 : i64, scratch_operands = 34 : i64, tpu.core_type = #tpu.core_type<sc_vector_subcore>, window_params = [{transform_indices = #map}, {transform_indices = #map}, {transform_indices = #map}, {transform_indices = #map}, {transform_indices = #map}, {transform_indices = #map1}, {transform_indices = #map}, {transform_indices = #map}, {transform_indices = #map}, {transform_indices = #map}, {transform_indices = #map}]} {
    %mul3A = arith.constant 1280 : i32
    %mul3A_0 = arith.muli %arg1, %mul3A : i32
    %multiple_of3A = tpu.assume_multiple %mul3A_0, 256 : i32
    "tpu.region"() ({
      %run_scoped3A_70 = tpu.sem_alloc : memref<!tpu.dma_semaphore, #tpu.memory_space<semaphore_mem>>
      %dma_start3A = arith.constant 0 : i32
      %dma_start3A_71 = arith.constant 0 : i32
      %dma_start3A_72 = tpu.memref_slice %arg7[%arg1, %dma_start3A, %dma_start3A_71] : memref<16x10x128xi32, #tpu.memory_space<hbm>> -> memref<1x10x128xi32, #tpu.memory_space<hbm>>
      %dma_start3A_73 = tpu.memref_squeeze %dma_start3A_72 : memref<1x10x128xi32, #tpu.memory_space<hbm>> -> memref<10x128xi32, #tpu.memory_space<hbm>>
      %dma_start3A_74 = arith.constant 0 : i32
      %dma_start3A_75 = arith.constant 0 : i32
      %dma_start3A_76 = tpu.memref_slice %arg7[%arg1, %dma_start3A_74, %dma_start3A_75] : memref<16x10x128xi32, #tpu.memory_space<hbm>> -> memref<1x10x128xi32, #tpu.memory_space<hbm>>
      %dma_start3A_77 = tpu.memref_squeeze %dma_start3A_76 : memref<1x10x128xi32, #tpu.memory_space<hbm>> -> memref<10x128xi32, #tpu.memory_space<hbm>>
      tpu.enqueue_dma source(%dma_start3A_77 : memref<10x128xi32, #tpu.memory_space<hbm>>) target(%arg39 : memref<10x128xi32, #tpu.memory_space<vmem>>) target_semaphore(%run_scoped3A_70 : memref<!tpu.dma_semaphore, #tpu.memory_space<semaphore_mem>>)
      %dma_wait3A = arith.constant 0 : i32
      %dma_wait3A_78 = arith.constant 0 : i32
      %dma_wait3A_79 = tpu.memref_slice %arg7[%arg1, %dma_wait3A, %dma_wait3A_78] : memref<16x10x128xi32, #tpu.memory_space<hbm>> -> memref<1x10x128xi32, #tpu.memory_space<hbm>>
      %dma_wait3A_80 = tpu.memref_squeeze %dma_wait3A_79 : memref<1x10x128xi32, #tpu.memory_space<hbm>> -> memref<10x128xi32, #tpu.memory_space<hbm>>
      %dma_wait3A_81 = arith.constant 0 : i32
      %dma_wait3A_82 = arith.constant 0 : i32
      %dma_wait3A_83 = tpu.memref_slice %arg7[%arg1, %dma_wait3A_81, %dma_wait3A_82] : memref<16x10x128xi32, #tpu.memory_space<hbm>> -> memref<1x10x128xi32, #tpu.memory_space<hbm>>
      %dma_wait3A_84 = tpu.memref_squeeze %dma_wait3A_83 : memref<1x10x128xi32, #tpu.memory_space<hbm>> -> memref<10x128xi32, #tpu.memory_space<hbm>>
      tpu.wait_dma2 semaphore(%run_scoped3A_70 : memref<!tpu.dma_semaphore, #tpu.memory_space<semaphore_mem>>) src(%dma_wait3A_84 : memref<10x128xi32, #tpu.memory_space<hbm>>) dst(%arg39 : memref<10x128xi32, #tpu.memory_space<vmem>>)
      tpu.yield
    }) : () -> ()
    %run_scoped3A = arith.constant 0 : i32
    "tpu.region"() ({
      %run_scoped3A_70 = tpu.sem_alloc : memref<!tpu.dma_semaphore, #tpu.memory_space<semaphore_mem>>
      %dma_start3A = arith.constant 0 : i32
      %dma_start3A_71 = tpu.memref_slice %arg32[%dma_start3A] : memref<1280xf32, #tpu.memory_space<vmem>> -> memref<128xf32, #tpu.memory_space<vmem>>
      %dma_start3A_72 = arith.constant 0 : i32
      %dma_start3A_73 = tpu.memref_slice %arg39[%run_scoped3A, %dma_start3A_72] : memref<10x128xi32, #tpu.memory_space<vmem>> -> memref<1x128xi32, #tpu.memory_space<vmem>>
      %dma_start3A_74 = tpu.memref_squeeze %dma_start3A_73 : memref<1x128xi32, #tpu.memory_space<vmem>> -> memref<128xi32, #tpu.memory_space<vmem>>
      %dma_start3A_75 = arith.constant 0 : i32
      %dma_start3A_76 = tpu.memref_slice %arg2[%dma_start3A_75] : memref<20480xf32, #tpu.memory_space<hbm>> -> memref<20480xf32, #tpu.memory_space<hbm>>
      tpu.enqueue_indirect_dma source(%dma_start3A_76 : memref<20480xf32, #tpu.memory_space<hbm>>) target(%dma_start3A_71 : memref<128xf32, #tpu.memory_space<vmem>>) offsets(%dma_start3A_74 : memref<128xi32, #tpu.memory_space<vmem>>) semaphore(%run_scoped3A_70 : memref<!tpu.dma_semaphore, #tpu.memory_space<semaphore_mem>>)
      %dma_wait3A = arith.constant 0 : i32
      %dma_wait3A_77 = tpu.memref_slice %arg32[%dma_wait3A] : memref<1280xf32, #tpu.memory_space<vmem>> -> memref<128xf32, #tpu.memory_space<vmem>>
      %dma_wait3A_78 = arith.constant 0 : i32
      %dma_wait3A_79 = tpu.memref_slice %arg39[%run_scoped3A, %dma_wait3A_78] : memref<10x128xi32, #tpu.memory_space<vmem>> -> memref<1x128xi32, #tpu.memory_space<vmem>>
      %dma_wait3A_80 = tpu.memref_squeeze %dma_wait3A_79 : memref<1x128xi32, #tpu.memory_space<vmem>> -> memref<128xi32, #tpu.memory_space<vmem>>
      %dma_wait3A_81 = arith.constant 0 : i32
      %dma_wait3A_82 = tpu.memref_slice %arg2[%dma_wait3A_81] : memref<20480xf32, #tpu.memory_space<hbm>> -> memref<20480xf32, #tpu.memory_space<hbm>>
      tpu.wait_indirect_dma semaphore(%run_scoped3A_70 : memref<!tpu.dma_semaphore, #tpu.memory_space<semaphore_mem>>) src(%dma_wait3A_82 : memref<20480xf32, #tpu.memory_space<hbm>>) dst(%dma_wait3A_77 : memref<128xf32, #tpu.memory_space<vmem>>)
      tpu.yield
    }) : () -> ()
    %run_scoped3A_1 = arith.constant 0 : i32
    "tpu.region"() ({
      %run_scoped3A_70 = tpu.sem_alloc : memref<!tpu.dma_semaphore, #tpu.memory_space<semaphore_mem>>
      %dma_start3A = arith.constant 0 : i32
      %dma_start3A_71 = tpu.memref_slice %arg33[%dma_start3A] : memref<1280xf32, #tpu.memory_space<vmem>> -> memref<128xf32, #tpu.memory_space<vmem>>
      %dma_start3A_72 = arith.constant 0 : i32
      %dma_start3A_73 = tpu.memref_slice %arg39[%run_scoped3A_1, %dma_start3A_72] : memref<10x128xi32, #tpu.memory_space<vmem>> -> memref<1x128xi32, #tpu.memory_space<vmem>>
      %dma_start3A_74 = tpu.memref_squeeze %dma_start3A_73 : memref<1x128xi32, #tpu.memory_space<vmem>> -> memref<128xi32, #tpu.memory_space<vmem>>
      %dma_start3A_75 = arith.constant 0 : i32
      %dma_start3A_76 = tpu.memref_slice %arg3[%dma_start3A_75] : memref<20480xf32, #tpu.memory_space<hbm>> -> memref<20480xf32, #tpu.memory_space<hbm>>
      tpu.enqueue_indirect_dma source(%dma_start3A_76 : memref<20480xf32, #tpu.memory_space<hbm>>) target(%dma_start3A_71 : memref<128xf32, #tpu.memory_space<vmem>>) offsets(%dma_start3A_74 : memref<128xi32, #tpu.memory_space<vmem>>) semaphore(%run_scoped3A_70 : memref<!tpu.dma_semaphore, #tpu.memory_space<semaphore_mem>>)
      %dma_wait3A = arith.constant 0 : i32
      %dma_wait3A_77 = tpu.memref_slice %arg33[%dma_wait3A] : memref<1280xf32, #tpu.memory_space<vmem>> -> memref<128xf32, #tpu.memory_space<vmem>>
      %dma_wait3A_78 = arith.constant 0 : i32
      %dma_wait3A_79 = tpu.memref_slice %arg39[%run_scoped3A_1, %dma_wait3A_78] : memref<10x128xi32, #tpu.memory_space<vmem>> -> memref<1x128xi32, #tpu.memory_space<vmem>>
      %dma_wait3A_80 = tpu.memref_squeeze %dma_wait3A_79 : memref<1x128xi32, #tpu.memory_space<vmem>> -> memref<128xi32, #tpu.memory_space<vmem>>
      %dma_wait3A_81 = arith.constant 0 : i32
      %dma_wait3A_82 = tpu.memref_slice %arg3[%dma_wait3A_81] : memref<20480xf32, #tpu.memory_space<hbm>> -> memref<20480xf32, #tpu.memory_space<hbm>>
      tpu.wait_indirect_dma semaphore(%run_scoped3A_70 : memref<!tpu.dma_semaphore, #tpu.memory_space<semaphore_mem>>) src(%dma_wait3A_82 : memref<20480xf32, #tpu.memory_space<hbm>>) dst(%dma_wait3A_77 : memref<128xf32, #tpu.memory_space<vmem>>)
      tpu.yield
    }) : () -> ()
    %run_scoped3A_2 = arith.constant 0 : i32
    "tpu.region"() ({
      %run_scoped3A_70 = tpu.sem_alloc : memref<!tpu.dma_semaphore, #tpu.memory_space<semaphore_mem>>
      %dma_start3A = arith.constant 0 : i32
      %dma_start3A_71 = tpu.memref_slice %arg34[%dma_start3A] : memref<1280xf32, #tpu.memory_space<vmem>> -> memref<128xf32, #tpu.memory_space<vmem>>
      %dma_start3A_72 = arith.constant 0 : i32
      %dma_start3A_73 = tpu.memref_slice %arg39[%run_scoped3A_2, %dma_start3A_72] : memref<10x128xi32, #tpu.memory_space<vmem>> -> memref<1x128xi32, #tpu.memory_space<vmem>>
      %dma_start3A_74 = tpu.memref_squeeze %dma_start3A_73 : memref<1x128xi32, #tpu.memory_space<vmem>> -> memref<128xi32, #tpu.memory_space<vmem>>
      %dma_start3A_75 = arith.constant 0 : i32
      %dma_start3A_76 = tpu.memref_slice %arg4[%dma_start3A_75] : memref<20480xf32, #tpu.memory_space<hbm>> -> memref<20480xf32, #tpu.memory_space<hbm>>
      tpu.enqueue_indirect_dma source(%dma_start3A_76 : memref<20480xf32, #tpu.memory_space<hbm>>) target(%dma_start3A_71 : memref<128xf32, #tpu.memory_space<vmem>>) offsets(%dma_start3A_74 : memref<128xi32, #tpu.memory_space<vmem>>) semaphore(%run_scoped3A_70 : memref<!tpu.dma_semaphore, #tpu.memory_space<semaphore_mem>>)
      %dma_wait3A = arith.constant 0 : i32
      %dma_wait3A_77 = tpu.memref_slice %arg34[%dma_wait3A] : memref<1280xf32, #tpu.memory_space<vmem>> -> memref<128xf32, #tpu.memory_space<vmem>>
      %dma_wait3A_78 = arith.constant 0 : i32
      %dma_wait3A_79 = tpu.memref_slice %arg39[%run_scoped3A_2, %dma_wait3A_78] : memref<10x128xi32, #tpu.memory_space<vmem>> -> memref<1x128xi32, #tpu.memory_space<vmem>>
      %dma_wait3A_80 = tpu.memref_squeeze %dma_wait3A_79 : memref<1x128xi32, #tpu.memory_space<vmem>> -> memref<128xi32, #tpu.memory_space<vmem>>
      %dma_wait3A_81 = arith.constant 0 : i32
      %dma_wait3A_82 = tpu.memref_slice %arg4[%dma_wait3A_81] : memref<20480xf32, #tpu.memory_space<hbm>> -> memref<20480xf32, #tpu.memory_space<hbm>>
      tpu.wait_indirect_dma semaphore(%run_scoped3A_70 : memref<!tpu.dma_semaphore, #tpu.memory_space<semaphore_mem>>) src(%dma_wait3A_82 : memref<20480xf32, #tpu.memory_space<hbm>>) dst(%dma_wait3A_77 : memref<128xf32, #tpu.memory_space<vmem>>)
      tpu.yield
    }) : () -> ()
    %run_scoped3A_3 = arith.constant 0 : i32
    "tpu.region"() ({
      %run_scoped3A_70 = tpu.sem_alloc : memref<!tpu.dma_semaphore, #tpu.memory_space<semaphore_mem>>
      %dma_start3A = arith.constant 0 : i32
      %dma_start3A_71 = tpu.memref_slice %arg35[%dma_start3A] : memref<1280xf32, #tpu.memory_space<vmem>> -> memref<128xf32, #tpu.memory_space<vmem>>
      %dma_start3A_72 = arith.constant 0 : i32
      %dma_start3A_73 = tpu.memref_slice %arg39[%run_scoped3A_3, %dma_start3A_72] : memref<10x128xi32, #tpu.memory_space<vmem>> -> memref<1x128xi32, #tpu.memory_space<vmem>>
      %dma_start3A_74 = tpu.memref_squeeze %dma_start3A_73 : memref<1x128xi32, #tpu.memory_space<vmem>> -> memref<128xi32, #tpu.memory_space<vmem>>
      %dma_start3A_75 = arith.constant 0 : i32
      %dma_start3A_76 = tpu.memref_slice %arg5[%dma_start3A_75] : memref<20480xf32, #tpu.memory_space<hbm>> -> memref<20480xf32, #tpu.memory_space<hbm>>
      tpu.enqueue_indirect_dma source(%dma_start3A_76 : memref<20480xf32, #tpu.memory_space<hbm>>) target(%dma_start3A_71 : memref<128xf32, #tpu.memory_space<vmem>>) offsets(%dma_start3A_74 : memref<128xi32, #tpu.memory_space<vmem>>) semaphore(%run_scoped3A_70 : memref<!tpu.dma_semaphore, #tpu.memory_space<semaphore_mem>>)
      %dma_wait3A = arith.constant 0 : i32
      %dma_wait3A_77 = tpu.memref_slice %arg35[%dma_wait3A] : memref<1280xf32, #tpu.memory_space<vmem>> -> memref<128xf32, #tpu.memory_space<vmem>>
      %dma_wait3A_78 = arith.constant 0 : i32
      %dma_wait3A_79 = tpu.memref_slice %arg39[%run_scoped3A_3, %dma_wait3A_78] : memref<10x128xi32, #tpu.memory_space<vmem>> -> memref<1x128xi32, #tpu.memory_space<vmem>>
      %dma_wait3A_80 = tpu.memref_squeeze %dma_wait3A_79 : memref<1x128xi32, #tpu.memory_space<vmem>> -> memref<128xi32, #tpu.memory_space<vmem>>
      %dma_wait3A_81 = arith.constant 0 : i32
      %dma_wait3A_82 = tpu.memref_slice %arg5[%dma_wait3A_81] : memref<20480xf32, #tpu.memory_space<hbm>> -> memref<20480xf32, #tpu.memory_space<hbm>>
      tpu.wait_indirect_dma semaphore(%run_scoped3A_70 : memref<!tpu.dma_semaphore, #tpu.memory_space<semaphore_mem>>) src(%dma_wait3A_82 : memref<20480xf32, #tpu.memory_space<hbm>>) dst(%dma_wait3A_77 : memref<128xf32, #tpu.memory_space<vmem>>)
      tpu.yield
    }) : () -> ()
    %run_scoped3A_4 = arith.constant 0 : i32
    "tpu.region"() ({
      %run_scoped3A_70 = tpu.sem_alloc : memref<!tpu.dma_semaphore, #tpu.memory_space<semaphore_mem>>
      %dma_start3A = arith.constant 0 : i32
      %dma_start3A_71 = tpu.memref_slice %arg36[%dma_start3A] : memref<1280xf32, #tpu.memory_space<vmem>> -> memref<128xf32, #tpu.memory_space<vmem>>
      %dma_start3A_72 = arith.constant 0 : i32
      %dma_start3A_73 = tpu.memref_slice %arg39[%run_scoped3A_4, %dma_start3A_72] : memref<10x128xi32, #tpu.memory_space<vmem>> -> memref<1x128xi32, #tpu.memory_space<vmem>>
      %dma_start3A_74 = tpu.memref_squeeze %dma_start3A_73 : memref<1x128xi32, #tpu.memory_space<vmem>> -> memref<128xi32, #tpu.memory_space<vmem>>
      %dma_start3A_75 = arith.constant 0 : i32
      %dma_start3A_76 = tpu.memref_slice %arg6[%dma_start3A_75] : memref<20480xf32, #tpu.memory_space<hbm>> -> memref<20480xf32, #tpu.memory_space<hbm>>
      tpu.enqueue_indirect_dma source(%dma_start3A_76 : memref<20480xf32, #tpu.memory_space<hbm>>) target(%dma_start3A_71 : memref<128xf32, #tpu.memory_space<vmem>>) offsets(%dma_start3A_74 : memref<128xi32, #tpu.memory_space<vmem>>) semaphore(%run_scoped3A_70 : memref<!tpu.dma_semaphore, #tpu.memory_space<semaphore_mem>>)
      %dma_wait3A = arith.constant 0 : i32
      %dma_wait3A_77 = tpu.memref_slice %arg36[%dma_wait3A] : memref<1280xf32, #tpu.memory_space<vmem>> -> memref<128xf32, #tpu.memory_space<vmem>>
      %dma_wait3A_78 = arith.constant 0 : i32
      %dma_wait3A_79 = tpu.memref_slice %arg39[%run_scoped3A_4, %dma_wait3A_78] : memref<10x128xi32, #tpu.memory_space<vmem>> -> memref<1x128xi32, #tpu.memory_space<vmem>>
      %dma_wait3A_80 = tpu.memref_squeeze %dma_wait3A_79 : memref<1x128xi32, #tpu.memory_space<vmem>> -> memref<128xi32, #tpu.memory_space<vmem>>
      %dma_wait3A_81 = arith.constant 0 : i32
      %dma_wait3A_82 = tpu.memref_slice %arg6[%dma_wait3A_81] : memref<20480xf32, #tpu.memory_space<hbm>> -> memref<20480xf32, #tpu.memory_space<hbm>>
      tpu.wait_indirect_dma semaphore(%run_scoped3A_70 : memref<!tpu.dma_semaphore, #tpu.memory_space<semaphore_mem>>) src(%dma_wait3A_82 : memref<20480xf32, #tpu.memory_space<hbm>>) dst(%dma_wait3A_77 : memref<128xf32, #tpu.memory_space<vmem>>)
      tpu.yield
    }) : () -> ()
    %run_scoped3A_5 = arith.constant 1 : i32
    "tpu.region"() ({
      %run_scoped3A_70 = tpu.sem_alloc : memref<!tpu.dma_semaphore, #tpu.memory_space<semaphore_mem>>
      %dma_start3A = arith.constant 128 : i32
      %dma_start3A_71 = tpu.memref_slice %arg32[%dma_start3A] : memref<1280xf32, #tpu.memory_space<vmem>> -> memref<128xf32, #tpu.memory_space<vmem>>
      %dma_start3A_72 = arith.constant 0 : i32
      %dma_start3A_73 = tpu.memref_slice %arg39[%run_scoped3A_5, %dma_start3A_72] : memref<10x128xi32, #tpu.memory_space<vmem>> -> memref<1x128xi32, #tpu.memory_space<vmem>>
      %dma_start3A_74 = tpu.memref_squeeze %dma_start3A_73 : memref<1x128xi32, #tpu.memory_space<vmem>> -> memref<128xi32, #tpu.memory_space<vmem>>
      %dma_start3A_75 = arith.constant 0 : i32
      %dma_start3A_76 = tpu.memref_slice %arg2[%dma_start3A_75] : memref<20480xf32, #tpu.memory_space<hbm>> -> memref<20480xf32, #tpu.memory_space<hbm>>
      tpu.enqueue_indirect_dma source(%dma_start3A_76 : memref<20480xf32, #tpu.memory_space<hbm>>) target(%dma_start3A_71 : memref<128xf32, #tpu.memory_space<vmem>>) offsets(%dma_start3A_74 : memref<128xi32, #tpu.memory_space<vmem>>) semaphore(%run_scoped3A_70 : memref<!tpu.dma_semaphore, #tpu.memory_space<semaphore_mem>>)
      %dma_wait3A = arith.constant 128 : i32
      %dma_wait3A_77 = tpu.memref_slice %arg32[%dma_wait3A] : memref<1280xf32, #tpu.memory_space<vmem>> -> memref<128xf32, #tpu.memory_space<vmem>>
      %dma_wait3A_78 = arith.constant 0 : i32
      %dma_wait3A_79 = tpu.memref_slice %arg39[%run_scoped3A_5, %dma_wait3A_78] : memref<10x128xi32, #tpu.memory_space<vmem>> -> memref<1x128xi32, #tpu.memory_space<vmem>>
      %dma_wait3A_80 = tpu.memref_squeeze %dma_wait3A_79 : memref<1x128xi32, #tpu.memory_space<vmem>> -> memref<128xi32, #tpu.memory_space<vmem>>
      %dma_wait3A_81 = arith.constant 0 : i32
      %dma_wait3A_82 = tpu.memref_slice %arg2[%dma_wait3A_81] : memref<20480xf32, #tpu.memory_space<hbm>> -> memref<20480xf32, #tpu.memory_space<hbm>>
      tpu.wait_indirect_dma semaphore(%run_scoped3A_70 : memref<!tpu.dma_semaphore, #tpu.memory_space<semaphore_mem>>) src(%dma_wait3A_82 : memref<20480xf32, #tpu.memory_space<hbm>>) dst(%dma_wait3A_77 : memref<128xf32, #tpu.memory_space<vmem>>)
      tpu.yield
    }) : () -> ()
    %run_scoped3A_6 = arith.constant 1 : i32
    "tpu.region"() ({
      %run_scoped3A_70 = tpu.sem_alloc : memref<!tpu.dma_semaphore, #tpu.memory_space<semaphore_mem>>
      %dma_start3A = arith.constant 128 : i32
      %dma_start3A_71 = tpu.memref_slice %arg33[%dma_start3A] : memref<1280xf32, #tpu.memory_space<vmem>> -> memref<128xf32, #tpu.memory_space<vmem>>
      %dma_start3A_72 = arith.constant 0 : i32
      %dma_start3A_73 = tpu.memref_slice %arg39[%run_scoped3A_6, %dma_start3A_72] : memref<10x128xi32, #tpu.memory_space<vmem>> -> memref<1x128xi32, #tpu.memory_space<vmem>>
      %dma_start3A_74 = tpu.memref_squeeze %dma_start3A_73 : memref<1x128xi32, #tpu.memory_space<vmem>> -> memref<128xi32, #tpu.memory_space<vmem>>
      %dma_start3A_75 = arith.constant 0 : i32
      %dma_start3A_76 = tpu.memref_slice %arg3[%dma_start3A_75] : memref<20480xf32, #tpu.memory_space<hbm>> -> memref<20480xf32, #tpu.memory_space<hbm>>
      tpu.enqueue_indirect_dma source(%dma_start3A_76 : memref<20480xf32, #tpu.memory_space<hbm>>) target(%dma_start3A_71 : memref<128xf32, #tpu.memory_space<vmem>>) offsets(%dma_start3A_74 : memref<128xi32, #tpu.memory_space<vmem>>) semaphore(%run_scoped3A_70 : memref<!tpu.dma_semaphore, #tpu.memory_space<semaphore_mem>>)
      %dma_wait3A = arith.constant 128 : i32
      %dma_wait3A_77 = tpu.memref_slice %arg33[%dma_wait3A] : memref<1280xf32, #tpu.memory_space<vmem>> -> memref<128xf32, #tpu.memory_space<vmem>>
      %dma_wait3A_78 = arith.constant 0 : i32
      %dma_wait3A_79 = tpu.memref_slice %arg39[%run_scoped3A_6, %dma_wait3A_78] : memref<10x128xi32, #tpu.memory_space<vmem>> -> memref<1x128xi32, #tpu.memory_space<vmem>>
      %dma_wait3A_80 = tpu.memref_squeeze %dma_wait3A_79 : memref<1x128xi32, #tpu.memory_space<vmem>> -> memref<128xi32, #tpu.memory_space<vmem>>
      %dma_wait3A_81 = arith.constant 0 : i32
      %dma_wait3A_82 = tpu.memref_slice %arg3[%dma_wait3A_81] : memref<20480xf32, #tpu.memory_space<hbm>> -> memref<20480xf32, #tpu.memory_space<hbm>>
      tpu.wait_indirect_dma semaphore(%run_scoped3A_70 : memref<!tpu.dma_semaphore, #tpu.memory_space<semaphore_mem>>) src(%dma_wait3A_82 : memref<20480xf32, #tpu.memory_space<hbm>>) dst(%dma_wait3A_77 : memref<128xf32, #tpu.memory_space<vmem>>)
      tpu.yield
    }) : () -> ()
    %run_scoped3A_7 = arith.constant 1 : i32
    "tpu.region"() ({
      %run_scoped3A_70 = tpu.sem_alloc : memref<!tpu.dma_semaphore, #tpu.memory_space<semaphore_mem>>
      %dma_start3A = arith.constant 128 : i32
      %dma_start3A_71 = tpu.memref_slice %arg34[%dma_start3A] : memref<1280xf32, #tpu.memory_space<vmem>> -> memref<128xf32, #tpu.memory_space<vmem>>
      %dma_start3A_72 = arith.constant 0 : i32
      %dma_start3A_73 = tpu.memref_slice %arg39[%run_scoped3A_7, %dma_start3A_72] : memref<10x128xi32, #tpu.memory_space<vmem>> -> memref<1x128xi32, #tpu.memory_space<vmem>>
      %dma_start3A_74 = tpu.memref_squeeze %dma_start3A_73 : memref<1x128xi32, #tpu.memory_space<vmem>> -> memref<128xi32, #tpu.memory_space<vmem>>
      %dma_start3A_75 = arith.constant 0 : i32
      %dma_start3A_76 = tpu.memref_slice %arg4[%dma_start3A_75] : memref<20480xf32, #tpu.memory_space<hbm>> -> memref<20480xf32, #tpu.memory_space<hbm>>
      tpu.enqueue_indirect_dma source(%dma_start3A_76 : memref<20480xf32, #tpu.memory_space<hbm>>) target(%dma_start3A_71 : memref<128xf32, #tpu.memory_space<vmem>>) offsets(%dma_start3A_74 : memref<128xi32, #tpu.memory_space<vmem>>) semaphore(%run_scoped3A_70 : memref<!tpu.dma_semaphore, #tpu.memory_space<semaphore_mem>>)
      %dma_wait3A = arith.constant 128 : i32
      %dma_wait3A_77 = tpu.memref_slice %arg34[%dma_wait3A] : memref<1280xf32, #tpu.memory_space<vmem>> -> memref<128xf32, #tpu.memory_space<vmem>>
      %dma_wait3A_78 = arith.constant 0 : i32
      %dma_wait3A_79 = tpu.memref_slice %arg39[%run_scoped3A_7, %dma_wait3A_78] : memref<10x128xi32, #tpu.memory_space<vmem>> -> memref<1x128xi32, #tpu.memory_space<vmem>>
      %dma_wait3A_80 = tpu.memref_squeeze %dma_wait3A_79 : memref<1x128xi32, #tpu.memory_space<vmem>> -> memref<128xi32, #tpu.memory_space<vmem>>
      %dma_wait3A_81 = arith.constant 0 : i32
      %dma_wait3A_82 = tpu.memref_slice %arg4[%dma_wait3A_81] : memref<20480xf32, #tpu.memory_space<hbm>> -> memref<20480xf32, #tpu.memory_space<hbm>>
      tpu.wait_indirect_dma semaphore(%run_scoped3A_70 : memref<!tpu.dma_semaphore, #tpu.memory_space<semaphore_mem>>) src(%dma_wait3A_82 : memref<20480xf32, #tpu.memory_space<hbm>>) dst(%dma_wait3A_77 : memref<128xf32, #tpu.memory_space<vmem>>)
      tpu.yield
    }) : () -> ()
    %run_scoped3A_8 = arith.constant 1 : i32
    "tpu.region"() ({
      %run_scoped3A_70 = tpu.sem_alloc : memref<!tpu.dma_semaphore, #tpu.memory_space<semaphore_mem>>
      %dma_start3A = arith.constant 128 : i32
      %dma_start3A_71 = tpu.memref_slice %arg35[%dma_start3A] : memref<1280xf32, #tpu.memory_space<vmem>> -> memref<128xf32, #tpu.memory_space<vmem>>
      %dma_start3A_72 = arith.constant 0 : i32
      %dma_start3A_73 = tpu.memref_slice %arg39[%run_scoped3A_8, %dma_start3A_72] : memref<10x128xi32, #tpu.memory_space<vmem>> -> memref<1x128xi32, #tpu.memory_space<vmem>>
      %dma_start3A_74 = tpu.memref_squeeze %dma_start3A_73 : memref<1x128xi32, #tpu.memory_space<vmem>> -> memref<128xi32, #tpu.memory_space<vmem>>
      %dma_start3A_75 = arith.constant 0 : i32
      %dma_start3A_76 = tpu.memref_slice %arg5[%dma_start3A_75] : memref<20480xf32, #tpu.memory_space<hbm>> -> memref<20480xf32, #tpu.memory_space<hbm>>
      tpu.enqueue_indirect_dma source(%dma_start3A_76 : memref<20480xf32, #tpu.memory_space<hbm>>) target(%dma_start3A_71 : memref<128xf32, #tpu.memory_space<vmem>>) offsets(%dma_start3A_74 : memref<128xi32, #tpu.memory_space<vmem>>) semaphore(%run_scoped3A_70 : memref<!tpu.dma_semaphore, #tpu.memory_space<semaphore_mem>>)
      %dma_wait3A = arith.constant 128 : i32
      %dma_wait3A_77 = tpu.memref_slice %arg35[%dma_wait3A] : memref<1280xf32, #tpu.memory_space<vmem>> -> memref<128xf32, #tpu.memory_space<vmem>>
      %dma_wait3A_78 = arith.constant 0 : i32
      %dma_wait3A_79 = tpu.memref_slice %arg39[%run_scoped3A_8, %dma_wait3A_78] : memref<10x128xi32, #tpu.memory_space<vmem>> -> memref<1x128xi32, #tpu.memory_space<vmem>>
      %dma_wait3A_80 = tpu.memref_squeeze %dma_wait3A_79 : memref<1x128xi32, #tpu.memory_space<vmem>> -> memref<128xi32, #tpu.memory_space<vmem>>
      %dma_wait3A_81 = arith.constant 0 : i32
      %dma_wait3A_82 = tpu.memref_slice %arg5[%dma_wait3A_81] : memref<20480xf32, #tpu.memory_space<hbm>> -> memref<20480xf32, #tpu.memory_space<hbm>>
      tpu.wait_indirect_dma semaphore(%run_scoped3A_70 : memref<!tpu.dma_semaphore, #tpu.memory_space<semaphore_mem>>) src(%dma_wait3A_82 : memref<20480xf32, #tpu.memory_space<hbm>>) dst(%dma_wait3A_77 : memref<128xf32, #tpu.memory_space<vmem>>)
      tpu.yield
    }) : () -> ()
    %run_scoped3A_9 = arith.constant 1 : i32
    "tpu.region"() ({
      %run_scoped3A_70 = tpu.sem_alloc : memref<!tpu.dma_semaphore, #tpu.memory_space<semaphore_mem>>
      %dma_start3A = arith.constant 128 : i32
      %dma_start3A_71 = tpu.memref_slice %arg36[%dma_start3A] : memref<1280xf32, #tpu.memory_space<vmem>> -> memref<128xf32, #tpu.memory_space<vmem>>
      %dma_start3A_72 = arith.constant 0 : i32
      %dma_start3A_73 = tpu.memref_slice %arg39[%run_scoped3A_9, %dma_start3A_72] : memref<10x128xi32, #tpu.memory_space<vmem>> -> memref<1x128xi32, #tpu.memory_space<vmem>>
      %dma_start3A_74 = tpu.memref_squeeze %dma_start3A_73 : memref<1x128xi32, #tpu.memory_space<vmem>> -> memref<128xi32, #tpu.memory_space<vmem>>
      %dma_start3A_75 = arith.constant 0 : i32
      %dma_start3A_76 = tpu.memref_slice %arg6[%dma_start3A_75] : memref<20480xf32, #tpu.memory_space<hbm>> -> memref<20480xf32, #tpu.memory_space<hbm>>
      tpu.enqueue_indirect_dma source(%dma_start3A_76 : memref<20480xf32, #tpu.memory_space<hbm>>) target(%dma_start3A_71 : memref<128xf32, #tpu.memory_space<vmem>>) offsets(%dma_start3A_74 : memref<128xi32, #tpu.memory_space<vmem>>) semaphore(%run_scoped3A_70 : memref<!tpu.dma_semaphore, #tpu.memory_space<semaphore_mem>>)
      %dma_wait3A = arith.constant 128 : i32
      %dma_wait3A_77 = tpu.memref_slice %arg36[%dma_wait3A] : memref<1280xf32, #tpu.memory_space<vmem>> -> memref<128xf32, #tpu.memory_space<vmem>>
      %dma_wait3A_78 = arith.constant 0 : i32
      %dma_wait3A_79 = tpu.memref_slice %arg39[%run_scoped3A_9, %dma_wait3A_78] : memref<10x128xi32, #tpu.memory_space<vmem>> -> memref<1x128xi32, #tpu.memory_space<vmem>>
      %dma_wait3A_80 = tpu.memref_squeeze %dma_wait3A_79 : memref<1x128xi32, #tpu.memory_space<vmem>> -> memref<128xi32, #tpu.memory_space<vmem>>
      %dma_wait3A_81 = arith.constant 0 : i32
      %dma_wait3A_82 = tpu.memref_slice %arg6[%dma_wait3A_81] : memref<20480xf32, #tpu.memory_space<hbm>> -> memref<20480xf32, #tpu.memory_space<hbm>>
      tpu.wait_indirect_dma semaphore(%run_scoped3A_70 : memref<!tpu.dma_semaphore, #tpu.memory_space<semaphore_mem>>) src(%dma_wait3A_82 : memref<20480xf32, #tpu.memory_space<hbm>>) dst(%dma_wait3A_77 : memref<128xf32, #tpu.memory_space<vmem>>)
      tpu.yield
    }) : () -> ()
    %run_scoped3A_10 = arith.constant 2 : i32
    "tpu.region"() ({
      %run_scoped3A_70 = tpu.sem_alloc : memref<!tpu.dma_semaphore, #tpu.memory_space<semaphore_mem>>
      %dma_start3A = arith.constant 256 : i32
      %dma_start3A_71 = tpu.memref_slice %arg32[%dma_start3A] : memref<1280xf32, #tpu.memory_space<vmem>> -> memref<128xf32, #tpu.memory_space<vmem>>
      %dma_start3A_72 = arith.constant 0 : i32
      %dma_start3A_73 = tpu.memref_slice %arg39[%run_scoped3A_10, %dma_start3A_72] : memref<10x128xi32, #tpu.memory_space<vmem>> -> memref<1x128xi32, #tpu.memory_space<vmem>>
      %dma_start3A_74 = tpu.memref_squeeze %dma_start3A_73 : memref<1x128xi32, #tpu.memory_space<vmem>> -> memref<128xi32, #tpu.memory_space<vmem>>
      %dma_start3A_75 = arith.constant 0 : i32
      %dma_start3A_76 = tpu.memref_slice %arg2[%dma_start3A_75] : memref<20480xf32, #tpu.memory_space<hbm>> -> memref<20480xf32, #tpu.memory_space<hbm>>
      tpu.enqueue_indirect_dma source(%dma_start3A_76 : memref<20480xf32, #tpu.memory_space<hbm>>) target(%dma_start3A_71 : memref<128xf32, #tpu.memory_space<vmem>>) offsets(%dma_start3A_74 : memref<128xi32, #tpu.memory_space<vmem>>) semaphore(%run_scoped3A_70 : memref<!tpu.dma_semaphore, #tpu.memory_space<semaphore_mem>>)
      %dma_wait3A = arith.constant 256 : i32
      %dma_wait3A_77 = tpu.memref_slice %arg32[%dma_wait3A] : memref<1280xf32, #tpu.memory_space<vmem>> -> memref<128xf32, #tpu.memory_space<vmem>>
      %dma_wait3A_78 = arith.constant 0 : i32
      %dma_wait3A_79 = tpu.memref_slice %arg39[%run_scoped3A_10, %dma_wait3A_78] : memref<10x128xi32, #tpu.memory_space<vmem>> -> memref<1x128xi32, #tpu.memory_space<vmem>>
      %dma_wait3A_80 = tpu.memref_squeeze %dma_wait3A_79 : memref<1x128xi32, #tpu.memory_space<vmem>> -> memref<128xi32, #tpu.memory_space<vmem>>
      %dma_wait3A_81 = arith.constant 0 : i32
      %dma_wait3A_82 = tpu.memref_slice %arg2[%dma_wait3A_81] : memref<20480xf32, #tpu.memory_space<hbm>> -> memref<20480xf32, #tpu.memory_space<hbm>>
      tpu.wait_indirect_dma semaphore(%run_scoped3A_70 : memref<!tpu.dma_semaphore, #tpu.memory_space<semaphore_mem>>) src(%dma_wait3A_82 : memref<20480xf32, #tpu.memory_space<hbm>>) dst(%dma_wait3A_77 : memref<128xf32, #tpu.memory_space<vmem>>)
      tpu.yield
    }) : () -> ()
    %run_scoped3A_11 = arith.constant 2 : i32
    "tpu.region"() ({
      %run_scoped3A_70 = tpu.sem_alloc : memref<!tpu.dma_semaphore, #tpu.memory_space<semaphore_mem>>
      %dma_start3A = arith.constant 256 : i32
      %dma_start3A_71 = tpu.memref_slice %arg33[%dma_start3A] : memref<1280xf32, #tpu.memory_space<vmem>> -> memref<128xf32, #tpu.memory_space<vmem>>
      %dma_start3A_72 = arith.constant 0 : i32
      %dma_start3A_73 = tpu.memref_slice %arg39[%run_scoped3A_11, %dma_start3A_72] : memref<10x128xi32, #tpu.memory_space<vmem>> -> memref<1x128xi32, #tpu.memory_space<vmem>>
      %dma_start3A_74 = tpu.memref_squeeze %dma_start3A_73 : memref<1x128xi32, #tpu.memory_space<vmem>> -> memref<128xi32, #tpu.memory_space<vmem>>
      %dma_start3A_75 = arith.constant 0 : i32
      %dma_start3A_76 = tpu.memref_slice %arg3[%dma_start3A_75] : memref<20480xf32, #tpu.memory_space<hbm>> -> memref<20480xf32, #tpu.memory_space<hbm>>
      tpu.enqueue_indirect_dma source(%dma_start3A_76 : memref<20480xf32, #tpu.memory_space<hbm>>) target(%dma_start3A_71 : memref<128xf32, #tpu.memory_space<vmem>>) offsets(%dma_start3A_74 : memref<128xi32, #tpu.memory_space<vmem>>) semaphore(%run_scoped3A_70 : memref<!tpu.dma_semaphore, #tpu.memory_space<semaphore_mem>>)
      %dma_wait3A = arith.constant 256 : i32
      %dma_wait3A_77 = tpu.memref_slice %arg33[%dma_wait3A] : memref<1280xf32, #tpu.memory_space<vmem>> -> memref<128xf32, #tpu.memory_space<vmem>>
      %dma_wait3A_78 = arith.constant 0 : i32
      %dma_wait3A_79 = tpu.memref_slice %arg39[%run_scoped3A_11, %dma_wait3A_78] : memref<10x128xi32, #tpu.memory_space<vmem>> -> memref<1x128xi32, #tpu.memory_space<vmem>>
      %dma_wait3A_80 = tpu.memref_squeeze %dma_wait3A_79 : memref<1x128xi32, #tpu.memory_space<vmem>> -> memref<128xi32, #tpu.memory_space<vmem>>
      %dma_wait3A_81 = arith.constant 0 : i32
      %dma_wait3A_82 = tpu.memref_slice %arg3[%dma_wait3A_81] : memref<20480xf32, #tpu.memory_space<hbm>> -> memref<20480xf32, #tpu.memory_space<hbm>>
      tpu.wait_indirect_dma semaphore(%run_scoped3A_70 : memref<!tpu.dma_semaphore, #tpu.memory_space<semaphore_mem>>) src(%dma_wait3A_82 : memref<20480xf32, #tpu.memory_space<hbm>>) dst(%dma_wait3A_77 : memref<128xf32, #tpu.memory_space<vmem>>)
      tpu.yield
    }) : () -> ()
    %run_scoped3A_12 = arith.constant 2 : i32
    "tpu.region"() ({
      %run_scoped3A_70 = tpu.sem_alloc : memref<!tpu.dma_semaphore, #tpu.memory_space<semaphore_mem>>
      %dma_start3A = arith.constant 256 : i32
      %dma_start3A_71 = tpu.memref_slice %arg34[%dma_start3A] : memref<1280xf32, #tpu.memory_space<vmem>> -> memref<128xf32, #tpu.memory_space<vmem>>
      %dma_start3A_72 = arith.constant 0 : i32
      %dma_start3A_73 = tpu.memref_slice %arg39[%run_scoped3A_12, %dma_start3A_72] : memref<10x128xi32, #tpu.memory_space<vmem>> -> memref<1x128xi32, #tpu.memory_space<vmem>>
      %dma_start3A_74 = tpu.memref_squeeze %dma_start3A_73 : memref<1x128xi32, #tpu.memory_space<vmem>> -> memref<128xi32, #tpu.memory_space<vmem>>
      %dma_start3A_75 = arith.constant 0 : i32
      %dma_start3A_76 = tpu.memref_slice %arg4[%dma_start3A_75] : memref<20480xf32, #tpu.memory_space<hbm>> -> memref<20480xf32, #tpu.memory_space<hbm>>
      tpu.enqueue_indirect_dma source(%dma_start3A_76 : memref<20480xf32, #tpu.memory_space<hbm>>) target(%dma_start3A_71 : memref<128xf32, #tpu.memory_space<vmem>>) offsets(%dma_start3A_74 : memref<128xi32, #tpu.memory_space<vmem>>) semaphore(%run_scoped3A_70 : memref<!tpu.dma_semaphore, #tpu.memory_space<semaphore_mem>>)
      %dma_wait3A = arith.constant 256 : i32
      %dma_wait3A_77 = tpu.memref_slice %arg34[%dma_wait3A] : memref<1280xf32, #tpu.memory_space<vmem>> -> memref<128xf32, #tpu.memory_space<vmem>>
      %dma_wait3A_78 = arith.constant 0 : i32
      %dma_wait3A_79 = tpu.memref_slice %arg39[%run_scoped3A_12, %dma_wait3A_78] : memref<10x128xi32, #tpu.memory_space<vmem>> -> memref<1x128xi32, #tpu.memory_space<vmem>>
      %dma_wait3A_80 = tpu.memref_squeeze %dma_wait3A_79 : memref<1x128xi32, #tpu.memory_space<vmem>> -> memref<128xi32, #tpu.memory_space<vmem>>
      %dma_wait3A_81 = arith.constant 0 : i32
      %dma_wait3A_82 = tpu.memref_slice %arg4[%dma_wait3A_81] : memref<20480xf32, #tpu.memory_space<hbm>> -> memref<20480xf32, #tpu.memory_space<hbm>>
      tpu.wait_indirect_dma semaphore(%run_scoped3A_70 : memref<!tpu.dma_semaphore, #tpu.memory_space<semaphore_mem>>) src(%dma_wait3A_82 : memref<20480xf32, #tpu.memory_space<hbm>>) dst(%dma_wait3A_77 : memref<128xf32, #tpu.memory_space<vmem>>)
      tpu.yield
    }) : () -> ()
    %run_scoped3A_13 = arith.constant 2 : i32
    "tpu.region"() ({
      %run_scoped3A_70 = tpu.sem_alloc : memref<!tpu.dma_semaphore, #tpu.memory_space<semaphore_mem>>
      %dma_start3A = arith.constant 256 : i32
      %dma_start3A_71 = tpu.memref_slice %arg35[%dma_start3A] : memref<1280xf32, #tpu.memory_space<vmem>> -> memref<128xf32, #tpu.memory_space<vmem>>
      %dma_start3A_72 = arith.constant 0 : i32
      %dma_start3A_73 = tpu.memref_slice %arg39[%run_scoped3A_13, %dma_start3A_72] : memref<10x128xi32, #tpu.memory_space<vmem>> -> memref<1x128xi32, #tpu.memory_space<vmem>>
      %dma_start3A_74 = tpu.memref_squeeze %dma_start3A_73 : memref<1x128xi32, #tpu.memory_space<vmem>> -> memref<128xi32, #tpu.memory_space<vmem>>
      %dma_start3A_75 = arith.constant 0 : i32
      %dma_start3A_76 = tpu.memref_slice %arg5[%dma_start3A_75] : memref<20480xf32, #tpu.memory_space<hbm>> -> memref<20480xf32, #tpu.memory_space<hbm>>
      tpu.enqueue_indirect_dma source(%dma_start3A_76 : memref<20480xf32, #tpu.memory_space<hbm>>) target(%dma_start3A_71 : memref<128xf32, #tpu.memory_space<vmem>>) offsets(%dma_start3A_74 : memref<128xi32, #tpu.memory_space<vmem>>) semaphore(%run_scoped3A_70 : memref<!tpu.dma_semaphore, #tpu.memory_space<semaphore_mem>>)
      %dma_wait3A = arith.constant 256 : i32
      %dma_wait3A_77 = tpu.memref_slice %arg35[%dma_wait3A] : memref<1280xf32, #tpu.memory_space<vmem>> -> memref<128xf32, #tpu.memory_space<vmem>>
      %dma_wait3A_78 = arith.constant 0 : i32
      %dma_wait3A_79 = tpu.memref_slice %arg39[%run_scoped3A_13, %dma_wait3A_78] : memref<10x128xi32, #tpu.memory_space<vmem>> -> memref<1x128xi32, #tpu.memory_space<vmem>>
      %dma_wait3A_80 = tpu.memref_squeeze %dma_wait3A_79 : memref<1x128xi32, #tpu.memory_space<vmem>> -> memref<128xi32, #tpu.memory_space<vmem>>
      %dma_wait3A_81 = arith.constant 0 : i32
      %dma_wait3A_82 = tpu.memref_slice %arg5[%dma_wait3A_81] : memref<20480xf32, #tpu.memory_space<hbm>> -> memref<20480xf32, #tpu.memory_space<hbm>>
      tpu.wait_indirect_dma semaphore(%run_scoped3A_70 : memref<!tpu.dma_semaphore, #tpu.memory_space<semaphore_mem>>) src(%dma_wait3A_82 : memref<20480xf32, #tpu.memory_space<hbm>>) dst(%dma_wait3A_77 : memref<128xf32, #tpu.memory_space<vmem>>)
      tpu.yield
    }) : () -> ()
    %run_scoped3A_14 = arith.constant 2 : i32
    "tpu.region"() ({
      %run_scoped3A_70 = tpu.sem_alloc : memref<!tpu.dma_semaphore, #tpu.memory_space<semaphore_mem>>
      %dma_start3A = arith.constant 256 : i32
      %dma_start3A_71 = tpu.memref_slice %arg36[%dma_start3A] : memref<1280xf32, #tpu.memory_space<vmem>> -> memref<128xf32, #tpu.memory_space<vmem>>
      %dma_start3A_72 = arith.constant 0 : i32
      %dma_start3A_73 = tpu.memref_slice %arg39[%run_scoped3A_14, %dma_start3A_72] : memref<10x128xi32, #tpu.memory_space<vmem>> -> memref<1x128xi32, #tpu.memory_space<vmem>>
      %dma_start3A_74 = tpu.memref_squeeze %dma_start3A_73 : memref<1x128xi32, #tpu.memory_space<vmem>> -> memref<128xi32, #tpu.memory_space<vmem>>
      %dma_start3A_75 = arith.constant 0 : i32
      %dma_start3A_76 = tpu.memref_slice %arg6[%dma_start3A_75] : memref<20480xf32, #tpu.memory_space<hbm>> -> memref<20480xf32, #tpu.memory_space<hbm>>
      tpu.enqueue_indirect_dma source(%dma_start3A_76 : memref<20480xf32, #tpu.memory_space<hbm>>) target(%dma_start3A_71 : memref<128xf32, #tpu.memory_space<vmem>>) offsets(%dma_start3A_74 : memref<128xi32, #tpu.memory_space<vmem>>) semaphore(%run_scoped3A_70 : memref<!tpu.dma_semaphore, #tpu.memory_space<semaphore_mem>>)
      %dma_wait3A = arith.constant 256 : i32
      %dma_wait3A_77 = tpu.memref_slice %arg36[%dma_wait3A] : memref<1280xf32, #tpu.memory_space<vmem>> -> memref<128xf32, #tpu.memory_space<vmem>>
      %dma_wait3A_78 = arith.constant 0 : i32
      %dma_wait3A_79 = tpu.memref_slice %arg39[%run_scoped3A_14, %dma_wait3A_78] : memref<10x128xi32, #tpu.memory_space<vmem>> -> memref<1x128xi32, #tpu.memory_space<vmem>>
      %dma_wait3A_80 = tpu.memref_squeeze %dma_wait3A_79 : memref<1x128xi32, #tpu.memory_space<vmem>> -> memref<128xi32, #tpu.memory_space<vmem>>
      %dma_wait3A_81 = arith.constant 0 : i32
      %dma_wait3A_82 = tpu.memref_slice %arg6[%dma_wait3A_81] : memref<20480xf32, #tpu.memory_space<hbm>> -> memref<20480xf32, #tpu.memory_space<hbm>>
      tpu.wait_indirect_dma semaphore(%run_scoped3A_70 : memref<!tpu.dma_semaphore, #tpu.memory_space<semaphore_mem>>) src(%dma_wait3A_82 : memref<20480xf32, #tpu.memory_space<hbm>>) dst(%dma_wait3A_77 : memref<128xf32, #tpu.memory_space<vmem>>)
      tpu.yield
    }) : () -> ()
    %run_scoped3A_15 = arith.constant 3 : i32
    "tpu.region"() ({
      %run_scoped3A_70 = tpu.sem_alloc : memref<!tpu.dma_semaphore, #tpu.memory_space<semaphore_mem>>
      %dma_start3A = arith.constant 384 : i32
      %dma_start3A_71 = tpu.memref_slice %arg32[%dma_start3A] : memref<1280xf32, #tpu.memory_space<vmem>> -> memref<128xf32, #tpu.memory_space<vmem>>
      %dma_start3A_72 = arith.constant 0 : i32
      %dma_start3A_73 = tpu.memref_slice %arg39[%run_scoped3A_15, %dma_start3A_72] : memref<10x128xi32, #tpu.memory_space<vmem>> -> memref<1x128xi32, #tpu.memory_space<vmem>>
      %dma_start3A_74 = tpu.memref_squeeze %dma_start3A_73 : memref<1x128xi32, #tpu.memory_space<vmem>> -> memref<128xi32, #tpu.memory_space<vmem>>
      %dma_start3A_75 = arith.constant 0 : i32
      %dma_start3A_76 = tpu.memref_slice %arg2[%dma_start3A_75] : memref<20480xf32, #tpu.memory_space<hbm>> -> memref<20480xf32, #tpu.memory_space<hbm>>
      tpu.enqueue_indirect_dma source(%dma_start3A_76 : memref<20480xf32, #tpu.memory_space<hbm>>) target(%dma_start3A_71 : memref<128xf32, #tpu.memory_space<vmem>>) offsets(%dma_start3A_74 : memref<128xi32, #tpu.memory_space<vmem>>) semaphore(%run_scoped3A_70 : memref<!tpu.dma_semaphore, #tpu.memory_space<semaphore_mem>>)
      %dma_wait3A = arith.constant 384 : i32
      %dma_wait3A_77 = tpu.memref_slice %arg32[%dma_wait3A] : memref<1280xf32, #tpu.memory_space<vmem>> -> memref<128xf32, #tpu.memory_space<vmem>>
      %dma_wait3A_78 = arith.constant 0 : i32
      %dma_wait3A_79 = tpu.memref_slice %arg39[%run_scoped3A_15, %dma_wait3A_78] : memref<10x128xi32, #tpu.memory_space<vmem>> -> memref<1x128xi32, #tpu.memory_space<vmem>>
      %dma_wait3A_80 = tpu.memref_squeeze %dma_wait3A_79 : memref<1x128xi32, #tpu.memory_space<vmem>> -> memref<128xi32, #tpu.memory_space<vmem>>
      %dma_wait3A_81 = arith.constant 0 : i32
      %dma_wait3A_82 = tpu.memref_slice %arg2[%dma_wait3A_81] : memref<20480xf32, #tpu.memory_space<hbm>> -> memref<20480xf32, #tpu.memory_space<hbm>>
      tpu.wait_indirect_dma semaphore(%run_scoped3A_70 : memref<!tpu.dma_semaphore, #tpu.memory_space<semaphore_mem>>) src(%dma_wait3A_82 : memref<20480xf32, #tpu.memory_space<hbm>>) dst(%dma_wait3A_77 : memref<128xf32, #tpu.memory_space<vmem>>)
      tpu.yield
    }) : () -> ()
    %run_scoped3A_16 = arith.constant 3 : i32
    "tpu.region"() ({
      %run_scoped3A_70 = tpu.sem_alloc : memref<!tpu.dma_semaphore, #tpu.memory_space<semaphore_mem>>
      %dma_start3A = arith.constant 384 : i32
      %dma_start3A_71 = tpu.memref_slice %arg33[%dma_start3A] : memref<1280xf32, #tpu.memory_space<vmem>> -> memref<128xf32, #tpu.memory_space<vmem>>
      %dma_start3A_72 = arith.constant 0 : i32
      %dma_start3A_73 = tpu.memref_slice %arg39[%run_scoped3A_16, %dma_start3A_72] : memref<10x128xi32, #tpu.memory_space<vmem>> -> memref<1x128xi32, #tpu.memory_space<vmem>>
      %dma_start3A_74 = tpu.memref_squeeze %dma_start3A_73 : memref<1x128xi32, #tpu.memory_space<vmem>> -> memref<128xi32, #tpu.memory_space<vmem>>
      %dma_start3A_75 = arith.constant 0 : i32
      %dma_start3A_76 = tpu.memref_slice %arg3[%dma_start3A_75] : memref<20480xf32, #tpu.memory_space<hbm>> -> memref<20480xf32, #tpu.memory_space<hbm>>
      tpu.enqueue_indirect_dma source(%dma_start3A_76 : memref<20480xf32, #tpu.memory_space<hbm>>) target(%dma_start3A_71 : memref<128xf32, #tpu.memory_space<vmem>>) offsets(%dma_start3A_74 : memref<128xi32, #tpu.memory_space<vmem>>) semaphore(%run_scoped3A_70 : memref<!tpu.dma_semaphore, #tpu.memory_space<semaphore_mem>>)
      %dma_wait3A = arith.constant 384 : i32
      %dma_wait3A_77 = tpu.memref_slice %arg33[%dma_wait3A] : memref<1280xf32, #tpu.memory_space<vmem>> -> memref<128xf32, #tpu.memory_space<vmem>>
      %dma_wait3A_78 = arith.constant 0 : i32
      %dma_wait3A_79 = tpu.memref_slice %arg39[%run_scoped3A_16, %dma_wait3A_78] : memref<10x128xi32, #tpu.memory_space<vmem>> -> memref<1x128xi32, #tpu.memory_space<vmem>>
      %dma_wait3A_80 = tpu.memref_squeeze %dma_wait3A_79 : memref<1x128xi32, #tpu.memory_space<vmem>> -> memref<128xi32, #tpu.memory_space<vmem>>
      %dma_wait3A_81 = arith.constant 0 : i32
      %dma_wait3A_82 = tpu.memref_slice %arg3[%dma_wait3A_81] : memref<20480xf32, #tpu.memory_space<hbm>> -> memref<20480xf32, #tpu.memory_space<hbm>>
      tpu.wait_indirect_dma semaphore(%run_scoped3A_70 : memref<!tpu.dma_semaphore, #tpu.memory_space<semaphore_mem>>) src(%dma_wait3A_82 : memref<20480xf32, #tpu.memory_space<hbm>>) dst(%dma_wait3A_77 : memref<128xf32, #tpu.memory_space<vmem>>)
      tpu.yield
    }) : () -> ()
    %run_scoped3A_17 = arith.constant 3 : i32
    "tpu.region"() ({
      %run_scoped3A_70 = tpu.sem_alloc : memref<!tpu.dma_semaphore, #tpu.memory_space<semaphore_mem>>
      %dma_start3A = arith.constant 384 : i32
      %dma_start3A_71 = tpu.memref_slice %arg34[%dma_start3A] : memref<1280xf32, #tpu.memory_space<vmem>> -> memref<128xf32, #tpu.memory_space<vmem>>
      %dma_start3A_72 = arith.constant 0 : i32
      %dma_start3A_73 = tpu.memref_slice %arg39[%run_scoped3A_17, %dma_start3A_72] : memref<10x128xi32, #tpu.memory_space<vmem>> -> memref<1x128xi32, #tpu.memory_space<vmem>>
      %dma_start3A_74 = tpu.memref_squeeze %dma_start3A_73 : memref<1x128xi32, #tpu.memory_space<vmem>> -> memref<128xi32, #tpu.memory_space<vmem>>
      %dma_start3A_75 = arith.constant 0 : i32
      %dma_start3A_76 = tpu.memref_slice %arg4[%dma_start3A_75] : memref<20480xf32, #tpu.memory_space<hbm>> -> memref<20480xf32, #tpu.memory_space<hbm>>
      tpu.enqueue_indirect_dma source(%dma_start3A_76 : memref<20480xf32, #tpu.memory_space<hbm>>) target(%dma_start3A_71 : memref<128xf32, #tpu.memory_space<vmem>>) offsets(%dma_start3A_74 : memref<128xi32, #tpu.memory_space<vmem>>) semaphore(%run_scoped3A_70 : memref<!tpu.dma_semaphore, #tpu.memory_space<semaphore_mem>>)
      %dma_wait3A = arith.constant 384 : i32
      %dma_wait3A_77 = tpu.memref_slice %arg34[%dma_wait3A] : memref<1280xf32, #tpu.memory_space<vmem>> -> memref<128xf32, #tpu.memory_space<vmem>>
      %dma_wait3A_78 = arith.constant 0 : i32
      %dma_wait3A_79 = tpu.memref_slice %arg39[%run_scoped3A_17, %dma_wait3A_78] : memref<10x128xi32, #tpu.memory_space<vmem>> -> memref<1x128xi32, #tpu.memory_space<vmem>>
      %dma_wait3A_80 = tpu.memref_squeeze %dma_wait3A_79 : memref<1x128xi32, #tpu.memory_space<vmem>> -> memref<128xi32, #tpu.memory_space<vmem>>
      %dma_wait3A_81 = arith.constant 0 : i32
      %dma_wait3A_82 = tpu.memref_slice %arg4[%dma_wait3A_81] : memref<20480xf32, #tpu.memory_space<hbm>> -> memref<20480xf32, #tpu.memory_space<hbm>>
      tpu.wait_indirect_dma semaphore(%run_scoped3A_70 : memref<!tpu.dma_semaphore, #tpu.memory_space<semaphore_mem>>) src(%dma_wait3A_82 : memref<20480xf32, #tpu.memory_space<hbm>>) dst(%dma_wait3A_77 : memref<128xf32, #tpu.memory_space<vmem>>)
      tpu.yield
    }) : () -> ()
    %run_scoped3A_18 = arith.constant 3 : i32
    "tpu.region"() ({
      %run_scoped3A_70 = tpu.sem_alloc : memref<!tpu.dma_semaphore, #tpu.memory_space<semaphore_mem>>
      %dma_start3A = arith.constant 384 : i32
      %dma_start3A_71 = tpu.memref_slice %arg35[%dma_start3A] : memref<1280xf32, #tpu.memory_space<vmem>> -> memref<128xf32, #tpu.memory_space<vmem>>
      %dma_start3A_72 = arith.constant 0 : i32
      %dma_start3A_73 = tpu.memref_slice %arg39[%run_scoped3A_18, %dma_start3A_72] : memref<10x128xi32, #tpu.memory_space<vmem>> -> memref<1x128xi32, #tpu.memory_space<vmem>>
      %dma_start3A_74 = tpu.memref_squeeze %dma_start3A_73 : memref<1x128xi32, #tpu.memory_space<vmem>> -> memref<128xi32, #tpu.memory_space<vmem>>
      %dma_start3A_75 = arith.constant 0 : i32
      %dma_start3A_76 = tpu.memref_slice %arg5[%dma_start3A_75] : memref<20480xf32, #tpu.memory_space<hbm>> -> memref<20480xf32, #tpu.memory_space<hbm>>
      tpu.enqueue_indirect_dma source(%dma_start3A_76 : memref<20480xf32, #tpu.memory_space<hbm>>) target(%dma_start3A_71 : memref<128xf32, #tpu.memory_space<vmem>>) offsets(%dma_start3A_74 : memref<128xi32, #tpu.memory_space<vmem>>) semaphore(%run_scoped3A_70 : memref<!tpu.dma_semaphore, #tpu.memory_space<semaphore_mem>>)
      %dma_wait3A = arith.constant 384 : i32
      %dma_wait3A_77 = tpu.memref_slice %arg35[%dma_wait3A] : memref<1280xf32, #tpu.memory_space<vmem>> -> memref<128xf32, #tpu.memory_space<vmem>>
      %dma_wait3A_78 = arith.constant 0 : i32
      %dma_wait3A_79 = tpu.memref_slice %arg39[%run_scoped3A_18, %dma_wait3A_78] : memref<10x128xi32, #tpu.memory_space<vmem>> -> memref<1x128xi32, #tpu.memory_space<vmem>>
      %dma_wait3A_80 = tpu.memref_squeeze %dma_wait3A_79 : memref<1x128xi32, #tpu.memory_space<vmem>> -> memref<128xi32, #tpu.memory_space<vmem>>
      %dma_wait3A_81 = arith.constant 0 : i32
      %dma_wait3A_82 = tpu.memref_slice %arg5[%dma_wait3A_81] : memref<20480xf32, #tpu.memory_space<hbm>> -> memref<20480xf32, #tpu.memory_space<hbm>>
      tpu.wait_indirect_dma semaphore(%run_scoped3A_70 : memref<!tpu.dma_semaphore, #tpu.memory_space<semaphore_mem>>) src(%dma_wait3A_82 : memref<20480xf32, #tpu.memory_space<hbm>>) dst(%dma_wait3A_77 : memref<128xf32, #tpu.memory_space<vmem>>)
      tpu.yield
    }) : () -> ()
    %run_scoped3A_19 = arith.constant 3 : i32
    "tpu.region"() ({
      %run_scoped3A_70 = tpu.sem_alloc : memref<!tpu.dma_semaphore, #tpu.memory_space<semaphore_mem>>
      %dma_start3A = arith.constant 384 : i32
      %dma_start3A_71 = tpu.memref_slice %arg36[%dma_start3A] : memref<1280xf32, #tpu.memory_space<vmem>> -> memref<128xf32, #tpu.memory_space<vmem>>
      %dma_start3A_72 = arith.constant 0 : i32
      %dma_start3A_73 = tpu.memref_slice %arg39[%run_scoped3A_19, %dma_start3A_72] : memref<10x128xi32, #tpu.memory_space<vmem>> -> memref<1x128xi32, #tpu.memory_space<vmem>>
      %dma_start3A_74 = tpu.memref_squeeze %dma_start3A_73 : memref<1x128xi32, #tpu.memory_space<vmem>> -> memref<128xi32, #tpu.memory_space<vmem>>
      %dma_start3A_75 = arith.constant 0 : i32
      %dma_start3A_76 = tpu.memref_slice %arg6[%dma_start3A_75] : memref<20480xf32, #tpu.memory_space<hbm>> -> memref<20480xf32, #tpu.memory_space<hbm>>
      tpu.enqueue_indirect_dma source(%dma_start3A_76 : memref<20480xf32, #tpu.memory_space<hbm>>) target(%dma_start3A_71 : memref<128xf32, #tpu.memory_space<vmem>>) offsets(%dma_start3A_74 : memref<128xi32, #tpu.memory_space<vmem>>) semaphore(%run_scoped3A_70 : memref<!tpu.dma_semaphore, #tpu.memory_space<semaphore_mem>>)
      %dma_wait3A = arith.constant 384 : i32
      %dma_wait3A_77 = tpu.memref_slice %arg36[%dma_wait3A] : memref<1280xf32, #tpu.memory_space<vmem>> -> memref<128xf32, #tpu.memory_space<vmem>>
      %dma_wait3A_78 = arith.constant 0 : i32
      %dma_wait3A_79 = tpu.memref_slice %arg39[%run_scoped3A_19, %dma_wait3A_78] : memref<10x128xi32, #tpu.memory_space<vmem>> -> memref<1x128xi32, #tpu.memory_space<vmem>>
      %dma_wait3A_80 = tpu.memref_squeeze %dma_wait3A_79 : memref<1x128xi32, #tpu.memory_space<vmem>> -> memref<128xi32, #tpu.memory_space<vmem>>
      %dma_wait3A_81 = arith.constant 0 : i32
      %dma_wait3A_82 = tpu.memref_slice %arg6[%dma_wait3A_81] : memref<20480xf32, #tpu.memory_space<hbm>> -> memref<20480xf32, #tpu.memory_space<hbm>>
      tpu.wait_indirect_dma semaphore(%run_scoped3A_70 : memref<!tpu.dma_semaphore, #tpu.memory_space<semaphore_mem>>) src(%dma_wait3A_82 : memref<20480xf32, #tpu.memory_space<hbm>>) dst(%dma_wait3A_77 : memref<128xf32, #tpu.memory_space<vmem>>)
      tpu.yield
    }) : () -> ()
    %run_scoped3A_20 = arith.constant 4 : i32
    "tpu.region"() ({
      %run_scoped3A_70 = tpu.sem_alloc : memref<!tpu.dma_semaphore, #tpu.memory_space<semaphore_mem>>
      %dma_start3A = arith.constant 512 : i32
      %dma_start3A_71 = tpu.memref_slice %arg32[%dma_start3A] : memref<1280xf32, #tpu.memory_space<vmem>> -> memref<128xf32, #tpu.memory_space<vmem>>
      %dma_start3A_72 = arith.constant 0 : i32
      %dma_start3A_73 = tpu.memref_slice %arg39[%run_scoped3A_20, %dma_start3A_72] : memref<10x128xi32, #tpu.memory_space<vmem>> -> memref<1x128xi32, #tpu.memory_space<vmem>>
      %dma_start3A_74 = tpu.memref_squeeze %dma_start3A_73 : memref<1x128xi32, #tpu.memory_space<vmem>> -> memref<128xi32, #tpu.memory_space<vmem>>
      %dma_start3A_75 = arith.constant 0 : i32
      %dma_start3A_76 = tpu.memref_slice %arg2[%dma_start3A_75] : memref<20480xf32, #tpu.memory_space<hbm>> -> memref<20480xf32, #tpu.memory_space<hbm>>
      tpu.enqueue_indirect_dma source(%dma_start3A_76 : memref<20480xf32, #tpu.memory_space<hbm>>) target(%dma_start3A_71 : memref<128xf32, #tpu.memory_space<vmem>>) offsets(%dma_start3A_74 : memref<128xi32, #tpu.memory_space<vmem>>) semaphore(%run_scoped3A_70 : memref<!tpu.dma_semaphore, #tpu.memory_space<semaphore_mem>>)
      %dma_wait3A = arith.constant 512 : i32
      %dma_wait3A_77 = tpu.memref_slice %arg32[%dma_wait3A] : memref<1280xf32, #tpu.memory_space<vmem>> -> memref<128xf32, #tpu.memory_space<vmem>>
      %dma_wait3A_78 = arith.constant 0 : i32
      %dma_wait3A_79 = tpu.memref_slice %arg39[%run_scoped3A_20, %dma_wait3A_78] : memref<10x128xi32, #tpu.memory_space<vmem>> -> memref<1x128xi32, #tpu.memory_space<vmem>>
      %dma_wait3A_80 = tpu.memref_squeeze %dma_wait3A_79 : memref<1x128xi32, #tpu.memory_space<vmem>> -> memref<128xi32, #tpu.memory_space<vmem>>
      %dma_wait3A_81 = arith.constant 0 : i32
      %dma_wait3A_82 = tpu.memref_slice %arg2[%dma_wait3A_81] : memref<20480xf32, #tpu.memory_space<hbm>> -> memref<20480xf32, #tpu.memory_space<hbm>>
      tpu.wait_indirect_dma semaphore(%run_scoped3A_70 : memref<!tpu.dma_semaphore, #tpu.memory_space<semaphore_mem>>) src(%dma_wait3A_82 : memref<20480xf32, #tpu.memory_space<hbm>>) dst(%dma_wait3A_77 : memref<128xf32, #tpu.memory_space<vmem>>)
      tpu.yield
    }) : () -> ()
    %run_scoped3A_21 = arith.constant 4 : i32
    "tpu.region"() ({
      %run_scoped3A_70 = tpu.sem_alloc : memref<!tpu.dma_semaphore, #tpu.memory_space<semaphore_mem>>
      %dma_start3A = arith.constant 512 : i32
      %dma_start3A_71 = tpu.memref_slice %arg33[%dma_start3A] : memref<1280xf32, #tpu.memory_space<vmem>> -> memref<128xf32, #tpu.memory_space<vmem>>
      %dma_start3A_72 = arith.constant 0 : i32
      %dma_start3A_73 = tpu.memref_slice %arg39[%run_scoped3A_21, %dma_start3A_72] : memref<10x128xi32, #tpu.memory_space<vmem>> -> memref<1x128xi32, #tpu.memory_space<vmem>>
      %dma_start3A_74 = tpu.memref_squeeze %dma_start3A_73 : memref<1x128xi32, #tpu.memory_space<vmem>> -> memref<128xi32, #tpu.memory_space<vmem>>
      %dma_start3A_75 = arith.constant 0 : i32
      %dma_start3A_76 = tpu.memref_slice %arg3[%dma_start3A_75] : memref<20480xf32, #tpu.memory_space<hbm>> -> memref<20480xf32, #tpu.memory_space<hbm>>
      tpu.enqueue_indirect_dma source(%dma_start3A_76 : memref<20480xf32, #tpu.memory_space<hbm>>) target(%dma_start3A_71 : memref<128xf32, #tpu.memory_space<vmem>>) offsets(%dma_start3A_74 : memref<128xi32, #tpu.memory_space<vmem>>) semaphore(%run_scoped3A_70 : memref<!tpu.dma_semaphore, #tpu.memory_space<semaphore_mem>>)
      %dma_wait3A = arith.constant 512 : i32
      %dma_wait3A_77 = tpu.memref_slice %arg33[%dma_wait3A] : memref<1280xf32, #tpu.memory_space<vmem>> -> memref<128xf32, #tpu.memory_space<vmem>>
      %dma_wait3A_78 = arith.constant 0 : i32
      %dma_wait3A_79 = tpu.memref_slice %arg39[%run_scoped3A_21, %dma_wait3A_78] : memref<10x128xi32, #tpu.memory_space<vmem>> -> memref<1x128xi32, #tpu.memory_space<vmem>>
      %dma_wait3A_80 = tpu.memref_squeeze %dma_wait3A_79 : memref<1x128xi32, #tpu.memory_space<vmem>> -> memref<128xi32, #tpu.memory_space<vmem>>
      %dma_wait3A_81 = arith.constant 0 : i32
      %dma_wait3A_82 = tpu.memref_slice %arg3[%dma_wait3A_81] : memref<20480xf32, #tpu.memory_space<hbm>> -> memref<20480xf32, #tpu.memory_space<hbm>>
      tpu.wait_indirect_dma semaphore(%run_scoped3A_70 : memref<!tpu.dma_semaphore, #tpu.memory_space<semaphore_mem>>) src(%dma_wait3A_82 : memref<20480xf32, #tpu.memory_space<hbm>>) dst(%dma_wait3A_77 : memref<128xf32, #tpu.memory_space<vmem>>)
      tpu.yield
    }) : () -> ()
    %run_scoped3A_22 = arith.constant 4 : i32
    "tpu.region"() ({
      %run_scoped3A_70 = tpu.sem_alloc : memref<!tpu.dma_semaphore, #tpu.memory_space<semaphore_mem>>
      %dma_start3A = arith.constant 512 : i32
      %dma_start3A_71 = tpu.memref_slice %arg34[%dma_start3A] : memref<1280xf32, #tpu.memory_space<vmem>> -> memref<128xf32, #tpu.memory_space<vmem>>
      %dma_start3A_72 = arith.constant 0 : i32
      %dma_start3A_73 = tpu.memref_slice %arg39[%run_scoped3A_22, %dma_start3A_72] : memref<10x128xi32, #tpu.memory_space<vmem>> -> memref<1x128xi32, #tpu.memory_space<vmem>>
      %dma_start3A_74 = tpu.memref_squeeze %dma_start3A_73 : memref<1x128xi32, #tpu.memory_space<vmem>> -> memref<128xi32, #tpu.memory_space<vmem>>
      %dma_start3A_75 = arith.constant 0 : i32
      %dma_start3A_76 = tpu.memref_slice %arg4[%dma_start3A_75] : memref<20480xf32, #tpu.memory_space<hbm>> -> memref<20480xf32, #tpu.memory_space<hbm>>
      tpu.enqueue_indirect_dma source(%dma_start3A_76 : memref<20480xf32, #tpu.memory_space<hbm>>) target(%dma_start3A_71 : memref<128xf32, #tpu.memory_space<vmem>>) offsets(%dma_start3A_74 : memref<128xi32, #tpu.memory_space<vmem>>) semaphore(%run_scoped3A_70 : memref<!tpu.dma_semaphore, #tpu.memory_space<semaphore_mem>>)
      %dma_wait3A = arith.constant 512 : i32
      %dma_wait3A_77 = tpu.memref_slice %arg34[%dma_wait3A] : memref<1280xf32, #tpu.memory_space<vmem>> -> memref<128xf32, #tpu.memory_space<vmem>>
      %dma_wait3A_78 = arith.constant 0 : i32
      %dma_wait3A_79 = tpu.memref_slice %arg39[%run_scoped3A_22, %dma_wait3A_78] : memref<10x128xi32, #tpu.memory_space<vmem>> -> memref<1x128xi32, #tpu.memory_space<vmem>>
      %dma_wait3A_80 = tpu.memref_squeeze %dma_wait3A_79 : memref<1x128xi32, #tpu.memory_space<vmem>> -> memref<128xi32, #tpu.memory_space<vmem>>
      %dma_wait3A_81 = arith.constant 0 : i32
      %dma_wait3A_82 = tpu.memref_slice %arg4[%dma_wait3A_81] : memref<20480xf32, #tpu.memory_space<hbm>> -> memref<20480xf32, #tpu.memory_space<hbm>>
      tpu.wait_indirect_dma semaphore(%run_scoped3A_70 : memref<!tpu.dma_semaphore, #tpu.memory_space<semaphore_mem>>) src(%dma_wait3A_82 : memref<20480xf32, #tpu.memory_space<hbm>>) dst(%dma_wait3A_77 : memref<128xf32, #tpu.memory_space<vmem>>)
      tpu.yield
    }) : () -> ()
    %run_scoped3A_23 = arith.constant 4 : i32
    "tpu.region"() ({
      %run_scoped3A_70 = tpu.sem_alloc : memref<!tpu.dma_semaphore, #tpu.memory_space<semaphore_mem>>
      %dma_start3A = arith.constant 512 : i32
      %dma_start3A_71 = tpu.memref_slice %arg35[%dma_start3A] : memref<1280xf32, #tpu.memory_space<vmem>> -> memref<128xf32, #tpu.memory_space<vmem>>
      %dma_start3A_72 = arith.constant 0 : i32
      %dma_start3A_73 = tpu.memref_slice %arg39[%run_scoped3A_23, %dma_start3A_72] : memref<10x128xi32, #tpu.memory_space<vmem>> -> memref<1x128xi32, #tpu.memory_space<vmem>>
      %dma_start3A_74 = tpu.memref_squeeze %dma_start3A_73 : memref<1x128xi32, #tpu.memory_space<vmem>> -> memref<128xi32, #tpu.memory_space<vmem>>
      %dma_start3A_75 = arith.constant 0 : i32
      %dma_start3A_76 = tpu.memref_slice %arg5[%dma_start3A_75] : memref<20480xf32, #tpu.memory_space<hbm>> -> memref<20480xf32, #tpu.memory_space<hbm>>
      tpu.enqueue_indirect_dma source(%dma_start3A_76 : memref<20480xf32, #tpu.memory_space<hbm>>) target(%dma_start3A_71 : memref<128xf32, #tpu.memory_space<vmem>>) offsets(%dma_start3A_74 : memref<128xi32, #tpu.memory_space<vmem>>) semaphore(%run_scoped3A_70 : memref<!tpu.dma_semaphore, #tpu.memory_space<semaphore_mem>>)
      %dma_wait3A = arith.constant 512 : i32
      %dma_wait3A_77 = tpu.memref_slice %arg35[%dma_wait3A] : memref<1280xf32, #tpu.memory_space<vmem>> -> memref<128xf32, #tpu.memory_space<vmem>>
      %dma_wait3A_78 = arith.constant 0 : i32
      %dma_wait3A_79 = tpu.memref_slice %arg39[%run_scoped3A_23, %dma_wait3A_78] : memref<10x128xi32, #tpu.memory_space<vmem>> -> memref<1x128xi32, #tpu.memory_space<vmem>>
      %dma_wait3A_80 = tpu.memref_squeeze %dma_wait3A_79 : memref<1x128xi32, #tpu.memory_space<vmem>> -> memref<128xi32, #tpu.memory_space<vmem>>
      %dma_wait3A_81 = arith.constant 0 : i32
      %dma_wait3A_82 = tpu.memref_slice %arg5[%dma_wait3A_81] : memref<20480xf32, #tpu.memory_space<hbm>> -> memref<20480xf32, #tpu.memory_space<hbm>>
      tpu.wait_indirect_dma semaphore(%run_scoped3A_70 : memref<!tpu.dma_semaphore, #tpu.memory_space<semaphore_mem>>) src(%dma_wait3A_82 : memref<20480xf32, #tpu.memory_space<hbm>>) dst(%dma_wait3A_77 : memref<128xf32, #tpu.memory_space<vmem>>)
      tpu.yield
    }) : () -> ()
    %run_scoped3A_24 = arith.constant 4 : i32
    "tpu.region"() ({
      %run_scoped3A_70 = tpu.sem_alloc : memref<!tpu.dma_semaphore, #tpu.memory_space<semaphore_mem>>
      %dma_start3A = arith.constant 512 : i32
      %dma_start3A_71 = tpu.memref_slice %arg36[%dma_start3A] : memref<1280xf32, #tpu.memory_space<vmem>> -> memref<128xf32, #tpu.memory_space<vmem>>
      %dma_start3A_72 = arith.constant 0 : i32
      %dma_start3A_73 = tpu.memref_slice %arg39[%run_scoped3A_24, %dma_start3A_72] : memref<10x128xi32, #tpu.memory_space<vmem>> -> memref<1x128xi32, #tpu.memory_space<vmem>>
      %dma_start3A_74 = tpu.memref_squeeze %dma_start3A_73 : memref<1x128xi32, #tpu.memory_space<vmem>> -> memref<128xi32, #tpu.memory_space<vmem>>
      %dma_start3A_75 = arith.constant 0 : i32
      %dma_start3A_76 = tpu.memref_slice %arg6[%dma_start3A_75] : memref<20480xf32, #tpu.memory_space<hbm>> -> memref<20480xf32, #tpu.memory_space<hbm>>
      tpu.enqueue_indirect_dma source(%dma_start3A_76 : memref<20480xf32, #tpu.memory_space<hbm>>) target(%dma_start3A_71 : memref<128xf32, #tpu.memory_space<vmem>>) offsets(%dma_start3A_74 : memref<128xi32, #tpu.memory_space<vmem>>) semaphore(%run_scoped3A_70 : memref<!tpu.dma_semaphore, #tpu.memory_space<semaphore_mem>>)
      %dma_wait3A = arith.constant 512 : i32
      %dma_wait3A_77 = tpu.memref_slice %arg36[%dma_wait3A] : memref<1280xf32, #tpu.memory_space<vmem>> -> memref<128xf32, #tpu.memory_space<vmem>>
      %dma_wait3A_78 = arith.constant 0 : i32
      %dma_wait3A_79 = tpu.memref_slice %arg39[%run_scoped3A_24, %dma_wait3A_78] : memref<10x128xi32, #tpu.memory_space<vmem>> -> memref<1x128xi32, #tpu.memory_space<vmem>>
      %dma_wait3A_80 = tpu.memref_squeeze %dma_wait3A_79 : memref<1x128xi32, #tpu.memory_space<vmem>> -> memref<128xi32, #tpu.memory_space<vmem>>
      %dma_wait3A_81 = arith.constant 0 : i32
      %dma_wait3A_82 = tpu.memref_slice %arg6[%dma_wait3A_81] : memref<20480xf32, #tpu.memory_space<hbm>> -> memref<20480xf32, #tpu.memory_space<hbm>>
      tpu.wait_indirect_dma semaphore(%run_scoped3A_70 : memref<!tpu.dma_semaphore, #tpu.memory_space<semaphore_mem>>) src(%dma_wait3A_82 : memref<20480xf32, #tpu.memory_space<hbm>>) dst(%dma_wait3A_77 : memref<128xf32, #tpu.memory_space<vmem>>)
      tpu.yield
    }) : () -> ()
    %run_scoped3A_25 = arith.constant 5 : i32
    "tpu.region"() ({
      %run_scoped3A_70 = tpu.sem_alloc : memref<!tpu.dma_semaphore, #tpu.memory_space<semaphore_mem>>
      %dma_start3A = arith.constant 640 : i32
      %dma_start3A_71 = tpu.memref_slice %arg32[%dma_start3A] : memref<1280xf32, #tpu.memory_space<vmem>> -> memref<128xf32, #tpu.memory_space<vmem>>
      %dma_start3A_72 = arith.constant 0 : i32
      %dma_start3A_73 = tpu.memref_slice %arg39[%run_scoped3A_25, %dma_start3A_72] : memref<10x128xi32, #tpu.memory_space<vmem>> -> memref<1x128xi32, #tpu.memory_space<vmem>>
      %dma_start3A_74 = tpu.memref_squeeze %dma_start3A_73 : memref<1x128xi32, #tpu.memory_space<vmem>> -> memref<128xi32, #tpu.memory_space<vmem>>
      %dma_start3A_75 = arith.constant 0 : i32
      %dma_start3A_76 = tpu.memref_slice %arg2[%dma_start3A_75] : memref<20480xf32, #tpu.memory_space<hbm>> -> memref<20480xf32, #tpu.memory_space<hbm>>
      tpu.enqueue_indirect_dma source(%dma_start3A_76 : memref<20480xf32, #tpu.memory_space<hbm>>) target(%dma_start3A_71 : memref<128xf32, #tpu.memory_space<vmem>>) offsets(%dma_start3A_74 : memref<128xi32, #tpu.memory_space<vmem>>) semaphore(%run_scoped3A_70 : memref<!tpu.dma_semaphore, #tpu.memory_space<semaphore_mem>>)
      %dma_wait3A = arith.constant 640 : i32
      %dma_wait3A_77 = tpu.memref_slice %arg32[%dma_wait3A] : memref<1280xf32, #tpu.memory_space<vmem>> -> memref<128xf32, #tpu.memory_space<vmem>>
      %dma_wait3A_78 = arith.constant 0 : i32
      %dma_wait3A_79 = tpu.memref_slice %arg39[%run_scoped3A_25, %dma_wait3A_78] : memref<10x128xi32, #tpu.memory_space<vmem>> -> memref<1x128xi32, #tpu.memory_space<vmem>>
      %dma_wait3A_80 = tpu.memref_squeeze %dma_wait3A_79 : memref<1x128xi32, #tpu.memory_space<vmem>> -> memref<128xi32, #tpu.memory_space<vmem>>
      %dma_wait3A_81 = arith.constant 0 : i32
      %dma_wait3A_82 = tpu.memref_slice %arg2[%dma_wait3A_81] : memref<20480xf32, #tpu.memory_space<hbm>> -> memref<20480xf32, #tpu.memory_space<hbm>>
      tpu.wait_indirect_dma semaphore(%run_scoped3A_70 : memref<!tpu.dma_semaphore, #tpu.memory_space<semaphore_mem>>) src(%dma_wait3A_82 : memref<20480xf32, #tpu.memory_space<hbm>>) dst(%dma_wait3A_77 : memref<128xf32, #tpu.memory_space<vmem>>)
      tpu.yield
    }) : () -> ()
    %run_scoped3A_26 = arith.constant 5 : i32
    "tpu.region"() ({
      %run_scoped3A_70 = tpu.sem_alloc : memref<!tpu.dma_semaphore, #tpu.memory_space<semaphore_mem>>
      %dma_start3A = arith.constant 640 : i32
      %dma_start3A_71 = tpu.memref_slice %arg33[%dma_start3A] : memref<1280xf32, #tpu.memory_space<vmem>> -> memref<128xf32, #tpu.memory_space<vmem>>
      %dma_start3A_72 = arith.constant 0 : i32
      %dma_start3A_73 = tpu.memref_slice %arg39[%run_scoped3A_26, %dma_start3A_72] : memref<10x128xi32, #tpu.memory_space<vmem>> -> memref<1x128xi32, #tpu.memory_space<vmem>>
      %dma_start3A_74 = tpu.memref_squeeze %dma_start3A_73 : memref<1x128xi32, #tpu.memory_space<vmem>> -> memref<128xi32, #tpu.memory_space<vmem>>
      %dma_start3A_75 = arith.constant 0 : i32
      %dma_start3A_76 = tpu.memref_slice %arg3[%dma_start3A_75] : memref<20480xf32, #tpu.memory_space<hbm>> -> memref<20480xf32, #tpu.memory_space<hbm>>
      tpu.enqueue_indirect_dma source(%dma_start3A_76 : memref<20480xf32, #tpu.memory_space<hbm>>) target(%dma_start3A_71 : memref<128xf32, #tpu.memory_space<vmem>>) offsets(%dma_start3A_74 : memref<128xi32, #tpu.memory_space<vmem>>) semaphore(%run_scoped3A_70 : memref<!tpu.dma_semaphore, #tpu.memory_space<semaphore_mem>>)
      %dma_wait3A = arith.constant 640 : i32
      %dma_wait3A_77 = tpu.memref_slice %arg33[%dma_wait3A] : memref<1280xf32, #tpu.memory_space<vmem>> -> memref<128xf32, #tpu.memory_space<vmem>>
      %dma_wait3A_78 = arith.constant 0 : i32
      %dma_wait3A_79 = tpu.memref_slice %arg39[%run_scoped3A_26, %dma_wait3A_78] : memref<10x128xi32, #tpu.memory_space<vmem>> -> memref<1x128xi32, #tpu.memory_space<vmem>>
      %dma_wait3A_80 = tpu.memref_squeeze %dma_wait3A_79 : memref<1x128xi32, #tpu.memory_space<vmem>> -> memref<128xi32, #tpu.memory_space<vmem>>
      %dma_wait3A_81 = arith.constant 0 : i32
      %dma_wait3A_82 = tpu.memref_slice %arg3[%dma_wait3A_81] : memref<20480xf32, #tpu.memory_space<hbm>> -> memref<20480xf32, #tpu.memory_space<hbm>>
      tpu.wait_indirect_dma semaphore(%run_scoped3A_70 : memref<!tpu.dma_semaphore, #tpu.memory_space<semaphore_mem>>) src(%dma_wait3A_82 : memref<20480xf32, #tpu.memory_space<hbm>>) dst(%dma_wait3A_77 : memref<128xf32, #tpu.memory_space<vmem>>)
      tpu.yield
    }) : () -> ()
    %run_scoped3A_27 = arith.constant 5 : i32
    "tpu.region"() ({
      %run_scoped3A_70 = tpu.sem_alloc : memref<!tpu.dma_semaphore, #tpu.memory_space<semaphore_mem>>
      %dma_start3A = arith.constant 640 : i32
      %dma_start3A_71 = tpu.memref_slice %arg34[%dma_start3A] : memref<1280xf32, #tpu.memory_space<vmem>> -> memref<128xf32, #tpu.memory_space<vmem>>
      %dma_start3A_72 = arith.constant 0 : i32
      %dma_start3A_73 = tpu.memref_slice %arg39[%run_scoped3A_27, %dma_start3A_72] : memref<10x128xi32, #tpu.memory_space<vmem>> -> memref<1x128xi32, #tpu.memory_space<vmem>>
      %dma_start3A_74 = tpu.memref_squeeze %dma_start3A_73 : memref<1x128xi32, #tpu.memory_space<vmem>> -> memref<128xi32, #tpu.memory_space<vmem>>
      %dma_start3A_75 = arith.constant 0 : i32
      %dma_start3A_76 = tpu.memref_slice %arg4[%dma_start3A_75] : memref<20480xf32, #tpu.memory_space<hbm>> -> memref<20480xf32, #tpu.memory_space<hbm>>
      tpu.enqueue_indirect_dma source(%dma_start3A_76 : memref<20480xf32, #tpu.memory_space<hbm>>) target(%dma_start3A_71 : memref<128xf32, #tpu.memory_space<vmem>>) offsets(%dma_start3A_74 : memref<128xi32, #tpu.memory_space<vmem>>) semaphore(%run_scoped3A_70 : memref<!tpu.dma_semaphore, #tpu.memory_space<semaphore_mem>>)
      %dma_wait3A = arith.constant 640 : i32
      %dma_wait3A_77 = tpu.memref_slice %arg34[%dma_wait3A] : memref<1280xf32, #tpu.memory_space<vmem>> -> memref<128xf32, #tpu.memory_space<vmem>>
      %dma_wait3A_78 = arith.constant 0 : i32
      %dma_wait3A_79 = tpu.memref_slice %arg39[%run_scoped3A_27, %dma_wait3A_78] : memref<10x128xi32, #tpu.memory_space<vmem>> -> memref<1x128xi32, #tpu.memory_space<vmem>>
      %dma_wait3A_80 = tpu.memref_squeeze %dma_wait3A_79 : memref<1x128xi32, #tpu.memory_space<vmem>> -> memref<128xi32, #tpu.memory_space<vmem>>
      %dma_wait3A_81 = arith.constant 0 : i32
      %dma_wait3A_82 = tpu.memref_slice %arg4[%dma_wait3A_81] : memref<20480xf32, #tpu.memory_space<hbm>> -> memref<20480xf32, #tpu.memory_space<hbm>>
      tpu.wait_indirect_dma semaphore(%run_scoped3A_70 : memref<!tpu.dma_semaphore, #tpu.memory_space<semaphore_mem>>) src(%dma_wait3A_82 : memref<20480xf32, #tpu.memory_space<hbm>>) dst(%dma_wait3A_77 : memref<128xf32, #tpu.memory_space<vmem>>)
      tpu.yield
    }) : () -> ()
    %run_scoped3A_28 = arith.constant 5 : i32
    "tpu.region"() ({
      %run_scoped3A_70 = tpu.sem_alloc : memref<!tpu.dma_semaphore, #tpu.memory_space<semaphore_mem>>
      %dma_start3A = arith.constant 640 : i32
      %dma_start3A_71 = tpu.memref_slice %arg35[%dma_start3A] : memref<1280xf32, #tpu.memory_space<vmem>> -> memref<128xf32, #tpu.memory_space<vmem>>
      %dma_start3A_72 = arith.constant 0 : i32
      %dma_start3A_73 = tpu.memref_slice %arg39[%run_scoped3A_28, %dma_start3A_72] : memref<10x128xi32, #tpu.memory_space<vmem>> -> memref<1x128xi32, #tpu.memory_space<vmem>>
      %dma_start3A_74 = tpu.memref_squeeze %dma_start3A_73 : memref<1x128xi32, #tpu.memory_space<vmem>> -> memref<128xi32, #tpu.memory_space<vmem>>
      %dma_start3A_75 = arith.constant 0 : i32
      %dma_start3A_76 = tpu.memref_slice %arg5[%dma_start3A_75] : memref<20480xf32, #tpu.memory_space<hbm>> -> memref<20480xf32, #tpu.memory_space<hbm>>
      tpu.enqueue_indirect_dma source(%dma_start3A_76 : memref<20480xf32, #tpu.memory_space<hbm>>) target(%dma_start3A_71 : memref<128xf32, #tpu.memory_space<vmem>>) offsets(%dma_start3A_74 : memref<128xi32, #tpu.memory_space<vmem>>) semaphore(%run_scoped3A_70 : memref<!tpu.dma_semaphore, #tpu.memory_space<semaphore_mem>>)
      %dma_wait3A = arith.constant 640 : i32
      %dma_wait3A_77 = tpu.memref_slice %arg35[%dma_wait3A] : memref<1280xf32, #tpu.memory_space<vmem>> -> memref<128xf32, #tpu.memory_space<vmem>>
      %dma_wait3A_78 = arith.constant 0 : i32
      %dma_wait3A_79 = tpu.memref_slice %arg39[%run_scoped3A_28, %dma_wait3A_78] : memref<10x128xi32, #tpu.memory_space<vmem>> -> memref<1x128xi32, #tpu.memory_space<vmem>>
      %dma_wait3A_80 = tpu.memref_squeeze %dma_wait3A_79 : memref<1x128xi32, #tpu.memory_space<vmem>> -> memref<128xi32, #tpu.memory_space<vmem>>
      %dma_wait3A_81 = arith.constant 0 : i32
      %dma_wait3A_82 = tpu.memref_slice %arg5[%dma_wait3A_81] : memref<20480xf32, #tpu.memory_space<hbm>> -> memref<20480xf32, #tpu.memory_space<hbm>>
      tpu.wait_indirect_dma semaphore(%run_scoped3A_70 : memref<!tpu.dma_semaphore, #tpu.memory_space<semaphore_mem>>) src(%dma_wait3A_82 : memref<20480xf32, #tpu.memory_space<hbm>>) dst(%dma_wait3A_77 : memref<128xf32, #tpu.memory_space<vmem>>)
      tpu.yield
    }) : () -> ()
    %run_scoped3A_29 = arith.constant 5 : i32
    "tpu.region"() ({
      %run_scoped3A_70 = tpu.sem_alloc : memref<!tpu.dma_semaphore, #tpu.memory_space<semaphore_mem>>
      %dma_start3A = arith.constant 640 : i32
      %dma_start3A_71 = tpu.memref_slice %arg36[%dma_start3A] : memref<1280xf32, #tpu.memory_space<vmem>> -> memref<128xf32, #tpu.memory_space<vmem>>
      %dma_start3A_72 = arith.constant 0 : i32
      %dma_start3A_73 = tpu.memref_slice %arg39[%run_scoped3A_29, %dma_start3A_72] : memref<10x128xi32, #tpu.memory_space<vmem>> -> memref<1x128xi32, #tpu.memory_space<vmem>>
      %dma_start3A_74 = tpu.memref_squeeze %dma_start3A_73 : memref<1x128xi32, #tpu.memory_space<vmem>> -> memref<128xi32, #tpu.memory_space<vmem>>
      %dma_start3A_75 = arith.constant 0 : i32
      %dma_start3A_76 = tpu.memref_slice %arg6[%dma_start3A_75] : memref<20480xf32, #tpu.memory_space<hbm>> -> memref<20480xf32, #tpu.memory_space<hbm>>
      tpu.enqueue_indirect_dma source(%dma_start3A_76 : memref<20480xf32, #tpu.memory_space<hbm>>) target(%dma_start3A_71 : memref<128xf32, #tpu.memory_space<vmem>>) offsets(%dma_start3A_74 : memref<128xi32, #tpu.memory_space<vmem>>) semaphore(%run_scoped3A_70 : memref<!tpu.dma_semaphore, #tpu.memory_space<semaphore_mem>>)
      %dma_wait3A = arith.constant 640 : i32
      %dma_wait3A_77 = tpu.memref_slice %arg36[%dma_wait3A] : memref<1280xf32, #tpu.memory_space<vmem>> -> memref<128xf32, #tpu.memory_space<vmem>>
      %dma_wait3A_78 = arith.constant 0 : i32
      %dma_wait3A_79 = tpu.memref_slice %arg39[%run_scoped3A_29, %dma_wait3A_78] : memref<10x128xi32, #tpu.memory_space<vmem>> -> memref<1x128xi32, #tpu.memory_space<vmem>>
      %dma_wait3A_80 = tpu.memref_squeeze %dma_wait3A_79 : memref<1x128xi32, #tpu.memory_space<vmem>> -> memref<128xi32, #tpu.memory_space<vmem>>
      %dma_wait3A_81 = arith.constant 0 : i32
      %dma_wait3A_82 = tpu.memref_slice %arg6[%dma_wait3A_81] : memref<20480xf32, #tpu.memory_space<hbm>> -> memref<20480xf32, #tpu.memory_space<hbm>>
      tpu.wait_indirect_dma semaphore(%run_scoped3A_70 : memref<!tpu.dma_semaphore, #tpu.memory_space<semaphore_mem>>) src(%dma_wait3A_82 : memref<20480xf32, #tpu.memory_space<hbm>>) dst(%dma_wait3A_77 : memref<128xf32, #tpu.memory_space<vmem>>)
      tpu.yield
    }) : () -> ()
    %run_scoped3A_30 = arith.constant 6 : i32
    "tpu.region"() ({
      %run_scoped3A_70 = tpu.sem_alloc : memref<!tpu.dma_semaphore, #tpu.memory_space<semaphore_mem>>
      %dma_start3A = arith.constant 768 : i32
      %dma_start3A_71 = tpu.memref_slice %arg32[%dma_start3A] : memref<1280xf32, #tpu.memory_space<vmem>> -> memref<128xf32, #tpu.memory_space<vmem>>
      %dma_start3A_72 = arith.constant 0 : i32
      %dma_start3A_73 = tpu.memref_slice %arg39[%run_scoped3A_30, %dma_start3A_72] : memref<10x128xi32, #tpu.memory_space<vmem>> -> memref<1x128xi32, #tpu.memory_space<vmem>>
      %dma_start3A_74 = tpu.memref_squeeze %dma_start3A_73 : memref<1x128xi32, #tpu.memory_space<vmem>> -> memref<128xi32, #tpu.memory_space<vmem>>
      %dma_start3A_75 = arith.constant 0 : i32
      %dma_start3A_76 = tpu.memref_slice %arg2[%dma_start3A_75] : memref<20480xf32, #tpu.memory_space<hbm>> -> memref<20480xf32, #tpu.memory_space<hbm>>
      tpu.enqueue_indirect_dma source(%dma_start3A_76 : memref<20480xf32, #tpu.memory_space<hbm>>) target(%dma_start3A_71 : memref<128xf32, #tpu.memory_space<vmem>>) offsets(%dma_start3A_74 : memref<128xi32, #tpu.memory_space<vmem>>) semaphore(%run_scoped3A_70 : memref<!tpu.dma_semaphore, #tpu.memory_space<semaphore_mem>>)
      %dma_wait3A = arith.constant 768 : i32
      %dma_wait3A_77 = tpu.memref_slice %arg32[%dma_wait3A] : memref<1280xf32, #tpu.memory_space<vmem>> -> memref<128xf32, #tpu.memory_space<vmem>>
      %dma_wait3A_78 = arith.constant 0 : i32
      %dma_wait3A_79 = tpu.memref_slice %arg39[%run_scoped3A_30, %dma_wait3A_78] : memref<10x128xi32, #tpu.memory_space<vmem>> -> memref<1x128xi32, #tpu.memory_space<vmem>>
      %dma_wait3A_80 = tpu.memref_squeeze %dma_wait3A_79 : memref<1x128xi32, #tpu.memory_space<vmem>> -> memref<128xi32, #tpu.memory_space<vmem>>
      %dma_wait3A_81 = arith.constant 0 : i32
      %dma_wait3A_82 = tpu.memref_slice %arg2[%dma_wait3A_81] : memref<20480xf32, #tpu.memory_space<hbm>> -> memref<20480xf32, #tpu.memory_space<hbm>>
      tpu.wait_indirect_dma semaphore(%run_scoped3A_70 : memref<!tpu.dma_semaphore, #tpu.memory_space<semaphore_mem>>) src(%dma_wait3A_82 : memref<20480xf32, #tpu.memory_space<hbm>>) dst(%dma_wait3A_77 : memref<128xf32, #tpu.memory_space<vmem>>)
      tpu.yield
    }) : () -> ()
    %run_scoped3A_31 = arith.constant 6 : i32
    "tpu.region"() ({
      %run_scoped3A_70 = tpu.sem_alloc : memref<!tpu.dma_semaphore, #tpu.memory_space<semaphore_mem>>
      %dma_start3A = arith.constant 768 : i32
      %dma_start3A_71 = tpu.memref_slice %arg33[%dma_start3A] : memref<1280xf32, #tpu.memory_space<vmem>> -> memref<128xf32, #tpu.memory_space<vmem>>
      %dma_start3A_72 = arith.constant 0 : i32
      %dma_start3A_73 = tpu.memref_slice %arg39[%run_scoped3A_31, %dma_start3A_72] : memref<10x128xi32, #tpu.memory_space<vmem>> -> memref<1x128xi32, #tpu.memory_space<vmem>>
      %dma_start3A_74 = tpu.memref_squeeze %dma_start3A_73 : memref<1x128xi32, #tpu.memory_space<vmem>> -> memref<128xi32, #tpu.memory_space<vmem>>
      %dma_start3A_75 = arith.constant 0 : i32
      %dma_start3A_76 = tpu.memref_slice %arg3[%dma_start3A_75] : memref<20480xf32, #tpu.memory_space<hbm>> -> memref<20480xf32, #tpu.memory_space<hbm>>
      tpu.enqueue_indirect_dma source(%dma_start3A_76 : memref<20480xf32, #tpu.memory_space<hbm>>) target(%dma_start3A_71 : memref<128xf32, #tpu.memory_space<vmem>>) offsets(%dma_start3A_74 : memref<128xi32, #tpu.memory_space<vmem>>) semaphore(%run_scoped3A_70 : memref<!tpu.dma_semaphore, #tpu.memory_space<semaphore_mem>>)
      %dma_wait3A = arith.constant 768 : i32
      %dma_wait3A_77 = tpu.memref_slice %arg33[%dma_wait3A] : memref<1280xf32, #tpu.memory_space<vmem>> -> memref<128xf32, #tpu.memory_space<vmem>>
      %dma_wait3A_78 = arith.constant 0 : i32
      %dma_wait3A_79 = tpu.memref_slice %arg39[%run_scoped3A_31, %dma_wait3A_78] : memref<10x128xi32, #tpu.memory_space<vmem>> -> memref<1x128xi32, #tpu.memory_space<vmem>>
      %dma_wait3A_80 = tpu.memref_squeeze %dma_wait3A_79 : memref<1x128xi32, #tpu.memory_space<vmem>> -> memref<128xi32, #tpu.memory_space<vmem>>
      %dma_wait3A_81 = arith.constant 0 : i32
      %dma_wait3A_82 = tpu.memref_slice %arg3[%dma_wait3A_81] : memref<20480xf32, #tpu.memory_space<hbm>> -> memref<20480xf32, #tpu.memory_space<hbm>>
      tpu.wait_indirect_dma semaphore(%run_scoped3A_70 : memref<!tpu.dma_semaphore, #tpu.memory_space<semaphore_mem>>) src(%dma_wait3A_82 : memref<20480xf32, #tpu.memory_space<hbm>>) dst(%dma_wait3A_77 : memref<128xf32, #tpu.memory_space<vmem>>)
      tpu.yield
    }) : () -> ()
    %run_scoped3A_32 = arith.constant 6 : i32
    "tpu.region"() ({
      %run_scoped3A_70 = tpu.sem_alloc : memref<!tpu.dma_semaphore, #tpu.memory_space<semaphore_mem>>
      %dma_start3A = arith.constant 768 : i32
      %dma_start3A_71 = tpu.memref_slice %arg34[%dma_start3A] : memref<1280xf32, #tpu.memory_space<vmem>> -> memref<128xf32, #tpu.memory_space<vmem>>
      %dma_start3A_72 = arith.constant 0 : i32
      %dma_start3A_73 = tpu.memref_slice %arg39[%run_scoped3A_32, %dma_start3A_72] : memref<10x128xi32, #tpu.memory_space<vmem>> -> memref<1x128xi32, #tpu.memory_space<vmem>>
      %dma_start3A_74 = tpu.memref_squeeze %dma_start3A_73 : memref<1x128xi32, #tpu.memory_space<vmem>> -> memref<128xi32, #tpu.memory_space<vmem>>
      %dma_start3A_75 = arith.constant 0 : i32
      %dma_start3A_76 = tpu.memref_slice %arg4[%dma_start3A_75] : memref<20480xf32, #tpu.memory_space<hbm>> -> memref<20480xf32, #tpu.memory_space<hbm>>
      tpu.enqueue_indirect_dma source(%dma_start3A_76 : memref<20480xf32, #tpu.memory_space<hbm>>) target(%dma_start3A_71 : memref<128xf32, #tpu.memory_space<vmem>>) offsets(%dma_start3A_74 : memref<128xi32, #tpu.memory_space<vmem>>) semaphore(%run_scoped3A_70 : memref<!tpu.dma_semaphore, #tpu.memory_space<semaphore_mem>>)
      %dma_wait3A = arith.constant 768 : i32
      %dma_wait3A_77 = tpu.memref_slice %arg34[%dma_wait3A] : memref<1280xf32, #tpu.memory_space<vmem>> -> memref<128xf32, #tpu.memory_space<vmem>>
      %dma_wait3A_78 = arith.constant 0 : i32
      %dma_wait3A_79 = tpu.memref_slice %arg39[%run_scoped3A_32, %dma_wait3A_78] : memref<10x128xi32, #tpu.memory_space<vmem>> -> memref<1x128xi32, #tpu.memory_space<vmem>>
      %dma_wait3A_80 = tpu.memref_squeeze %dma_wait3A_79 : memref<1x128xi32, #tpu.memory_space<vmem>> -> memref<128xi32, #tpu.memory_space<vmem>>
      %dma_wait3A_81 = arith.constant 0 : i32
      %dma_wait3A_82 = tpu.memref_slice %arg4[%dma_wait3A_81] : memref<20480xf32, #tpu.memory_space<hbm>> -> memref<20480xf32, #tpu.memory_space<hbm>>
      tpu.wait_indirect_dma semaphore(%run_scoped3A_70 : memref<!tpu.dma_semaphore, #tpu.memory_space<semaphore_mem>>) src(%dma_wait3A_82 : memref<20480xf32, #tpu.memory_space<hbm>>) dst(%dma_wait3A_77 : memref<128xf32, #tpu.memory_space<vmem>>)
      tpu.yield
    }) : () -> ()
    %run_scoped3A_33 = arith.constant 6 : i32
    "tpu.region"() ({
      %run_scoped3A_70 = tpu.sem_alloc : memref<!tpu.dma_semaphore, #tpu.memory_space<semaphore_mem>>
      %dma_start3A = arith.constant 768 : i32
      %dma_start3A_71 = tpu.memref_slice %arg35[%dma_start3A] : memref<1280xf32, #tpu.memory_space<vmem>> -> memref<128xf32, #tpu.memory_space<vmem>>
      %dma_start3A_72 = arith.constant 0 : i32
      %dma_start3A_73 = tpu.memref_slice %arg39[%run_scoped3A_33, %dma_start3A_72] : memref<10x128xi32, #tpu.memory_space<vmem>> -> memref<1x128xi32, #tpu.memory_space<vmem>>
      %dma_start3A_74 = tpu.memref_squeeze %dma_start3A_73 : memref<1x128xi32, #tpu.memory_space<vmem>> -> memref<128xi32, #tpu.memory_space<vmem>>
      %dma_start3A_75 = arith.constant 0 : i32
      %dma_start3A_76 = tpu.memref_slice %arg5[%dma_start3A_75] : memref<20480xf32, #tpu.memory_space<hbm>> -> memref<20480xf32, #tpu.memory_space<hbm>>
      tpu.enqueue_indirect_dma source(%dma_start3A_76 : memref<20480xf32, #tpu.memory_space<hbm>>) target(%dma_start3A_71 : memref<128xf32, #tpu.memory_space<vmem>>) offsets(%dma_start3A_74 : memref<128xi32, #tpu.memory_space<vmem>>) semaphore(%run_scoped3A_70 : memref<!tpu.dma_semaphore, #tpu.memory_space<semaphore_mem>>)
      %dma_wait3A = arith.constant 768 : i32
      %dma_wait3A_77 = tpu.memref_slice %arg35[%dma_wait3A] : memref<1280xf32, #tpu.memory_space<vmem>> -> memref<128xf32, #tpu.memory_space<vmem>>
      %dma_wait3A_78 = arith.constant 0 : i32
      %dma_wait3A_79 = tpu.memref_slice %arg39[%run_scoped3A_33, %dma_wait3A_78] : memref<10x128xi32, #tpu.memory_space<vmem>> -> memref<1x128xi32, #tpu.memory_space<vmem>>
      %dma_wait3A_80 = tpu.memref_squeeze %dma_wait3A_79 : memref<1x128xi32, #tpu.memory_space<vmem>> -> memref<128xi32, #tpu.memory_space<vmem>>
      %dma_wait3A_81 = arith.constant 0 : i32
      %dma_wait3A_82 = tpu.memref_slice %arg5[%dma_wait3A_81] : memref<20480xf32, #tpu.memory_space<hbm>> -> memref<20480xf32, #tpu.memory_space<hbm>>
      tpu.wait_indirect_dma semaphore(%run_scoped3A_70 : memref<!tpu.dma_semaphore, #tpu.memory_space<semaphore_mem>>) src(%dma_wait3A_82 : memref<20480xf32, #tpu.memory_space<hbm>>) dst(%dma_wait3A_77 : memref<128xf32, #tpu.memory_space<vmem>>)
      tpu.yield
    }) : () -> ()
    %run_scoped3A_34 = arith.constant 6 : i32
    "tpu.region"() ({
      %run_scoped3A_70 = tpu.sem_alloc : memref<!tpu.dma_semaphore, #tpu.memory_space<semaphore_mem>>
      %dma_start3A = arith.constant 768 : i32
      %dma_start3A_71 = tpu.memref_slice %arg36[%dma_start3A] : memref<1280xf32, #tpu.memory_space<vmem>> -> memref<128xf32, #tpu.memory_space<vmem>>
      %dma_start3A_72 = arith.constant 0 : i32
      %dma_start3A_73 = tpu.memref_slice %arg39[%run_scoped3A_34, %dma_start3A_72] : memref<10x128xi32, #tpu.memory_space<vmem>> -> memref<1x128xi32, #tpu.memory_space<vmem>>
      %dma_start3A_74 = tpu.memref_squeeze %dma_start3A_73 : memref<1x128xi32, #tpu.memory_space<vmem>> -> memref<128xi32, #tpu.memory_space<vmem>>
      %dma_start3A_75 = arith.constant 0 : i32
      %dma_start3A_76 = tpu.memref_slice %arg6[%dma_start3A_75] : memref<20480xf32, #tpu.memory_space<hbm>> -> memref<20480xf32, #tpu.memory_space<hbm>>
      tpu.enqueue_indirect_dma source(%dma_start3A_76 : memref<20480xf32, #tpu.memory_space<hbm>>) target(%dma_start3A_71 : memref<128xf32, #tpu.memory_space<vmem>>) offsets(%dma_start3A_74 : memref<128xi32, #tpu.memory_space<vmem>>) semaphore(%run_scoped3A_70 : memref<!tpu.dma_semaphore, #tpu.memory_space<semaphore_mem>>)
      %dma_wait3A = arith.constant 768 : i32
      %dma_wait3A_77 = tpu.memref_slice %arg36[%dma_wait3A] : memref<1280xf32, #tpu.memory_space<vmem>> -> memref<128xf32, #tpu.memory_space<vmem>>
      %dma_wait3A_78 = arith.constant 0 : i32
      %dma_wait3A_79 = tpu.memref_slice %arg39[%run_scoped3A_34, %dma_wait3A_78] : memref<10x128xi32, #tpu.memory_space<vmem>> -> memref<1x128xi32, #tpu.memory_space<vmem>>
      %dma_wait3A_80 = tpu.memref_squeeze %dma_wait3A_79 : memref<1x128xi32, #tpu.memory_space<vmem>> -> memref<128xi32, #tpu.memory_space<vmem>>
      %dma_wait3A_81 = arith.constant 0 : i32
      %dma_wait3A_82 = tpu.memref_slice %arg6[%dma_wait3A_81] : memref<20480xf32, #tpu.memory_space<hbm>> -> memref<20480xf32, #tpu.memory_space<hbm>>
      tpu.wait_indirect_dma semaphore(%run_scoped3A_70 : memref<!tpu.dma_semaphore, #tpu.memory_space<semaphore_mem>>) src(%dma_wait3A_82 : memref<20480xf32, #tpu.memory_space<hbm>>) dst(%dma_wait3A_77 : memref<128xf32, #tpu.memory_space<vmem>>)
      tpu.yield
    }) : () -> ()
    %run_scoped3A_35 = arith.constant 7 : i32
    "tpu.region"() ({
      %run_scoped3A_70 = tpu.sem_alloc : memref<!tpu.dma_semaphore, #tpu.memory_space<semaphore_mem>>
      %dma_start3A = arith.constant 896 : i32
      %dma_start3A_71 = tpu.memref_slice %arg32[%dma_start3A] : memref<1280xf32, #tpu.memory_space<vmem>> -> memref<128xf32, #tpu.memory_space<vmem>>
      %dma_start3A_72 = arith.constant 0 : i32
      %dma_start3A_73 = tpu.memref_slice %arg39[%run_scoped3A_35, %dma_start3A_72] : memref<10x128xi32, #tpu.memory_space<vmem>> -> memref<1x128xi32, #tpu.memory_space<vmem>>
      %dma_start3A_74 = tpu.memref_squeeze %dma_start3A_73 : memref<1x128xi32, #tpu.memory_space<vmem>> -> memref<128xi32, #tpu.memory_space<vmem>>
      %dma_start3A_75 = arith.constant 0 : i32
      %dma_start3A_76 = tpu.memref_slice %arg2[%dma_start3A_75] : memref<20480xf32, #tpu.memory_space<hbm>> -> memref<20480xf32, #tpu.memory_space<hbm>>
      tpu.enqueue_indirect_dma source(%dma_start3A_76 : memref<20480xf32, #tpu.memory_space<hbm>>) target(%dma_start3A_71 : memref<128xf32, #tpu.memory_space<vmem>>) offsets(%dma_start3A_74 : memref<128xi32, #tpu.memory_space<vmem>>) semaphore(%run_scoped3A_70 : memref<!tpu.dma_semaphore, #tpu.memory_space<semaphore_mem>>)
      %dma_wait3A = arith.constant 896 : i32
      %dma_wait3A_77 = tpu.memref_slice %arg32[%dma_wait3A] : memref<1280xf32, #tpu.memory_space<vmem>> -> memref<128xf32, #tpu.memory_space<vmem>>
      %dma_wait3A_78 = arith.constant 0 : i32
      %dma_wait3A_79 = tpu.memref_slice %arg39[%run_scoped3A_35, %dma_wait3A_78] : memref<10x128xi32, #tpu.memory_space<vmem>> -> memref<1x128xi32, #tpu.memory_space<vmem>>
      %dma_wait3A_80 = tpu.memref_squeeze %dma_wait3A_79 : memref<1x128xi32, #tpu.memory_space<vmem>> -> memref<128xi32, #tpu.memory_space<vmem>>
      %dma_wait3A_81 = arith.constant 0 : i32
      %dma_wait3A_82 = tpu.memref_slice %arg2[%dma_wait3A_81] : memref<20480xf32, #tpu.memory_space<hbm>> -> memref<20480xf32, #tpu.memory_space<hbm>>
      tpu.wait_indirect_dma semaphore(%run_scoped3A_70 : memref<!tpu.dma_semaphore, #tpu.memory_space<semaphore_mem>>) src(%dma_wait3A_82 : memref<20480xf32, #tpu.memory_space<hbm>>) dst(%dma_wait3A_77 : memref<128xf32, #tpu.memory_space<vmem>>)
      tpu.yield
    }) : () -> ()
    %run_scoped3A_36 = arith.constant 7 : i32
    "tpu.region"() ({
      %run_scoped3A_70 = tpu.sem_alloc : memref<!tpu.dma_semaphore, #tpu.memory_space<semaphore_mem>>
      %dma_start3A = arith.constant 896 : i32
      %dma_start3A_71 = tpu.memref_slice %arg33[%dma_start3A] : memref<1280xf32, #tpu.memory_space<vmem>> -> memref<128xf32, #tpu.memory_space<vmem>>
      %dma_start3A_72 = arith.constant 0 : i32
      %dma_start3A_73 = tpu.memref_slice %arg39[%run_scoped3A_36, %dma_start3A_72] : memref<10x128xi32, #tpu.memory_space<vmem>> -> memref<1x128xi32, #tpu.memory_space<vmem>>
      %dma_start3A_74 = tpu.memref_squeeze %dma_start3A_73 : memref<1x128xi32, #tpu.memory_space<vmem>> -> memref<128xi32, #tpu.memory_space<vmem>>
      %dma_start3A_75 = arith.constant 0 : i32
      %dma_start3A_76 = tpu.memref_slice %arg3[%dma_start3A_75] : memref<20480xf32, #tpu.memory_space<hbm>> -> memref<20480xf32, #tpu.memory_space<hbm>>
      tpu.enqueue_indirect_dma source(%dma_start3A_76 : memref<20480xf32, #tpu.memory_space<hbm>>) target(%dma_start3A_71 : memref<128xf32, #tpu.memory_space<vmem>>) offsets(%dma_start3A_74 : memref<128xi32, #tpu.memory_space<vmem>>) semaphore(%run_scoped3A_70 : memref<!tpu.dma_semaphore, #tpu.memory_space<semaphore_mem>>)
      %dma_wait3A = arith.constant 896 : i32
      %dma_wait3A_77 = tpu.memref_slice %arg33[%dma_wait3A] : memref<1280xf32, #tpu.memory_space<vmem>> -> memref<128xf32, #tpu.memory_space<vmem>>
      %dma_wait3A_78 = arith.constant 0 : i32
      %dma_wait3A_79 = tpu.memref_slice %arg39[%run_scoped3A_36, %dma_wait3A_78] : memref<10x128xi32, #tpu.memory_space<vmem>> -> memref<1x128xi32, #tpu.memory_space<vmem>>
      %dma_wait3A_80 = tpu.memref_squeeze %dma_wait3A_79 : memref<1x128xi32, #tpu.memory_space<vmem>> -> memref<128xi32, #tpu.memory_space<vmem>>
      %dma_wait3A_81 = arith.constant 0 : i32
      %dma_wait3A_82 = tpu.memref_slice %arg3[%dma_wait3A_81] : memref<20480xf32, #tpu.memory_space<hbm>> -> memref<20480xf32, #tpu.memory_space<hbm>>
      tpu.wait_indirect_dma semaphore(%run_scoped3A_70 : memref<!tpu.dma_semaphore, #tpu.memory_space<semaphore_mem>>) src(%dma_wait3A_82 : memref<20480xf32, #tpu.memory_space<hbm>>) dst(%dma_wait3A_77 : memref<128xf32, #tpu.memory_space<vmem>>)
      tpu.yield
    }) : () -> ()
    %run_scoped3A_37 = arith.constant 7 : i32
    "tpu.region"() ({
      %run_scoped3A_70 = tpu.sem_alloc : memref<!tpu.dma_semaphore, #tpu.memory_space<semaphore_mem>>
      %dma_start3A = arith.constant 896 : i32
      %dma_start3A_71 = tpu.memref_slice %arg34[%dma_start3A] : memref<1280xf32, #tpu.memory_space<vmem>> -> memref<128xf32, #tpu.memory_space<vmem>>
      %dma_start3A_72 = arith.constant 0 : i32
      %dma_start3A_73 = tpu.memref_slice %arg39[%run_scoped3A_37, %dma_start3A_72] : memref<10x128xi32, #tpu.memory_space<vmem>> -> memref<1x128xi32, #tpu.memory_space<vmem>>
      %dma_start3A_74 = tpu.memref_squeeze %dma_start3A_73 : memref<1x128xi32, #tpu.memory_space<vmem>> -> memref<128xi32, #tpu.memory_space<vmem>>
      %dma_start3A_75 = arith.constant 0 : i32
      %dma_start3A_76 = tpu.memref_slice %arg4[%dma_start3A_75] : memref<20480xf32, #tpu.memory_space<hbm>> -> memref<20480xf32, #tpu.memory_space<hbm>>
      tpu.enqueue_indirect_dma source(%dma_start3A_76 : memref<20480xf32, #tpu.memory_space<hbm>>) target(%dma_start3A_71 : memref<128xf32, #tpu.memory_space<vmem>>) offsets(%dma_start3A_74 : memref<128xi32, #tpu.memory_space<vmem>>) semaphore(%run_scoped3A_70 : memref<!tpu.dma_semaphore, #tpu.memory_space<semaphore_mem>>)
      %dma_wait3A = arith.constant 896 : i32
      %dma_wait3A_77 = tpu.memref_slice %arg34[%dma_wait3A] : memref<1280xf32, #tpu.memory_space<vmem>> -> memref<128xf32, #tpu.memory_space<vmem>>
      %dma_wait3A_78 = arith.constant 0 : i32
      %dma_wait3A_79 = tpu.memref_slice %arg39[%run_scoped3A_37, %dma_wait3A_78] : memref<10x128xi32, #tpu.memory_space<vmem>> -> memref<1x128xi32, #tpu.memory_space<vmem>>
      %dma_wait3A_80 = tpu.memref_squeeze %dma_wait3A_79 : memref<1x128xi32, #tpu.memory_space<vmem>> -> memref<128xi32, #tpu.memory_space<vmem>>
      %dma_wait3A_81 = arith.constant 0 : i32
      %dma_wait3A_82 = tpu.memref_slice %arg4[%dma_wait3A_81] : memref<20480xf32, #tpu.memory_space<hbm>> -> memref<20480xf32, #tpu.memory_space<hbm>>
      tpu.wait_indirect_dma semaphore(%run_scoped3A_70 : memref<!tpu.dma_semaphore, #tpu.memory_space<semaphore_mem>>) src(%dma_wait3A_82 : memref<20480xf32, #tpu.memory_space<hbm>>) dst(%dma_wait3A_77 : memref<128xf32, #tpu.memory_space<vmem>>)
      tpu.yield
    }) : () -> ()
    %run_scoped3A_38 = arith.constant 7 : i32
    "tpu.region"() ({
      %run_scoped3A_70 = tpu.sem_alloc : memref<!tpu.dma_semaphore, #tpu.memory_space<semaphore_mem>>
      %dma_start3A = arith.constant 896 : i32
      %dma_start3A_71 = tpu.memref_slice %arg35[%dma_start3A] : memref<1280xf32, #tpu.memory_space<vmem>> -> memref<128xf32, #tpu.memory_space<vmem>>
      %dma_start3A_72 = arith.constant 0 : i32
      %dma_start3A_73 = tpu.memref_slice %arg39[%run_scoped3A_38, %dma_start3A_72] : memref<10x128xi32, #tpu.memory_space<vmem>> -> memref<1x128xi32, #tpu.memory_space<vmem>>
      %dma_start3A_74 = tpu.memref_squeeze %dma_start3A_73 : memref<1x128xi32, #tpu.memory_space<vmem>> -> memref<128xi32, #tpu.memory_space<vmem>>
      %dma_start3A_75 = arith.constant 0 : i32
      %dma_start3A_76 = tpu.memref_slice %arg5[%dma_start3A_75] : memref<20480xf32, #tpu.memory_space<hbm>> -> memref<20480xf32, #tpu.memory_space<hbm>>
      tpu.enqueue_indirect_dma source(%dma_start3A_76 : memref<20480xf32, #tpu.memory_space<hbm>>) target(%dma_start3A_71 : memref<128xf32, #tpu.memory_space<vmem>>) offsets(%dma_start3A_74 : memref<128xi32, #tpu.memory_space<vmem>>) semaphore(%run_scoped3A_70 : memref<!tpu.dma_semaphore, #tpu.memory_space<semaphore_mem>>)
      %dma_wait3A = arith.constant 896 : i32
      %dma_wait3A_77 = tpu.memref_slice %arg35[%dma_wait3A] : memref<1280xf32, #tpu.memory_space<vmem>> -> memref<128xf32, #tpu.memory_space<vmem>>
      %dma_wait3A_78 = arith.constant 0 : i32
      %dma_wait3A_79 = tpu.memref_slice %arg39[%run_scoped3A_38, %dma_wait3A_78] : memref<10x128xi32, #tpu.memory_space<vmem>> -> memref<1x128xi32, #tpu.memory_space<vmem>>
      %dma_wait3A_80 = tpu.memref_squeeze %dma_wait3A_79 : memref<1x128xi32, #tpu.memory_space<vmem>> -> memref<128xi32, #tpu.memory_space<vmem>>
      %dma_wait3A_81 = arith.constant 0 : i32
      %dma_wait3A_82 = tpu.memref_slice %arg5[%dma_wait3A_81] : memref<20480xf32, #tpu.memory_space<hbm>> -> memref<20480xf32, #tpu.memory_space<hbm>>
      tpu.wait_indirect_dma semaphore(%run_scoped3A_70 : memref<!tpu.dma_semaphore, #tpu.memory_space<semaphore_mem>>) src(%dma_wait3A_82 : memref<20480xf32, #tpu.memory_space<hbm>>) dst(%dma_wait3A_77 : memref<128xf32, #tpu.memory_space<vmem>>)
      tpu.yield
    }) : () -> ()
    %run_scoped3A_39 = arith.constant 7 : i32
    "tpu.region"() ({
      %run_scoped3A_70 = tpu.sem_alloc : memref<!tpu.dma_semaphore, #tpu.memory_space<semaphore_mem>>
      %dma_start3A = arith.constant 896 : i32
      %dma_start3A_71 = tpu.memref_slice %arg36[%dma_start3A] : memref<1280xf32, #tpu.memory_space<vmem>> -> memref<128xf32, #tpu.memory_space<vmem>>
      %dma_start3A_72 = arith.constant 0 : i32
      %dma_start3A_73 = tpu.memref_slice %arg39[%run_scoped3A_39, %dma_start3A_72] : memref<10x128xi32, #tpu.memory_space<vmem>> -> memref<1x128xi32, #tpu.memory_space<vmem>>
      %dma_start3A_74 = tpu.memref_squeeze %dma_start3A_73 : memref<1x128xi32, #tpu.memory_space<vmem>> -> memref<128xi32, #tpu.memory_space<vmem>>
      %dma_start3A_75 = arith.constant 0 : i32
      %dma_start3A_76 = tpu.memref_slice %arg6[%dma_start3A_75] : memref<20480xf32, #tpu.memory_space<hbm>> -> memref<20480xf32, #tpu.memory_space<hbm>>
      tpu.enqueue_indirect_dma source(%dma_start3A_76 : memref<20480xf32, #tpu.memory_space<hbm>>) target(%dma_start3A_71 : memref<128xf32, #tpu.memory_space<vmem>>) offsets(%dma_start3A_74 : memref<128xi32, #tpu.memory_space<vmem>>) semaphore(%run_scoped3A_70 : memref<!tpu.dma_semaphore, #tpu.memory_space<semaphore_mem>>)
      %dma_wait3A = arith.constant 896 : i32
      %dma_wait3A_77 = tpu.memref_slice %arg36[%dma_wait3A] : memref<1280xf32, #tpu.memory_space<vmem>> -> memref<128xf32, #tpu.memory_space<vmem>>
      %dma_wait3A_78 = arith.constant 0 : i32
      %dma_wait3A_79 = tpu.memref_slice %arg39[%run_scoped3A_39, %dma_wait3A_78] : memref<10x128xi32, #tpu.memory_space<vmem>> -> memref<1x128xi32, #tpu.memory_space<vmem>>
      %dma_wait3A_80 = tpu.memref_squeeze %dma_wait3A_79 : memref<1x128xi32, #tpu.memory_space<vmem>> -> memref<128xi32, #tpu.memory_space<vmem>>
      %dma_wait3A_81 = arith.constant 0 : i32
      %dma_wait3A_82 = tpu.memref_slice %arg6[%dma_wait3A_81] : memref<20480xf32, #tpu.memory_space<hbm>> -> memref<20480xf32, #tpu.memory_space<hbm>>
      tpu.wait_indirect_dma semaphore(%run_scoped3A_70 : memref<!tpu.dma_semaphore, #tpu.memory_space<semaphore_mem>>) src(%dma_wait3A_82 : memref<20480xf32, #tpu.memory_space<hbm>>) dst(%dma_wait3A_77 : memref<128xf32, #tpu.memory_space<vmem>>)
      tpu.yield
    }) : () -> ()
    %run_scoped3A_40 = arith.constant 8 : i32
    "tpu.region"() ({
      %run_scoped3A_70 = tpu.sem_alloc : memref<!tpu.dma_semaphore, #tpu.memory_space<semaphore_mem>>
      %dma_start3A = arith.constant 1024 : i32
      %dma_start3A_71 = tpu.memref_slice %arg32[%dma_start3A] : memref<1280xf32, #tpu.memory_space<vmem>> -> memref<128xf32, #tpu.memory_space<vmem>>
      %dma_start3A_72 = arith.constant 0 : i32
      %dma_start3A_73 = tpu.memref_slice %arg39[%run_scoped3A_40, %dma_start3A_72] : memref<10x128xi32, #tpu.memory_space<vmem>> -> memref<1x128xi32, #tpu.memory_space<vmem>>
      %dma_start3A_74 = tpu.memref_squeeze %dma_start3A_73 : memref<1x128xi32, #tpu.memory_space<vmem>> -> memref<128xi32, #tpu.memory_space<vmem>>
      %dma_start3A_75 = arith.constant 0 : i32
      %dma_start3A_76 = tpu.memref_slice %arg2[%dma_start3A_75] : memref<20480xf32, #tpu.memory_space<hbm>> -> memref<20480xf32, #tpu.memory_space<hbm>>
      tpu.enqueue_indirect_dma source(%dma_start3A_76 : memref<20480xf32, #tpu.memory_space<hbm>>) target(%dma_start3A_71 : memref<128xf32, #tpu.memory_space<vmem>>) offsets(%dma_start3A_74 : memref<128xi32, #tpu.memory_space<vmem>>) semaphore(%run_scoped3A_70 : memref<!tpu.dma_semaphore, #tpu.memory_space<semaphore_mem>>)
      %dma_wait3A = arith.constant 1024 : i32
      %dma_wait3A_77 = tpu.memref_slice %arg32[%dma_wait3A] : memref<1280xf32, #tpu.memory_space<vmem>> -> memref<128xf32, #tpu.memory_space<vmem>>
      %dma_wait3A_78 = arith.constant 0 : i32
      %dma_wait3A_79 = tpu.memref_slice %arg39[%run_scoped3A_40, %dma_wait3A_78] : memref<10x128xi32, #tpu.memory_space<vmem>> -> memref<1x128xi32, #tpu.memory_space<vmem>>
      %dma_wait3A_80 = tpu.memref_squeeze %dma_wait3A_79 : memref<1x128xi32, #tpu.memory_space<vmem>> -> memref<128xi32, #tpu.memory_space<vmem>>
      %dma_wait3A_81 = arith.constant 0 : i32
      %dma_wait3A_82 = tpu.memref_slice %arg2[%dma_wait3A_81] : memref<20480xf32, #tpu.memory_space<hbm>> -> memref<20480xf32, #tpu.memory_space<hbm>>
      tpu.wait_indirect_dma semaphore(%run_scoped3A_70 : memref<!tpu.dma_semaphore, #tpu.memory_space<semaphore_mem>>) src(%dma_wait3A_82 : memref<20480xf32, #tpu.memory_space<hbm>>) dst(%dma_wait3A_77 : memref<128xf32, #tpu.memory_space<vmem>>)
      tpu.yield
    }) : () -> ()
    %run_scoped3A_41 = arith.constant 8 : i32
    "tpu.region"() ({
      %run_scoped3A_70 = tpu.sem_alloc : memref<!tpu.dma_semaphore, #tpu.memory_space<semaphore_mem>>
      %dma_start3A = arith.constant 1024 : i32
      %dma_start3A_71 = tpu.memref_slice %arg33[%dma_start3A] : memref<1280xf32, #tpu.memory_space<vmem>> -> memref<128xf32, #tpu.memory_space<vmem>>
      %dma_start3A_72 = arith.constant 0 : i32
      %dma_start3A_73 = tpu.memref_slice %arg39[%run_scoped3A_41, %dma_start3A_72] : memref<10x128xi32, #tpu.memory_space<vmem>> -> memref<1x128xi32, #tpu.memory_space<vmem>>
      %dma_start3A_74 = tpu.memref_squeeze %dma_start3A_73 : memref<1x128xi32, #tpu.memory_space<vmem>> -> memref<128xi32, #tpu.memory_space<vmem>>
      %dma_start3A_75 = arith.constant 0 : i32
      %dma_start3A_76 = tpu.memref_slice %arg3[%dma_start3A_75] : memref<20480xf32, #tpu.memory_space<hbm>> -> memref<20480xf32, #tpu.memory_space<hbm>>
      tpu.enqueue_indirect_dma source(%dma_start3A_76 : memref<20480xf32, #tpu.memory_space<hbm>>) target(%dma_start3A_71 : memref<128xf32, #tpu.memory_space<vmem>>) offsets(%dma_start3A_74 : memref<128xi32, #tpu.memory_space<vmem>>) semaphore(%run_scoped3A_70 : memref<!tpu.dma_semaphore, #tpu.memory_space<semaphore_mem>>)
      %dma_wait3A = arith.constant 1024 : i32
      %dma_wait3A_77 = tpu.memref_slice %arg33[%dma_wait3A] : memref<1280xf32, #tpu.memory_space<vmem>> -> memref<128xf32, #tpu.memory_space<vmem>>
      %dma_wait3A_78 = arith.constant 0 : i32
      %dma_wait3A_79 = tpu.memref_slice %arg39[%run_scoped3A_41, %dma_wait3A_78] : memref<10x128xi32, #tpu.memory_space<vmem>> -> memref<1x128xi32, #tpu.memory_space<vmem>>
      %dma_wait3A_80 = tpu.memref_squeeze %dma_wait3A_79 : memref<1x128xi32, #tpu.memory_space<vmem>> -> memref<128xi32, #tpu.memory_space<vmem>>
      %dma_wait3A_81 = arith.constant 0 : i32
      %dma_wait3A_82 = tpu.memref_slice %arg3[%dma_wait3A_81] : memref<20480xf32, #tpu.memory_space<hbm>> -> memref<20480xf32, #tpu.memory_space<hbm>>
      tpu.wait_indirect_dma semaphore(%run_scoped3A_70 : memref<!tpu.dma_semaphore, #tpu.memory_space<semaphore_mem>>) src(%dma_wait3A_82 : memref<20480xf32, #tpu.memory_space<hbm>>) dst(%dma_wait3A_77 : memref<128xf32, #tpu.memory_space<vmem>>)
      tpu.yield
    }) : () -> ()
    %run_scoped3A_42 = arith.constant 8 : i32
    "tpu.region"() ({
      %run_scoped3A_70 = tpu.sem_alloc : memref<!tpu.dma_semaphore, #tpu.memory_space<semaphore_mem>>
      %dma_start3A = arith.constant 1024 : i32
      %dma_start3A_71 = tpu.memref_slice %arg34[%dma_start3A] : memref<1280xf32, #tpu.memory_space<vmem>> -> memref<128xf32, #tpu.memory_space<vmem>>
      %dma_start3A_72 = arith.constant 0 : i32
      %dma_start3A_73 = tpu.memref_slice %arg39[%run_scoped3A_42, %dma_start3A_72] : memref<10x128xi32, #tpu.memory_space<vmem>> -> memref<1x128xi32, #tpu.memory_space<vmem>>
      %dma_start3A_74 = tpu.memref_squeeze %dma_start3A_73 : memref<1x128xi32, #tpu.memory_space<vmem>> -> memref<128xi32, #tpu.memory_space<vmem>>
      %dma_start3A_75 = arith.constant 0 : i32
      %dma_start3A_76 = tpu.memref_slice %arg4[%dma_start3A_75] : memref<20480xf32, #tpu.memory_space<hbm>> -> memref<20480xf32, #tpu.memory_space<hbm>>
      tpu.enqueue_indirect_dma source(%dma_start3A_76 : memref<20480xf32, #tpu.memory_space<hbm>>) target(%dma_start3A_71 : memref<128xf32, #tpu.memory_space<vmem>>) offsets(%dma_start3A_74 : memref<128xi32, #tpu.memory_space<vmem>>) semaphore(%run_scoped3A_70 : memref<!tpu.dma_semaphore, #tpu.memory_space<semaphore_mem>>)
      %dma_wait3A = arith.constant 1024 : i32
      %dma_wait3A_77 = tpu.memref_slice %arg34[%dma_wait3A] : memref<1280xf32, #tpu.memory_space<vmem>> -> memref<128xf32, #tpu.memory_space<vmem>>
      %dma_wait3A_78 = arith.constant 0 : i32
      %dma_wait3A_79 = tpu.memref_slice %arg39[%run_scoped3A_42, %dma_wait3A_78] : memref<10x128xi32, #tpu.memory_space<vmem>> -> memref<1x128xi32, #tpu.memory_space<vmem>>
      %dma_wait3A_80 = tpu.memref_squeeze %dma_wait3A_79 : memref<1x128xi32, #tpu.memory_space<vmem>> -> memref<128xi32, #tpu.memory_space<vmem>>
      %dma_wait3A_81 = arith.constant 0 : i32
      %dma_wait3A_82 = tpu.memref_slice %arg4[%dma_wait3A_81] : memref<20480xf32, #tpu.memory_space<hbm>> -> memref<20480xf32, #tpu.memory_space<hbm>>
      tpu.wait_indirect_dma semaphore(%run_scoped3A_70 : memref<!tpu.dma_semaphore, #tpu.memory_space<semaphore_mem>>) src(%dma_wait3A_82 : memref<20480xf32, #tpu.memory_space<hbm>>) dst(%dma_wait3A_77 : memref<128xf32, #tpu.memory_space<vmem>>)
      tpu.yield
    }) : () -> ()
    %run_scoped3A_43 = arith.constant 8 : i32
    "tpu.region"() ({
      %run_scoped3A_70 = tpu.sem_alloc : memref<!tpu.dma_semaphore, #tpu.memory_space<semaphore_mem>>
      %dma_start3A = arith.constant 1024 : i32
      %dma_start3A_71 = tpu.memref_slice %arg35[%dma_start3A] : memref<1280xf32, #tpu.memory_space<vmem>> -> memref<128xf32, #tpu.memory_space<vmem>>
      %dma_start3A_72 = arith.constant 0 : i32
      %dma_start3A_73 = tpu.memref_slice %arg39[%run_scoped3A_43, %dma_start3A_72] : memref<10x128xi32, #tpu.memory_space<vmem>> -> memref<1x128xi32, #tpu.memory_space<vmem>>
      %dma_start3A_74 = tpu.memref_squeeze %dma_start3A_73 : memref<1x128xi32, #tpu.memory_space<vmem>> -> memref<128xi32, #tpu.memory_space<vmem>>
      %dma_start3A_75 = arith.constant 0 : i32
      %dma_start3A_76 = tpu.memref_slice %arg5[%dma_start3A_75] : memref<20480xf32, #tpu.memory_space<hbm>> -> memref<20480xf32, #tpu.memory_space<hbm>>
      tpu.enqueue_indirect_dma source(%dma_start3A_76 : memref<20480xf32, #tpu.memory_space<hbm>>) target(%dma_start3A_71 : memref<128xf32, #tpu.memory_space<vmem>>) offsets(%dma_start3A_74 : memref<128xi32, #tpu.memory_space<vmem>>) semaphore(%run_scoped3A_70 : memref<!tpu.dma_semaphore, #tpu.memory_space<semaphore_mem>>)
      %dma_wait3A = arith.constant 1024 : i32
      %dma_wait3A_77 = tpu.memref_slice %arg35[%dma_wait3A] : memref<1280xf32, #tpu.memory_space<vmem>> -> memref<128xf32, #tpu.memory_space<vmem>>
      %dma_wait3A_78 = arith.constant 0 : i32
      %dma_wait3A_79 = tpu.memref_slice %arg39[%run_scoped3A_43, %dma_wait3A_78] : memref<10x128xi32, #tpu.memory_space<vmem>> -> memref<1x128xi32, #tpu.memory_space<vmem>>
      %dma_wait3A_80 = tpu.memref_squeeze %dma_wait3A_79 : memref<1x128xi32, #tpu.memory_space<vmem>> -> memref<128xi32, #tpu.memory_space<vmem>>
      %dma_wait3A_81 = arith.constant 0 : i32
      %dma_wait3A_82 = tpu.memref_slice %arg5[%dma_wait3A_81] : memref<20480xf32, #tpu.memory_space<hbm>> -> memref<20480xf32, #tpu.memory_space<hbm>>
      tpu.wait_indirect_dma semaphore(%run_scoped3A_70 : memref<!tpu.dma_semaphore, #tpu.memory_space<semaphore_mem>>) src(%dma_wait3A_82 : memref<20480xf32, #tpu.memory_space<hbm>>) dst(%dma_wait3A_77 : memref<128xf32, #tpu.memory_space<vmem>>)
      tpu.yield
    }) : () -> ()
    %run_scoped3A_44 = arith.constant 8 : i32
    "tpu.region"() ({
      %run_scoped3A_70 = tpu.sem_alloc : memref<!tpu.dma_semaphore, #tpu.memory_space<semaphore_mem>>
      %dma_start3A = arith.constant 1024 : i32
      %dma_start3A_71 = tpu.memref_slice %arg36[%dma_start3A] : memref<1280xf32, #tpu.memory_space<vmem>> -> memref<128xf32, #tpu.memory_space<vmem>>
      %dma_start3A_72 = arith.constant 0 : i32
      %dma_start3A_73 = tpu.memref_slice %arg39[%run_scoped3A_44, %dma_start3A_72] : memref<10x128xi32, #tpu.memory_space<vmem>> -> memref<1x128xi32, #tpu.memory_space<vmem>>
      %dma_start3A_74 = tpu.memref_squeeze %dma_start3A_73 : memref<1x128xi32, #tpu.memory_space<vmem>> -> memref<128xi32, #tpu.memory_space<vmem>>
      %dma_start3A_75 = arith.constant 0 : i32
      %dma_start3A_76 = tpu.memref_slice %arg6[%dma_start3A_75] : memref<20480xf32, #tpu.memory_space<hbm>> -> memref<20480xf32, #tpu.memory_space<hbm>>
      tpu.enqueue_indirect_dma source(%dma_start3A_76 : memref<20480xf32, #tpu.memory_space<hbm>>) target(%dma_start3A_71 : memref<128xf32, #tpu.memory_space<vmem>>) offsets(%dma_start3A_74 : memref<128xi32, #tpu.memory_space<vmem>>) semaphore(%run_scoped3A_70 : memref<!tpu.dma_semaphore, #tpu.memory_space<semaphore_mem>>)
      %dma_wait3A = arith.constant 1024 : i32
      %dma_wait3A_77 = tpu.memref_slice %arg36[%dma_wait3A] : memref<1280xf32, #tpu.memory_space<vmem>> -> memref<128xf32, #tpu.memory_space<vmem>>
      %dma_wait3A_78 = arith.constant 0 : i32
      %dma_wait3A_79 = tpu.memref_slice %arg39[%run_scoped3A_44, %dma_wait3A_78] : memref<10x128xi32, #tpu.memory_space<vmem>> -> memref<1x128xi32, #tpu.memory_space<vmem>>
      %dma_wait3A_80 = tpu.memref_squeeze %dma_wait3A_79 : memref<1x128xi32, #tpu.memory_space<vmem>> -> memref<128xi32, #tpu.memory_space<vmem>>
      %dma_wait3A_81 = arith.constant 0 : i32
      %dma_wait3A_82 = tpu.memref_slice %arg6[%dma_wait3A_81] : memref<20480xf32, #tpu.memory_space<hbm>> -> memref<20480xf32, #tpu.memory_space<hbm>>
      tpu.wait_indirect_dma semaphore(%run_scoped3A_70 : memref<!tpu.dma_semaphore, #tpu.memory_space<semaphore_mem>>) src(%dma_wait3A_82 : memref<20480xf32, #tpu.memory_space<hbm>>) dst(%dma_wait3A_77 : memref<128xf32, #tpu.memory_space<vmem>>)
      tpu.yield
    }) : () -> ()
    %run_scoped3A_45 = arith.constant 9 : i32
    "tpu.region"() ({
      %run_scoped3A_70 = tpu.sem_alloc : memref<!tpu.dma_semaphore, #tpu.memory_space<semaphore_mem>>
      %dma_start3A = arith.constant 1152 : i32
      %dma_start3A_71 = tpu.memref_slice %arg32[%dma_start3A] : memref<1280xf32, #tpu.memory_space<vmem>> -> memref<128xf32, #tpu.memory_space<vmem>>
      %dma_start3A_72 = arith.constant 0 : i32
      %dma_start3A_73 = tpu.memref_slice %arg39[%run_scoped3A_45, %dma_start3A_72] : memref<10x128xi32, #tpu.memory_space<vmem>> -> memref<1x128xi32, #tpu.memory_space<vmem>>
      %dma_start3A_74 = tpu.memref_squeeze %dma_start3A_73 : memref<1x128xi32, #tpu.memory_space<vmem>> -> memref<128xi32, #tpu.memory_space<vmem>>
      %dma_start3A_75 = arith.constant 0 : i32
      %dma_start3A_76 = tpu.memref_slice %arg2[%dma_start3A_75] : memref<20480xf32, #tpu.memory_space<hbm>> -> memref<20480xf32, #tpu.memory_space<hbm>>
      tpu.enqueue_indirect_dma source(%dma_start3A_76 : memref<20480xf32, #tpu.memory_space<hbm>>) target(%dma_start3A_71 : memref<128xf32, #tpu.memory_space<vmem>>) offsets(%dma_start3A_74 : memref<128xi32, #tpu.memory_space<vmem>>) semaphore(%run_scoped3A_70 : memref<!tpu.dma_semaphore, #tpu.memory_space<semaphore_mem>>)
      %dma_wait3A = arith.constant 1152 : i32
      %dma_wait3A_77 = tpu.memref_slice %arg32[%dma_wait3A] : memref<1280xf32, #tpu.memory_space<vmem>> -> memref<128xf32, #tpu.memory_space<vmem>>
      %dma_wait3A_78 = arith.constant 0 : i32
      %dma_wait3A_79 = tpu.memref_slice %arg39[%run_scoped3A_45, %dma_wait3A_78] : memref<10x128xi32, #tpu.memory_space<vmem>> -> memref<1x128xi32, #tpu.memory_space<vmem>>
      %dma_wait3A_80 = tpu.memref_squeeze %dma_wait3A_79 : memref<1x128xi32, #tpu.memory_space<vmem>> -> memref<128xi32, #tpu.memory_space<vmem>>
      %dma_wait3A_81 = arith.constant 0 : i32
      %dma_wait3A_82 = tpu.memref_slice %arg2[%dma_wait3A_81] : memref<20480xf32, #tpu.memory_space<hbm>> -> memref<20480xf32, #tpu.memory_space<hbm>>
      tpu.wait_indirect_dma semaphore(%run_scoped3A_70 : memref<!tpu.dma_semaphore, #tpu.memory_space<semaphore_mem>>) src(%dma_wait3A_82 : memref<20480xf32, #tpu.memory_space<hbm>>) dst(%dma_wait3A_77 : memref<128xf32, #tpu.memory_space<vmem>>)
      tpu.yield
    }) : () -> ()
    %run_scoped3A_46 = arith.constant 9 : i32
    "tpu.region"() ({
      %run_scoped3A_70 = tpu.sem_alloc : memref<!tpu.dma_semaphore, #tpu.memory_space<semaphore_mem>>
      %dma_start3A = arith.constant 1152 : i32
      %dma_start3A_71 = tpu.memref_slice %arg33[%dma_start3A] : memref<1280xf32, #tpu.memory_space<vmem>> -> memref<128xf32, #tpu.memory_space<vmem>>
      %dma_start3A_72 = arith.constant 0 : i32
      %dma_start3A_73 = tpu.memref_slice %arg39[%run_scoped3A_46, %dma_start3A_72] : memref<10x128xi32, #tpu.memory_space<vmem>> -> memref<1x128xi32, #tpu.memory_space<vmem>>
      %dma_start3A_74 = tpu.memref_squeeze %dma_start3A_73 : memref<1x128xi32, #tpu.memory_space<vmem>> -> memref<128xi32, #tpu.memory_space<vmem>>
      %dma_start3A_75 = arith.constant 0 : i32
      %dma_start3A_76 = tpu.memref_slice %arg3[%dma_start3A_75] : memref<20480xf32, #tpu.memory_space<hbm>> -> memref<20480xf32, #tpu.memory_space<hbm>>
      tpu.enqueue_indirect_dma source(%dma_start3A_76 : memref<20480xf32, #tpu.memory_space<hbm>>) target(%dma_start3A_71 : memref<128xf32, #tpu.memory_space<vmem>>) offsets(%dma_start3A_74 : memref<128xi32, #tpu.memory_space<vmem>>) semaphore(%run_scoped3A_70 : memref<!tpu.dma_semaphore, #tpu.memory_space<semaphore_mem>>)
      %dma_wait3A = arith.constant 1152 : i32
      %dma_wait3A_77 = tpu.memref_slice %arg33[%dma_wait3A] : memref<1280xf32, #tpu.memory_space<vmem>> -> memref<128xf32, #tpu.memory_space<vmem>>
      %dma_wait3A_78 = arith.constant 0 : i32
      %dma_wait3A_79 = tpu.memref_slice %arg39[%run_scoped3A_46, %dma_wait3A_78] : memref<10x128xi32, #tpu.memory_space<vmem>> -> memref<1x128xi32, #tpu.memory_space<vmem>>
      %dma_wait3A_80 = tpu.memref_squeeze %dma_wait3A_79 : memref<1x128xi32, #tpu.memory_space<vmem>> -> memref<128xi32, #tpu.memory_space<vmem>>
      %dma_wait3A_81 = arith.constant 0 : i32
      %dma_wait3A_82 = tpu.memref_slice %arg3[%dma_wait3A_81] : memref<20480xf32, #tpu.memory_space<hbm>> -> memref<20480xf32, #tpu.memory_space<hbm>>
      tpu.wait_indirect_dma semaphore(%run_scoped3A_70 : memref<!tpu.dma_semaphore, #tpu.memory_space<semaphore_mem>>) src(%dma_wait3A_82 : memref<20480xf32, #tpu.memory_space<hbm>>) dst(%dma_wait3A_77 : memref<128xf32, #tpu.memory_space<vmem>>)
      tpu.yield
    }) : () -> ()
    %run_scoped3A_47 = arith.constant 9 : i32
    "tpu.region"() ({
      %run_scoped3A_70 = tpu.sem_alloc : memref<!tpu.dma_semaphore, #tpu.memory_space<semaphore_mem>>
      %dma_start3A = arith.constant 1152 : i32
      %dma_start3A_71 = tpu.memref_slice %arg34[%dma_start3A] : memref<1280xf32, #tpu.memory_space<vmem>> -> memref<128xf32, #tpu.memory_space<vmem>>
      %dma_start3A_72 = arith.constant 0 : i32
      %dma_start3A_73 = tpu.memref_slice %arg39[%run_scoped3A_47, %dma_start3A_72] : memref<10x128xi32, #tpu.memory_space<vmem>> -> memref<1x128xi32, #tpu.memory_space<vmem>>
      %dma_start3A_74 = tpu.memref_squeeze %dma_start3A_73 : memref<1x128xi32, #tpu.memory_space<vmem>> -> memref<128xi32, #tpu.memory_space<vmem>>
      %dma_start3A_75 = arith.constant 0 : i32
      %dma_start3A_76 = tpu.memref_slice %arg4[%dma_start3A_75] : memref<20480xf32, #tpu.memory_space<hbm>> -> memref<20480xf32, #tpu.memory_space<hbm>>
      tpu.enqueue_indirect_dma source(%dma_start3A_76 : memref<20480xf32, #tpu.memory_space<hbm>>) target(%dma_start3A_71 : memref<128xf32, #tpu.memory_space<vmem>>) offsets(%dma_start3A_74 : memref<128xi32, #tpu.memory_space<vmem>>) semaphore(%run_scoped3A_70 : memref<!tpu.dma_semaphore, #tpu.memory_space<semaphore_mem>>)
      %dma_wait3A = arith.constant 1152 : i32
      %dma_wait3A_77 = tpu.memref_slice %arg34[%dma_wait3A] : memref<1280xf32, #tpu.memory_space<vmem>> -> memref<128xf32, #tpu.memory_space<vmem>>
      %dma_wait3A_78 = arith.constant 0 : i32
      %dma_wait3A_79 = tpu.memref_slice %arg39[%run_scoped3A_47, %dma_wait3A_78] : memref<10x128xi32, #tpu.memory_space<vmem>> -> memref<1x128xi32, #tpu.memory_space<vmem>>
      %dma_wait3A_80 = tpu.memref_squeeze %dma_wait3A_79 : memref<1x128xi32, #tpu.memory_space<vmem>> -> memref<128xi32, #tpu.memory_space<vmem>>
      %dma_wait3A_81 = arith.constant 0 : i32
      %dma_wait3A_82 = tpu.memref_slice %arg4[%dma_wait3A_81] : memref<20480xf32, #tpu.memory_space<hbm>> -> memref<20480xf32, #tpu.memory_space<hbm>>
      tpu.wait_indirect_dma semaphore(%run_scoped3A_70 : memref<!tpu.dma_semaphore, #tpu.memory_space<semaphore_mem>>) src(%dma_wait3A_82 : memref<20480xf32, #tpu.memory_space<hbm>>) dst(%dma_wait3A_77 : memref<128xf32, #tpu.memory_space<vmem>>)
      tpu.yield
    }) : () -> ()
    %run_scoped3A_48 = arith.constant 9 : i32
    "tpu.region"() ({
      %run_scoped3A_70 = tpu.sem_alloc : memref<!tpu.dma_semaphore, #tpu.memory_space<semaphore_mem>>
      %dma_start3A = arith.constant 1152 : i32
      %dma_start3A_71 = tpu.memref_slice %arg35[%dma_start3A] : memref<1280xf32, #tpu.memory_space<vmem>> -> memref<128xf32, #tpu.memory_space<vmem>>
      %dma_start3A_72 = arith.constant 0 : i32
      %dma_start3A_73 = tpu.memref_slice %arg39[%run_scoped3A_48, %dma_start3A_72] : memref<10x128xi32, #tpu.memory_space<vmem>> -> memref<1x128xi32, #tpu.memory_space<vmem>>
      %dma_start3A_74 = tpu.memref_squeeze %dma_start3A_73 : memref<1x128xi32, #tpu.memory_space<vmem>> -> memref<128xi32, #tpu.memory_space<vmem>>
      %dma_start3A_75 = arith.constant 0 : i32
      %dma_start3A_76 = tpu.memref_slice %arg5[%dma_start3A_75] : memref<20480xf32, #tpu.memory_space<hbm>> -> memref<20480xf32, #tpu.memory_space<hbm>>
      tpu.enqueue_indirect_dma source(%dma_start3A_76 : memref<20480xf32, #tpu.memory_space<hbm>>) target(%dma_start3A_71 : memref<128xf32, #tpu.memory_space<vmem>>) offsets(%dma_start3A_74 : memref<128xi32, #tpu.memory_space<vmem>>) semaphore(%run_scoped3A_70 : memref<!tpu.dma_semaphore, #tpu.memory_space<semaphore_mem>>)
      %dma_wait3A = arith.constant 1152 : i32
      %dma_wait3A_77 = tpu.memref_slice %arg35[%dma_wait3A] : memref<1280xf32, #tpu.memory_space<vmem>> -> memref<128xf32, #tpu.memory_space<vmem>>
      %dma_wait3A_78 = arith.constant 0 : i32
      %dma_wait3A_79 = tpu.memref_slice %arg39[%run_scoped3A_48, %dma_wait3A_78] : memref<10x128xi32, #tpu.memory_space<vmem>> -> memref<1x128xi32, #tpu.memory_space<vmem>>
      %dma_wait3A_80 = tpu.memref_squeeze %dma_wait3A_79 : memref<1x128xi32, #tpu.memory_space<vmem>> -> memref<128xi32, #tpu.memory_space<vmem>>
      %dma_wait3A_81 = arith.constant 0 : i32
      %dma_wait3A_82 = tpu.memref_slice %arg5[%dma_wait3A_81] : memref<20480xf32, #tpu.memory_space<hbm>> -> memref<20480xf32, #tpu.memory_space<hbm>>
      tpu.wait_indirect_dma semaphore(%run_scoped3A_70 : memref<!tpu.dma_semaphore, #tpu.memory_space<semaphore_mem>>) src(%dma_wait3A_82 : memref<20480xf32, #tpu.memory_space<hbm>>) dst(%dma_wait3A_77 : memref<128xf32, #tpu.memory_space<vmem>>)
      tpu.yield
    }) : () -> ()
    %run_scoped3A_49 = arith.constant 9 : i32
    "tpu.region"() ({
      %run_scoped3A_70 = tpu.sem_alloc : memref<!tpu.dma_semaphore, #tpu.memory_space<semaphore_mem>>
      %dma_start3A = arith.constant 1152 : i32
      %dma_start3A_71 = tpu.memref_slice %arg36[%dma_start3A] : memref<1280xf32, #tpu.memory_space<vmem>> -> memref<128xf32, #tpu.memory_space<vmem>>
      %dma_start3A_72 = arith.constant 0 : i32
      %dma_start3A_73 = tpu.memref_slice %arg39[%run_scoped3A_49, %dma_start3A_72] : memref<10x128xi32, #tpu.memory_space<vmem>> -> memref<1x128xi32, #tpu.memory_space<vmem>>
      %dma_start3A_74 = tpu.memref_squeeze %dma_start3A_73 : memref<1x128xi32, #tpu.memory_space<vmem>> -> memref<128xi32, #tpu.memory_space<vmem>>
      %dma_start3A_75 = arith.constant 0 : i32
      %dma_start3A_76 = tpu.memref_slice %arg6[%dma_start3A_75] : memref<20480xf32, #tpu.memory_space<hbm>> -> memref<20480xf32, #tpu.memory_space<hbm>>
      tpu.enqueue_indirect_dma source(%dma_start3A_76 : memref<20480xf32, #tpu.memory_space<hbm>>) target(%dma_start3A_71 : memref<128xf32, #tpu.memory_space<vmem>>) offsets(%dma_start3A_74 : memref<128xi32, #tpu.memory_space<vmem>>) semaphore(%run_scoped3A_70 : memref<!tpu.dma_semaphore, #tpu.memory_space<semaphore_mem>>)
      %dma_wait3A = arith.constant 1152 : i32
      %dma_wait3A_77 = tpu.memref_slice %arg36[%dma_wait3A] : memref<1280xf32, #tpu.memory_space<vmem>> -> memref<128xf32, #tpu.memory_space<vmem>>
      %dma_wait3A_78 = arith.constant 0 : i32
      %dma_wait3A_79 = tpu.memref_slice %arg39[%run_scoped3A_49, %dma_wait3A_78] : memref<10x128xi32, #tpu.memory_space<vmem>> -> memref<1x128xi32, #tpu.memory_space<vmem>>
      %dma_wait3A_80 = tpu.memref_squeeze %dma_wait3A_79 : memref<1x128xi32, #tpu.memory_space<vmem>> -> memref<128xi32, #tpu.memory_space<vmem>>
      %dma_wait3A_81 = arith.constant 0 : i32
      %dma_wait3A_82 = tpu.memref_slice %arg6[%dma_wait3A_81] : memref<20480xf32, #tpu.memory_space<hbm>> -> memref<20480xf32, #tpu.memory_space<hbm>>
      tpu.wait_indirect_dma semaphore(%run_scoped3A_70 : memref<!tpu.dma_semaphore, #tpu.memory_space<semaphore_mem>>) src(%dma_wait3A_82 : memref<20480xf32, #tpu.memory_space<hbm>>) dst(%dma_wait3A_77 : memref<128xf32, #tpu.memory_space<vmem>>)
      tpu.yield
    }) : () -> ()
    %scan3A = arith.constant 0 : i32
    %scan3A_50 = arith.constant 0 : i32
    %scan3A_51 = arith.constant 80 : i32
    %scan3A_52 = arith.addi %scan3A_50, %scan3A_51 : i32
    %scan3A_53 = arith.constant 1 : i32
    %scan3A_54 = scf.for %scan3A_70 = %scan3A_50 to %scan3A_52 step %scan3A_53 iter_args(%scan3A_71 = %scan3A) -> (i32)  : i32 {
      %mul3A_72 = arith.constant 16 : i32
      %mul3A_73 = arith.muli %scan3A_70, %mul3A_72 : i32
      %get3A = arith.index_cast %mul3A_73 : i32 to index
      %get3A_74 = tpu.vector_load %arg34[%get3A] {strides = array<i32>} : memref<1280xf32, #tpu.memory_space<vmem>>, vector<16xf32>,
      %get3A_75 = vector.shape_cast %get3A_74 : vector<16xf32> to vector<16xf32>
      %get3A_76 = arith.index_cast %mul3A_73 : i32 to index
      %get3A_77 = tpu.vector_load %arg32[%get3A_76] {strides = array<i32>} : memref<1280xf32, #tpu.memory_space<vmem>>, vector<16xf32>,
      %get3A_78 = vector.shape_cast %get3A_77 : vector<16xf32> to vector<16xf32>
      %sub3A = arith.subf %get3A_75, %get3A_78 : vector<16xf32>
      %max3A = arith.constant 0.000000e+00 : f32
      %max3A_79 = vector.broadcast %max3A : f32 to vector<16xf32>
      %max3A_80 = arith.maximumf %sub3A, %max3A_79 : vector<16xf32>
      %get3A_81 = arith.index_cast %mul3A_73 : i32 to index
      %get3A_82 = tpu.vector_load %arg35[%get3A_81] {strides = array<i32>} : memref<1280xf32, #tpu.memory_space<vmem>>, vector<16xf32>,
      %get3A_83 = vector.shape_cast %get3A_82 : vector<16xf32> to vector<16xf32>
      %get3A_84 = arith.index_cast %mul3A_73 : i32 to index
      %get3A_85 = tpu.vector_load %arg33[%get3A_84] {strides = array<i32>} : memref<1280xf32, #tpu.memory_space<vmem>>, vector<16xf32>,
      %get3A_86 = vector.shape_cast %get3A_85 : vector<16xf32> to vector<16xf32>
      %sub3A_87 = arith.subf %get3A_83, %get3A_86 : vector<16xf32>
      %max3A_88 = arith.constant 0.000000e+00 : f32
      %max3A_89 = vector.broadcast %max3A_88 : f32 to vector<16xf32>
      %max3A_90 = arith.maximumf %sub3A_87, %max3A_89 : vector<16xf32>
      %mul3A_91 = arith.mulf %max3A_80, %max3A_90 : vector<16xf32>
      %swap3A = arith.index_cast %mul3A_73 : i32 to index
      %swap3A_92 = tpu.vector_load %arg37[%swap3A] {strides = array<i32>} : memref<1280xf32, #tpu.memory_space<vmem>>, vector<16xf32>,
      %swap3A_93 = vector.shape_cast %swap3A_92 : vector<16xf32> to vector<16xf32>
      %swap3A_94 = vector.shape_cast %mul3A_91 : vector<16xf32> to vector<16xf32>
      tpu.vector_store %arg37[%swap3A], %swap3A_94 {strides = array<i32>} : memref<1280xf32, #tpu.memory_space<vmem>>, vector<16xf32>,
      %get3A_95 = arith.index_cast %mul3A_73 : i32 to index
      %get3A_96 = tpu.vector_load %arg36[%get3A_95] {strides = array<i32>} : memref<1280xf32, #tpu.memory_space<vmem>>, vector<16xf32>,
      %get3A_97 = vector.shape_cast %get3A_96 : vector<16xf32> to vector<16xf32>
      %gt3A = arith.constant 0.000000e+00 : f32
      %gt3A_98 = vector.broadcast %gt3A : f32 to vector<16xf32>
      %gt3A_99 = arith.cmpf ogt, %get3A_97, %gt3A_98 : vector<16xf32>
      %jit3A = arith.constant 1.000000e+00 : f32
      %jit3A_100 = arith.constant 0.000000e+00 : f32
      %broadcast_in_dim3A = vector.broadcast %jit3A : f32 to vector<16xf32>
      %broadcast_in_dim3A_101 = vector.broadcast %jit3A_100 : f32 to vector<16xf32>
      %select_n3A = arith.select %gt3A_99, %broadcast_in_dim3A, %broadcast_in_dim3A_101 : vector<16xi1>, vector<16xf32>
      %swap3A_102 = arith.index_cast %mul3A_73 : i32 to index
      %swap3A_103 = tpu.vector_load %arg38[%swap3A_102] {strides = array<i32>} : memref<1280xf32, #tpu.memory_space<vmem>>, vector<16xf32>,
      %swap3A_104 = vector.shape_cast %swap3A_103 : vector<16xf32> to vector<16xf32>
      %swap3A_105 = vector.shape_cast %select_n3A : vector<16xf32> to vector<16xf32>
      tpu.vector_store %arg38[%swap3A_102], %swap3A_105 {strides = array<i32>} : memref<1280xf32, #tpu.memory_space<vmem>>, vector<16xf32>,
      %scan3A_106 = arith.constant 0 : i32
      scf.yield %scan3A_106 : i32
    }
    %scan3A_55 = arith.constant 80 : i32
    "tpu.region"() ({
      %run_scoped3A_70 = tpu.sem_alloc : memref<!tpu.dma_semaphore, #tpu.memory_space<semaphore_mem>>
      %dma_start3A = tpu.memref_slice %arg13[%multiple_of3A] : memref<21760xf32, #tpu.memory_space<vmem_shared>> -> memref<1280xf32, #tpu.memory_space<vmem_shared>>
      %dma_start3A_71 = tpu.memref_slice %arg13[%multiple_of3A] : memref<21760xf32, #tpu.memory_space<vmem_shared>> -> memref<1280xf32, #tpu.memory_space<vmem_shared>>
      tpu.enqueue_dma source(%arg32 : memref<1280xf32, #tpu.memory_space<vmem>>) target(%dma_start3A_71 : memref<1280xf32, #tpu.memory_space<vmem_shared>>) target_semaphore(%run_scoped3A_70 : memref<!tpu.dma_semaphore, #tpu.memory_space<semaphore_mem>>)
      %dma_wait3A = tpu.memref_slice %arg13[%multiple_of3A] : memref<21760xf32, #tpu.memory_space<vmem_shared>> -> memref<1280xf32, #tpu.memory_space<vmem_shared>>
      %dma_wait3A_72 = tpu.memref_slice %arg13[%multiple_of3A] : memref<21760xf32, #tpu.memory_space<vmem_shared>> -> memref<1280xf32, #tpu.memory_space<vmem_shared>>
      tpu.wait_dma2 semaphore(%run_scoped3A_70 : memref<!tpu.dma_semaphore, #tpu.memory_space<semaphore_mem>>) src(%arg32 : memref<1280xf32, #tpu.memory_space<vmem>>) dst(%dma_wait3A_72 : memref<1280xf32, #tpu.memory_space<vmem_shared>>)
      tpu.yield
    }) : () -> ()
    "tpu.region"() ({
      %run_scoped3A_70 = tpu.sem_alloc : memref<!tpu.dma_semaphore, #tpu.memory_space<semaphore_mem>>
      %dma_start3A = tpu.memref_slice %arg14[%multiple_of3A] : memref<21760xf32, #tpu.memory_space<vmem_shared>> -> memref<1280xf32, #tpu.memory_space<vmem_shared>>
      %dma_start3A_71 = tpu.memref_slice %arg14[%multiple_of3A] : memref<21760xf32, #tpu.memory_space<vmem_shared>> -> memref<1280xf32, #tpu.memory_space<vmem_shared>>
      tpu.enqueue_dma source(%arg33 : memref<1280xf32, #tpu.memory_space<vmem>>) target(%dma_start3A_71 : memref<1280xf32, #tpu.memory_space<vmem_shared>>) target_semaphore(%run_scoped3A_70 : memref<!tpu.dma_semaphore, #tpu.memory_space<semaphore_mem>>)
      %dma_wait3A = tpu.memref_slice %arg14[%multiple_of3A] : memref<21760xf32, #tpu.memory_space<vmem_shared>> -> memref<1280xf32, #tpu.memory_space<vmem_shared>>
      %dma_wait3A_72 = tpu.memref_slice %arg14[%multiple_of3A] : memref<21760xf32, #tpu.memory_space<vmem_shared>> -> memref<1280xf32, #tpu.memory_space<vmem_shared>>
      tpu.wait_dma2 semaphore(%run_scoped3A_70 : memref<!tpu.dma_semaphore, #tpu.memory_space<semaphore_mem>>) src(%arg33 : memref<1280xf32, #tpu.memory_space<vmem>>) dst(%dma_wait3A_72 : memref<1280xf32, #tpu.memory_space<vmem_shared>>)
      tpu.yield
    }) : () -> ()
    "tpu.region"() ({
      %run_scoped3A_70 = tpu.sem_alloc : memref<!tpu.dma_semaphore, #tpu.memory_space<semaphore_mem>>
      %dma_start3A = tpu.memref_slice %arg15[%multiple_of3A] : memref<21760xf32, #tpu.memory_space<vmem_shared>> -> memref<1280xf32, #tpu.memory_space<vmem_shared>>
      %dma_start3A_71 = tpu.memref_slice %arg15[%multiple_of3A] : memref<21760xf32, #tpu.memory_space<vmem_shared>> -> memref<1280xf32, #tpu.memory_space<vmem_shared>>
      tpu.enqueue_dma source(%arg34 : memref<1280xf32, #tpu.memory_space<vmem>>) target(%dma_start3A_71 : memref<1280xf32, #tpu.memory_space<vmem_shared>>) target_semaphore(%run_scoped3A_70 : memref<!tpu.dma_semaphore, #tpu.memory_space<semaphore_mem>>)
      %dma_wait3A = tpu.memref_slice %arg15[%multiple_of3A] : memref<21760xf32, #tpu.memory_space<vmem_shared>> -> memref<1280xf32, #tpu.memory_space<vmem_shared>>
      %dma_wait3A_72 = tpu.memref_slice %arg15[%multiple_of3A] : memref<21760xf32, #tpu.memory_space<vmem_shared>> -> memref<1280xf32, #tpu.memory_space<vmem_shared>>
      tpu.wait_dma2 semaphore(%run_scoped3A_70 : memref<!tpu.dma_semaphore, #tpu.memory_space<semaphore_mem>>) src(%arg34 : memref<1280xf32, #tpu.memory_space<vmem>>) dst(%dma_wait3A_72 : memref<1280xf32, #tpu.memory_space<vmem_shared>>)
      tpu.yield
    }) : () -> ()
    "tpu.region"() ({
      %run_scoped3A_70 = tpu.sem_alloc : memref<!tpu.dma_semaphore, #tpu.memory_space<semaphore_mem>>
      %dma_start3A = tpu.memref_slice %arg16[%multiple_of3A] : memref<21760xf32, #tpu.memory_space<vmem_shared>> -> memref<1280xf32, #tpu.memory_space<vmem_shared>>
      %dma_start3A_71 = tpu.memref_slice %arg16[%multiple_of3A] : memref<21760xf32, #tpu.memory_space<vmem_shared>> -> memref<1280xf32, #tpu.memory_space<vmem_shared>>
      tpu.enqueue_dma source(%arg35 : memref<1280xf32, #tpu.memory_space<vmem>>) target(%dma_start3A_71 : memref<1280xf32, #tpu.memory_space<vmem_shared>>) target_semaphore(%run_scoped3A_70 : memref<!tpu.dma_semaphore, #tpu.memory_space<semaphore_mem>>)
      %dma_wait3A = tpu.memref_slice %arg16[%multiple_of3A] : memref<21760xf32, #tpu.memory_space<vmem_shared>> -> memref<1280xf32, #tpu.memory_space<vmem_shared>>
      %dma_wait3A_72 = tpu.memref_slice %arg16[%multiple_of3A] : memref<21760xf32, #tpu.memory_space<vmem_shared>> -> memref<1280xf32, #tpu.memory_space<vmem_shared>>
      tpu.wait_dma2 semaphore(%run_scoped3A_70 : memref<!tpu.dma_semaphore, #tpu.memory_space<semaphore_mem>>) src(%arg35 : memref<1280xf32, #tpu.memory_space<vmem>>) dst(%dma_wait3A_72 : memref<1280xf32, #tpu.memory_space<vmem_shared>>)
      tpu.yield
    }) : () -> ()
    "tpu.region"() ({
      %run_scoped3A_70 = tpu.sem_alloc : memref<!tpu.dma_semaphore, #tpu.memory_space<semaphore_mem>>
      %dma_start3A = tpu.memref_slice %arg17[%multiple_of3A] : memref<21760xf32, #tpu.memory_space<vmem_shared>> -> memref<1280xf32, #tpu.memory_space<vmem_shared>>
      %dma_start3A_71 = tpu.memref_slice %arg17[%multiple_of3A] : memref<21760xf32, #tpu.memory_space<vmem_shared>> -> memref<1280xf32, #tpu.memory_space<vmem_shared>>
      tpu.enqueue_dma source(%arg37 : memref<1280xf32, #tpu.memory_space<vmem>>) target(%dma_start3A_71 : memref<1280xf32, #tpu.memory_space<vmem_shared>>) target_semaphore(%run_scoped3A_70 : memref<!tpu.dma_semaphore, #tpu.memory_space<semaphore_mem>>)
      %dma_wait3A = tpu.memref_slice %arg17[%multiple_of3A] : memref<21760xf32, #tpu.memory_space<vmem_shared>> -> memref<1280xf32, #tpu.memory_space<vmem_shared>>
      %dma_wait3A_72 = tpu.memref_slice %arg17[%multiple_of3A] : memref<21760xf32, #tpu.memory_space<vmem_shared>> -> memref<1280xf32, #tpu.memory_space<vmem_shared>>
      tpu.wait_dma2 semaphore(%run_scoped3A_70 : memref<!tpu.dma_semaphore, #tpu.memory_space<semaphore_mem>>) src(%arg37 : memref<1280xf32, #tpu.memory_space<vmem>>) dst(%dma_wait3A_72 : memref<1280xf32, #tpu.memory_space<vmem_shared>>)
      tpu.yield
    }) : () -> ()
    "tpu.region"() ({
      %run_scoped3A_70 = tpu.sem_alloc : memref<!tpu.dma_semaphore, #tpu.memory_space<semaphore_mem>>
      %dma_start3A = tpu.memref_slice %arg18[%multiple_of3A] : memref<21760xf32, #tpu.memory_space<vmem_shared>> -> memref<1280xf32, #tpu.memory_space<vmem_shared>>
      %dma_start3A_71 = tpu.memref_slice %arg18[%multiple_of3A] : memref<21760xf32, #tpu.memory_space<vmem_shared>> -> memref<1280xf32, #tpu.memory_space<vmem_shared>>
      tpu.enqueue_dma source(%arg38 : memref<1280xf32, #tpu.memory_space<vmem>>) target(%dma_start3A_71 : memref<1280xf32, #tpu.memory_space<vmem_shared>>) target_semaphore(%run_scoped3A_70 : memref<!tpu.dma_semaphore, #tpu.memory_space<semaphore_mem>>)
      %dma_wait3A = tpu.memref_slice %arg18[%multiple_of3A] : memref<21760xf32, #tpu.memory_space<vmem_shared>> -> memref<1280xf32, #tpu.memory_space<vmem_shared>>
      %dma_wait3A_72 = tpu.memref_slice %arg18[%multiple_of3A] : memref<21760xf32, #tpu.memory_space<vmem_shared>> -> memref<1280xf32, #tpu.memory_space<vmem_shared>>
      tpu.wait_dma2 semaphore(%run_scoped3A_70 : memref<!tpu.dma_semaphore, #tpu.memory_space<semaphore_mem>>) src(%arg38 : memref<1280xf32, #tpu.memory_space<vmem>>) dst(%dma_wait3A_72 : memref<1280xf32, #tpu.memory_space<vmem_shared>>)
      tpu.yield
    }) : () -> ()
    "tpu.region"() ({
      %run_scoped3A_70 = tpu.sem_alloc : memref<!tpu.dma_semaphore, #tpu.memory_space<semaphore_mem>>
      %dma_start3A = tpu.memref_slice %arg19[%multiple_of3A] : memref<21760xf32, #tpu.memory_space<vmem_shared>> -> memref<1280xf32, #tpu.memory_space<vmem_shared>>
      %dma_start3A_71 = tpu.memref_slice %arg19[%multiple_of3A] : memref<21760xf32, #tpu.memory_space<vmem_shared>> -> memref<1280xf32, #tpu.memory_space<vmem_shared>>
      tpu.enqueue_dma source(%arg36 : memref<1280xf32, #tpu.memory_space<vmem>>) target(%dma_start3A_71 : memref<1280xf32, #tpu.memory_space<vmem_shared>>) target_semaphore(%run_scoped3A_70 : memref<!tpu.dma_semaphore, #tpu.memory_space<semaphore_mem>>)
      %dma_wait3A = tpu.memref_slice %arg19[%multiple_of3A] : memref<21760xf32, #tpu.memory_space<vmem_shared>> -> memref<1280xf32, #tpu.memory_space<vmem_shared>>
      %dma_wait3A_72 = tpu.memref_slice %arg19[%multiple_of3A] : memref<21760xf32, #tpu.memory_space<vmem_shared>> -> memref<1280xf32, #tpu.memory_space<vmem_shared>>
      tpu.wait_dma2 semaphore(%run_scoped3A_70 : memref<!tpu.dma_semaphore, #tpu.memory_space<semaphore_mem>>) src(%arg36 : memref<1280xf32, #tpu.memory_space<vmem>>) dst(%dma_wait3A_72 : memref<1280xf32, #tpu.memory_space<vmem_shared>>)
      tpu.yield
    }) : () -> ()
    %barrier3A = arith.constant 0 : index
    tpu.barrier barrier_id(%barrier3A)
    %scan3A_56 = arith.constant 0 : i32
    %scan3A_57 = arith.constant 0 : i32
    %scan3A_58 = arith.constant 80 : i32
    %scan3A_59 = arith.addi %scan3A_57, %scan3A_58 : i32
    %scan3A_60 = arith.constant 1 : i32
    %scan3A_61 = scf.for %scan3A_70 = %scan3A_57 to %scan3A_59 step %scan3A_60 iter_args(%scan3A_71 = %scan3A_56) -> (i32)  : i32 {
      %mul3A_72 = arith.constant 256 : i32
      %mul3A_73 = arith.muli %scan3A_70, %mul3A_72 : i32
      %multiple_of3A_74 = tpu.assume_multiple %mul3A_73, 256 : i32
      %add3A = arith.constant 256 : i32
      %add3A_75 = arith.addi %multiple_of3A_74, %add3A : i32
      %sub3A = arith.constant 20480 : i32
      %sub3A_76 = arith.subi %sub3A, %add3A_75 : i32
      %jit3A = arith.constant 16 : i32
      %div3A = arith.divsi %sub3A_76, %jit3A : i32
      %sign3A = arith.constant 0 : i32
      %sign3A_77 = arith.cmpi sgt, %sub3A_76, %sign3A : i32
      %sign3A_78 = arith.extui %sign3A_77 : i1 to i32
      %sign3A_79 = arith.constant 0 : i32
      %sign3A_80 = arith.cmpi slt, %sub3A_76, %sign3A_79 : i32
      %sign3A_81 = arith.extui %sign3A_80 : i1 to i32
      %sign3A_82 = arith.subi %sign3A_78, %sign3A_81 : i32
      %sign3A_83 = arith.constant 0 : i32
      %sign3A_84 = arith.cmpi sgt, %jit3A, %sign3A_83 : i32
      %sign3A_85 = arith.extui %sign3A_84 : i1 to i32
      %sign3A_86 = arith.constant 0 : i32
      %sign3A_87 = arith.cmpi slt, %jit3A, %sign3A_86 : i32
      %sign3A_88 = arith.extui %sign3A_87 : i1 to i32
      %sign3A_89 = arith.subi %sign3A_85, %sign3A_88 : i32
      %ne3A = arith.cmpi ne, %sign3A_82, %sign3A_89 : i32
      %rem3A = arith.remsi %sub3A_76, %jit3A : i32
      %ne3A_90 = arith.constant 0 : i32
      %ne3A_91 = arith.cmpi ne, %rem3A, %ne3A_90 : i32
      %and3A = arith.andi %ne3A, %ne3A_91 : i1
      %sub3A_92 = arith.constant 1 : i32
      %sub3A_93 = arith.subi %div3A, %sub3A_92 : i32
      %select_n3A = arith.select %and3A, %sub3A_93, %div3A : i32
      %mul3A_94 = arith.muli %arg1, %select_n3A : i32
      %add3A_95 = arith.addi %add3A_75, %mul3A_94 : i32
      %multiple_of3A_96 = tpu.assume_multiple %add3A_95, 16 : i32
      %jit3A_97 = arith.constant 16 : i32
      %div3A_98 = arith.divsi %select_n3A, %jit3A_97 : i32
      %sign3A_99 = arith.constant 0 : i32
      %sign3A_100 = arith.cmpi sgt, %select_n3A, %sign3A_99 : i32
      %sign3A_101 = arith.extui %sign3A_100 : i1 to i32
      %sign3A_102 = arith.constant 0 : i32
      %sign3A_103 = arith.cmpi slt, %select_n3A, %sign3A_102 : i32
      %sign3A_104 = arith.extui %sign3A_103 : i1 to i32
      %sign3A_105 = arith.subi %sign3A_101, %sign3A_104 : i32
      %sign3A_106 = arith.constant 0 : i32
      %sign3A_107 = arith.cmpi sgt, %jit3A_97, %sign3A_106 : i32
      %sign3A_108 = arith.extui %sign3A_107 : i1 to i32
      %sign3A_109 = arith.constant 0 : i32
      %sign3A_110 = arith.cmpi slt, %jit3A_97, %sign3A_109 : i32
      %sign3A_111 = arith.extui %sign3A_110 : i1 to i32
      %sign3A_112 = arith.subi %sign3A_108, %sign3A_111 : i32
      %ne3A_113 = arith.cmpi ne, %sign3A_105, %sign3A_112 : i32
      %rem3A_114 = arith.remsi %select_n3A, %jit3A_97 : i32
      %ne3A_115 = arith.constant 0 : i32
      %ne3A_116 = arith.cmpi ne, %rem3A_114, %ne3A_115 : i32
      %and3A_117 = arith.andi %ne3A_113, %ne3A_116 : i1
      %sub3A_118 = arith.constant 1 : i32
      %sub3A_119 = arith.subi %div3A_98, %sub3A_118 : i32
      %select_n3A_120 = arith.select %and3A_117, %sub3A_119, %div3A_98 : i32
      %dma_start3A = arith.constant 0 : i32
      %dma_start3A_121 = tpu.memref_slice %arg20[%dma_start3A] : memref<272xf32, #tpu.memory_space<vmem>> -> memref<256xf32, #tpu.memory_space<vmem>>
      %dma_start3A_122 = tpu.memref_slice %arg13[%multiple_of3A_74] : memref<21760xf32, #tpu.memory_space<vmem_shared>> -> memref<256xf32, #tpu.memory_space<vmem_shared>>
      %dma_start3A_123 = arith.constant 0 : i32
      %dma_start3A_124 = tpu.memref_slice %arg20[%dma_start3A_123] : memref<272xf32, #tpu.memory_space<vmem>> -> memref<256xf32, #tpu.memory_space<vmem>>
      %dma_start3A_125 = tpu.memref_slice %arg13[%multiple_of3A_74] : memref<21760xf32, #tpu.memory_space<vmem_shared>> -> memref<256xf32, #tpu.memory_space<vmem_shared>>
      tpu.enqueue_dma source(%dma_start3A_125 : memref<256xf32, #tpu.memory_space<vmem_shared>>) target(%dma_start3A_124 : memref<256xf32, #tpu.memory_space<vmem>>) target_semaphore(%arg45 : memref<!tpu.dma_semaphore, #tpu.memory_space<semaphore_mem>>)
      %dma_start3A_126 = arith.constant 0 : i32
      %dma_start3A_127 = tpu.memref_slice %arg21[%dma_start3A_126] : memref<272xf32, #tpu.memory_space<vmem>> -> memref<256xf32, #tpu.memory_space<vmem>>
      %dma_start3A_128 = tpu.memref_slice %arg14[%multiple_of3A_74] : memref<21760xf32, #tpu.memory_space<vmem_shared>> -> memref<256xf32, #tpu.memory_space<vmem_shared>>
      %dma_start3A_129 = arith.constant 0 : i32
      %dma_start3A_130 = tpu.memref_slice %arg21[%dma_start3A_129] : memref<272xf32, #tpu.memory_space<vmem>> -> memref<256xf32, #tpu.memory_space<vmem>>
      %dma_start3A_131 = tpu.memref_slice %arg14[%multiple_of3A_74] : memref<21760xf32, #tpu.memory_space<vmem_shared>> -> memref<256xf32, #tpu.memory_space<vmem_shared>>
      tpu.enqueue_dma source(%dma_start3A_131 : memref<256xf32, #tpu.memory_space<vmem_shared>>) target(%dma_start3A_130 : memref<256xf32, #tpu.memory_space<vmem>>) target_semaphore(%arg45 : memref<!tpu.dma_semaphore, #tpu.memory_space<semaphore_mem>>)
      %dma_start3A_132 = arith.constant 0 : i32
      %dma_start3A_133 = tpu.memref_slice %arg22[%dma_start3A_132] : memref<272xf32, #tpu.memory_space<vmem>> -> memref<256xf32, #tpu.memory_space<vmem>>
      %dma_start3A_134 = tpu.memref_slice %arg15[%multiple_of3A_74] : memref<21760xf32, #tpu.memory_space<vmem_shared>> -> memref<256xf32, #tpu.memory_space<vmem_shared>>
      %dma_start3A_135 = arith.constant 0 : i32
      %dma_start3A_136 = tpu.memref_slice %arg22[%dma_start3A_135] : memref<272xf32, #tpu.memory_space<vmem>> -> memref<256xf32, #tpu.memory_space<vmem>>
      %dma_start3A_137 = tpu.memref_slice %arg15[%multiple_of3A_74] : memref<21760xf32, #tpu.memory_space<vmem_shared>> -> memref<256xf32, #tpu.memory_space<vmem_shared>>
      tpu.enqueue_dma source(%dma_start3A_137 : memref<256xf32, #tpu.memory_space<vmem_shared>>) target(%dma_start3A_136 : memref<256xf32, #tpu.memory_space<vmem>>) target_semaphore(%arg45 : memref<!tpu.dma_semaphore, #tpu.memory_space<semaphore_mem>>)
      %dma_start3A_138 = arith.constant 0 : i32
      %dma_start3A_139 = tpu.memref_slice %arg23[%dma_start3A_138] : memref<272xf32, #tpu.memory_space<vmem>> -> memref<256xf32, #tpu.memory_space<vmem>>
      %dma_start3A_140 = tpu.memref_slice %arg16[%multiple_of3A_74] : memref<21760xf32, #tpu.memory_space<vmem_shared>> -> memref<256xf32, #tpu.memory_space<vmem_shared>>
      %dma_start3A_141 = arith.constant 0 : i32
      %dma_start3A_142 = tpu.memref_slice %arg23[%dma_start3A_141] : memref<272xf32, #tpu.memory_space<vmem>> -> memref<256xf32, #tpu.memory_space<vmem>>
      %dma_start3A_143 = tpu.memref_slice %arg16[%multiple_of3A_74] : memref<21760xf32, #tpu.memory_space<vmem_shared>> -> memref<256xf32, #tpu.memory_space<vmem_shared>>
      tpu.enqueue_dma source(%dma_start3A_143 : memref<256xf32, #tpu.memory_space<vmem_shared>>) target(%dma_start3A_142 : memref<256xf32, #tpu.memory_space<vmem>>) target_semaphore(%arg45 : memref<!tpu.dma_semaphore, #tpu.memory_space<semaphore_mem>>)
      %dma_start3A_144 = arith.constant 0 : i32
      %dma_start3A_145 = tpu.memref_slice %arg24[%dma_start3A_144] : memref<272xf32, #tpu.memory_space<vmem>> -> memref<256xf32, #tpu.memory_space<vmem>>
      %dma_start3A_146 = tpu.memref_slice %arg17[%multiple_of3A_74] : memref<21760xf32, #tpu.memory_space<vmem_shared>> -> memref<256xf32, #tpu.memory_space<vmem_shared>>
      %dma_start3A_147 = arith.constant 0 : i32
      %dma_start3A_148 = tpu.memref_slice %arg24[%dma_start3A_147] : memref<272xf32, #tpu.memory_space<vmem>> -> memref<256xf32, #tpu.memory_space<vmem>>
      %dma_start3A_149 = tpu.memref_slice %arg17[%multiple_of3A_74] : memref<21760xf32, #tpu.memory_space<vmem_shared>> -> memref<256xf32, #tpu.memory_space<vmem_shared>>
      tpu.enqueue_dma source(%dma_start3A_149 : memref<256xf32, #tpu.memory_space<vmem_shared>>) target(%dma_start3A_148 : memref<256xf32, #tpu.memory_space<vmem>>) target_semaphore(%arg45 : memref<!tpu.dma_semaphore, #tpu.memory_space<semaphore_mem>>)
      %dma_start3A_150 = arith.constant 0 : i32
      %dma_start3A_151 = tpu.memref_slice %arg25[%dma_start3A_150] : memref<272xf32, #tpu.memory_space<vmem>> -> memref<256xf32, #tpu.memory_space<vmem>>
      %dma_start3A_152 = tpu.memref_slice %arg18[%multiple_of3A_74] : memref<21760xf32, #tpu.memory_space<vmem_shared>> -> memref<256xf32, #tpu.memory_space<vmem_shared>>
      %dma_start3A_153 = arith.constant 0 : i32
      %dma_start3A_154 = tpu.memref_slice %arg25[%dma_start3A_153] : memref<272xf32, #tpu.memory_space<vmem>> -> memref<256xf32, #tpu.memory_space<vmem>>
      %dma_start3A_155 = tpu.memref_slice %arg18[%multiple_of3A_74] : memref<21760xf32, #tpu.memory_space<vmem_shared>> -> memref<256xf32, #tpu.memory_space<vmem_shared>>
      tpu.enqueue_dma source(%dma_start3A_155 : memref<256xf32, #tpu.memory_space<vmem_shared>>) target(%dma_start3A_154 : memref<256xf32, #tpu.memory_space<vmem>>) target_semaphore(%arg45 : memref<!tpu.dma_semaphore, #tpu.memory_space<semaphore_mem>>)
      %dma_start3A_156 = arith.constant 0 : i32
      %dma_start3A_157 = tpu.memref_slice %arg26[%dma_start3A_156] : memref<1280xf32, #tpu.memory_space<vmem>> -> memref<1264xf32, #tpu.memory_space<vmem>>
      %dma_start3A_158 = tpu.memref_slice %arg13[%multiple_of3A_96] : memref<21760xf32, #tpu.memory_space<vmem_shared>> -> memref<1264xf32, #tpu.memory_space<vmem_shared>>
      %dma_start3A_159 = arith.constant 0 : i32
      %dma_start3A_160 = tpu.memref_slice %arg26[%dma_start3A_159] : memref<1280xf32, #tpu.memory_space<vmem>> -> memref<1264xf32, #tpu.memory_space<vmem>>
      %dma_start3A_161 = tpu.memref_slice %arg13[%multiple_of3A_96] : memref<21760xf32, #tpu.memory_space<vmem_shared>> -> memref<1264xf32, #tpu.memory_space<vmem_shared>>
      tpu.enqueue_dma source(%dma_start3A_161 : memref<1264xf32, #tpu.memory_space<vmem_shared>>) target(%dma_start3A_160 : memref<1264xf32, #tpu.memory_space<vmem>>) target_semaphore(%arg46 : memref<!tpu.dma_semaphore, #tpu.memory_space<semaphore_mem>>)
      %dma_start3A_162 = arith.constant 0 : i32
      %dma_start3A_163 = tpu.memref_slice %arg27[%dma_start3A_162] : memref<1280xf32, #tpu.memory_space<vmem>> -> memref<1264xf32, #tpu.memory_space<vmem>>
      %dma_start3A_164 = tpu.memref_slice %arg14[%multiple_of3A_96] : memref<21760xf32, #tpu.memory_space<vmem_shared>> -> memref<1264xf32, #tpu.memory_space<vmem_shared>>
      %dma_start3A_165 = arith.constant 0 : i32
      %dma_start3A_166 = tpu.memref_slice %arg27[%dma_start3A_165] : memref<1280xf32, #tpu.memory_space<vmem>> -> memref<1264xf32, #tpu.memory_space<vmem>>
      %dma_start3A_167 = tpu.memref_slice %arg14[%multiple_of3A_96] : memref<21760xf32, #tpu.memory_space<vmem_shared>> -> memref<1264xf32, #tpu.memory_space<vmem_shared>>
      tpu.enqueue_dma source(%dma_start3A_167 : memref<1264xf32, #tpu.memory_space<vmem_shared>>) target(%dma_start3A_166 : memref<1264xf32, #tpu.memory_space<vmem>>) target_semaphore(%arg46 : memref<!tpu.dma_semaphore, #tpu.memory_space<semaphore_mem>>)
      %dma_start3A_168 = arith.constant 0 : i32
      %dma_start3A_169 = tpu.memref_slice %arg28[%dma_start3A_168] : memref<1280xf32, #tpu.memory_space<vmem>> -> memref<1264xf32, #tpu.memory_space<vmem>>
      %dma_start3A_170 = tpu.memref_slice %arg15[%multiple_of3A_96] : memref<21760xf32, #tpu.memory_space<vmem_shared>> -> memref<1264xf32, #tpu.memory_space<vmem_shared>>
      %dma_start3A_171 = arith.constant 0 : i32
      %dma_start3A_172 = tpu.memref_slice %arg28[%dma_start3A_171] : memref<1280xf32, #tpu.memory_space<vmem>> -> memref<1264xf32, #tpu.memory_space<vmem>>
      %dma_start3A_173 = tpu.memref_slice %arg15[%multiple_of3A_96] : memref<21760xf32, #tpu.memory_space<vmem_shared>> -> memref<1264xf32, #tpu.memory_space<vmem_shared>>
      tpu.enqueue_dma source(%dma_start3A_173 : memref<1264xf32, #tpu.memory_space<vmem_shared>>) target(%dma_start3A_172 : memref<1264xf32, #tpu.memory_space<vmem>>) target_semaphore(%arg46 : memref<!tpu.dma_semaphore, #tpu.memory_space<semaphore_mem>>)
      %dma_start3A_174 = arith.constant 0 : i32
      %dma_start3A_175 = tpu.memref_slice %arg29[%dma_start3A_174] : memref<1280xf32, #tpu.memory_space<vmem>> -> memref<1264xf32, #tpu.memory_space<vmem>>
      %dma_start3A_176 = tpu.memref_slice %arg16[%multiple_of3A_96] : memref<21760xf32, #tpu.memory_space<vmem_shared>> -> memref<1264xf32, #tpu.memory_space<vmem_shared>>
      %dma_start3A_177 = arith.constant 0 : i32
      %dma_start3A_178 = tpu.memref_slice %arg29[%dma_start3A_177] : memref<1280xf32, #tpu.memory_space<vmem>> -> memref<1264xf32, #tpu.memory_space<vmem>>
      %dma_start3A_179 = tpu.memref_slice %arg16[%multiple_of3A_96] : memref<21760xf32, #tpu.memory_space<vmem_shared>> -> memref<1264xf32, #tpu.memory_space<vmem_shared>>
      tpu.enqueue_dma source(%dma_start3A_179 : memref<1264xf32, #tpu.memory_space<vmem_shared>>) target(%dma_start3A_178 : memref<1264xf32, #tpu.memory_space<vmem>>) target_semaphore(%arg46 : memref<!tpu.dma_semaphore, #tpu.memory_space<semaphore_mem>>)
      %dma_start3A_180 = arith.constant 0 : i32
      %dma_start3A_181 = tpu.memref_slice %arg30[%dma_start3A_180] : memref<1280xf32, #tpu.memory_space<vmem>> -> memref<1264xf32, #tpu.memory_space<vmem>>
      %dma_start3A_182 = tpu.memref_slice %arg17[%multiple_of3A_96] : memref<21760xf32, #tpu.memory_space<vmem_shared>> -> memref<1264xf32, #tpu.memory_space<vmem_shared>>
      %dma_start3A_183 = arith.constant 0 : i32
      %dma_start3A_184 = tpu.memref_slice %arg30[%dma_start3A_183] : memref<1280xf32, #tpu.memory_space<vmem>> -> memref<1264xf32, #tpu.memory_space<vmem>>
      %dma_start3A_185 = tpu.memref_slice %arg17[%multiple_of3A_96] : memref<21760xf32, #tpu.memory_space<vmem_shared>> -> memref<1264xf32, #tpu.memory_space<vmem_shared>>
      tpu.enqueue_dma source(%dma_start3A_185 : memref<1264xf32, #tpu.memory_space<vmem_shared>>) target(%dma_start3A_184 : memref<1264xf32, #tpu.memory_space<vmem>>) target_semaphore(%arg46 : memref<!tpu.dma_semaphore, #tpu.memory_space<semaphore_mem>>)
      %dma_start3A_186 = arith.constant 0 : i32
      %dma_start3A_187 = tpu.memref_slice %arg31[%dma_start3A_186] : memref<1280xf32, #tpu.memory_space<vmem>> -> memref<1264xf32, #tpu.memory_space<vmem>>
      %dma_start3A_188 = tpu.memref_slice %arg18[%multiple_of3A_96] : memref<21760xf32, #tpu.memory_space<vmem_shared>> -> memref<1264xf32, #tpu.memory_space<vmem_shared>>
      %dma_start3A_189 = arith.constant 0 : i32
      %dma_start3A_190 = tpu.memref_slice %arg31[%dma_start3A_189] : memref<1280xf32, #tpu.memory_space<vmem>> -> memref<1264xf32, #tpu.memory_space<vmem>>
      %dma_start3A_191 = tpu.memref_slice %arg18[%multiple_of3A_96] : memref<21760xf32, #tpu.memory_space<vmem_shared>> -> memref<1264xf32, #tpu.memory_space<vmem_shared>>
      tpu.enqueue_dma source(%dma_start3A_191 : memref<1264xf32, #tpu.memory_space<vmem_shared>>) target(%dma_start3A_190 : memref<1264xf32, #tpu.memory_space<vmem>>) target_semaphore(%arg46 : memref<!tpu.dma_semaphore, #tpu.memory_space<semaphore_mem>>)
      %dma_wait3A = arith.constant 0 : i32
      %dma_wait3A_192 = tpu.memref_slice %arg20[%dma_wait3A] : memref<272xf32, #tpu.memory_space<vmem>> -> memref<256xf32, #tpu.memory_space<vmem>>
      %dma_wait3A_193 = tpu.memref_slice %arg13[%multiple_of3A_74] : memref<21760xf32, #tpu.memory_space<vmem_shared>> -> memref<256xf32, #tpu.memory_space<vmem_shared>>
      %dma_wait3A_194 = arith.constant 0 : i32
      %dma_wait3A_195 = tpu.memref_slice %arg20[%dma_wait3A_194] : memref<272xf32, #tpu.memory_space<vmem>> -> memref<256xf32, #tpu.memory_space<vmem>>
      %dma_wait3A_196 = tpu.memref_slice %arg13[%multiple_of3A_74] : memref<21760xf32, #tpu.memory_space<vmem_shared>> -> memref<256xf32, #tpu.memory_space<vmem_shared>>
      tpu.wait_dma2 semaphore(%arg45 : memref<!tpu.dma_semaphore, #tpu.memory_space<semaphore_mem>>) src(%dma_wait3A_196 : memref<256xf32, #tpu.memory_space<vmem_shared>>) dst(%dma_wait3A_195 : memref<256xf32, #tpu.memory_space<vmem>>)
      %dma_wait3A_197 = arith.constant 0 : i32
      %dma_wait3A_198 = tpu.memref_slice %arg21[%dma_wait3A_197] : memref<272xf32, #tpu.memory_space<vmem>> -> memref<256xf32, #tpu.memory_space<vmem>>
      %dma_wait3A_199 = tpu.memref_slice %arg14[%multiple_of3A_74] : memref<21760xf32, #tpu.memory_space<vmem_shared>> -> memref<256xf32, #tpu.memory_space<vmem_shared>>
      %dma_wait3A_200 = arith.constant 0 : i32
      %dma_wait3A_201 = tpu.memref_slice %arg21[%dma_wait3A_200] : memref<272xf32, #tpu.memory_space<vmem>> -> memref<256xf32, #tpu.memory_space<vmem>>
      %dma_wait3A_202 = tpu.memref_slice %arg14[%multiple_of3A_74] : memref<21760xf32, #tpu.memory_space<vmem_shared>> -> memref<256xf32, #tpu.memory_space<vmem_shared>>
      tpu.wait_dma2 semaphore(%arg45 : memref<!tpu.dma_semaphore, #tpu.memory_space<semaphore_mem>>) src(%dma_wait3A_202 : memref<256xf32, #tpu.memory_space<vmem_shared>>) dst(%dma_wait3A_201 : memref<256xf32, #tpu.memory_space<vmem>>)
      %dma_wait3A_203 = arith.constant 0 : i32
      %dma_wait3A_204 = tpu.memref_slice %arg22[%dma_wait3A_203] : memref<272xf32, #tpu.memory_space<vmem>> -> memref<256xf32, #tpu.memory_space<vmem>>
      %dma_wait3A_205 = tpu.memref_slice %arg15[%multiple_of3A_74] : memref<21760xf32, #tpu.memory_space<vmem_shared>> -> memref<256xf32, #tpu.memory_space<vmem_shared>>
      %dma_wait3A_206 = arith.constant 0 : i32
      %dma_wait3A_207 = tpu.memref_slice %arg22[%dma_wait3A_206] : memref<272xf32, #tpu.memory_space<vmem>> -> memref<256xf32, #tpu.memory_space<vmem>>
      %dma_wait3A_208 = tpu.memref_slice %arg15[%multiple_of3A_74] : memref<21760xf32, #tpu.memory_space<vmem_shared>> -> memref<256xf32, #tpu.memory_space<vmem_shared>>
      tpu.wait_dma2 semaphore(%arg45 : memref<!tpu.dma_semaphore, #tpu.memory_space<semaphore_mem>>) src(%dma_wait3A_208 : memref<256xf32, #tpu.memory_space<vmem_shared>>) dst(%dma_wait3A_207 : memref<256xf32, #tpu.memory_space<vmem>>)
      %dma_wait3A_209 = arith.constant 0 : i32
      %dma_wait3A_210 = tpu.memref_slice %arg23[%dma_wait3A_209] : memref<272xf32, #tpu.memory_space<vmem>> -> memref<256xf32, #tpu.memory_space<vmem>>
      %dma_wait3A_211 = tpu.memref_slice %arg16[%multiple_of3A_74] : memref<21760xf32, #tpu.memory_space<vmem_shared>> -> memref<256xf32, #tpu.memory_space<vmem_shared>>
      %dma_wait3A_212 = arith.constant 0 : i32
      %dma_wait3A_213 = tpu.memref_slice %arg23[%dma_wait3A_212] : memref<272xf32, #tpu.memory_space<vmem>> -> memref<256xf32, #tpu.memory_space<vmem>>
      %dma_wait3A_214 = tpu.memref_slice %arg16[%multiple_of3A_74] : memref<21760xf32, #tpu.memory_space<vmem_shared>> -> memref<256xf32, #tpu.memory_space<vmem_shared>>
      tpu.wait_dma2 semaphore(%arg45 : memref<!tpu.dma_semaphore, #tpu.memory_space<semaphore_mem>>) src(%dma_wait3A_214 : memref<256xf32, #tpu.memory_space<vmem_shared>>) dst(%dma_wait3A_213 : memref<256xf32, #tpu.memory_space<vmem>>)
      %dma_wait3A_215 = arith.constant 0 : i32
      %dma_wait3A_216 = tpu.memref_slice %arg24[%dma_wait3A_215] : memref<272xf32, #tpu.memory_space<vmem>> -> memref<256xf32, #tpu.memory_space<vmem>>
      %dma_wait3A_217 = tpu.memref_slice %arg17[%multiple_of3A_74] : memref<21760xf32, #tpu.memory_space<vmem_shared>> -> memref<256xf32, #tpu.memory_space<vmem_shared>>
      %dma_wait3A_218 = arith.constant 0 : i32
      %dma_wait3A_219 = tpu.memref_slice %arg24[%dma_wait3A_218] : memref<272xf32, #tpu.memory_space<vmem>> -> memref<256xf32, #tpu.memory_space<vmem>>
      %dma_wait3A_220 = tpu.memref_slice %arg17[%multiple_of3A_74] : memref<21760xf32, #tpu.memory_space<vmem_shared>> -> memref<256xf32, #tpu.memory_space<vmem_shared>>
      tpu.wait_dma2 semaphore(%arg45 : memref<!tpu.dma_semaphore, #tpu.memory_space<semaphore_mem>>) src(%dma_wait3A_220 : memref<256xf32, #tpu.memory_space<vmem_shared>>) dst(%dma_wait3A_219 : memref<256xf32, #tpu.memory_space<vmem>>)
      %dma_wait3A_221 = arith.constant 0 : i32
      %dma_wait3A_222 = tpu.memref_slice %arg25[%dma_wait3A_221] : memref<272xf32, #tpu.memory_space<vmem>> -> memref<256xf32, #tpu.memory_space<vmem>>
      %dma_wait3A_223 = tpu.memref_slice %arg18[%multiple_of3A_74] : memref<21760xf32, #tpu.memory_space<vmem_shared>> -> memref<256xf32, #tpu.memory_space<vmem_shared>>
      %dma_wait3A_224 = arith.constant 0 : i32
      %dma_wait3A_225 = tpu.memref_slice %arg25[%dma_wait3A_224] : memref<272xf32, #tpu.memory_space<vmem>> -> memref<256xf32, #tpu.memory_space<vmem>>
      %dma_wait3A_226 = tpu.memref_slice %arg18[%multiple_of3A_74] : memref<21760xf32, #tpu.memory_space<vmem_shared>> -> memref<256xf32, #tpu.memory_space<vmem_shared>>
      tpu.wait_dma2 semaphore(%arg45 : memref<!tpu.dma_semaphore, #tpu.memory_space<semaphore_mem>>) src(%dma_wait3A_226 : memref<256xf32, #tpu.memory_space<vmem_shared>>) dst(%dma_wait3A_225 : memref<256xf32, #tpu.memory_space<vmem>>)
      %iota3A = tpu.iota {dimensions = array<i32: 0>} : vector<16xi32>
      %scan3A_227 = arith.constant 0 : i32
      %scan3A_228 = arith.constant 0 : i32
      %scan3A_229 = arith.constant 256 : i32
      %scan3A_230 = arith.addi %scan3A_228, %scan3A_229 : i32
      %scan3A_231 = arith.constant 1 : i32
      %scan3A_232 = scf.for %scan3A_426 = %scan3A_228 to %scan3A_230 step %scan3A_231 iter_args(%scan3A_427 = %scan3A_227) -> (i32)  : i32 {
        %get3A = arith.index_cast %scan3A_426 : i32 to index
        %get3A_428 = tpu.vector_load %arg25[%get3A] {strides = array<i32>} : memref<272xf32, #tpu.memory_space<vmem>>, vector<16xf32>,
        %get3A_429 = vector.shape_cast %get3A_428 : vector<16xf32> to vector<16xf32>
        %slice3A = vector.extract_strided_slice %get3A_429 {offsets = [0], sizes = [1], strides = [1]} : vector<16xf32> to vector<1xf32>
        %squeeze3A = vector.extract %slice3A[0] : f32 from vector<1xf32>
        %gt3A = arith.constant 0.000000e+00 : f32
        %gt3A_430 = arith.cmpf ogt, %squeeze3A, %gt3A : f32
        %convert_element_type3A_431 = arith.extui %gt3A_430 : i1 to i32
        %cond3A_432 = arith.constant 0 : i32
        %cond3A_433 = arith.cmpi ne, %convert_element_type3A_431, %cond3A_432 : i32
        %cond3A_434 = scf.if %cond3A_433 -> (i32) {
          %get3A_435 = arith.index_cast %scan3A_426 : i32 to index
          %get3A_436 = tpu.vector_load %arg20[%get3A_435] {strides = array<i32>} : memref<272xf32, #tpu.memory_space<vmem>>, vector<16xf32>,
          %get3A_437 = vector.shape_cast %get3A_436 : vector<16xf32> to vector<16xf32>
          %slice3A_438 = vector.extract_strided_slice %get3A_437 {offsets = [0], sizes = [1], strides = [1]} : vector<16xf32> to vector<1xf32>
          %squeeze3A_439 = vector.extract %slice3A_438[0] : f32 from vector<1xf32>
          %get3A_440 = arith.index_cast %scan3A_426 : i32 to index
          %get3A_441 = tpu.vector_load %arg21[%get3A_440] {strides = array<i32>} : memref<272xf32, #tpu.memory_space<vmem>>, vector<16xf32>,
          %get3A_442 = vector.shape_cast %get3A_441 : vector<16xf32> to vector<16xf32>
          %slice3A_443 = vector.extract_strided_slice %get3A_442 {offsets = [0], sizes = [1], strides = [1]} : vector<16xf32> to vector<1xf32>
          %squeeze3A_444 = vector.extract %slice3A_443[0] : f32 from vector<1xf32>
          %get3A_445 = arith.index_cast %scan3A_426 : i32 to index
          %get3A_446 = tpu.vector_load %arg22[%get3A_445] {strides = array<i32>} : memref<272xf32, #tpu.memory_space<vmem>>, vector<16xf32>,
          %get3A_447 = vector.shape_cast %get3A_446 : vector<16xf32> to vector<16xf32>
          %slice3A_448 = vector.extract_strided_slice %get3A_447 {offsets = [0], sizes = [1], strides = [1]} : vector<16xf32> to vector<1xf32>
          %squeeze3A_449 = vector.extract %slice3A_448[0] : f32 from vector<1xf32>
          %get3A_450 = arith.index_cast %scan3A_426 : i32 to index
          %get3A_451 = tpu.vector_load %arg23[%get3A_450] {strides = array<i32>} : memref<272xf32, #tpu.memory_space<vmem>>, vector<16xf32>,
          %get3A_452 = vector.shape_cast %get3A_451 : vector<16xf32> to vector<16xf32>
          %slice3A_453 = vector.extract_strided_slice %get3A_452 {offsets = [0], sizes = [1], strides = [1]} : vector<16xf32> to vector<1xf32>
          %squeeze3A_454 = vector.extract %slice3A_453[0] : f32 from vector<1xf32>
          %get3A_455 = arith.index_cast %scan3A_426 : i32 to index
          %get3A_456 = tpu.vector_load %arg24[%get3A_455] {strides = array<i32>} : memref<272xf32, #tpu.memory_space<vmem>>, vector<16xf32>,
          %get3A_457 = vector.shape_cast %get3A_456 : vector<16xf32> to vector<16xf32>
          %slice3A_458 = vector.extract_strided_slice %get3A_457 {offsets = [0], sizes = [1], strides = [1]} : vector<16xf32> to vector<1xf32>
          %squeeze3A_459 = vector.extract %slice3A_458[0] : f32 from vector<1xf32>
          %swap3A = arith.index_cast %scan3A_427 : i32 to index
          %swap3A_460 = memref.load %arg40[%swap3A] : memref<264xf32, #tpu.memory_space<smem>>
          memref.store %squeeze3A_439, %arg40[%swap3A] : memref<264xf32, #tpu.memory_space<smem>>
          %swap3A_461 = arith.index_cast %scan3A_427 : i32 to index
          %swap3A_462 = memref.load %arg41[%swap3A_461] : memref<264xf32, #tpu.memory_space<smem>>
          memref.store %squeeze3A_444, %arg41[%swap3A_461] : memref<264xf32, #tpu.memory_space<smem>>
          %swap3A_463 = arith.index_cast %scan3A_427 : i32 to index
          %swap3A_464 = memref.load %arg42[%swap3A_463] : memref<264xf32, #tpu.memory_space<smem>>
          memref.store %squeeze3A_449, %arg42[%swap3A_463] : memref<264xf32, #tpu.memory_space<smem>>
          %swap3A_465 = arith.index_cast %scan3A_427 : i32 to index
          %swap3A_466 = memref.load %arg43[%swap3A_465] : memref<264xf32, #tpu.memory_space<smem>>
          memref.store %squeeze3A_454, %arg43[%swap3A_465] : memref<264xf32, #tpu.memory_space<smem>>
          %swap3A_467 = arith.index_cast %scan3A_427 : i32 to index
          %swap3A_468 = memref.load %arg44[%swap3A_467] : memref<264xf32, #tpu.memory_space<smem>>
          memref.store %squeeze3A_459, %arg44[%swap3A_467] : memref<264xf32, #tpu.memory_space<smem>>
          %jit3A_469 = arith.constant 16 : i32
          %div3A_470 = arith.divsi %scan3A_426, %jit3A_469 : i32
          %sign3A_471 = arith.constant 0 : i32
          %sign3A_472 = arith.cmpi sgt, %scan3A_426, %sign3A_471 : i32
          %sign3A_473 = arith.extui %sign3A_472 : i1 to i32
          %sign3A_474 = arith.constant 0 : i32
          %sign3A_475 = arith.cmpi slt, %scan3A_426, %sign3A_474 : i32
          %sign3A_476 = arith.extui %sign3A_475 : i1 to i32
          %sign3A_477 = arith.subi %sign3A_473, %sign3A_476 : i32
          %sign3A_478 = arith.constant 0 : i32
          %sign3A_479 = arith.cmpi sgt, %jit3A_469, %sign3A_478 : i32
          %sign3A_480 = arith.extui %sign3A_479 : i1 to i32
          %sign3A_481 = arith.constant 0 : i32
          %sign3A_482 = arith.cmpi slt, %jit3A_469, %sign3A_481 : i32
          %sign3A_483 = arith.extui %sign3A_482 : i1 to i32
          %sign3A_484 = arith.subi %sign3A_480, %sign3A_483 : i32
          %ne3A_485 = arith.cmpi ne, %sign3A_477, %sign3A_484 : i32
          %rem3A_486 = arith.remsi %scan3A_426, %jit3A_469 : i32
          %ne3A_487 = arith.constant 0 : i32
          %ne3A_488 = arith.cmpi ne, %rem3A_486, %ne3A_487 : i32
          %and3A_489 = arith.andi %ne3A_485, %ne3A_488 : i1
          %sub3A_490 = arith.constant 1 : i32
          %sub3A_491 = arith.subi %div3A_470, %sub3A_490 : i32
          %select_n3A_492 = arith.select %and3A_489, %sub3A_491, %div3A_470 : i32
          %while3A_493 = arith.constant 16 : i32
          %while3A_494 = arith.constant 0 : i32
          %while3A_495 = arith.subi %while3A_493, %select_n3A_492 : i32
          %while3A_496 = arith.addi %select_n3A_492, %while3A_495 : i32
          %while3A_497 = arith.constant 1 : i32
          %while3A_498 = arith.divsi %while3A_495, %while3A_497 : i32
          %while3A_499 = arith.muli %while3A_498, %while3A_497 : i32
          %while3A_500 = arith.addi %select_n3A_492, %while3A_499 : i32
          %while3A_501 = arith.constant 1 : i32
          %while3A_502 = scf.for %while3A_507 = %select_n3A_492 to %while3A_500 step %while3A_501 iter_args(%while3A_508 = %while3A_494) -> (i32)  : i32 {
            %mul3A_509 = arith.constant 16 : i32
            %mul3A_510 = arith.muli %while3A_507, %mul3A_509 : i32
            %get3A_511 = arith.index_cast %mul3A_510 : i32 to index
            %get3A_512 = tpu.vector_load %arg20[%get3A_511] {strides = array<i32>} : memref<272xf32, #tpu.memory_space<vmem>>, vector<16xf32>,
            %get3A_513 = vector.shape_cast %get3A_512 : vector<16xf32> to vector<16xf32>
            %get3A_514 = arith.index_cast %mul3A_510 : i32 to index
            %get3A_515 = tpu.vector_load %arg21[%get3A_514] {strides = array<i32>} : memref<272xf32, #tpu.memory_space<vmem>>, vector<16xf32>,
            %get3A_516 = vector.shape_cast %get3A_515 : vector<16xf32> to vector<16xf32>
            %get3A_517 = arith.index_cast %mul3A_510 : i32 to index
            %get3A_518 = tpu.vector_load %arg22[%get3A_517] {strides = array<i32>} : memref<272xf32, #tpu.memory_space<vmem>>, vector<16xf32>,
            %get3A_519 = vector.shape_cast %get3A_518 : vector<16xf32> to vector<16xf32>
            %get3A_520 = arith.index_cast %mul3A_510 : i32 to index
            %get3A_521 = tpu.vector_load %arg23[%get3A_520] {strides = array<i32>} : memref<272xf32, #tpu.memory_space<vmem>>, vector<16xf32>,
            %get3A_522 = vector.shape_cast %get3A_521 : vector<16xf32> to vector<16xf32>
            %get3A_523 = arith.index_cast %mul3A_510 : i32 to index
            %get3A_524 = tpu.vector_load %arg24[%get3A_523] {strides = array<i32>} : memref<272xf32, #tpu.memory_space<vmem>>, vector<16xf32>,
            %get3A_525 = vector.shape_cast %get3A_524 : vector<16xf32> to vector<16xf32>
            %max3A = vector.broadcast %squeeze3A_439 : f32 to vector<16xf32>
            %max3A_526 = arith.maximumf %max3A, %get3A_513 : vector<16xf32>
            %max3A_527 = vector.broadcast %squeeze3A_444 : f32 to vector<16xf32>
            %max3A_528 = arith.maximumf %max3A_527, %get3A_516 : vector<16xf32>
            %min3A = vector.broadcast %squeeze3A_449 : f32 to vector<16xf32>
            %min3A_529 = arith.minimumf %min3A, %get3A_519 : vector<16xf32>
            %min3A_530 = vector.broadcast %squeeze3A_454 : f32 to vector<16xf32>
            %min3A_531 = arith.minimumf %min3A_530, %get3A_522 : vector<16xf32>
            %sub3A_532 = arith.subf %min3A_529, %max3A_526 : vector<16xf32>
            %max3A_533 = arith.constant 0.000000e+00 : f32
            %max3A_534 = vector.broadcast %max3A_533 : f32 to vector<16xf32>
            %max3A_535 = arith.maximumf %sub3A_532, %max3A_534 : vector<16xf32>
            %sub3A_536 = arith.subf %min3A_531, %max3A_528 : vector<16xf32>
            %max3A_537 = arith.constant 0.000000e+00 : f32
            %max3A_538 = vector.broadcast %max3A_537 : f32 to vector<16xf32>
            %max3A_539 = arith.maximumf %sub3A_536, %max3A_538 : vector<16xf32>
            %mul3A_540 = arith.mulf %max3A_535, %max3A_539 : vector<16xf32>
            %add3A_541 = vector.broadcast %squeeze3A_459 : f32 to vector<16xf32>
            %add3A_542 = arith.addf %add3A_541, %get3A_525 : vector<16xf32>
            %sub3A_543 = arith.subf %add3A_542, %mul3A_540 : vector<16xf32>
            %add3A_544 = arith.constant 9.99999971E-10 : f32
            %add3A_545 = vector.broadcast %add3A_544 : f32 to vector<16xf32>
            %add3A_546 = arith.addf %sub3A_543, %add3A_545 : vector<16xf32>
            %div3A_547 = arith.divf %mul3A_540, %add3A_546 : vector<16xf32>
            %gt3A_548 = arith.constant 3.000000e-01 : f32
            %gt3A_549 = vector.broadcast %gt3A_548 : f32 to vector<16xf32>
            %gt3A_550 = arith.cmpf ogt, %div3A_547, %gt3A_549 : vector<16xf32>
            %mul3A_551 = arith.constant 16 : i32
            %mul3A_552 = arith.muli %while3A_507, %mul3A_551 : i32
            %add3A_553 = vector.broadcast %mul3A_552 : i32 to vector<16xi32>
            %add3A_554 = arith.addi %add3A_553, %iota3A : vector<16xi32>
            %gt3A_555 = vector.broadcast %scan3A_426 : i32 to vector<16xi32>
            %gt3A_556 = arith.cmpi sgt, %add3A_554, %gt3A_555 : vector<16xi32>
            %and3A_557 = arith.andi %gt3A_550, %gt3A_556 : vector<16xi1>
            %get3A_558 = arith.index_cast %mul3A_510 : i32 to index
            %get3A_559 = tpu.vector_load %arg25[%get3A_558] {strides = array<i32>} : memref<272xf32, #tpu.memory_space<vmem>>, vector<16xf32>,
            %get3A_560 = vector.shape_cast %get3A_559 : vector<16xf32> to vector<16xf32>
            %jit3A_561 = arith.constant 0.000000e+00 : f32
            %broadcast_in_dim3A = vector.broadcast %jit3A_561 : f32 to vector<16xf32>
            %select_n3A_562 = arith.select %and3A_557, %broadcast_in_dim3A, %get3A_560 : vector<16xi1>, vector<16xf32>
            %swap3A_563 = arith.index_cast %mul3A_510 : i32 to index
            %swap3A_564 = tpu.vector_load %arg25[%swap3A_563] {strides = array<i32>} : memref<272xf32, #tpu.memory_space<vmem>>, vector<16xf32>,
            %swap3A_565 = vector.shape_cast %swap3A_564 : vector<16xf32> to vector<16xf32>
            %swap3A_566 = vector.shape_cast %select_n3A_562 : vector<16xf32> to vector<16xf32>
            tpu.vector_store %arg25[%swap3A_563], %swap3A_566 {strides = array<i32>} : memref<272xf32, #tpu.memory_space<vmem>>, vector<16xf32>,
            %while3A_567 = arith.constant 0 : i32
            scf.yield %while3A_567 : i32
          }
          %while3A_503 = arith.constant 1 : i32
          %while3A_504 = scf.for %while3A_507 = %while3A_500 to %while3A_496 step %while3A_503 iter_args(%while3A_508 = %while3A_502) -> (i32)  : i32 {
            %mul3A_509 = arith.constant 16 : i32
            %mul3A_510 = arith.muli %while3A_507, %mul3A_509 : i32
            %get3A_511 = arith.index_cast %mul3A_510 : i32 to index
            %get3A_512 = tpu.vector_load %arg20[%get3A_511] {strides = array<i32>} : memref<272xf32, #tpu.memory_space<vmem>>, vector<16xf32>,
            %get3A_513 = vector.shape_cast %get3A_512 : vector<16xf32> to vector<16xf32>
            %get3A_514 = arith.index_cast %mul3A_510 : i32 to index
            %get3A_515 = tpu.vector_load %arg21[%get3A_514] {strides = array<i32>} : memref<272xf32, #tpu.memory_space<vmem>>, vector<16xf32>,
            %get3A_516 = vector.shape_cast %get3A_515 : vector<16xf32> to vector<16xf32>
            %get3A_517 = arith.index_cast %mul3A_510 : i32 to index
            %get3A_518 = tpu.vector_load %arg22[%get3A_517] {strides = array<i32>} : memref<272xf32, #tpu.memory_space<vmem>>, vector<16xf32>,
            %get3A_519 = vector.shape_cast %get3A_518 : vector<16xf32> to vector<16xf32>
            %get3A_520 = arith.index_cast %mul3A_510 : i32 to index
            %get3A_521 = tpu.vector_load %arg23[%get3A_520] {strides = array<i32>} : memref<272xf32, #tpu.memory_space<vmem>>, vector<16xf32>,
            %get3A_522 = vector.shape_cast %get3A_521 : vector<16xf32> to vector<16xf32>
            %get3A_523 = arith.index_cast %mul3A_510 : i32 to index
            %get3A_524 = tpu.vector_load %arg24[%get3A_523] {strides = array<i32>} : memref<272xf32, #tpu.memory_space<vmem>>, vector<16xf32>,
            %get3A_525 = vector.shape_cast %get3A_524 : vector<16xf32> to vector<16xf32>
            %max3A = vector.broadcast %squeeze3A_439 : f32 to vector<16xf32>
            %max3A_526 = arith.maximumf %max3A, %get3A_513 : vector<16xf32>
            %max3A_527 = vector.broadcast %squeeze3A_444 : f32 to vector<16xf32>
            %max3A_528 = arith.maximumf %max3A_527, %get3A_516 : vector<16xf32>
            %min3A = vector.broadcast %squeeze3A_449 : f32 to vector<16xf32>
            %min3A_529 = arith.minimumf %min3A, %get3A_519 : vector<16xf32>
            %min3A_530 = vector.broadcast %squeeze3A_454 : f32 to vector<16xf32>
            %min3A_531 = arith.minimumf %min3A_530, %get3A_522 : vector<16xf32>
            %sub3A_532 = arith.subf %min3A_529, %max3A_526 : vector<16xf32>
            %max3A_533 = arith.constant 0.000000e+00 : f32
            %max3A_534 = vector.broadcast %max3A_533 : f32 to vector<16xf32>
            %max3A_535 = arith.maximumf %sub3A_532, %max3A_534 : vector<16xf32>
            %sub3A_536 = arith.subf %min3A_531, %max3A_528 : vector<16xf32>
            %max3A_537 = arith.constant 0.000000e+00 : f32
            %max3A_538 = vector.broadcast %max3A_537 : f32 to vector<16xf32>
            %max3A_539 = arith.maximumf %sub3A_536, %max3A_538 : vector<16xf32>
            %mul3A_540 = arith.mulf %max3A_535, %max3A_539 : vector<16xf32>
            %add3A_541 = vector.broadcast %squeeze3A_459 : f32 to vector<16xf32>
            %add3A_542 = arith.addf %add3A_541, %get3A_525 : vector<16xf32>
            %sub3A_543 = arith.subf %add3A_542, %mul3A_540 : vector<16xf32>
            %add3A_544 = arith.constant 9.99999971E-10 : f32
            %add3A_545 = vector.broadcast %add3A_544 : f32 to vector<16xf32>
            %add3A_546 = arith.addf %sub3A_543, %add3A_545 : vector<16xf32>
            %div3A_547 = arith.divf %mul3A_540, %add3A_546 : vector<16xf32>
            %gt3A_548 = arith.constant 3.000000e-01 : f32
            %gt3A_549 = vector.broadcast %gt3A_548 : f32 to vector<16xf32>
            %gt3A_550 = arith.cmpf ogt, %div3A_547, %gt3A_549 : vector<16xf32>
            %mul3A_551 = arith.constant 16 : i32
            %mul3A_552 = arith.muli %while3A_507, %mul3A_551 : i32
            %add3A_553 = vector.broadcast %mul3A_552 : i32 to vector<16xi32>
            %add3A_554 = arith.addi %add3A_553, %iota3A : vector<16xi32>
            %gt3A_555 = vector.broadcast %scan3A_426 : i32 to vector<16xi32>
            %gt3A_556 = arith.cmpi sgt, %add3A_554, %gt3A_555 : vector<16xi32>
            %and3A_557 = arith.andi %gt3A_550, %gt3A_556 : vector<16xi1>
            %get3A_558 = arith.index_cast %mul3A_510 : i32 to index
            %get3A_559 = tpu.vector_load %arg25[%get3A_558] {strides = array<i32>} : memref<272xf32, #tpu.memory_space<vmem>>, vector<16xf32>,
            %get3A_560 = vector.shape_cast %get3A_559 : vector<16xf32> to vector<16xf32>
            %jit3A_561 = arith.constant 0.000000e+00 : f32
            %broadcast_in_dim3A = vector.broadcast %jit3A_561 : f32 to vector<16xf32>
            %select_n3A_562 = arith.select %and3A_557, %broadcast_in_dim3A, %get3A_560 : vector<16xi1>, vector<16xf32>
            %swap3A_563 = arith.index_cast %mul3A_510 : i32 to index
            %swap3A_564 = tpu.vector_load %arg25[%swap3A_563] {strides = array<i32>} : memref<272xf32, #tpu.memory_space<vmem>>, vector<16xf32>,
            %swap3A_565 = vector.shape_cast %swap3A_564 : vector<16xf32> to vector<16xf32>
            %swap3A_566 = vector.shape_cast %select_n3A_562 : vector<16xf32> to vector<16xf32>
            tpu.vector_store %arg25[%swap3A_563], %swap3A_566 {strides = array<i32>} : memref<272xf32, #tpu.memory_space<vmem>>, vector<16xf32>,
            %while3A_567 = arith.constant 0 : i32
            scf.yield %while3A_567 : i32
          }
          %add3A_505 = arith.constant 1 : i32
          %add3A_506 = arith.addi %scan3A_427, %add3A_505 : i32
          scf.yield %add3A_506 : i32
        } else {
          scf.yield %scan3A_427 : i32
        }
        scf.yield %cond3A_434 : i32
      }
      %scan3A_233 = arith.constant 256 : i32
      %rem3A_234 = arith.constant 16 : i32
      %rem3A_235 = arith.remsi %scan3A_70, %rem3A_234 : i32
      %eq3A = arith.cmpi eq, %arg1, %rem3A_235 : i32
      %convert_element_type3A = arith.extui %eq3A : i1 to i32
      %cond3A = arith.constant 0 : i32
      %cond3A_236 = arith.cmpi ne, %convert_element_type3A, %cond3A : i32
      scf.if %cond3A_236 {
        "tpu.region"() ({
          %run_scoped3A_426 = tpu.sem_alloc : memref<!tpu.dma_semaphore, #tpu.memory_space<semaphore_mem>>
          %dma_start3A_427 = arith.constant 0 : i32
          %dma_start3A_428 = tpu.memref_slice %arg25[%dma_start3A_427] : memref<272xf32, #tpu.memory_space<vmem>> -> memref<256xf32, #tpu.memory_space<vmem>>
          %dma_start3A_429 = tpu.memref_slice %arg18[%multiple_of3A_74] : memref<21760xf32, #tpu.memory_space<vmem_shared>> -> memref<256xf32, #tpu.memory_space<vmem_shared>>
          %dma_start3A_430 = tpu.memref_slice %arg18[%multiple_of3A_74] : memref<21760xf32, #tpu.memory_space<vmem_shared>> -> memref<256xf32, #tpu.memory_space<vmem_shared>>
          %dma_start3A_431 = arith.constant 0 : i32
          %dma_start3A_432 = tpu.memref_slice %arg25[%dma_start3A_431] : memref<272xf32, #tpu.memory_space<vmem>> -> memref<256xf32, #tpu.memory_space<vmem>>
          tpu.enqueue_dma source(%dma_start3A_432 : memref<256xf32, #tpu.memory_space<vmem>>) target(%dma_start3A_430 : memref<256xf32, #tpu.memory_space<vmem_shared>>) target_semaphore(%run_scoped3A_426 : memref<!tpu.dma_semaphore, #tpu.memory_space<semaphore_mem>>)
          %dma_wait3A_433 = arith.constant 0 : i32
          %dma_wait3A_434 = tpu.memref_slice %arg25[%dma_wait3A_433] : memref<272xf32, #tpu.memory_space<vmem>> -> memref<256xf32, #tpu.memory_space<vmem>>
          %dma_wait3A_435 = tpu.memref_slice %arg18[%multiple_of3A_74] : memref<21760xf32, #tpu.memory_space<vmem_shared>> -> memref<256xf32, #tpu.memory_space<vmem_shared>>
          %dma_wait3A_436 = tpu.memref_slice %arg18[%multiple_of3A_74] : memref<21760xf32, #tpu.memory_space<vmem_shared>> -> memref<256xf32, #tpu.memory_space<vmem_shared>>
          %dma_wait3A_437 = arith.constant 0 : i32
          %dma_wait3A_438 = tpu.memref_slice %arg25[%dma_wait3A_437] : memref<272xf32, #tpu.memory_space<vmem>> -> memref<256xf32, #tpu.memory_space<vmem>>
          tpu.wait_dma2 semaphore(%run_scoped3A_426 : memref<!tpu.dma_semaphore, #tpu.memory_space<semaphore_mem>>) src(%dma_wait3A_438 : memref<256xf32, #tpu.memory_space<vmem>>) dst(%dma_wait3A_436 : memref<256xf32, #tpu.memory_space<vmem_shared>>)
          tpu.yield
        }) : () -> ()
      } else {
      }
      %add3A_237 = arith.constant 7 : i32
      %add3A_238 = arith.addi %scan3A_232, %add3A_237 : i32
      %jit3A_239 = arith.constant 8 : i32
      %div3A_240 = arith.divsi %add3A_238, %jit3A_239 : i32
      %sign3A_241 = arith.constant 0 : i32
      %sign3A_242 = arith.cmpi sgt, %add3A_238, %sign3A_241 : i32
      %sign3A_243 = arith.extui %sign3A_242 : i1 to i32
      %sign3A_244 = arith.constant 0 : i32
      %sign3A_245 = arith.cmpi slt, %add3A_238, %sign3A_244 : i32
      %sign3A_246 = arith.extui %sign3A_245 : i1 to i32
      %sign3A_247 = arith.subi %sign3A_243, %sign3A_246 : i32
      %sign3A_248 = arith.constant 0 : i32
      %sign3A_249 = arith.cmpi sgt, %jit3A_239, %sign3A_248 : i32
      %sign3A_250 = arith.extui %sign3A_249 : i1 to i32
      %sign3A_251 = arith.constant 0 : i32
      %sign3A_252 = arith.cmpi slt, %jit3A_239, %sign3A_251 : i32
      %sign3A_253 = arith.extui %sign3A_252 : i1 to i32
      %sign3A_254 = arith.subi %sign3A_250, %sign3A_253 : i32
      %ne3A_255 = arith.cmpi ne, %sign3A_247, %sign3A_254 : i32
      %rem3A_256 = arith.remsi %add3A_238, %jit3A_239 : i32
      %ne3A_257 = arith.constant 0 : i32
      %ne3A_258 = arith.cmpi ne, %rem3A_256, %ne3A_257 : i32
      %and3A_259 = arith.andi %ne3A_255, %ne3A_258 : i1
      %sub3A_260 = arith.constant 1 : i32
      %sub3A_261 = arith.subi %div3A_240, %sub3A_260 : i32
      %select_n3A_262 = arith.select %and3A_259, %sub3A_261, %div3A_240 : i32
      %mul3A_263 = arith.constant 8 : i32
      %mul3A_264 = arith.muli %select_n3A_262, %mul3A_263 : i32
      %while3A = arith.constant 0 : i32
      %while3A_265 = arith.subi %mul3A_264, %scan3A_232 : i32
      %while3A_266 = arith.addi %scan3A_232, %while3A_265 : i32
      %while3A_267 = arith.constant 1 : i32
      %while3A_268 = arith.divsi %while3A_265, %while3A_267 : i32
      %while3A_269 = arith.muli %while3A_268, %while3A_267 : i32
      %while3A_270 = arith.addi %scan3A_232, %while3A_269 : i32
      %while3A_271 = arith.constant 1 : i32
      %while3A_272 = scf.for %while3A_426 = %scan3A_232 to %while3A_270 step %while3A_271 iter_args(%while3A_427 = %while3A) -> (i32)  : i32 {
        %swap3A = arith.constant 0.000000e+00 : f32
        %swap3A_428 = arith.index_cast %while3A_426 : i32 to index
        %swap3A_429 = memref.load %arg40[%swap3A_428] : memref<264xf32, #tpu.memory_space<smem>>
        memref.store %swap3A, %arg40[%swap3A_428] : memref<264xf32, #tpu.memory_space<smem>>
        %swap3A_430 = arith.constant 0.000000e+00 : f32
        %swap3A_431 = arith.index_cast %while3A_426 : i32 to index
        %swap3A_432 = memref.load %arg41[%swap3A_431] : memref<264xf32, #tpu.memory_space<smem>>
        memref.store %swap3A_430, %arg41[%swap3A_431] : memref<264xf32, #tpu.memory_space<smem>>
        %swap3A_433 = arith.constant 0.000000e+00 : f32
        %swap3A_434 = arith.index_cast %while3A_426 : i32 to index
        %swap3A_435 = memref.load %arg42[%swap3A_434] : memref<264xf32, #tpu.memory_space<smem>>
        memref.store %swap3A_433, %arg42[%swap3A_434] : memref<264xf32, #tpu.memory_space<smem>>
        %swap3A_436 = arith.constant 0.000000e+00 : f32
        %swap3A_437 = arith.index_cast %while3A_426 : i32 to index
        %swap3A_438 = memref.load %arg43[%swap3A_437] : memref<264xf32, #tpu.memory_space<smem>>
        memref.store %swap3A_436, %arg43[%swap3A_437] : memref<264xf32, #tpu.memory_space<smem>>
        %swap3A_439 = arith.constant 0.000000e+00 : f32
        %swap3A_440 = arith.index_cast %while3A_426 : i32 to index
        %swap3A_441 = memref.load %arg44[%swap3A_440] : memref<264xf32, #tpu.memory_space<smem>>
        memref.store %swap3A_439, %arg44[%swap3A_440] : memref<264xf32, #tpu.memory_space<smem>>
        %while3A_442 = arith.constant 0 : i32
        scf.yield %while3A_442 : i32
      }
      %while3A_273 = arith.constant 1 : i32
      %while3A_274 = scf.for %while3A_426 = %while3A_270 to %while3A_266 step %while3A_273 iter_args(%while3A_427 = %while3A_272) -> (i32)  : i32 {
        %swap3A = arith.constant 0.000000e+00 : f32
        %swap3A_428 = arith.index_cast %while3A_426 : i32 to index
        %swap3A_429 = memref.load %arg40[%swap3A_428] : memref<264xf32, #tpu.memory_space<smem>>
        memref.store %swap3A, %arg40[%swap3A_428] : memref<264xf32, #tpu.memory_space<smem>>
        %swap3A_430 = arith.constant 0.000000e+00 : f32
        %swap3A_431 = arith.index_cast %while3A_426 : i32 to index
        %swap3A_432 = memref.load %arg41[%swap3A_431] : memref<264xf32, #tpu.memory_space<smem>>
        memref.store %swap3A_430, %arg41[%swap3A_431] : memref<264xf32, #tpu.memory_space<smem>>
        %swap3A_433 = arith.constant 0.000000e+00 : f32
        %swap3A_434 = arith.index_cast %while3A_426 : i32 to index
        %swap3A_435 = memref.load %arg42[%swap3A_434] : memref<264xf32, #tpu.memory_space<smem>>
        memref.store %swap3A_433, %arg42[%swap3A_434] : memref<264xf32, #tpu.memory_space<smem>>
        %swap3A_436 = arith.constant 0.000000e+00 : f32
        %swap3A_437 = arith.index_cast %while3A_426 : i32 to index
        %swap3A_438 = memref.load %arg43[%swap3A_437] : memref<264xf32, #tpu.memory_space<smem>>
        memref.store %swap3A_436, %arg43[%swap3A_437] : memref<264xf32, #tpu.memory_space<smem>>
        %swap3A_439 = arith.constant 0.000000e+00 : f32
        %swap3A_440 = arith.index_cast %while3A_426 : i32 to index
        %swap3A_441 = memref.load %arg44[%swap3A_440] : memref<264xf32, #tpu.memory_space<smem>>
        memref.store %swap3A_439, %arg44[%swap3A_440] : memref<264xf32, #tpu.memory_space<smem>>
        %while3A_442 = arith.constant 0 : i32
        scf.yield %while3A_442 : i32
      }
      %dma_wait3A_275 = arith.constant 0 : i32
      %dma_wait3A_276 = tpu.memref_slice %arg26[%dma_wait3A_275] : memref<1280xf32, #tpu.memory_space<vmem>> -> memref<1264xf32, #tpu.memory_space<vmem>>
      %dma_wait3A_277 = tpu.memref_slice %arg13[%multiple_of3A_96] : memref<21760xf32, #tpu.memory_space<vmem_shared>> -> memref<1264xf32, #tpu.memory_space<vmem_shared>>
      %dma_wait3A_278 = arith.constant 0 : i32
      %dma_wait3A_279 = tpu.memref_slice %arg26[%dma_wait3A_278] : memref<1280xf32, #tpu.memory_space<vmem>> -> memref<1264xf32, #tpu.memory_space<vmem>>
      %dma_wait3A_280 = tpu.memref_slice %arg13[%multiple_of3A_96] : memref<21760xf32, #tpu.memory_space<vmem_shared>> -> memref<1264xf32, #tpu.memory_space<vmem_shared>>
      tpu.wait_dma2 semaphore(%arg46 : memref<!tpu.dma_semaphore, #tpu.memory_space<semaphore_mem>>) src(%dma_wait3A_280 : memref<1264xf32, #tpu.memory_space<vmem_shared>>) dst(%dma_wait3A_279 : memref<1264xf32, #tpu.memory_space<vmem>>)
      %dma_wait3A_281 = arith.constant 0 : i32
      %dma_wait3A_282 = tpu.memref_slice %arg27[%dma_wait3A_281] : memref<1280xf32, #tpu.memory_space<vmem>> -> memref<1264xf32, #tpu.memory_space<vmem>>
      %dma_wait3A_283 = tpu.memref_slice %arg14[%multiple_of3A_96] : memref<21760xf32, #tpu.memory_space<vmem_shared>> -> memref<1264xf32, #tpu.memory_space<vmem_shared>>
      %dma_wait3A_284 = arith.constant 0 : i32
      %dma_wait3A_285 = tpu.memref_slice %arg27[%dma_wait3A_284] : memref<1280xf32, #tpu.memory_space<vmem>> -> memref<1264xf32, #tpu.memory_space<vmem>>
      %dma_wait3A_286 = tpu.memref_slice %arg14[%multiple_of3A_96] : memref<21760xf32, #tpu.memory_space<vmem_shared>> -> memref<1264xf32, #tpu.memory_space<vmem_shared>>
      tpu.wait_dma2 semaphore(%arg46 : memref<!tpu.dma_semaphore, #tpu.memory_space<semaphore_mem>>) src(%dma_wait3A_286 : memref<1264xf32, #tpu.memory_space<vmem_shared>>) dst(%dma_wait3A_285 : memref<1264xf32, #tpu.memory_space<vmem>>)
      %dma_wait3A_287 = arith.constant 0 : i32
      %dma_wait3A_288 = tpu.memref_slice %arg28[%dma_wait3A_287] : memref<1280xf32, #tpu.memory_space<vmem>> -> memref<1264xf32, #tpu.memory_space<vmem>>
      %dma_wait3A_289 = tpu.memref_slice %arg15[%multiple_of3A_96] : memref<21760xf32, #tpu.memory_space<vmem_shared>> -> memref<1264xf32, #tpu.memory_space<vmem_shared>>
      %dma_wait3A_290 = arith.constant 0 : i32
      %dma_wait3A_291 = tpu.memref_slice %arg28[%dma_wait3A_290] : memref<1280xf32, #tpu.memory_space<vmem>> -> memref<1264xf32, #tpu.memory_space<vmem>>
      %dma_wait3A_292 = tpu.memref_slice %arg15[%multiple_of3A_96] : memref<21760xf32, #tpu.memory_space<vmem_shared>> -> memref<1264xf32, #tpu.memory_space<vmem_shared>>
      tpu.wait_dma2 semaphore(%arg46 : memref<!tpu.dma_semaphore, #tpu.memory_space<semaphore_mem>>) src(%dma_wait3A_292 : memref<1264xf32, #tpu.memory_space<vmem_shared>>) dst(%dma_wait3A_291 : memref<1264xf32, #tpu.memory_space<vmem>>)
      %dma_wait3A_293 = arith.constant 0 : i32
      %dma_wait3A_294 = tpu.memref_slice %arg29[%dma_wait3A_293] : memref<1280xf32, #tpu.memory_space<vmem>> -> memref<1264xf32, #tpu.memory_space<vmem>>
      %dma_wait3A_295 = tpu.memref_slice %arg16[%multiple_of3A_96] : memref<21760xf32, #tpu.memory_space<vmem_shared>> -> memref<1264xf32, #tpu.memory_space<vmem_shared>>
      %dma_wait3A_296 = arith.constant 0 : i32
      %dma_wait3A_297 = tpu.memref_slice %arg29[%dma_wait3A_296] : memref<1280xf32, #tpu.memory_space<vmem>> -> memref<1264xf32, #tpu.memory_space<vmem>>
      %dma_wait3A_298 = tpu.memref_slice %arg16[%multiple_of3A_96] : memref<21760xf32, #tpu.memory_space<vmem_shared>> -> memref<1264xf32, #tpu.memory_space<vmem_shared>>
      tpu.wait_dma2 semaphore(%arg46 : memref<!tpu.dma_semaphore, #tpu.memory_space<semaphore_mem>>) src(%dma_wait3A_298 : memref<1264xf32, #tpu.memory_space<vmem_shared>>) dst(%dma_wait3A_297 : memref<1264xf32, #tpu.memory_space<vmem>>)
      %dma_wait3A_299 = arith.constant 0 : i32
      %dma_wait3A_300 = tpu.memref_slice %arg30[%dma_wait3A_299] : memref<1280xf32, #tpu.memory_space<vmem>> -> memref<1264xf32, #tpu.memory_space<vmem>>
      %dma_wait3A_301 = tpu.memref_slice %arg17[%multiple_of3A_96] : memref<21760xf32, #tpu.memory_space<vmem_shared>> -> memref<1264xf32, #tpu.memory_space<vmem_shared>>
      %dma_wait3A_302 = arith.constant 0 : i32
      %dma_wait3A_303 = tpu.memref_slice %arg30[%dma_wait3A_302] : memref<1280xf32, #tpu.memory_space<vmem>> -> memref<1264xf32, #tpu.memory_space<vmem>>
      %dma_wait3A_304 = tpu.memref_slice %arg17[%multiple_of3A_96] : memref<21760xf32, #tpu.memory_space<vmem_shared>> -> memref<1264xf32, #tpu.memory_space<vmem_shared>>
      tpu.wait_dma2 semaphore(%arg46 : memref<!tpu.dma_semaphore, #tpu.memory_space<semaphore_mem>>) src(%dma_wait3A_304 : memref<1264xf32, #tpu.memory_space<vmem_shared>>) dst(%dma_wait3A_303 : memref<1264xf32, #tpu.memory_space<vmem>>)
      %dma_wait3A_305 = arith.constant 0 : i32
      %dma_wait3A_306 = tpu.memref_slice %arg31[%dma_wait3A_305] : memref<1280xf32, #tpu.memory_space<vmem>> -> memref<1264xf32, #tpu.memory_space<vmem>>
      %dma_wait3A_307 = tpu.memref_slice %arg18[%multiple_of3A_96] : memref<21760xf32, #tpu.memory_space<vmem_shared>> -> memref<1264xf32, #tpu.memory_space<vmem_shared>>
      %dma_wait3A_308 = arith.constant 0 : i32
      %dma_wait3A_309 = tpu.memref_slice %arg31[%dma_wait3A_308] : memref<1280xf32, #tpu.memory_space<vmem>> -> memref<1264xf32, #tpu.memory_space<vmem>>
      %dma_wait3A_310 = tpu.memref_slice %arg18[%multiple_of3A_96] : memref<21760xf32, #tpu.memory_space<vmem_shared>> -> memref<1264xf32, #tpu.memory_space<vmem_shared>>
      tpu.wait_dma2 semaphore(%arg46 : memref<!tpu.dma_semaphore, #tpu.memory_space<semaphore_mem>>) src(%dma_wait3A_310 : memref<1264xf32, #tpu.memory_space<vmem_shared>>) dst(%dma_wait3A_309 : memref<1264xf32, #tpu.memory_space<vmem>>)
      %jit3A_311 = arith.constant 8 : i32
      %div3A_312 = arith.divsi %mul3A_264, %jit3A_311 : i32
      %sign3A_313 = arith.constant 0 : i32
      %sign3A_314 = arith.cmpi sgt, %mul3A_264, %sign3A_313 : i32
      %sign3A_315 = arith.extui %sign3A_314 : i1 to i32
      %sign3A_316 = arith.constant 0 : i32
      %sign3A_317 = arith.cmpi slt, %mul3A_264, %sign3A_316 : i32
      %sign3A_318 = arith.extui %sign3A_317 : i1 to i32
      %sign3A_319 = arith.subi %sign3A_315, %sign3A_318 : i32
      %sign3A_320 = arith.constant 0 : i32
      %sign3A_321 = arith.cmpi sgt, %jit3A_311, %sign3A_320 : i32
      %sign3A_322 = arith.extui %sign3A_321 : i1 to i32
      %sign3A_323 = arith.constant 0 : i32
      %sign3A_324 = arith.cmpi slt, %jit3A_311, %sign3A_323 : i32
      %sign3A_325 = arith.extui %sign3A_324 : i1 to i32
      %sign3A_326 = arith.subi %sign3A_322, %sign3A_325 : i32
      %ne3A_327 = arith.cmpi ne, %sign3A_319, %sign3A_326 : i32
      %rem3A_328 = arith.remsi %mul3A_264, %jit3A_311 : i32
      %ne3A_329 = arith.constant 0 : i32
      %ne3A_330 = arith.cmpi ne, %rem3A_328, %ne3A_329 : i32
      %and3A_331 = arith.andi %ne3A_327, %ne3A_330 : i1
      %sub3A_332 = arith.constant 1 : i32
      %sub3A_333 = arith.subi %div3A_312, %sub3A_332 : i32
      %select_n3A_334 = arith.select %and3A_331, %sub3A_333, %div3A_312 : i32
      %while3A_335 = arith.constant 0 : i32
      %while3A_336 = arith.constant 0 : i32
      %while3A_337 = arith.subi %select_n3A_334, %while3A_335 : i32
      %while3A_338 = arith.addi %while3A_335, %while3A_337 : i32
      %while3A_339 = arith.constant 1 : i32
      %while3A_340 = arith.divsi %while3A_337, %while3A_339 : i32
      %while3A_341 = arith.muli %while3A_340, %while3A_339 : i32
      %while3A_342 = arith.addi %while3A_335, %while3A_341 : i32
      %while3A_343 = arith.constant 1 : i32
      %while3A_344 = scf.for %while3A_426 = %while3A_335 to %while3A_342 step %while3A_343 iter_args(%while3A_427 = %while3A_336) -> (i32)  : i32 {
        %mul3A_428 = arith.constant 8 : i32
        %mul3A_429 = arith.muli %mul3A_428, %while3A_426 : i32
        %add3A_430 = arith.constant 0 : i32
        %add3A_431 = arith.addi %mul3A_429, %add3A_430 : i32
        %get3A = arith.index_cast %add3A_431 : i32 to index
        %get3A_432 = memref.load %arg40[%get3A] : memref<264xf32, #tpu.memory_space<smem>>
        %get3A_433 = arith.index_cast %add3A_431 : i32 to index
        %get3A_434 = memref.load %arg41[%get3A_433] : memref<264xf32, #tpu.memory_space<smem>>
        %get3A_435 = arith.index_cast %add3A_431 : i32 to index
        %get3A_436 = memref.load %arg42[%get3A_435] : memref<264xf32, #tpu.memory_space<smem>>
        %get3A_437 = arith.index_cast %add3A_431 : i32 to index
        %get3A_438 = memref.load %arg43[%get3A_437] : memref<264xf32, #tpu.memory_space<smem>>
        %get3A_439 = arith.index_cast %add3A_431 : i32 to index
        %get3A_440 = memref.load %arg44[%get3A_439] : memref<264xf32, #tpu.memory_space<smem>>
        %mul3A_441 = arith.constant 8 : i32
        %mul3A_442 = arith.muli %mul3A_441, %while3A_426 : i32
        %add3A_443 = arith.constant 1 : i32
        %add3A_444 = arith.addi %mul3A_442, %add3A_443 : i32
        %get3A_445 = arith.index_cast %add3A_444 : i32 to index
        %get3A_446 = memref.load %arg40[%get3A_445] : memref<264xf32, #tpu.memory_space<smem>>
        %get3A_447 = arith.index_cast %add3A_444 : i32 to index
        %get3A_448 = memref.load %arg41[%get3A_447] : memref<264xf32, #tpu.memory_space<smem>>
        %get3A_449 = arith.index_cast %add3A_444 : i32 to index
        %get3A_450 = memref.load %arg42[%get3A_449] : memref<264xf32, #tpu.memory_space<smem>>
        %get3A_451 = arith.index_cast %add3A_444 : i32 to index
        %get3A_452 = memref.load %arg43[%get3A_451] : memref<264xf32, #tpu.memory_space<smem>>
        %get3A_453 = arith.index_cast %add3A_444 : i32 to index
        %get3A_454 = memref.load %arg44[%get3A_453] : memref<264xf32, #tpu.memory_space<smem>>
        %mul3A_455 = arith.constant 8 : i32
        %mul3A_456 = arith.muli %mul3A_455, %while3A_426 : i32
        %add3A_457 = arith.constant 2 : i32
        %add3A_458 = arith.addi %mul3A_456, %add3A_457 : i32
        %get3A_459 = arith.index_cast %add3A_458 : i32 to index
        %get3A_460 = memref.load %arg40[%get3A_459] : memref<264xf32, #tpu.memory_space<smem>>
        %get3A_461 = arith.index_cast %add3A_458 : i32 to index
        %get3A_462 = memref.load %arg41[%get3A_461] : memref<264xf32, #tpu.memory_space<smem>>
        %get3A_463 = arith.index_cast %add3A_458 : i32 to index
        %get3A_464 = memref.load %arg42[%get3A_463] : memref<264xf32, #tpu.memory_space<smem>>
        %get3A_465 = arith.index_cast %add3A_458 : i32 to index
        %get3A_466 = memref.load %arg43[%get3A_465] : memref<264xf32, #tpu.memory_space<smem>>
        %get3A_467 = arith.index_cast %add3A_458 : i32 to index
        %get3A_468 = memref.load %arg44[%get3A_467] : memref<264xf32, #tpu.memory_space<smem>>
        %mul3A_469 = arith.constant 8 : i32
        %mul3A_470 = arith.muli %mul3A_469, %while3A_426 : i32
        %add3A_471 = arith.constant 3 : i32
        %add3A_472 = arith.addi %mul3A_470, %add3A_471 : i32
        %get3A_473 = arith.index_cast %add3A_472 : i32 to index
        %get3A_474 = memref.load %arg40[%get3A_473] : memref<264xf32, #tpu.memory_space<smem>>
        %get3A_475 = arith.index_cast %add3A_472 : i32 to index
        %get3A_476 = memref.load %arg41[%get3A_475] : memref<264xf32, #tpu.memory_space<smem>>
        %get3A_477 = arith.index_cast %add3A_472 : i32 to index
        %get3A_478 = memref.load %arg42[%get3A_477] : memref<264xf32, #tpu.memory_space<smem>>
        %get3A_479 = arith.index_cast %add3A_472 : i32 to index
        %get3A_480 = memref.load %arg43[%get3A_479] : memref<264xf32, #tpu.memory_space<smem>>
        %get3A_481 = arith.index_cast %add3A_472 : i32 to index
        %get3A_482 = memref.load %arg44[%get3A_481] : memref<264xf32, #tpu.memory_space<smem>>
        %mul3A_483 = arith.constant 8 : i32
        %mul3A_484 = arith.muli %mul3A_483, %while3A_426 : i32
        %add3A_485 = arith.constant 4 : i32
        %add3A_486 = arith.addi %mul3A_484, %add3A_485 : i32
        %get3A_487 = arith.index_cast %add3A_486 : i32 to index
        %get3A_488 = memref.load %arg40[%get3A_487] : memref<264xf32, #tpu.memory_space<smem>>
        %get3A_489 = arith.index_cast %add3A_486 : i32 to index
        %get3A_490 = memref.load %arg41[%get3A_489] : memref<264xf32, #tpu.memory_space<smem>>
        %get3A_491 = arith.index_cast %add3A_486 : i32 to index
        %get3A_492 = memref.load %arg42[%get3A_491] : memref<264xf32, #tpu.memory_space<smem>>
        %get3A_493 = arith.index_cast %add3A_486 : i32 to index
        %get3A_494 = memref.load %arg43[%get3A_493] : memref<264xf32, #tpu.memory_space<smem>>
        %get3A_495 = arith.index_cast %add3A_486 : i32 to index
        %get3A_496 = memref.load %arg44[%get3A_495] : memref<264xf32, #tpu.memory_space<smem>>
        %mul3A_497 = arith.constant 8 : i32
        %mul3A_498 = arith.muli %mul3A_497, %while3A_426 : i32
        %add3A_499 = arith.constant 5 : i32
        %add3A_500 = arith.addi %mul3A_498, %add3A_499 : i32
        %get3A_501 = arith.index_cast %add3A_500 : i32 to index
        %get3A_502 = memref.load %arg40[%get3A_501] : memref<264xf32, #tpu.memory_space<smem>>
        %get3A_503 = arith.index_cast %add3A_500 : i32 to index
        %get3A_504 = memref.load %arg41[%get3A_503] : memref<264xf32, #tpu.memory_space<smem>>
        %get3A_505 = arith.index_cast %add3A_500 : i32 to index
        %get3A_506 = memref.load %arg42[%get3A_505] : memref<264xf32, #tpu.memory_space<smem>>
        %get3A_507 = arith.index_cast %add3A_500 : i32 to index
        %get3A_508 = memref.load %arg43[%get3A_507] : memref<264xf32, #tpu.memory_space<smem>>
        %get3A_509 = arith.index_cast %add3A_500 : i32 to index
        %get3A_510 = memref.load %arg44[%get3A_509] : memref<264xf32, #tpu.memory_space<smem>>
        %mul3A_511 = arith.constant 8 : i32
        %mul3A_512 = arith.muli %mul3A_511, %while3A_426 : i32
        %add3A_513 = arith.constant 6 : i32
        %add3A_514 = arith.addi %mul3A_512, %add3A_513 : i32
        %get3A_515 = arith.index_cast %add3A_514 : i32 to index
        %get3A_516 = memref.load %arg40[%get3A_515] : memref<264xf32, #tpu.memory_space<smem>>
        %get3A_517 = arith.index_cast %add3A_514 : i32 to index
        %get3A_518 = memref.load %arg41[%get3A_517] : memref<264xf32, #tpu.memory_space<smem>>
        %get3A_519 = arith.index_cast %add3A_514 : i32 to index
        %get3A_520 = memref.load %arg42[%get3A_519] : memref<264xf32, #tpu.memory_space<smem>>
        %get3A_521 = arith.index_cast %add3A_514 : i32 to index
        %get3A_522 = memref.load %arg43[%get3A_521] : memref<264xf32, #tpu.memory_space<smem>>
        %get3A_523 = arith.index_cast %add3A_514 : i32 to index
        %get3A_524 = memref.load %arg44[%get3A_523] : memref<264xf32, #tpu.memory_space<smem>>
        %mul3A_525 = arith.constant 8 : i32
        %mul3A_526 = arith.muli %mul3A_525, %while3A_426 : i32
        %add3A_527 = arith.constant 7 : i32
        %add3A_528 = arith.addi %mul3A_526, %add3A_527 : i32
        %get3A_529 = arith.index_cast %add3A_528 : i32 to index
        %get3A_530 = memref.load %arg40[%get3A_529] : memref<264xf32, #tpu.memory_space<smem>>
        %get3A_531 = arith.index_cast %add3A_528 : i32 to index
        %get3A_532 = memref.load %arg41[%get3A_531] : memref<264xf32, #tpu.memory_space<smem>>
        %get3A_533 = arith.index_cast %add3A_528 : i32 to index
        %get3A_534 = memref.load %arg42[%get3A_533] : memref<264xf32, #tpu.memory_space<smem>>
        %get3A_535 = arith.index_cast %add3A_528 : i32 to index
        %get3A_536 = memref.load %arg43[%get3A_535] : memref<264xf32, #tpu.memory_space<smem>>
        %get3A_537 = arith.index_cast %add3A_528 : i32 to index
        %get3A_538 = memref.load %arg44[%get3A_537] : memref<264xf32, #tpu.memory_space<smem>>
        %add3A_539 = arith.constant 1 : i32
        %add3A_540 = arith.addi %select_n3A_120, %add3A_539 : i32
        %jit3A_541 = arith.constant 2 : i32
        %div3A_542 = arith.divsi %add3A_540, %jit3A_541 : i32
        %sign3A_543 = arith.constant 0 : i32
        %sign3A_544 = arith.cmpi sgt, %add3A_540, %sign3A_543 : i32
        %sign3A_545 = arith.extui %sign3A_544 : i1 to i32
        %sign3A_546 = arith.constant 0 : i32
        %sign3A_547 = arith.cmpi slt, %add3A_540, %sign3A_546 : i32
        %sign3A_548 = arith.extui %sign3A_547 : i1 to i32
        %sign3A_549 = arith.subi %sign3A_545, %sign3A_548 : i32
        %sign3A_550 = arith.constant 0 : i32
        %sign3A_551 = arith.cmpi sgt, %jit3A_541, %sign3A_550 : i32
        %sign3A_552 = arith.extui %sign3A_551 : i1 to i32
        %sign3A_553 = arith.constant 0 : i32
        %sign3A_554 = arith.cmpi slt, %jit3A_541, %sign3A_553 : i32
        %sign3A_555 = arith.extui %sign3A_554 : i1 to i32
        %sign3A_556 = arith.subi %sign3A_552, %sign3A_555 : i32
        %ne3A_557 = arith.cmpi ne, %sign3A_549, %sign3A_556 : i32
        %rem3A_558 = arith.remsi %add3A_540, %jit3A_541 : i32
        %ne3A_559 = arith.constant 0 : i32
        %ne3A_560 = arith.cmpi ne, %rem3A_558, %ne3A_559 : i32
        %and3A_561 = arith.andi %ne3A_557, %ne3A_560 : i1
        %sub3A_562 = arith.constant 1 : i32
        %sub3A_563 = arith.subi %div3A_542, %sub3A_562 : i32
        %select_n3A_564 = arith.select %and3A_561, %sub3A_563, %div3A_542 : i32
        %while3A_565 = arith.constant 0 : i32
        %while3A_566 = arith.constant 0 : i32
        %while3A_567 = arith.subi %select_n3A_564, %while3A_565 : i32
        %while3A_568 = arith.addi %while3A_565, %while3A_567 : i32
        %while3A_569 = arith.constant 1 : i32
        %while3A_570 = arith.divsi %while3A_567, %while3A_569 : i32
        %while3A_571 = arith.muli %while3A_570, %while3A_569 : i32
        %while3A_572 = arith.addi %while3A_565, %while3A_571 : i32
        %while3A_573 = arith.constant 1 : i32
        %while3A_574 = scf.for %while3A_578 = %while3A_565 to %while3A_572 step %while3A_573 iter_args(%while3A_579 = %while3A_566) -> (i32)  : i32 {
          %mul3A_580 = arith.constant 2 : i32
          %mul3A_581 = arith.muli %while3A_578, %mul3A_580 : i32
          %add3A_582 = arith.constant 0 : i32
          %add3A_583 = arith.addi %mul3A_581, %add3A_582 : i32
          %mul3A_584 = arith.constant 16 : i32
          %mul3A_585 = arith.muli %add3A_583, %mul3A_584 : i32
          %get3A_586 = arith.index_cast %mul3A_585 : i32 to index
          %get3A_587 = tpu.vector_load %arg26[%get3A_586] {strides = array<i32>} : memref<1280xf32, #tpu.memory_space<vmem>>, vector<16xf32>,
          %get3A_588 = vector.shape_cast %get3A_587 : vector<16xf32> to vector<16xf32>
          %get3A_589 = arith.index_cast %mul3A_585 : i32 to index
          %get3A_590 = tpu.vector_load %arg27[%get3A_589] {strides = array<i32>} : memref<1280xf32, #tpu.memory_space<vmem>>, vector<16xf32>,
          %get3A_591 = vector.shape_cast %get3A_590 : vector<16xf32> to vector<16xf32>
          %get3A_592 = arith.index_cast %mul3A_585 : i32 to index
          %get3A_593 = tpu.vector_load %arg28[%get3A_592] {strides = array<i32>} : memref<1280xf32, #tpu.memory_space<vmem>>, vector<16xf32>,
          %get3A_594 = vector.shape_cast %get3A_593 : vector<16xf32> to vector<16xf32>
          %get3A_595 = arith.index_cast %mul3A_585 : i32 to index
          %get3A_596 = tpu.vector_load %arg29[%get3A_595] {strides = array<i32>} : memref<1280xf32, #tpu.memory_space<vmem>>, vector<16xf32>,
          %get3A_597 = vector.shape_cast %get3A_596 : vector<16xf32> to vector<16xf32>
          %get3A_598 = arith.index_cast %mul3A_585 : i32 to index
          %get3A_599 = tpu.vector_load %arg30[%get3A_598] {strides = array<i32>} : memref<1280xf32, #tpu.memory_space<vmem>>, vector<16xf32>,
          %get3A_600 = vector.shape_cast %get3A_599 : vector<16xf32> to vector<16xf32>
          %max3A = vector.broadcast %get3A_432 : f32 to vector<16xf32>
          %max3A_601 = arith.maximumf %max3A, %get3A_588 : vector<16xf32>
          %max3A_602 = vector.broadcast %get3A_434 : f32 to vector<16xf32>
          %max3A_603 = arith.maximumf %max3A_602, %get3A_591 : vector<16xf32>
          %min3A = vector.broadcast %get3A_436 : f32 to vector<16xf32>
          %min3A_604 = arith.minimumf %min3A, %get3A_594 : vector<16xf32>
          %min3A_605 = vector.broadcast %get3A_438 : f32 to vector<16xf32>
          %min3A_606 = arith.minimumf %min3A_605, %get3A_597 : vector<16xf32>
          %sub3A_607 = arith.subf %min3A_604, %max3A_601 : vector<16xf32>
          %max3A_608 = arith.constant 0.000000e+00 : f32
          %max3A_609 = vector.broadcast %max3A_608 : f32 to vector<16xf32>
          %max3A_610 = arith.maximumf %sub3A_607, %max3A_609 : vector<16xf32>
          %sub3A_611 = arith.subf %min3A_606, %max3A_603 : vector<16xf32>
          %max3A_612 = arith.constant 0.000000e+00 : f32
          %max3A_613 = vector.broadcast %max3A_612 : f32 to vector<16xf32>
          %max3A_614 = arith.maximumf %sub3A_611, %max3A_613 : vector<16xf32>
          %mul3A_615 = arith.mulf %max3A_610, %max3A_614 : vector<16xf32>
          %add3A_616 = vector.broadcast %get3A_440 : f32 to vector<16xf32>
          %add3A_617 = arith.addf %add3A_616, %get3A_600 : vector<16xf32>
          %sub3A_618 = arith.subf %add3A_617, %mul3A_615 : vector<16xf32>
          %add3A_619 = arith.constant 9.99999971E-10 : f32
          %add3A_620 = vector.broadcast %add3A_619 : f32 to vector<16xf32>
          %add3A_621 = arith.addf %sub3A_618, %add3A_620 : vector<16xf32>
          %div3A_622 = arith.divf %mul3A_615, %add3A_621 : vector<16xf32>
          %gt3A = arith.constant 3.000000e-01 : f32
          %gt3A_623 = vector.broadcast %gt3A : f32 to vector<16xf32>
          %gt3A_624 = arith.cmpf ogt, %div3A_622, %gt3A_623 : vector<16xf32>
          %max3A_625 = vector.broadcast %get3A_446 : f32 to vector<16xf32>
          %max3A_626 = arith.maximumf %max3A_625, %get3A_588 : vector<16xf32>
          %max3A_627 = vector.broadcast %get3A_448 : f32 to vector<16xf32>
          %max3A_628 = arith.maximumf %max3A_627, %get3A_591 : vector<16xf32>
          %min3A_629 = vector.broadcast %get3A_450 : f32 to vector<16xf32>
          %min3A_630 = arith.minimumf %min3A_629, %get3A_594 : vector<16xf32>
          %min3A_631 = vector.broadcast %get3A_452 : f32 to vector<16xf32>
          %min3A_632 = arith.minimumf %min3A_631, %get3A_597 : vector<16xf32>
          %sub3A_633 = arith.subf %min3A_630, %max3A_626 : vector<16xf32>
          %max3A_634 = arith.constant 0.000000e+00 : f32
          %max3A_635 = vector.broadcast %max3A_634 : f32 to vector<16xf32>
          %max3A_636 = arith.maximumf %sub3A_633, %max3A_635 : vector<16xf32>
          %sub3A_637 = arith.subf %min3A_632, %max3A_628 : vector<16xf32>
          %max3A_638 = arith.constant 0.000000e+00 : f32
          %max3A_639 = vector.broadcast %max3A_638 : f32 to vector<16xf32>
          %max3A_640 = arith.maximumf %sub3A_637, %max3A_639 : vector<16xf32>
          %mul3A_641 = arith.mulf %max3A_636, %max3A_640 : vector<16xf32>
          %add3A_642 = vector.broadcast %get3A_454 : f32 to vector<16xf32>
          %add3A_643 = arith.addf %add3A_642, %get3A_600 : vector<16xf32>
          %sub3A_644 = arith.subf %add3A_643, %mul3A_641 : vector<16xf32>
          %add3A_645 = arith.constant 9.99999971E-10 : f32
          %add3A_646 = vector.broadcast %add3A_645 : f32 to vector<16xf32>
          %add3A_647 = arith.addf %sub3A_644, %add3A_646 : vector<16xf32>
          %div3A_648 = arith.divf %mul3A_641, %add3A_647 : vector<16xf32>
          %gt3A_649 = arith.constant 3.000000e-01 : f32
          %gt3A_650 = vector.broadcast %gt3A_649 : f32 to vector<16xf32>
          %gt3A_651 = arith.cmpf ogt, %div3A_648, %gt3A_650 : vector<16xf32>
          %or3A = arith.ori %gt3A_624, %gt3A_651 : vector<16xi1>
          %max3A_652 = vector.broadcast %get3A_460 : f32 to vector<16xf32>
          %max3A_653 = arith.maximumf %max3A_652, %get3A_588 : vector<16xf32>
          %max3A_654 = vector.broadcast %get3A_462 : f32 to vector<16xf32>
          %max3A_655 = arith.maximumf %max3A_654, %get3A_591 : vector<16xf32>
          %min3A_656 = vector.broadcast %get3A_464 : f32 to vector<16xf32>
          %min3A_657 = arith.minimumf %min3A_656, %get3A_594 : vector<16xf32>
          %min3A_658 = vector.broadcast %get3A_466 : f32 to vector<16xf32>
          %min3A_659 = arith.minimumf %min3A_658, %get3A_597 : vector<16xf32>
          %sub3A_660 = arith.subf %min3A_657, %max3A_653 : vector<16xf32>
          %max3A_661 = arith.constant 0.000000e+00 : f32
          %max3A_662 = vector.broadcast %max3A_661 : f32 to vector<16xf32>
          %max3A_663 = arith.maximumf %sub3A_660, %max3A_662 : vector<16xf32>
          %sub3A_664 = arith.subf %min3A_659, %max3A_655 : vector<16xf32>
          %max3A_665 = arith.constant 0.000000e+00 : f32
          %max3A_666 = vector.broadcast %max3A_665 : f32 to vector<16xf32>
          %max3A_667 = arith.maximumf %sub3A_664, %max3A_666 : vector<16xf32>
          %mul3A_668 = arith.mulf %max3A_663, %max3A_667 : vector<16xf32>
          %add3A_669 = vector.broadcast %get3A_468 : f32 to vector<16xf32>
          %add3A_670 = arith.addf %add3A_669, %get3A_600 : vector<16xf32>
          %sub3A_671 = arith.subf %add3A_670, %mul3A_668 : vector<16xf32>
          %add3A_672 = arith.constant 9.99999971E-10 : f32
          %add3A_673 = vector.broadcast %add3A_672 : f32 to vector<16xf32>
          %add3A_674 = arith.addf %sub3A_671, %add3A_673 : vector<16xf32>
          %div3A_675 = arith.divf %mul3A_668, %add3A_674 : vector<16xf32>
          %gt3A_676 = arith.constant 3.000000e-01 : f32
          %gt3A_677 = vector.broadcast %gt3A_676 : f32 to vector<16xf32>
          %gt3A_678 = arith.cmpf ogt, %div3A_675, %gt3A_677 : vector<16xf32>
          %or3A_679 = arith.ori %or3A, %gt3A_678 : vector<16xi1>
          %max3A_680 = vector.broadcast %get3A_474 : f32 to vector<16xf32>
          %max3A_681 = arith.maximumf %max3A_680, %get3A_588 : vector<16xf32>
          %max3A_682 = vector.broadcast %get3A_476 : f32 to vector<16xf32>
          %max3A_683 = arith.maximumf %max3A_682, %get3A_591 : vector<16xf32>
          %min3A_684 = vector.broadcast %get3A_478 : f32 to vector<16xf32>
          %min3A_685 = arith.minimumf %min3A_684, %get3A_594 : vector<16xf32>
          %min3A_686 = vector.broadcast %get3A_480 : f32 to vector<16xf32>
          %min3A_687 = arith.minimumf %min3A_686, %get3A_597 : vector<16xf32>
          %sub3A_688 = arith.subf %min3A_685, %max3A_681 : vector<16xf32>
          %max3A_689 = arith.constant 0.000000e+00 : f32
          %max3A_690 = vector.broadcast %max3A_689 : f32 to vector<16xf32>
          %max3A_691 = arith.maximumf %sub3A_688, %max3A_690 : vector<16xf32>
          %sub3A_692 = arith.subf %min3A_687, %max3A_683 : vector<16xf32>
          %max3A_693 = arith.constant 0.000000e+00 : f32
          %max3A_694 = vector.broadcast %max3A_693 : f32 to vector<16xf32>
          %max3A_695 = arith.maximumf %sub3A_692, %max3A_694 : vector<16xf32>
          %mul3A_696 = arith.mulf %max3A_691, %max3A_695 : vector<16xf32>
          %add3A_697 = vector.broadcast %get3A_482 : f32 to vector<16xf32>
          %add3A_698 = arith.addf %add3A_697, %get3A_600 : vector<16xf32>
          %sub3A_699 = arith.subf %add3A_698, %mul3A_696 : vector<16xf32>
          %add3A_700 = arith.constant 9.99999971E-10 : f32
          %add3A_701 = vector.broadcast %add3A_700 : f32 to vector<16xf32>
          %add3A_702 = arith.addf %sub3A_699, %add3A_701 : vector<16xf32>
          %div3A_703 = arith.divf %mul3A_696, %add3A_702 : vector<16xf32>
          %gt3A_704 = arith.constant 3.000000e-01 : f32
          %gt3A_705 = vector.broadcast %gt3A_704 : f32 to vector<16xf32>
          %gt3A_706 = arith.cmpf ogt, %div3A_703, %gt3A_705 : vector<16xf32>
          %or3A_707 = arith.ori %or3A_679, %gt3A_706 : vector<16xi1>
          %max3A_708 = vector.broadcast %get3A_488 : f32 to vector<16xf32>
          %max3A_709 = arith.maximumf %max3A_708, %get3A_588 : vector<16xf32>
          %max3A_710 = vector.broadcast %get3A_490 : f32 to vector<16xf32>
          %max3A_711 = arith.maximumf %max3A_710, %get3A_591 : vector<16xf32>
          %min3A_712 = vector.broadcast %get3A_492 : f32 to vector<16xf32>
          %min3A_713 = arith.minimumf %min3A_712, %get3A_594 : vector<16xf32>
          %min3A_714 = vector.broadcast %get3A_494 : f32 to vector<16xf32>
          %min3A_715 = arith.minimumf %min3A_714, %get3A_597 : vector<16xf32>
          %sub3A_716 = arith.subf %min3A_713, %max3A_709 : vector<16xf32>
          %max3A_717 = arith.constant 0.000000e+00 : f32
          %max3A_718 = vector.broadcast %max3A_717 : f32 to vector<16xf32>
          %max3A_719 = arith.maximumf %sub3A_716, %max3A_718 : vector<16xf32>
          %sub3A_720 = arith.subf %min3A_715, %max3A_711 : vector<16xf32>
          %max3A_721 = arith.constant 0.000000e+00 : f32
          %max3A_722 = vector.broadcast %max3A_721 : f32 to vector<16xf32>
          %max3A_723 = arith.maximumf %sub3A_720, %max3A_722 : vector<16xf32>
          %mul3A_724 = arith.mulf %max3A_719, %max3A_723 : vector<16xf32>
          %add3A_725 = vector.broadcast %get3A_496 : f32 to vector<16xf32>
          %add3A_726 = arith.addf %add3A_725, %get3A_600 : vector<16xf32>
          %sub3A_727 = arith.subf %add3A_726, %mul3A_724 : vector<16xf32>
          %add3A_728 = arith.constant 9.99999971E-10 : f32
          %add3A_729 = vector.broadcast %add3A_728 : f32 to vector<16xf32>
          %add3A_730 = arith.addf %sub3A_727, %add3A_729 : vector<16xf32>
          %div3A_731 = arith.divf %mul3A_724, %add3A_730 : vector<16xf32>
          %gt3A_732 = arith.constant 3.000000e-01 : f32
          %gt3A_733 = vector.broadcast %gt3A_732 : f32 to vector<16xf32>
          %gt3A_734 = arith.cmpf ogt, %div3A_731, %gt3A_733 : vector<16xf32>
          %or3A_735 = arith.ori %or3A_707, %gt3A_734 : vector<16xi1>
          %max3A_736 = vector.broadcast %get3A_502 : f32 to vector<16xf32>
          %max3A_737 = arith.maximumf %max3A_736, %get3A_588 : vector<16xf32>
          %max3A_738 = vector.broadcast %get3A_504 : f32 to vector<16xf32>
          %max3A_739 = arith.maximumf %max3A_738, %get3A_591 : vector<16xf32>
          %min3A_740 = vector.broadcast %get3A_506 : f32 to vector<16xf32>
          %min3A_741 = arith.minimumf %min3A_740, %get3A_594 : vector<16xf32>
          %min3A_742 = vector.broadcast %get3A_508 : f32 to vector<16xf32>
          %min3A_743 = arith.minimumf %min3A_742, %get3A_597 : vector<16xf32>
          %sub3A_744 = arith.subf %min3A_741, %max3A_737 : vector<16xf32>
          %max3A_745 = arith.constant 0.000000e+00 : f32
          %max3A_746 = vector.broadcast %max3A_745 : f32 to vector<16xf32>
          %max3A_747 = arith.maximumf %sub3A_744, %max3A_746 : vector<16xf32>
          %sub3A_748 = arith.subf %min3A_743, %max3A_739 : vector<16xf32>
          %max3A_749 = arith.constant 0.000000e+00 : f32
          %max3A_750 = vector.broadcast %max3A_749 : f32 to vector<16xf32>
          %max3A_751 = arith.maximumf %sub3A_748, %max3A_750 : vector<16xf32>
          %mul3A_752 = arith.mulf %max3A_747, %max3A_751 : vector<16xf32>
          %add3A_753 = vector.broadcast %get3A_510 : f32 to vector<16xf32>
          %add3A_754 = arith.addf %add3A_753, %get3A_600 : vector<16xf32>
          %sub3A_755 = arith.subf %add3A_754, %mul3A_752 : vector<16xf32>
          %add3A_756 = arith.constant 9.99999971E-10 : f32
          %add3A_757 = vector.broadcast %add3A_756 : f32 to vector<16xf32>
          %add3A_758 = arith.addf %sub3A_755, %add3A_757 : vector<16xf32>
          %div3A_759 = arith.divf %mul3A_752, %add3A_758 : vector<16xf32>
          %gt3A_760 = arith.constant 3.000000e-01 : f32
          %gt3A_761 = vector.broadcast %gt3A_760 : f32 to vector<16xf32>
          %gt3A_762 = arith.cmpf ogt, %div3A_759, %gt3A_761 : vector<16xf32>
          %or3A_763 = arith.ori %or3A_735, %gt3A_762 : vector<16xi1>
          %max3A_764 = vector.broadcast %get3A_516 : f32 to vector<16xf32>
          %max3A_765 = arith.maximumf %max3A_764, %get3A_588 : vector<16xf32>
          %max3A_766 = vector.broadcast %get3A_518 : f32 to vector<16xf32>
          %max3A_767 = arith.maximumf %max3A_766, %get3A_591 : vector<16xf32>
          %min3A_768 = vector.broadcast %get3A_520 : f32 to vector<16xf32>
          %min3A_769 = arith.minimumf %min3A_768, %get3A_594 : vector<16xf32>
          %min3A_770 = vector.broadcast %get3A_522 : f32 to vector<16xf32>
          %min3A_771 = arith.minimumf %min3A_770, %get3A_597 : vector<16xf32>
          %sub3A_772 = arith.subf %min3A_769, %max3A_765 : vector<16xf32>
          %max3A_773 = arith.constant 0.000000e+00 : f32
          %max3A_774 = vector.broadcast %max3A_773 : f32 to vector<16xf32>
          %max3A_775 = arith.maximumf %sub3A_772, %max3A_774 : vector<16xf32>
          %sub3A_776 = arith.subf %min3A_771, %max3A_767 : vector<16xf32>
          %max3A_777 = arith.constant 0.000000e+00 : f32
          %max3A_778 = vector.broadcast %max3A_777 : f32 to vector<16xf32>
          %max3A_779 = arith.maximumf %sub3A_776, %max3A_778 : vector<16xf32>
          %mul3A_780 = arith.mulf %max3A_775, %max3A_779 : vector<16xf32>
          %add3A_781 = vector.broadcast %get3A_524 : f32 to vector<16xf32>
          %add3A_782 = arith.addf %add3A_781, %get3A_600 : vector<16xf32>
          %sub3A_783 = arith.subf %add3A_782, %mul3A_780 : vector<16xf32>
          %add3A_784 = arith.constant 9.99999971E-10 : f32
          %add3A_785 = vector.broadcast %add3A_784 : f32 to vector<16xf32>
          %add3A_786 = arith.addf %sub3A_783, %add3A_785 : vector<16xf32>
          %div3A_787 = arith.divf %mul3A_780, %add3A_786 : vector<16xf32>
          %gt3A_788 = arith.constant 3.000000e-01 : f32
          %gt3A_789 = vector.broadcast %gt3A_788 : f32 to vector<16xf32>
          %gt3A_790 = arith.cmpf ogt, %div3A_787, %gt3A_789 : vector<16xf32>
          %or3A_791 = arith.ori %or3A_763, %gt3A_790 : vector<16xi1>
          %max3A_792 = vector.broadcast %get3A_530 : f32 to vector<16xf32>
          %max3A_793 = arith.maximumf %max3A_792, %get3A_588 : vector<16xf32>
          %max3A_794 = vector.broadcast %get3A_532 : f32 to vector<16xf32>
          %max3A_795 = arith.maximumf %max3A_794, %get3A_591 : vector<16xf32>
          %min3A_796 = vector.broadcast %get3A_534 : f32 to vector<16xf32>
          %min3A_797 = arith.minimumf %min3A_796, %get3A_594 : vector<16xf32>
          %min3A_798 = vector.broadcast %get3A_536 : f32 to vector<16xf32>
          %min3A_799 = arith.minimumf %min3A_798, %get3A_597 : vector<16xf32>
          %sub3A_800 = arith.subf %min3A_797, %max3A_793 : vector<16xf32>
          %max3A_801 = arith.constant 0.000000e+00 : f32
          %max3A_802 = vector.broadcast %max3A_801 : f32 to vector<16xf32>
          %max3A_803 = arith.maximumf %sub3A_800, %max3A_802 : vector<16xf32>
          %sub3A_804 = arith.subf %min3A_799, %max3A_795 : vector<16xf32>
          %max3A_805 = arith.constant 0.000000e+00 : f32
          %max3A_806 = vector.broadcast %max3A_805 : f32 to vector<16xf32>
          %max3A_807 = arith.maximumf %sub3A_804, %max3A_806 : vector<16xf32>
          %mul3A_808 = arith.mulf %max3A_803, %max3A_807 : vector<16xf32>
          %add3A_809 = vector.broadcast %get3A_538 : f32 to vector<16xf32>
          %add3A_810 = arith.addf %add3A_809, %get3A_600 : vector<16xf32>
          %sub3A_811 = arith.subf %add3A_810, %mul3A_808 : vector<16xf32>
          %add3A_812 = arith.constant 9.99999971E-10 : f32
          %add3A_813 = vector.broadcast %add3A_812 : f32 to vector<16xf32>
          %add3A_814 = arith.addf %sub3A_811, %add3A_813 : vector<16xf32>
          %div3A_815 = arith.divf %mul3A_808, %add3A_814 : vector<16xf32>
          %gt3A_816 = arith.constant 3.000000e-01 : f32
          %gt3A_817 = vector.broadcast %gt3A_816 : f32 to vector<16xf32>
          %gt3A_818 = arith.cmpf ogt, %div3A_815, %gt3A_817 : vector<16xf32>
          %or3A_819 = arith.ori %or3A_791, %gt3A_818 : vector<16xi1>
          %get3A_820 = arith.index_cast %mul3A_585 : i32 to index
          %get3A_821 = tpu.vector_load %arg31[%get3A_820] {strides = array<i32>} : memref<1280xf32, #tpu.memory_space<vmem>>, vector<16xf32>,
          %get3A_822 = vector.shape_cast %get3A_821 : vector<16xf32> to vector<16xf32>
          %jit3A_823 = arith.constant 0.000000e+00 : f32
          %broadcast_in_dim3A = vector.broadcast %jit3A_823 : f32 to vector<16xf32>
          %select_n3A_824 = arith.select %or3A_819, %broadcast_in_dim3A, %get3A_822 : vector<16xi1>, vector<16xf32>
          %swap3A = arith.index_cast %mul3A_585 : i32 to index
          %swap3A_825 = tpu.vector_load %arg31[%swap3A] {strides = array<i32>} : memref<1280xf32, #tpu.memory_space<vmem>>, vector<16xf32>,
          %swap3A_826 = vector.shape_cast %swap3A_825 : vector<16xf32> to vector<16xf32>
          %swap3A_827 = vector.shape_cast %select_n3A_824 : vector<16xf32> to vector<16xf32>
          tpu.vector_store %arg31[%swap3A], %swap3A_827 {strides = array<i32>} : memref<1280xf32, #tpu.memory_space<vmem>>, vector<16xf32>,
          %mul3A_828 = arith.constant 2 : i32
          %mul3A_829 = arith.muli %while3A_578, %mul3A_828 : i32
          %add3A_830 = arith.constant 1 : i32
          %add3A_831 = arith.addi %mul3A_829, %add3A_830 : i32
          %mul3A_832 = arith.constant 16 : i32
          %mul3A_833 = arith.muli %add3A_831, %mul3A_832 : i32
          %get3A_834 = arith.index_cast %mul3A_833 : i32 to index
          %get3A_835 = tpu.vector_load %arg26[%get3A_834] {strides = array<i32>} : memref<1280xf32, #tpu.memory_space<vmem>>, vector<16xf32>,
          %get3A_836 = vector.shape_cast %get3A_835 : vector<16xf32> to vector<16xf32>
          %get3A_837 = arith.index_cast %mul3A_833 : i32 to index
          %get3A_838 = tpu.vector_load %arg27[%get3A_837] {strides = array<i32>} : memref<1280xf32, #tpu.memory_space<vmem>>, vector<16xf32>,
          %get3A_839 = vector.shape_cast %get3A_838 : vector<16xf32> to vector<16xf32>
          %get3A_840 = arith.index_cast %mul3A_833 : i32 to index
          %get3A_841 = tpu.vector_load %arg28[%get3A_840] {strides = array<i32>} : memref<1280xf32, #tpu.memory_space<vmem>>, vector<16xf32>,
          %get3A_842 = vector.shape_cast %get3A_841 : vector<16xf32> to vector<16xf32>
          %get3A_843 = arith.index_cast %mul3A_833 : i32 to index
          %get3A_844 = tpu.vector_load %arg29[%get3A_843] {strides = array<i32>} : memref<1280xf32, #tpu.memory_space<vmem>>, vector<16xf32>,
          %get3A_845 = vector.shape_cast %get3A_844 : vector<16xf32> to vector<16xf32>
          %get3A_846 = arith.index_cast %mul3A_833 : i32 to index
          %get3A_847 = tpu.vector_load %arg30[%get3A_846] {strides = array<i32>} : memref<1280xf32, #tpu.memory_space<vmem>>, vector<16xf32>,
          %get3A_848 = vector.shape_cast %get3A_847 : vector<16xf32> to vector<16xf32>
          %max3A_849 = vector.broadcast %get3A_432 : f32 to vector<16xf32>
          %max3A_850 = arith.maximumf %max3A_849, %get3A_836 : vector<16xf32>
          %max3A_851 = vector.broadcast %get3A_434 : f32 to vector<16xf32>
          %max3A_852 = arith.maximumf %max3A_851, %get3A_839 : vector<16xf32>
          %min3A_853 = vector.broadcast %get3A_436 : f32 to vector<16xf32>
          %min3A_854 = arith.minimumf %min3A_853, %get3A_842 : vector<16xf32>
          %min3A_855 = vector.broadcast %get3A_438 : f32 to vector<16xf32>
          %min3A_856 = arith.minimumf %min3A_855, %get3A_845 : vector<16xf32>
          %sub3A_857 = arith.subf %min3A_854, %max3A_850 : vector<16xf32>
          %max3A_858 = arith.constant 0.000000e+00 : f32
          %max3A_859 = vector.broadcast %max3A_858 : f32 to vector<16xf32>
          %max3A_860 = arith.maximumf %sub3A_857, %max3A_859 : vector<16xf32>
          %sub3A_861 = arith.subf %min3A_856, %max3A_852 : vector<16xf32>
          %max3A_862 = arith.constant 0.000000e+00 : f32
          %max3A_863 = vector.broadcast %max3A_862 : f32 to vector<16xf32>
          %max3A_864 = arith.maximumf %sub3A_861, %max3A_863 : vector<16xf32>
          %mul3A_865 = arith.mulf %max3A_860, %max3A_864 : vector<16xf32>
          %add3A_866 = vector.broadcast %get3A_440 : f32 to vector<16xf32>
          %add3A_867 = arith.addf %add3A_866, %get3A_848 : vector<16xf32>
          %sub3A_868 = arith.subf %add3A_867, %mul3A_865 : vector<16xf32>
          %add3A_869 = arith.constant 9.99999971E-10 : f32
          %add3A_870 = vector.broadcast %add3A_869 : f32 to vector<16xf32>
          %add3A_871 = arith.addf %sub3A_868, %add3A_870 : vector<16xf32>
          %div3A_872 = arith.divf %mul3A_865, %add3A_871 : vector<16xf32>
          %gt3A_873 = arith.constant 3.000000e-01 : f32
          %gt3A_874 = vector.broadcast %gt3A_873 : f32 to vector<16xf32>
          %gt3A_875 = arith.cmpf ogt, %div3A_872, %gt3A_874 : vector<16xf32>
          %max3A_876 = vector.broadcast %get3A_446 : f32 to vector<16xf32>
          %max3A_877 = arith.maximumf %max3A_876, %get3A_836 : vector<16xf32>
          %max3A_878 = vector.broadcast %get3A_448 : f32 to vector<16xf32>
          %max3A_879 = arith.maximumf %max3A_878, %get3A_839 : vector<16xf32>
          %min3A_880 = vector.broadcast %get3A_450 : f32 to vector<16xf32>
          %min3A_881 = arith.minimumf %min3A_880, %get3A_842 : vector<16xf32>
          %min3A_882 = vector.broadcast %get3A_452 : f32 to vector<16xf32>
          %min3A_883 = arith.minimumf %min3A_882, %get3A_845 : vector<16xf32>
          %sub3A_884 = arith.subf %min3A_881, %max3A_877 : vector<16xf32>
          %max3A_885 = arith.constant 0.000000e+00 : f32
          %max3A_886 = vector.broadcast %max3A_885 : f32 to vector<16xf32>
          %max3A_887 = arith.maximumf %sub3A_884, %max3A_886 : vector<16xf32>
          %sub3A_888 = arith.subf %min3A_883, %max3A_879 : vector<16xf32>
          %max3A_889 = arith.constant 0.000000e+00 : f32
          %max3A_890 = vector.broadcast %max3A_889 : f32 to vector<16xf32>
          %max3A_891 = arith.maximumf %sub3A_888, %max3A_890 : vector<16xf32>
          %mul3A_892 = arith.mulf %max3A_887, %max3A_891 : vector<16xf32>
          %add3A_893 = vector.broadcast %get3A_454 : f32 to vector<16xf32>
          %add3A_894 = arith.addf %add3A_893, %get3A_848 : vector<16xf32>
          %sub3A_895 = arith.subf %add3A_894, %mul3A_892 : vector<16xf32>
          %add3A_896 = arith.constant 9.99999971E-10 : f32
          %add3A_897 = vector.broadcast %add3A_896 : f32 to vector<16xf32>
          %add3A_898 = arith.addf %sub3A_895, %add3A_897 : vector<16xf32>
          %div3A_899 = arith.divf %mul3A_892, %add3A_898 : vector<16xf32>
          %gt3A_900 = arith.constant 3.000000e-01 : f32
          %gt3A_901 = vector.broadcast %gt3A_900 : f32 to vector<16xf32>
          %gt3A_902 = arith.cmpf ogt, %div3A_899, %gt3A_901 : vector<16xf32>
          %or3A_903 = arith.ori %gt3A_875, %gt3A_902 : vector<16xi1>
          %max3A_904 = vector.broadcast %get3A_460 : f32 to vector<16xf32>
          %max3A_905 = arith.maximumf %max3A_904, %get3A_836 : vector<16xf32>
          %max3A_906 = vector.broadcast %get3A_462 : f32 to vector<16xf32>
          %max3A_907 = arith.maximumf %max3A_906, %get3A_839 : vector<16xf32>
          %min3A_908 = vector.broadcast %get3A_464 : f32 to vector<16xf32>
          %min3A_909 = arith.minimumf %min3A_908, %get3A_842 : vector<16xf32>
          %min3A_910 = vector.broadcast %get3A_466 : f32 to vector<16xf32>
          %min3A_911 = arith.minimumf %min3A_910, %get3A_845 : vector<16xf32>
          %sub3A_912 = arith.subf %min3A_909, %max3A_905 : vector<16xf32>
          %max3A_913 = arith.constant 0.000000e+00 : f32
          %max3A_914 = vector.broadcast %max3A_913 : f32 to vector<16xf32>
          %max3A_915 = arith.maximumf %sub3A_912, %max3A_914 : vector<16xf32>
          %sub3A_916 = arith.subf %min3A_911, %max3A_907 : vector<16xf32>
          %max3A_917 = arith.constant 0.000000e+00 : f32
          %max3A_918 = vector.broadcast %max3A_917 : f32 to vector<16xf32>
          %max3A_919 = arith.maximumf %sub3A_916, %max3A_918 : vector<16xf32>
          %mul3A_920 = arith.mulf %max3A_915, %max3A_919 : vector<16xf32>
          %add3A_921 = vector.broadcast %get3A_468 : f32 to vector<16xf32>
          %add3A_922 = arith.addf %add3A_921, %get3A_848 : vector<16xf32>
          %sub3A_923 = arith.subf %add3A_922, %mul3A_920 : vector<16xf32>
          %add3A_924 = arith.constant 9.99999971E-10 : f32
          %add3A_925 = vector.broadcast %add3A_924 : f32 to vector<16xf32>
          %add3A_926 = arith.addf %sub3A_923, %add3A_925 : vector<16xf32>
          %div3A_927 = arith.divf %mul3A_920, %add3A_926 : vector<16xf32>
          %gt3A_928 = arith.constant 3.000000e-01 : f32
          %gt3A_929 = vector.broadcast %gt3A_928 : f32 to vector<16xf32>
          %gt3A_930 = arith.cmpf ogt, %div3A_927, %gt3A_929 : vector<16xf32>
          %or3A_931 = arith.ori %or3A_903, %gt3A_930 : vector<16xi1>
          %max3A_932 = vector.broadcast %get3A_474 : f32 to vector<16xf32>
          %max3A_933 = arith.maximumf %max3A_932, %get3A_836 : vector<16xf32>
          %max3A_934 = vector.broadcast %get3A_476 : f32 to vector<16xf32>
          %max3A_935 = arith.maximumf %max3A_934, %get3A_839 : vector<16xf32>
          %min3A_936 = vector.broadcast %get3A_478 : f32 to vector<16xf32>
          %min3A_937 = arith.minimumf %min3A_936, %get3A_842 : vector<16xf32>
          %min3A_938 = vector.broadcast %get3A_480 : f32 to vector<16xf32>
          %min3A_939 = arith.minimumf %min3A_938, %get3A_845 : vector<16xf32>
          %sub3A_940 = arith.subf %min3A_937, %max3A_933 : vector<16xf32>
          %max3A_941 = arith.constant 0.000000e+00 : f32
          %max3A_942 = vector.broadcast %max3A_941 : f32 to vector<16xf32>
          %max3A_943 = arith.maximumf %sub3A_940, %max3A_942 : vector<16xf32>
          %sub3A_944 = arith.subf %min3A_939, %max3A_935 : vector<16xf32>
          %max3A_945 = arith.constant 0.000000e+00 : f32
          %max3A_946 = vector.broadcast %max3A_945 : f32 to vector<16xf32>
          %max3A_947 = arith.maximumf %sub3A_944, %max3A_946 : vector<16xf32>
          %mul3A_948 = arith.mulf %max3A_943, %max3A_947 : vector<16xf32>
          %add3A_949 = vector.broadcast %get3A_482 : f32 to vector<16xf32>
          %add3A_950 = arith.addf %add3A_949, %get3A_848 : vector<16xf32>
          %sub3A_951 = arith.subf %add3A_950, %mul3A_948 : vector<16xf32>
          %add3A_952 = arith.constant 9.99999971E-10 : f32
          %add3A_953 = vector.broadcast %add3A_952 : f32 to vector<16xf32>
          %add3A_954 = arith.addf %sub3A_951, %add3A_953 : vector<16xf32>
          %div3A_955 = arith.divf %mul3A_948, %add3A_954 : vector<16xf32>
          %gt3A_956 = arith.constant 3.000000e-01 : f32
          %gt3A_957 = vector.broadcast %gt3A_956 : f32 to vector<16xf32>
          %gt3A_958 = arith.cmpf ogt, %div3A_955, %gt3A_957 : vector<16xf32>
          %or3A_959 = arith.ori %or3A_931, %gt3A_958 : vector<16xi1>
          %max3A_960 = vector.broadcast %get3A_488 : f32 to vector<16xf32>
          %max3A_961 = arith.maximumf %max3A_960, %get3A_836 : vector<16xf32>
          %max3A_962 = vector.broadcast %get3A_490 : f32 to vector<16xf32>
          %max3A_963 = arith.maximumf %max3A_962, %get3A_839 : vector<16xf32>
          %min3A_964 = vector.broadcast %get3A_492 : f32 to vector<16xf32>
          %min3A_965 = arith.minimumf %min3A_964, %get3A_842 : vector<16xf32>
          %min3A_966 = vector.broadcast %get3A_494 : f32 to vector<16xf32>
          %min3A_967 = arith.minimumf %min3A_966, %get3A_845 : vector<16xf32>
          %sub3A_968 = arith.subf %min3A_965, %max3A_961 : vector<16xf32>
          %max3A_969 = arith.constant 0.000000e+00 : f32
          %max3A_970 = vector.broadcast %max3A_969 : f32 to vector<16xf32>
          %max3A_971 = arith.maximumf %sub3A_968, %max3A_970 : vector<16xf32>
          %sub3A_972 = arith.subf %min3A_967, %max3A_963 : vector<16xf32>
          %max3A_973 = arith.constant 0.000000e+00 : f32
          %max3A_974 = vector.broadcast %max3A_973 : f32 to vector<16xf32>
          %max3A_975 = arith.maximumf %sub3A_972, %max3A_974 : vector<16xf32>
          %mul3A_976 = arith.mulf %max3A_971, %max3A_975 : vector<16xf32>
          %add3A_977 = vector.broadcast %get3A_496 : f32 to vector<16xf32>
          %add3A_978 = arith.addf %add3A_977, %get3A_848 : vector<16xf32>
          %sub3A_979 = arith.subf %add3A_978, %mul3A_976 : vector<16xf32>
          %add3A_980 = arith.constant 9.99999971E-10 : f32
          %add3A_981 = vector.broadcast %add3A_980 : f32 to vector<16xf32>
          %add3A_982 = arith.addf %sub3A_979, %add3A_981 : vector<16xf32>
          %div3A_983 = arith.divf %mul3A_976, %add3A_982 : vector<16xf32>
          %gt3A_984 = arith.constant 3.000000e-01 : f32
          %gt3A_985 = vector.broadcast %gt3A_984 : f32 to vector<16xf32>
          %gt3A_986 = arith.cmpf ogt, %div3A_983, %gt3A_985 : vector<16xf32>
          %or3A_987 = arith.ori %or3A_959, %gt3A_986 : vector<16xi1>
          %max3A_988 = vector.broadcast %get3A_502 : f32 to vector<16xf32>
          %max3A_989 = arith.maximumf %max3A_988, %get3A_836 : vector<16xf32>
          %max3A_990 = vector.broadcast %get3A_504 : f32 to vector<16xf32>
          %max3A_991 = arith.maximumf %max3A_990, %get3A_839 : vector<16xf32>
          %min3A_992 = vector.broadcast %get3A_506 : f32 to vector<16xf32>
          %min3A_993 = arith.minimumf %min3A_992, %get3A_842 : vector<16xf32>
          %min3A_994 = vector.broadcast %get3A_508 : f32 to vector<16xf32>
          %min3A_995 = arith.minimumf %min3A_994, %get3A_845 : vector<16xf32>
          %sub3A_996 = arith.subf %min3A_993, %max3A_989 : vector<16xf32>
          %max3A_997 = arith.constant 0.000000e+00 : f32
          %max3A_998 = vector.broadcast %max3A_997 : f32 to vector<16xf32>
          %max3A_999 = arith.maximumf %sub3A_996, %max3A_998 : vector<16xf32>
          %sub3A_1000 = arith.subf %min3A_995, %max3A_991 : vector<16xf32>
          %max3A_1001 = arith.constant 0.000000e+00 : f32
          %max3A_1002 = vector.broadcast %max3A_1001 : f32 to vector<16xf32>
          %max3A_1003 = arith.maximumf %sub3A_1000, %max3A_1002 : vector<16xf32>
          %mul3A_1004 = arith.mulf %max3A_999, %max3A_1003 : vector<16xf32>
          %add3A_1005 = vector.broadcast %get3A_510 : f32 to vector<16xf32>
          %add3A_1006 = arith.addf %add3A_1005, %get3A_848 : vector<16xf32>
          %sub3A_1007 = arith.subf %add3A_1006, %mul3A_1004 : vector<16xf32>
          %add3A_1008 = arith.constant 9.99999971E-10 : f32
          %add3A_1009 = vector.broadcast %add3A_1008 : f32 to vector<16xf32>
          %add3A_1010 = arith.addf %sub3A_1007, %add3A_1009 : vector<16xf32>
          %div3A_1011 = arith.divf %mul3A_1004, %add3A_1010 : vector<16xf32>
          %gt3A_1012 = arith.constant 3.000000e-01 : f32
          %gt3A_1013 = vector.broadcast %gt3A_1012 : f32 to vector<16xf32>
          %gt3A_1014 = arith.cmpf ogt, %div3A_1011, %gt3A_1013 : vector<16xf32>
          %or3A_1015 = arith.ori %or3A_987, %gt3A_1014 : vector<16xi1>
          %max3A_1016 = vector.broadcast %get3A_516 : f32 to vector<16xf32>
          %max3A_1017 = arith.maximumf %max3A_1016, %get3A_836 : vector<16xf32>
          %max3A_1018 = vector.broadcast %get3A_518 : f32 to vector<16xf32>
          %max3A_1019 = arith.maximumf %max3A_1018, %get3A_839 : vector<16xf32>
          %min3A_1020 = vector.broadcast %get3A_520 : f32 to vector<16xf32>
          %min3A_1021 = arith.minimumf %min3A_1020, %get3A_842 : vector<16xf32>
          %min3A_1022 = vector.broadcast %get3A_522 : f32 to vector<16xf32>
          %min3A_1023 = arith.minimumf %min3A_1022, %get3A_845 : vector<16xf32>
          %sub3A_1024 = arith.subf %min3A_1021, %max3A_1017 : vector<16xf32>
          %max3A_1025 = arith.constant 0.000000e+00 : f32
          %max3A_1026 = vector.broadcast %max3A_1025 : f32 to vector<16xf32>
          %max3A_1027 = arith.maximumf %sub3A_1024, %max3A_1026 : vector<16xf32>
          %sub3A_1028 = arith.subf %min3A_1023, %max3A_1019 : vector<16xf32>
          %max3A_1029 = arith.constant 0.000000e+00 : f32
          %max3A_1030 = vector.broadcast %max3A_1029 : f32 to vector<16xf32>
          %max3A_1031 = arith.maximumf %sub3A_1028, %max3A_1030 : vector<16xf32>
          %mul3A_1032 = arith.mulf %max3A_1027, %max3A_1031 : vector<16xf32>
          %add3A_1033 = vector.broadcast %get3A_524 : f32 to vector<16xf32>
          %add3A_1034 = arith.addf %add3A_1033, %get3A_848 : vector<16xf32>
          %sub3A_1035 = arith.subf %add3A_1034, %mul3A_1032 : vector<16xf32>
          %add3A_1036 = arith.constant 9.99999971E-10 : f32
          %add3A_1037 = vector.broadcast %add3A_1036 : f32 to vector<16xf32>
          %add3A_1038 = arith.addf %sub3A_1035, %add3A_1037 : vector<16xf32>
          %div3A_1039 = arith.divf %mul3A_1032, %add3A_1038 : vector<16xf32>
          %gt3A_1040 = arith.constant 3.000000e-01 : f32
          %gt3A_1041 = vector.broadcast %gt3A_1040 : f32 to vector<16xf32>
          %gt3A_1042 = arith.cmpf ogt, %div3A_1039, %gt3A_1041 : vector<16xf32>
          %or3A_1043 = arith.ori %or3A_1015, %gt3A_1042 : vector<16xi1>
          %max3A_1044 = vector.broadcast %get3A_530 : f32 to vector<16xf32>
          %max3A_1045 = arith.maximumf %max3A_1044, %get3A_836 : vector<16xf32>
          %max3A_1046 = vector.broadcast %get3A_532 : f32 to vector<16xf32>
          %max3A_1047 = arith.maximumf %max3A_1046, %get3A_839 : vector<16xf32>
          %min3A_1048 = vector.broadcast %get3A_534 : f32 to vector<16xf32>
          %min3A_1049 = arith.minimumf %min3A_1048, %get3A_842 : vector<16xf32>
          %min3A_1050 = vector.broadcast %get3A_536 : f32 to vector<16xf32>
          %min3A_1051 = arith.minimumf %min3A_1050, %get3A_845 : vector<16xf32>
          %sub3A_1052 = arith.subf %min3A_1049, %max3A_1045 : vector<16xf32>
          %max3A_1053 = arith.constant 0.000000e+00 : f32
          %max3A_1054 = vector.broadcast %max3A_1053 : f32 to vector<16xf32>
          %max3A_1055 = arith.maximumf %sub3A_1052, %max3A_1054 : vector<16xf32>
          %sub3A_1056 = arith.subf %min3A_1051, %max3A_1047 : vector<16xf32>
          %max3A_1057 = arith.constant 0.000000e+00 : f32
          %max3A_1058 = vector.broadcast %max3A_1057 : f32 to vector<16xf32>
          %max3A_1059 = arith.maximumf %sub3A_1056, %max3A_1058 : vector<16xf32>
          %mul3A_1060 = arith.mulf %max3A_1055, %max3A_1059 : vector<16xf32>
          %add3A_1061 = vector.broadcast %get3A_538 : f32 to vector<16xf32>
          %add3A_1062 = arith.addf %add3A_1061, %get3A_848 : vector<16xf32>
          %sub3A_1063 = arith.subf %add3A_1062, %mul3A_1060 : vector<16xf32>
          %add3A_1064 = arith.constant 9.99999971E-10 : f32
          %add3A_1065 = vector.broadcast %add3A_1064 : f32 to vector<16xf32>
          %add3A_1066 = arith.addf %sub3A_1063, %add3A_1065 : vector<16xf32>
          %div3A_1067 = arith.divf %mul3A_1060, %add3A_1066 : vector<16xf32>
          %gt3A_1068 = arith.constant 3.000000e-01 : f32
          %gt3A_1069 = vector.broadcast %gt3A_1068 : f32 to vector<16xf32>
          %gt3A_1070 = arith.cmpf ogt, %div3A_1067, %gt3A_1069 : vector<16xf32>
          %or3A_1071 = arith.ori %or3A_1043, %gt3A_1070 : vector<16xi1>
          %get3A_1072 = arith.index_cast %mul3A_833 : i32 to index
          %get3A_1073 = tpu.vector_load %arg31[%get3A_1072] {strides = array<i32>} : memref<1280xf32, #tpu.memory_space<vmem>>, vector<16xf32>,
          %get3A_1074 = vector.shape_cast %get3A_1073 : vector<16xf32> to vector<16xf32>
          %jit3A_1075 = arith.constant 0.000000e+00 : f32
          %broadcast_in_dim3A_1076 = vector.broadcast %jit3A_1075 : f32 to vector<16xf32>
          %select_n3A_1077 = arith.select %or3A_1071, %broadcast_in_dim3A_1076, %get3A_1074 : vector<16xi1>, vector<16xf32>
          %swap3A_1078 = arith.index_cast %mul3A_833 : i32 to index
          %swap3A_1079 = tpu.vector_load %arg31[%swap3A_1078] {strides = array<i32>} : memref<1280xf32, #tpu.memory_space<vmem>>, vector<16xf32>,
          %swap3A_1080 = vector.shape_cast %swap3A_1079 : vector<16xf32> to vector<16xf32>
          %swap3A_1081 = vector.shape_cast %select_n3A_1077 : vector<16xf32> to vector<16xf32>
          tpu.vector_store %arg31[%swap3A_1078], %swap3A_1081 {strides = array<i32>} : memref<1280xf32, #tpu.memory_space<vmem>>, vector<16xf32>,
          %while3A_1082 = arith.constant 0 : i32
          scf.yield %while3A_1082 : i32
        }
        %while3A_575 = arith.constant 1 : i32
        %while3A_576 = scf.for %while3A_578 = %while3A_572 to %while3A_568 step %while3A_575 iter_args(%while3A_579 = %while3A_574) -> (i32)  : i32 {
          %mul3A_580 = arith.constant 2 : i32
          %mul3A_581 = arith.muli %while3A_578, %mul3A_580 : i32
          %add3A_582 = arith.constant 0 : i32
          %add3A_583 = arith.addi %mul3A_581, %add3A_582 : i32
          %mul3A_584 = arith.constant 16 : i32
          %mul3A_585 = arith.muli %add3A_583, %mul3A_584 : i32
          %get3A_586 = arith.index_cast %mul3A_585 : i32 to index
          %get3A_587 = tpu.vector_load %arg26[%get3A_586] {strides = array<i32>} : memref<1280xf32, #tpu.memory_space<vmem>>, vector<16xf32>,
          %get3A_588 = vector.shape_cast %get3A_587 : vector<16xf32> to vector<16xf32>
          %get3A_589 = arith.index_cast %mul3A_585 : i32 to index
          %get3A_590 = tpu.vector_load %arg27[%get3A_589] {strides = array<i32>} : memref<1280xf32, #tpu.memory_space<vmem>>, vector<16xf32>,
          %get3A_591 = vector.shape_cast %get3A_590 : vector<16xf32> to vector<16xf32>
          %get3A_592 = arith.index_cast %mul3A_585 : i32 to index
          %get3A_593 = tpu.vector_load %arg28[%get3A_592] {strides = array<i32>} : memref<1280xf32, #tpu.memory_space<vmem>>, vector<16xf32>,
          %get3A_594 = vector.shape_cast %get3A_593 : vector<16xf32> to vector<16xf32>
          %get3A_595 = arith.index_cast %mul3A_585 : i32 to index
          %get3A_596 = tpu.vector_load %arg29[%get3A_595] {strides = array<i32>} : memref<1280xf32, #tpu.memory_space<vmem>>, vector<16xf32>,
          %get3A_597 = vector.shape_cast %get3A_596 : vector<16xf32> to vector<16xf32>
          %get3A_598 = arith.index_cast %mul3A_585 : i32 to index
          %get3A_599 = tpu.vector_load %arg30[%get3A_598] {strides = array<i32>} : memref<1280xf32, #tpu.memory_space<vmem>>, vector<16xf32>,
          %get3A_600 = vector.shape_cast %get3A_599 : vector<16xf32> to vector<16xf32>
          %max3A = vector.broadcast %get3A_432 : f32 to vector<16xf32>
          %max3A_601 = arith.maximumf %max3A, %get3A_588 : vector<16xf32>
          %max3A_602 = vector.broadcast %get3A_434 : f32 to vector<16xf32>
          %max3A_603 = arith.maximumf %max3A_602, %get3A_591 : vector<16xf32>
          %min3A = vector.broadcast %get3A_436 : f32 to vector<16xf32>
          %min3A_604 = arith.minimumf %min3A, %get3A_594 : vector<16xf32>
          %min3A_605 = vector.broadcast %get3A_438 : f32 to vector<16xf32>
          %min3A_606 = arith.minimumf %min3A_605, %get3A_597 : vector<16xf32>
          %sub3A_607 = arith.subf %min3A_604, %max3A_601 : vector<16xf32>
          %max3A_608 = arith.constant 0.000000e+00 : f32
          %max3A_609 = vector.broadcast %max3A_608 : f32 to vector<16xf32>
          %max3A_610 = arith.maximumf %sub3A_607, %max3A_609 : vector<16xf32>
          %sub3A_611 = arith.subf %min3A_606, %max3A_603 : vector<16xf32>
          %max3A_612 = arith.constant 0.000000e+00 : f32
          %max3A_613 = vector.broadcast %max3A_612 : f32 to vector<16xf32>
          %max3A_614 = arith.maximumf %sub3A_611, %max3A_613 : vector<16xf32>
          %mul3A_615 = arith.mulf %max3A_610, %max3A_614 : vector<16xf32>
          %add3A_616 = vector.broadcast %get3A_440 : f32 to vector<16xf32>
          %add3A_617 = arith.addf %add3A_616, %get3A_600 : vector<16xf32>
          %sub3A_618 = arith.subf %add3A_617, %mul3A_615 : vector<16xf32>
          %add3A_619 = arith.constant 9.99999971E-10 : f32
          %add3A_620 = vector.broadcast %add3A_619 : f32 to vector<16xf32>
          %add3A_621 = arith.addf %sub3A_618, %add3A_620 : vector<16xf32>
          %div3A_622 = arith.divf %mul3A_615, %add3A_621 : vector<16xf32>
          %gt3A = arith.constant 3.000000e-01 : f32
          %gt3A_623 = vector.broadcast %gt3A : f32 to vector<16xf32>
          %gt3A_624 = arith.cmpf ogt, %div3A_622, %gt3A_623 : vector<16xf32>
          %max3A_625 = vector.broadcast %get3A_446 : f32 to vector<16xf32>
          %max3A_626 = arith.maximumf %max3A_625, %get3A_588 : vector<16xf32>
          %max3A_627 = vector.broadcast %get3A_448 : f32 to vector<16xf32>
          %max3A_628 = arith.maximumf %max3A_627, %get3A_591 : vector<16xf32>
          %min3A_629 = vector.broadcast %get3A_450 : f32 to vector<16xf32>
          %min3A_630 = arith.minimumf %min3A_629, %get3A_594 : vector<16xf32>
          %min3A_631 = vector.broadcast %get3A_452 : f32 to vector<16xf32>
          %min3A_632 = arith.minimumf %min3A_631, %get3A_597 : vector<16xf32>
          %sub3A_633 = arith.subf %min3A_630, %max3A_626 : vector<16xf32>
          %max3A_634 = arith.constant 0.000000e+00 : f32
          %max3A_635 = vector.broadcast %max3A_634 : f32 to vector<16xf32>
          %max3A_636 = arith.maximumf %sub3A_633, %max3A_635 : vector<16xf32>
          %sub3A_637 = arith.subf %min3A_632, %max3A_628 : vector<16xf32>
          %max3A_638 = arith.constant 0.000000e+00 : f32
          %max3A_639 = vector.broadcast %max3A_638 : f32 to vector<16xf32>
          %max3A_640 = arith.maximumf %sub3A_637, %max3A_639 : vector<16xf32>
          %mul3A_641 = arith.mulf %max3A_636, %max3A_640 : vector<16xf32>
          %add3A_642 = vector.broadcast %get3A_454 : f32 to vector<16xf32>
          %add3A_643 = arith.addf %add3A_642, %get3A_600 : vector<16xf32>
          %sub3A_644 = arith.subf %add3A_643, %mul3A_641 : vector<16xf32>
          %add3A_645 = arith.constant 9.99999971E-10 : f32
          %add3A_646 = vector.broadcast %add3A_645 : f32 to vector<16xf32>
          %add3A_647 = arith.addf %sub3A_644, %add3A_646 : vector<16xf32>
          %div3A_648 = arith.divf %mul3A_641, %add3A_647 : vector<16xf32>
          %gt3A_649 = arith.constant 3.000000e-01 : f32
          %gt3A_650 = vector.broadcast %gt3A_649 : f32 to vector<16xf32>
          %gt3A_651 = arith.cmpf ogt, %div3A_648, %gt3A_650 : vector<16xf32>
          %or3A = arith.ori %gt3A_624, %gt3A_651 : vector<16xi1>
          %max3A_652 = vector.broadcast %get3A_460 : f32 to vector<16xf32>
          %max3A_653 = arith.maximumf %max3A_652, %get3A_588 : vector<16xf32>
          %max3A_654 = vector.broadcast %get3A_462 : f32 to vector<16xf32>
          %max3A_655 = arith.maximumf %max3A_654, %get3A_591 : vector<16xf32>
          %min3A_656 = vector.broadcast %get3A_464 : f32 to vector<16xf32>
          %min3A_657 = arith.minimumf %min3A_656, %get3A_594 : vector<16xf32>
          %min3A_658 = vector.broadcast %get3A_466 : f32 to vector<16xf32>
          %min3A_659 = arith.minimumf %min3A_658, %get3A_597 : vector<16xf32>
          %sub3A_660 = arith.subf %min3A_657, %max3A_653 : vector<16xf32>
          %max3A_661 = arith.constant 0.000000e+00 : f32
          %max3A_662 = vector.broadcast %max3A_661 : f32 to vector<16xf32>
          %max3A_663 = arith.maximumf %sub3A_660, %max3A_662 : vector<16xf32>
          %sub3A_664 = arith.subf %min3A_659, %max3A_655 : vector<16xf32>
          %max3A_665 = arith.constant 0.000000e+00 : f32
          %max3A_666 = vector.broadcast %max3A_665 : f32 to vector<16xf32>
          %max3A_667 = arith.maximumf %sub3A_664, %max3A_666 : vector<16xf32>
          %mul3A_668 = arith.mulf %max3A_663, %max3A_667 : vector<16xf32>
          %add3A_669 = vector.broadcast %get3A_468 : f32 to vector<16xf32>
          %add3A_670 = arith.addf %add3A_669, %get3A_600 : vector<16xf32>
          %sub3A_671 = arith.subf %add3A_670, %mul3A_668 : vector<16xf32>
          %add3A_672 = arith.constant 9.99999971E-10 : f32
          %add3A_673 = vector.broadcast %add3A_672 : f32 to vector<16xf32>
          %add3A_674 = arith.addf %sub3A_671, %add3A_673 : vector<16xf32>
          %div3A_675 = arith.divf %mul3A_668, %add3A_674 : vector<16xf32>
          %gt3A_676 = arith.constant 3.000000e-01 : f32
          %gt3A_677 = vector.broadcast %gt3A_676 : f32 to vector<16xf32>
          %gt3A_678 = arith.cmpf ogt, %div3A_675, %gt3A_677 : vector<16xf32>
          %or3A_679 = arith.ori %or3A, %gt3A_678 : vector<16xi1>
          %max3A_680 = vector.broadcast %get3A_474 : f32 to vector<16xf32>
          %max3A_681 = arith.maximumf %max3A_680, %get3A_588 : vector<16xf32>
          %max3A_682 = vector.broadcast %get3A_476 : f32 to vector<16xf32>
          %max3A_683 = arith.maximumf %max3A_682, %get3A_591 : vector<16xf32>
          %min3A_684 = vector.broadcast %get3A_478 : f32 to vector<16xf32>
          %min3A_685 = arith.minimumf %min3A_684, %get3A_594 : vector<16xf32>
          %min3A_686 = vector.broadcast %get3A_480 : f32 to vector<16xf32>
          %min3A_687 = arith.minimumf %min3A_686, %get3A_597 : vector<16xf32>
          %sub3A_688 = arith.subf %min3A_685, %max3A_681 : vector<16xf32>
          %max3A_689 = arith.constant 0.000000e+00 : f32
          %max3A_690 = vector.broadcast %max3A_689 : f32 to vector<16xf32>
          %max3A_691 = arith.maximumf %sub3A_688, %max3A_690 : vector<16xf32>
          %sub3A_692 = arith.subf %min3A_687, %max3A_683 : vector<16xf32>
          %max3A_693 = arith.constant 0.000000e+00 : f32
          %max3A_694 = vector.broadcast %max3A_693 : f32 to vector<16xf32>
          %max3A_695 = arith.maximumf %sub3A_692, %max3A_694 : vector<16xf32>
          %mul3A_696 = arith.mulf %max3A_691, %max3A_695 : vector<16xf32>
          %add3A_697 = vector.broadcast %get3A_482 : f32 to vector<16xf32>
          %add3A_698 = arith.addf %add3A_697, %get3A_600 : vector<16xf32>
          %sub3A_699 = arith.subf %add3A_698, %mul3A_696 : vector<16xf32>
          %add3A_700 = arith.constant 9.99999971E-10 : f32
          %add3A_701 = vector.broadcast %add3A_700 : f32 to vector<16xf32>
          %add3A_702 = arith.addf %sub3A_699, %add3A_701 : vector<16xf32>
          %div3A_703 = arith.divf %mul3A_696, %add3A_702 : vector<16xf32>
          %gt3A_704 = arith.constant 3.000000e-01 : f32
          %gt3A_705 = vector.broadcast %gt3A_704 : f32 to vector<16xf32>
          %gt3A_706 = arith.cmpf ogt, %div3A_703, %gt3A_705 : vector<16xf32>
          %or3A_707 = arith.ori %or3A_679, %gt3A_706 : vector<16xi1>
          %max3A_708 = vector.broadcast %get3A_488 : f32 to vector<16xf32>
          %max3A_709 = arith.maximumf %max3A_708, %get3A_588 : vector<16xf32>
          %max3A_710 = vector.broadcast %get3A_490 : f32 to vector<16xf32>
          %max3A_711 = arith.maximumf %max3A_710, %get3A_591 : vector<16xf32>
          %min3A_712 = vector.broadcast %get3A_492 : f32 to vector<16xf32>
          %min3A_713 = arith.minimumf %min3A_712, %get3A_594 : vector<16xf32>
          %min3A_714 = vector.broadcast %get3A_494 : f32 to vector<16xf32>
          %min3A_715 = arith.minimumf %min3A_714, %get3A_597 : vector<16xf32>
          %sub3A_716 = arith.subf %min3A_713, %max3A_709 : vector<16xf32>
          %max3A_717 = arith.constant 0.000000e+00 : f32
          %max3A_718 = vector.broadcast %max3A_717 : f32 to vector<16xf32>
          %max3A_719 = arith.maximumf %sub3A_716, %max3A_718 : vector<16xf32>
          %sub3A_720 = arith.subf %min3A_715, %max3A_711 : vector<16xf32>
          %max3A_721 = arith.constant 0.000000e+00 : f32
          %max3A_722 = vector.broadcast %max3A_721 : f32 to vector<16xf32>
          %max3A_723 = arith.maximumf %sub3A_720, %max3A_722 : vector<16xf32>
          %mul3A_724 = arith.mulf %max3A_719, %max3A_723 : vector<16xf32>
          %add3A_725 = vector.broadcast %get3A_496 : f32 to vector<16xf32>
          %add3A_726 = arith.addf %add3A_725, %get3A_600 : vector<16xf32>
          %sub3A_727 = arith.subf %add3A_726, %mul3A_724 : vector<16xf32>
          %add3A_728 = arith.constant 9.99999971E-10 : f32
          %add3A_729 = vector.broadcast %add3A_728 : f32 to vector<16xf32>
          %add3A_730 = arith.addf %sub3A_727, %add3A_729 : vector<16xf32>
          %div3A_731 = arith.divf %mul3A_724, %add3A_730 : vector<16xf32>
          %gt3A_732 = arith.constant 3.000000e-01 : f32
          %gt3A_733 = vector.broadcast %gt3A_732 : f32 to vector<16xf32>
          %gt3A_734 = arith.cmpf ogt, %div3A_731, %gt3A_733 : vector<16xf32>
          %or3A_735 = arith.ori %or3A_707, %gt3A_734 : vector<16xi1>
          %max3A_736 = vector.broadcast %get3A_502 : f32 to vector<16xf32>
          %max3A_737 = arith.maximumf %max3A_736, %get3A_588 : vector<16xf32>
          %max3A_738 = vector.broadcast %get3A_504 : f32 to vector<16xf32>
          %max3A_739 = arith.maximumf %max3A_738, %get3A_591 : vector<16xf32>
          %min3A_740 = vector.broadcast %get3A_506 : f32 to vector<16xf32>
          %min3A_741 = arith.minimumf %min3A_740, %get3A_594 : vector<16xf32>
          %min3A_742 = vector.broadcast %get3A_508 : f32 to vector<16xf32>
          %min3A_743 = arith.minimumf %min3A_742, %get3A_597 : vector<16xf32>
          %sub3A_744 = arith.subf %min3A_741, %max3A_737 : vector<16xf32>
          %max3A_745 = arith.constant 0.000000e+00 : f32
          %max3A_746 = vector.broadcast %max3A_745 : f32 to vector<16xf32>
          %max3A_747 = arith.maximumf %sub3A_744, %max3A_746 : vector<16xf32>
          %sub3A_748 = arith.subf %min3A_743, %max3A_739 : vector<16xf32>
          %max3A_749 = arith.constant 0.000000e+00 : f32
          %max3A_750 = vector.broadcast %max3A_749 : f32 to vector<16xf32>
          %max3A_751 = arith.maximumf %sub3A_748, %max3A_750 : vector<16xf32>
          %mul3A_752 = arith.mulf %max3A_747, %max3A_751 : vector<16xf32>
          %add3A_753 = vector.broadcast %get3A_510 : f32 to vector<16xf32>
          %add3A_754 = arith.addf %add3A_753, %get3A_600 : vector<16xf32>
          %sub3A_755 = arith.subf %add3A_754, %mul3A_752 : vector<16xf32>
          %add3A_756 = arith.constant 9.99999971E-10 : f32
          %add3A_757 = vector.broadcast %add3A_756 : f32 to vector<16xf32>
          %add3A_758 = arith.addf %sub3A_755, %add3A_757 : vector<16xf32>
          %div3A_759 = arith.divf %mul3A_752, %add3A_758 : vector<16xf32>
          %gt3A_760 = arith.constant 3.000000e-01 : f32
          %gt3A_761 = vector.broadcast %gt3A_760 : f32 to vector<16xf32>
          %gt3A_762 = arith.cmpf ogt, %div3A_759, %gt3A_761 : vector<16xf32>
          %or3A_763 = arith.ori %or3A_735, %gt3A_762 : vector<16xi1>
          %max3A_764 = vector.broadcast %get3A_516 : f32 to vector<16xf32>
          %max3A_765 = arith.maximumf %max3A_764, %get3A_588 : vector<16xf32>
          %max3A_766 = vector.broadcast %get3A_518 : f32 to vector<16xf32>
          %max3A_767 = arith.maximumf %max3A_766, %get3A_591 : vector<16xf32>
          %min3A_768 = vector.broadcast %get3A_520 : f32 to vector<16xf32>
          %min3A_769 = arith.minimumf %min3A_768, %get3A_594 : vector<16xf32>
          %min3A_770 = vector.broadcast %get3A_522 : f32 to vector<16xf32>
          %min3A_771 = arith.minimumf %min3A_770, %get3A_597 : vector<16xf32>
          %sub3A_772 = arith.subf %min3A_769, %max3A_765 : vector<16xf32>
          %max3A_773 = arith.constant 0.000000e+00 : f32
          %max3A_774 = vector.broadcast %max3A_773 : f32 to vector<16xf32>
          %max3A_775 = arith.maximumf %sub3A_772, %max3A_774 : vector<16xf32>
          %sub3A_776 = arith.subf %min3A_771, %max3A_767 : vector<16xf32>
          %max3A_777 = arith.constant 0.000000e+00 : f32
          %max3A_778 = vector.broadcast %max3A_777 : f32 to vector<16xf32>
          %max3A_779 = arith.maximumf %sub3A_776, %max3A_778 : vector<16xf32>
          %mul3A_780 = arith.mulf %max3A_775, %max3A_779 : vector<16xf32>
          %add3A_781 = vector.broadcast %get3A_524 : f32 to vector<16xf32>
          %add3A_782 = arith.addf %add3A_781, %get3A_600 : vector<16xf32>
          %sub3A_783 = arith.subf %add3A_782, %mul3A_780 : vector<16xf32>
          %add3A_784 = arith.constant 9.99999971E-10 : f32
          %add3A_785 = vector.broadcast %add3A_784 : f32 to vector<16xf32>
          %add3A_786 = arith.addf %sub3A_783, %add3A_785 : vector<16xf32>
          %div3A_787 = arith.divf %mul3A_780, %add3A_786 : vector<16xf32>
          %gt3A_788 = arith.constant 3.000000e-01 : f32
          %gt3A_789 = vector.broadcast %gt3A_788 : f32 to vector<16xf32>
          %gt3A_790 = arith.cmpf ogt, %div3A_787, %gt3A_789 : vector<16xf32>
          %or3A_791 = arith.ori %or3A_763, %gt3A_790 : vector<16xi1>
          %max3A_792 = vector.broadcast %get3A_530 : f32 to vector<16xf32>
          %max3A_793 = arith.maximumf %max3A_792, %get3A_588 : vector<16xf32>
          %max3A_794 = vector.broadcast %get3A_532 : f32 to vector<16xf32>
          %max3A_795 = arith.maximumf %max3A_794, %get3A_591 : vector<16xf32>
          %min3A_796 = vector.broadcast %get3A_534 : f32 to vector<16xf32>
          %min3A_797 = arith.minimumf %min3A_796, %get3A_594 : vector<16xf32>
          %min3A_798 = vector.broadcast %get3A_536 : f32 to vector<16xf32>
          %min3A_799 = arith.minimumf %min3A_798, %get3A_597 : vector<16xf32>
          %sub3A_800 = arith.subf %min3A_797, %max3A_793 : vector<16xf32>
          %max3A_801 = arith.constant 0.000000e+00 : f32
          %max3A_802 = vector.broadcast %max3A_801 : f32 to vector<16xf32>
          %max3A_803 = arith.maximumf %sub3A_800, %max3A_802 : vector<16xf32>
          %sub3A_804 = arith.subf %min3A_799, %max3A_795 : vector<16xf32>
          %max3A_805 = arith.constant 0.000000e+00 : f32
          %max3A_806 = vector.broadcast %max3A_805 : f32 to vector<16xf32>
          %max3A_807 = arith.maximumf %sub3A_804, %max3A_806 : vector<16xf32>
          %mul3A_808 = arith.mulf %max3A_803, %max3A_807 : vector<16xf32>
          %add3A_809 = vector.broadcast %get3A_538 : f32 to vector<16xf32>
          %add3A_810 = arith.addf %add3A_809, %get3A_600 : vector<16xf32>
          %sub3A_811 = arith.subf %add3A_810, %mul3A_808 : vector<16xf32>
          %add3A_812 = arith.constant 9.99999971E-10 : f32
          %add3A_813 = vector.broadcast %add3A_812 : f32 to vector<16xf32>
          %add3A_814 = arith.addf %sub3A_811, %add3A_813 : vector<16xf32>
          %div3A_815 = arith.divf %mul3A_808, %add3A_814 : vector<16xf32>
          %gt3A_816 = arith.constant 3.000000e-01 : f32
          %gt3A_817 = vector.broadcast %gt3A_816 : f32 to vector<16xf32>
          %gt3A_818 = arith.cmpf ogt, %div3A_815, %gt3A_817 : vector<16xf32>
          %or3A_819 = arith.ori %or3A_791, %gt3A_818 : vector<16xi1>
          %get3A_820 = arith.index_cast %mul3A_585 : i32 to index
          %get3A_821 = tpu.vector_load %arg31[%get3A_820] {strides = array<i32>} : memref<1280xf32, #tpu.memory_space<vmem>>, vector<16xf32>,
          %get3A_822 = vector.shape_cast %get3A_821 : vector<16xf32> to vector<16xf32>
          %jit3A_823 = arith.constant 0.000000e+00 : f32
          %broadcast_in_dim3A = vector.broadcast %jit3A_823 : f32 to vector<16xf32>
          %select_n3A_824 = arith.select %or3A_819, %broadcast_in_dim3A, %get3A_822 : vector<16xi1>, vector<16xf32>
          %swap3A = arith.index_cast %mul3A_585 : i32 to index
          %swap3A_825 = tpu.vector_load %arg31[%swap3A] {strides = array<i32>} : memref<1280xf32, #tpu.memory_space<vmem>>, vector<16xf32>,
          %swap3A_826 = vector.shape_cast %swap3A_825 : vector<16xf32> to vector<16xf32>
          %swap3A_827 = vector.shape_cast %select_n3A_824 : vector<16xf32> to vector<16xf32>
          tpu.vector_store %arg31[%swap3A], %swap3A_827 {strides = array<i32>} : memref<1280xf32, #tpu.memory_space<vmem>>, vector<16xf32>,
          %mul3A_828 = arith.constant 2 : i32
          %mul3A_829 = arith.muli %while3A_578, %mul3A_828 : i32
          %add3A_830 = arith.constant 1 : i32
          %add3A_831 = arith.addi %mul3A_829, %add3A_830 : i32
          %mul3A_832 = arith.constant 16 : i32
          %mul3A_833 = arith.muli %add3A_831, %mul3A_832 : i32
          %get3A_834 = arith.index_cast %mul3A_833 : i32 to index
          %get3A_835 = tpu.vector_load %arg26[%get3A_834] {strides = array<i32>} : memref<1280xf32, #tpu.memory_space<vmem>>, vector<16xf32>,
          %get3A_836 = vector.shape_cast %get3A_835 : vector<16xf32> to vector<16xf32>
          %get3A_837 = arith.index_cast %mul3A_833 : i32 to index
          %get3A_838 = tpu.vector_load %arg27[%get3A_837] {strides = array<i32>} : memref<1280xf32, #tpu.memory_space<vmem>>, vector<16xf32>,
          %get3A_839 = vector.shape_cast %get3A_838 : vector<16xf32> to vector<16xf32>
          %get3A_840 = arith.index_cast %mul3A_833 : i32 to index
          %get3A_841 = tpu.vector_load %arg28[%get3A_840] {strides = array<i32>} : memref<1280xf32, #tpu.memory_space<vmem>>, vector<16xf32>,
          %get3A_842 = vector.shape_cast %get3A_841 : vector<16xf32> to vector<16xf32>
          %get3A_843 = arith.index_cast %mul3A_833 : i32 to index
          %get3A_844 = tpu.vector_load %arg29[%get3A_843] {strides = array<i32>} : memref<1280xf32, #tpu.memory_space<vmem>>, vector<16xf32>,
          %get3A_845 = vector.shape_cast %get3A_844 : vector<16xf32> to vector<16xf32>
          %get3A_846 = arith.index_cast %mul3A_833 : i32 to index
          %get3A_847 = tpu.vector_load %arg30[%get3A_846] {strides = array<i32>} : memref<1280xf32, #tpu.memory_space<vmem>>, vector<16xf32>,
          %get3A_848 = vector.shape_cast %get3A_847 : vector<16xf32> to vector<16xf32>
          %max3A_849 = vector.broadcast %get3A_432 : f32 to vector<16xf32>
          %max3A_850 = arith.maximumf %max3A_849, %get3A_836 : vector<16xf32>
          %max3A_851 = vector.broadcast %get3A_434 : f32 to vector<16xf32>
          %max3A_852 = arith.maximumf %max3A_851, %get3A_839 : vector<16xf32>
          %min3A_853 = vector.broadcast %get3A_436 : f32 to vector<16xf32>
          %min3A_854 = arith.minimumf %min3A_853, %get3A_842 : vector<16xf32>
          %min3A_855 = vector.broadcast %get3A_438 : f32 to vector<16xf32>
          %min3A_856 = arith.minimumf %min3A_855, %get3A_845 : vector<16xf32>
          %sub3A_857 = arith.subf %min3A_854, %max3A_850 : vector<16xf32>
          %max3A_858 = arith.constant 0.000000e+00 : f32
          %max3A_859 = vector.broadcast %max3A_858 : f32 to vector<16xf32>
          %max3A_860 = arith.maximumf %sub3A_857, %max3A_859 : vector<16xf32>
          %sub3A_861 = arith.subf %min3A_856, %max3A_852 : vector<16xf32>
          %max3A_862 = arith.constant 0.000000e+00 : f32
          %max3A_863 = vector.broadcast %max3A_862 : f32 to vector<16xf32>
          %max3A_864 = arith.maximumf %sub3A_861, %max3A_863 : vector<16xf32>
          %mul3A_865 = arith.mulf %max3A_860, %max3A_864 : vector<16xf32>
          %add3A_866 = vector.broadcast %get3A_440 : f32 to vector<16xf32>
          %add3A_867 = arith.addf %add3A_866, %get3A_848 : vector<16xf32>
          %sub3A_868 = arith.subf %add3A_867, %mul3A_865 : vector<16xf32>
          %add3A_869 = arith.constant 9.99999971E-10 : f32
          %add3A_870 = vector.broadcast %add3A_869 : f32 to vector<16xf32>
          %add3A_871 = arith.addf %sub3A_868, %add3A_870 : vector<16xf32>
          %div3A_872 = arith.divf %mul3A_865, %add3A_871 : vector<16xf32>
          %gt3A_873 = arith.constant 3.000000e-01 : f32
          %gt3A_874 = vector.broadcast %gt3A_873 : f32 to vector<16xf32>
          %gt3A_875 = arith.cmpf ogt, %div3A_872, %gt3A_874 : vector<16xf32>
          %max3A_876 = vector.broadcast %get3A_446 : f32 to vector<16xf32>
          %max3A_877 = arith.maximumf %max3A_876, %get3A_836 : vector<16xf32>
          %max3A_878 = vector.broadcast %get3A_448 : f32 to vector<16xf32>
          %max3A_879 = arith.maximumf %max3A_878, %get3A_839 : vector<16xf32>
          %min3A_880 = vector.broadcast %get3A_450 : f32 to vector<16xf32>
          %min3A_881 = arith.minimumf %min3A_880, %get3A_842 : vector<16xf32>
          %min3A_882 = vector.broadcast %get3A_452 : f32 to vector<16xf32>
          %min3A_883 = arith.minimumf %min3A_882, %get3A_845 : vector<16xf32>
          %sub3A_884 = arith.subf %min3A_881, %max3A_877 : vector<16xf32>
          %max3A_885 = arith.constant 0.000000e+00 : f32
          %max3A_886 = vector.broadcast %max3A_885 : f32 to vector<16xf32>
          %max3A_887 = arith.maximumf %sub3A_884, %max3A_886 : vector<16xf32>
          %sub3A_888 = arith.subf %min3A_883, %max3A_879 : vector<16xf32>
          %max3A_889 = arith.constant 0.000000e+00 : f32
          %max3A_890 = vector.broadcast %max3A_889 : f32 to vector<16xf32>
          %max3A_891 = arith.maximumf %sub3A_888, %max3A_890 : vector<16xf32>
          %mul3A_892 = arith.mulf %max3A_887, %max3A_891 : vector<16xf32>
          %add3A_893 = vector.broadcast %get3A_454 : f32 to vector<16xf32>
          %add3A_894 = arith.addf %add3A_893, %get3A_848 : vector<16xf32>
          %sub3A_895 = arith.subf %add3A_894, %mul3A_892 : vector<16xf32>
          %add3A_896 = arith.constant 9.99999971E-10 : f32
          %add3A_897 = vector.broadcast %add3A_896 : f32 to vector<16xf32>
          %add3A_898 = arith.addf %sub3A_895, %add3A_897 : vector<16xf32>
          %div3A_899 = arith.divf %mul3A_892, %add3A_898 : vector<16xf32>
          %gt3A_900 = arith.constant 3.000000e-01 : f32
          %gt3A_901 = vector.broadcast %gt3A_900 : f32 to vector<16xf32>
          %gt3A_902 = arith.cmpf ogt, %div3A_899, %gt3A_901 : vector<16xf32>
          %or3A_903 = arith.ori %gt3A_875, %gt3A_902 : vector<16xi1>
          %max3A_904 = vector.broadcast %get3A_460 : f32 to vector<16xf32>
          %max3A_905 = arith.maximumf %max3A_904, %get3A_836 : vector<16xf32>
          %max3A_906 = vector.broadcast %get3A_462 : f32 to vector<16xf32>
          %max3A_907 = arith.maximumf %max3A_906, %get3A_839 : vector<16xf32>
          %min3A_908 = vector.broadcast %get3A_464 : f32 to vector<16xf32>
          %min3A_909 = arith.minimumf %min3A_908, %get3A_842 : vector<16xf32>
          %min3A_910 = vector.broadcast %get3A_466 : f32 to vector<16xf32>
          %min3A_911 = arith.minimumf %min3A_910, %get3A_845 : vector<16xf32>
          %sub3A_912 = arith.subf %min3A_909, %max3A_905 : vector<16xf32>
          %max3A_913 = arith.constant 0.000000e+00 : f32
          %max3A_914 = vector.broadcast %max3A_913 : f32 to vector<16xf32>
          %max3A_915 = arith.maximumf %sub3A_912, %max3A_914 : vector<16xf32>
          %sub3A_916 = arith.subf %min3A_911, %max3A_907 : vector<16xf32>
          %max3A_917 = arith.constant 0.000000e+00 : f32
          %max3A_918 = vector.broadcast %max3A_917 : f32 to vector<16xf32>
          %max3A_919 = arith.maximumf %sub3A_916, %max3A_918 : vector<16xf32>
          %mul3A_920 = arith.mulf %max3A_915, %max3A_919 : vector<16xf32>
          %add3A_921 = vector.broadcast %get3A_468 : f32 to vector<16xf32>
          %add3A_922 = arith.addf %add3A_921, %get3A_848 : vector<16xf32>
          %sub3A_923 = arith.subf %add3A_922, %mul3A_920 : vector<16xf32>
          %add3A_924 = arith.constant 9.99999971E-10 : f32
          %add3A_925 = vector.broadcast %add3A_924 : f32 to vector<16xf32>
          %add3A_926 = arith.addf %sub3A_923, %add3A_925 : vector<16xf32>
          %div3A_927 = arith.divf %mul3A_920, %add3A_926 : vector<16xf32>
          %gt3A_928 = arith.constant 3.000000e-01 : f32
          %gt3A_929 = vector.broadcast %gt3A_928 : f32 to vector<16xf32>
          %gt3A_930 = arith.cmpf ogt, %div3A_927, %gt3A_929 : vector<16xf32>
          %or3A_931 = arith.ori %or3A_903, %gt3A_930 : vector<16xi1>
          %max3A_932 = vector.broadcast %get3A_474 : f32 to vector<16xf32>
          %max3A_933 = arith.maximumf %max3A_932, %get3A_836 : vector<16xf32>
          %max3A_934 = vector.broadcast %get3A_476 : f32 to vector<16xf32>
          %max3A_935 = arith.maximumf %max3A_934, %get3A_839 : vector<16xf32>
          %min3A_936 = vector.broadcast %get3A_478 : f32 to vector<16xf32>
          %min3A_937 = arith.minimumf %min3A_936, %get3A_842 : vector<16xf32>
          %min3A_938 = vector.broadcast %get3A_480 : f32 to vector<16xf32>
          %min3A_939 = arith.minimumf %min3A_938, %get3A_845 : vector<16xf32>
          %sub3A_940 = arith.subf %min3A_937, %max3A_933 : vector<16xf32>
          %max3A_941 = arith.constant 0.000000e+00 : f32
          %max3A_942 = vector.broadcast %max3A_941 : f32 to vector<16xf32>
          %max3A_943 = arith.maximumf %sub3A_940, %max3A_942 : vector<16xf32>
          %sub3A_944 = arith.subf %min3A_939, %max3A_935 : vector<16xf32>
          %max3A_945 = arith.constant 0.000000e+00 : f32
          %max3A_946 = vector.broadcast %max3A_945 : f32 to vector<16xf32>
          %max3A_947 = arith.maximumf %sub3A_944, %max3A_946 : vector<16xf32>
          %mul3A_948 = arith.mulf %max3A_943, %max3A_947 : vector<16xf32>
          %add3A_949 = vector.broadcast %get3A_482 : f32 to vector<16xf32>
          %add3A_950 = arith.addf %add3A_949, %get3A_848 : vector<16xf32>
          %sub3A_951 = arith.subf %add3A_950, %mul3A_948 : vector<16xf32>
          %add3A_952 = arith.constant 9.99999971E-10 : f32
          %add3A_953 = vector.broadcast %add3A_952 : f32 to vector<16xf32>
          %add3A_954 = arith.addf %sub3A_951, %add3A_953 : vector<16xf32>
          %div3A_955 = arith.divf %mul3A_948, %add3A_954 : vector<16xf32>
          %gt3A_956 = arith.constant 3.000000e-01 : f32
          %gt3A_957 = vector.broadcast %gt3A_956 : f32 to vector<16xf32>
          %gt3A_958 = arith.cmpf ogt, %div3A_955, %gt3A_957 : vector<16xf32>
          %or3A_959 = arith.ori %or3A_931, %gt3A_958 : vector<16xi1>
          %max3A_960 = vector.broadcast %get3A_488 : f32 to vector<16xf32>
          %max3A_961 = arith.maximumf %max3A_960, %get3A_836 : vector<16xf32>
          %max3A_962 = vector.broadcast %get3A_490 : f32 to vector<16xf32>
          %max3A_963 = arith.maximumf %max3A_962, %get3A_839 : vector<16xf32>
          %min3A_964 = vector.broadcast %get3A_492 : f32 to vector<16xf32>
          %min3A_965 = arith.minimumf %min3A_964, %get3A_842 : vector<16xf32>
          %min3A_966 = vector.broadcast %get3A_494 : f32 to vector<16xf32>
          %min3A_967 = arith.minimumf %min3A_966, %get3A_845 : vector<16xf32>
          %sub3A_968 = arith.subf %min3A_965, %max3A_961 : vector<16xf32>
          %max3A_969 = arith.constant 0.000000e+00 : f32
          %max3A_970 = vector.broadcast %max3A_969 : f32 to vector<16xf32>
          %max3A_971 = arith.maximumf %sub3A_968, %max3A_970 : vector<16xf32>
          %sub3A_972 = arith.subf %min3A_967, %max3A_963 : vector<16xf32>
          %max3A_973 = arith.constant 0.000000e+00 : f32
          %max3A_974 = vector.broadcast %max3A_973 : f32 to vector<16xf32>
          %max3A_975 = arith.maximumf %sub3A_972, %max3A_974 : vector<16xf32>
          %mul3A_976 = arith.mulf %max3A_971, %max3A_975 : vector<16xf32>
          %add3A_977 = vector.broadcast %get3A_496 : f32 to vector<16xf32>
          %add3A_978 = arith.addf %add3A_977, %get3A_848 : vector<16xf32>
          %sub3A_979 = arith.subf %add3A_978, %mul3A_976 : vector<16xf32>
          %add3A_980 = arith.constant 9.99999971E-10 : f32
          %add3A_981 = vector.broadcast %add3A_980 : f32 to vector<16xf32>
          %add3A_982 = arith.addf %sub3A_979, %add3A_981 : vector<16xf32>
          %div3A_983 = arith.divf %mul3A_976, %add3A_982 : vector<16xf32>
          %gt3A_984 = arith.constant 3.000000e-01 : f32
          %gt3A_985 = vector.broadcast %gt3A_984 : f32 to vector<16xf32>
          %gt3A_986 = arith.cmpf ogt, %div3A_983, %gt3A_985 : vector<16xf32>
          %or3A_987 = arith.ori %or3A_959, %gt3A_986 : vector<16xi1>
          %max3A_988 = vector.broadcast %get3A_502 : f32 to vector<16xf32>
          %max3A_989 = arith.maximumf %max3A_988, %get3A_836 : vector<16xf32>
          %max3A_990 = vector.broadcast %get3A_504 : f32 to vector<16xf32>
          %max3A_991 = arith.maximumf %max3A_990, %get3A_839 : vector<16xf32>
          %min3A_992 = vector.broadcast %get3A_506 : f32 to vector<16xf32>
          %min3A_993 = arith.minimumf %min3A_992, %get3A_842 : vector<16xf32>
          %min3A_994 = vector.broadcast %get3A_508 : f32 to vector<16xf32>
          %min3A_995 = arith.minimumf %min3A_994, %get3A_845 : vector<16xf32>
          %sub3A_996 = arith.subf %min3A_993, %max3A_989 : vector<16xf32>
          %max3A_997 = arith.constant 0.000000e+00 : f32
          %max3A_998 = vector.broadcast %max3A_997 : f32 to vector<16xf32>
          %max3A_999 = arith.maximumf %sub3A_996, %max3A_998 : vector<16xf32>
          %sub3A_1000 = arith.subf %min3A_995, %max3A_991 : vector<16xf32>
          %max3A_1001 = arith.constant 0.000000e+00 : f32
          %max3A_1002 = vector.broadcast %max3A_1001 : f32 to vector<16xf32>
          %max3A_1003 = arith.maximumf %sub3A_1000, %max3A_1002 : vector<16xf32>
          %mul3A_1004 = arith.mulf %max3A_999, %max3A_1003 : vector<16xf32>
          %add3A_1005 = vector.broadcast %get3A_510 : f32 to vector<16xf32>
          %add3A_1006 = arith.addf %add3A_1005, %get3A_848 : vector<16xf32>
          %sub3A_1007 = arith.subf %add3A_1006, %mul3A_1004 : vector<16xf32>
          %add3A_1008 = arith.constant 9.99999971E-10 : f32
          %add3A_1009 = vector.broadcast %add3A_1008 : f32 to vector<16xf32>
          %add3A_1010 = arith.addf %sub3A_1007, %add3A_1009 : vector<16xf32>
          %div3A_1011 = arith.divf %mul3A_1004, %add3A_1010 : vector<16xf32>
          %gt3A_1012 = arith.constant 3.000000e-01 : f32
          %gt3A_1013 = vector.broadcast %gt3A_1012 : f32 to vector<16xf32>
          %gt3A_1014 = arith.cmpf ogt, %div3A_1011, %gt3A_1013 : vector<16xf32>
          %or3A_1015 = arith.ori %or3A_987, %gt3A_1014 : vector<16xi1>
          %max3A_1016 = vector.broadcast %get3A_516 : f32 to vector<16xf32>
          %max3A_1017 = arith.maximumf %max3A_1016, %get3A_836 : vector<16xf32>
          %max3A_1018 = vector.broadcast %get3A_518 : f32 to vector<16xf32>
          %max3A_1019 = arith.maximumf %max3A_1018, %get3A_839 : vector<16xf32>
          %min3A_1020 = vector.broadcast %get3A_520 : f32 to vector<16xf32>
          %min3A_1021 = arith.minimumf %min3A_1020, %get3A_842 : vector<16xf32>
          %min3A_1022 = vector.broadcast %get3A_522 : f32 to vector<16xf32>
          %min3A_1023 = arith.minimumf %min3A_1022, %get3A_845 : vector<16xf32>
          %sub3A_1024 = arith.subf %min3A_1021, %max3A_1017 : vector<16xf32>
          %max3A_1025 = arith.constant 0.000000e+00 : f32
          %max3A_1026 = vector.broadcast %max3A_1025 : f32 to vector<16xf32>
          %max3A_1027 = arith.maximumf %sub3A_1024, %max3A_1026 : vector<16xf32>
          %sub3A_1028 = arith.subf %min3A_1023, %max3A_1019 : vector<16xf32>
          %max3A_1029 = arith.constant 0.000000e+00 : f32
          %max3A_1030 = vector.broadcast %max3A_1029 : f32 to vector<16xf32>
          %max3A_1031 = arith.maximumf %sub3A_1028, %max3A_1030 : vector<16xf32>
          %mul3A_1032 = arith.mulf %max3A_1027, %max3A_1031 : vector<16xf32>
          %add3A_1033 = vector.broadcast %get3A_524 : f32 to vector<16xf32>
          %add3A_1034 = arith.addf %add3A_1033, %get3A_848 : vector<16xf32>
          %sub3A_1035 = arith.subf %add3A_1034, %mul3A_1032 : vector<16xf32>
          %add3A_1036 = arith.constant 9.99999971E-10 : f32
          %add3A_1037 = vector.broadcast %add3A_1036 : f32 to vector<16xf32>
          %add3A_1038 = arith.addf %sub3A_1035, %add3A_1037 : vector<16xf32>
          %div3A_1039 = arith.divf %mul3A_1032, %add3A_1038 : vector<16xf32>
          %gt3A_1040 = arith.constant 3.000000e-01 : f32
          %gt3A_1041 = vector.broadcast %gt3A_1040 : f32 to vector<16xf32>
          %gt3A_1042 = arith.cmpf ogt, %div3A_1039, %gt3A_1041 : vector<16xf32>
          %or3A_1043 = arith.ori %or3A_1015, %gt3A_1042 : vector<16xi1>
          %max3A_1044 = vector.broadcast %get3A_530 : f32 to vector<16xf32>
          %max3A_1045 = arith.maximumf %max3A_1044, %get3A_836 : vector<16xf32>
          %max3A_1046 = vector.broadcast %get3A_532 : f32 to vector<16xf32>
          %max3A_1047 = arith.maximumf %max3A_1046, %get3A_839 : vector<16xf32>
          %min3A_1048 = vector.broadcast %get3A_534 : f32 to vector<16xf32>
          %min3A_1049 = arith.minimumf %min3A_1048, %get3A_842 : vector<16xf32>
          %min3A_1050 = vector.broadcast %get3A_536 : f32 to vector<16xf32>
          %min3A_1051 = arith.minimumf %min3A_1050, %get3A_845 : vector<16xf32>
          %sub3A_1052 = arith.subf %min3A_1049, %max3A_1045 : vector<16xf32>
          %max3A_1053 = arith.constant 0.000000e+00 : f32
          %max3A_1054 = vector.broadcast %max3A_1053 : f32 to vector<16xf32>
          %max3A_1055 = arith.maximumf %sub3A_1052, %max3A_1054 : vector<16xf32>
          %sub3A_1056 = arith.subf %min3A_1051, %max3A_1047 : vector<16xf32>
          %max3A_1057 = arith.constant 0.000000e+00 : f32
          %max3A_1058 = vector.broadcast %max3A_1057 : f32 to vector<16xf32>
          %max3A_1059 = arith.maximumf %sub3A_1056, %max3A_1058 : vector<16xf32>
          %mul3A_1060 = arith.mulf %max3A_1055, %max3A_1059 : vector<16xf32>
          %add3A_1061 = vector.broadcast %get3A_538 : f32 to vector<16xf32>
          %add3A_1062 = arith.addf %add3A_1061, %get3A_848 : vector<16xf32>
          %sub3A_1063 = arith.subf %add3A_1062, %mul3A_1060 : vector<16xf32>
          %add3A_1064 = arith.constant 9.99999971E-10 : f32
          %add3A_1065 = vector.broadcast %add3A_1064 : f32 to vector<16xf32>
          %add3A_1066 = arith.addf %sub3A_1063, %add3A_1065 : vector<16xf32>
          %div3A_1067 = arith.divf %mul3A_1060, %add3A_1066 : vector<16xf32>
          %gt3A_1068 = arith.constant 3.000000e-01 : f32
          %gt3A_1069 = vector.broadcast %gt3A_1068 : f32 to vector<16xf32>
          %gt3A_1070 = arith.cmpf ogt, %div3A_1067, %gt3A_1069 : vector<16xf32>
          %or3A_1071 = arith.ori %or3A_1043, %gt3A_1070 : vector<16xi1>
          %get3A_1072 = arith.index_cast %mul3A_833 : i32 to index
          %get3A_1073 = tpu.vector_load %arg31[%get3A_1072] {strides = array<i32>} : memref<1280xf32, #tpu.memory_space<vmem>>, vector<16xf32>,
          %get3A_1074 = vector.shape_cast %get3A_1073 : vector<16xf32> to vector<16xf32>
          %jit3A_1075 = arith.constant 0.000000e+00 : f32
          %broadcast_in_dim3A_1076 = vector.broadcast %jit3A_1075 : f32 to vector<16xf32>
          %select_n3A_1077 = arith.select %or3A_1071, %broadcast_in_dim3A_1076, %get3A_1074 : vector<16xi1>, vector<16xf32>
          %swap3A_1078 = arith.index_cast %mul3A_833 : i32 to index
          %swap3A_1079 = tpu.vector_load %arg31[%swap3A_1078] {strides = array<i32>} : memref<1280xf32, #tpu.memory_space<vmem>>, vector<16xf32>,
          %swap3A_1080 = vector.shape_cast %swap3A_1079 : vector<16xf32> to vector<16xf32>
          %swap3A_1081 = vector.shape_cast %select_n3A_1077 : vector<16xf32> to vector<16xf32>
          tpu.vector_store %arg31[%swap3A_1078], %swap3A_1081 {strides = array<i32>} : memref<1280xf32, #tpu.memory_space<vmem>>, vector<16xf32>,
          %while3A_1082 = arith.constant 0 : i32
          scf.yield %while3A_1082 : i32
        }
        %while3A_577 = arith.constant 0 : i32
        scf.yield %while3A_577 : i32
      }
      %while3A_345 = arith.constant 1 : i32
      %while3A_346 = scf.for %while3A_426 = %while3A_342 to %while3A_338 step %while3A_345 iter_args(%while3A_427 = %while3A_344) -> (i32)  : i32 {
        %mul3A_428 = arith.constant 8 : i32
        %mul3A_429 = arith.muli %mul3A_428, %while3A_426 : i32
        %add3A_430 = arith.constant 0 : i32
        %add3A_431 = arith.addi %mul3A_429, %add3A_430 : i32
        %get3A = arith.index_cast %add3A_431 : i32 to index
        %get3A_432 = memref.load %arg40[%get3A] : memref<264xf32, #tpu.memory_space<smem>>
        %get3A_433 = arith.index_cast %add3A_431 : i32 to index
        %get3A_434 = memref.load %arg41[%get3A_433] : memref<264xf32, #tpu.memory_space<smem>>
        %get3A_435 = arith.index_cast %add3A_431 : i32 to index
        %get3A_436 = memref.load %arg42[%get3A_435] : memref<264xf32, #tpu.memory_space<smem>>
        %get3A_437 = arith.index_cast %add3A_431 : i32 to index
        %get3A_438 = memref.load %arg43[%get3A_437] : memref<264xf32, #tpu.memory_space<smem>>
        %get3A_439 = arith.index_cast %add3A_431 : i32 to index
        %get3A_440 = memref.load %arg44[%get3A_439] : memref<264xf32, #tpu.memory_space<smem>>
        %mul3A_441 = arith.constant 8 : i32
        %mul3A_442 = arith.muli %mul3A_441, %while3A_426 : i32
        %add3A_443 = arith.constant 1 : i32
        %add3A_444 = arith.addi %mul3A_442, %add3A_443 : i32
        %get3A_445 = arith.index_cast %add3A_444 : i32 to index
        %get3A_446 = memref.load %arg40[%get3A_445] : memref<264xf32, #tpu.memory_space<smem>>
        %get3A_447 = arith.index_cast %add3A_444 : i32 to index
        %get3A_448 = memref.load %arg41[%get3A_447] : memref<264xf32, #tpu.memory_space<smem>>
        %get3A_449 = arith.index_cast %add3A_444 : i32 to index
        %get3A_450 = memref.load %arg42[%get3A_449] : memref<264xf32, #tpu.memory_space<smem>>
        %get3A_451 = arith.index_cast %add3A_444 : i32 to index
        %get3A_452 = memref.load %arg43[%get3A_451] : memref<264xf32, #tpu.memory_space<smem>>
        %get3A_453 = arith.index_cast %add3A_444 : i32 to index
        %get3A_454 = memref.load %arg44[%get3A_453] : memref<264xf32, #tpu.memory_space<smem>>
        %mul3A_455 = arith.constant 8 : i32
        %mul3A_456 = arith.muli %mul3A_455, %while3A_426 : i32
        %add3A_457 = arith.constant 2 : i32
        %add3A_458 = arith.addi %mul3A_456, %add3A_457 : i32
        %get3A_459 = arith.index_cast %add3A_458 : i32 to index
        %get3A_460 = memref.load %arg40[%get3A_459] : memref<264xf32, #tpu.memory_space<smem>>
        %get3A_461 = arith.index_cast %add3A_458 : i32 to index
        %get3A_462 = memref.load %arg41[%get3A_461] : memref<264xf32, #tpu.memory_space<smem>>
        %get3A_463 = arith.index_cast %add3A_458 : i32 to index
        %get3A_464 = memref.load %arg42[%get3A_463] : memref<264xf32, #tpu.memory_space<smem>>
        %get3A_465 = arith.index_cast %add3A_458 : i32 to index
        %get3A_466 = memref.load %arg43[%get3A_465] : memref<264xf32, #tpu.memory_space<smem>>
        %get3A_467 = arith.index_cast %add3A_458 : i32 to index
        %get3A_468 = memref.load %arg44[%get3A_467] : memref<264xf32, #tpu.memory_space<smem>>
        %mul3A_469 = arith.constant 8 : i32
        %mul3A_470 = arith.muli %mul3A_469, %while3A_426 : i32
        %add3A_471 = arith.constant 3 : i32
        %add3A_472 = arith.addi %mul3A_470, %add3A_471 : i32
        %get3A_473 = arith.index_cast %add3A_472 : i32 to index
        %get3A_474 = memref.load %arg40[%get3A_473] : memref<264xf32, #tpu.memory_space<smem>>
        %get3A_475 = arith.index_cast %add3A_472 : i32 to index
        %get3A_476 = memref.load %arg41[%get3A_475] : memref<264xf32, #tpu.memory_space<smem>>
        %get3A_477 = arith.index_cast %add3A_472 : i32 to index
        %get3A_478 = memref.load %arg42[%get3A_477] : memref<264xf32, #tpu.memory_space<smem>>
        %get3A_479 = arith.index_cast %add3A_472 : i32 to index
        %get3A_480 = memref.load %arg43[%get3A_479] : memref<264xf32, #tpu.memory_space<smem>>
        %get3A_481 = arith.index_cast %add3A_472 : i32 to index
        %get3A_482 = memref.load %arg44[%get3A_481] : memref<264xf32, #tpu.memory_space<smem>>
        %mul3A_483 = arith.constant 8 : i32
        %mul3A_484 = arith.muli %mul3A_483, %while3A_426 : i32
        %add3A_485 = arith.constant 4 : i32
        %add3A_486 = arith.addi %mul3A_484, %add3A_485 : i32
        %get3A_487 = arith.index_cast %add3A_486 : i32 to index
        %get3A_488 = memref.load %arg40[%get3A_487] : memref<264xf32, #tpu.memory_space<smem>>
        %get3A_489 = arith.index_cast %add3A_486 : i32 to index
        %get3A_490 = memref.load %arg41[%get3A_489] : memref<264xf32, #tpu.memory_space<smem>>
        %get3A_491 = arith.index_cast %add3A_486 : i32 to index
        %get3A_492 = memref.load %arg42[%get3A_491] : memref<264xf32, #tpu.memory_space<smem>>
        %get3A_493 = arith.index_cast %add3A_486 : i32 to index
        %get3A_494 = memref.load %arg43[%get3A_493] : memref<264xf32, #tpu.memory_space<smem>>
        %get3A_495 = arith.index_cast %add3A_486 : i32 to index
        %get3A_496 = memref.load %arg44[%get3A_495] : memref<264xf32, #tpu.memory_space<smem>>
        %mul3A_497 = arith.constant 8 : i32
        %mul3A_498 = arith.muli %mul3A_497, %while3A_426 : i32
        %add3A_499 = arith.constant 5 : i32
        %add3A_500 = arith.addi %mul3A_498, %add3A_499 : i32
        %get3A_501 = arith.index_cast %add3A_500 : i32 to index
        %get3A_502 = memref.load %arg40[%get3A_501] : memref<264xf32, #tpu.memory_space<smem>>
        %get3A_503 = arith.index_cast %add3A_500 : i32 to index
        %get3A_504 = memref.load %arg41[%get3A_503] : memref<264xf32, #tpu.memory_space<smem>>
        %get3A_505 = arith.index_cast %add3A_500 : i32 to index
        %get3A_506 = memref.load %arg42[%get3A_505] : memref<264xf32, #tpu.memory_space<smem>>
        %get3A_507 = arith.index_cast %add3A_500 : i32 to index
        %get3A_508 = memref.load %arg43[%get3A_507] : memref<264xf32, #tpu.memory_space<smem>>
        %get3A_509 = arith.index_cast %add3A_500 : i32 to index
        %get3A_510 = memref.load %arg44[%get3A_509] : memref<264xf32, #tpu.memory_space<smem>>
        %mul3A_511 = arith.constant 8 : i32
        %mul3A_512 = arith.muli %mul3A_511, %while3A_426 : i32
        %add3A_513 = arith.constant 6 : i32
        %add3A_514 = arith.addi %mul3A_512, %add3A_513 : i32
        %get3A_515 = arith.index_cast %add3A_514 : i32 to index
        %get3A_516 = memref.load %arg40[%get3A_515] : memref<264xf32, #tpu.memory_space<smem>>
        %get3A_517 = arith.index_cast %add3A_514 : i32 to index
        %get3A_518 = memref.load %arg41[%get3A_517] : memref<264xf32, #tpu.memory_space<smem>>
        %get3A_519 = arith.index_cast %add3A_514 : i32 to index
        %get3A_520 = memref.load %arg42[%get3A_519] : memref<264xf32, #tpu.memory_space<smem>>
        %get3A_521 = arith.index_cast %add3A_514 : i32 to index
        %get3A_522 = memref.load %arg43[%get3A_521] : memref<264xf32, #tpu.memory_space<smem>>
        %get3A_523 = arith.index_cast %add3A_514 : i32 to index
        %get3A_524 = memref.load %arg44[%get3A_523] : memref<264xf32, #tpu.memory_space<smem>>
        %mul3A_525 = arith.constant 8 : i32
        %mul3A_526 = arith.muli %mul3A_525, %while3A_426 : i32
        %add3A_527 = arith.constant 7 : i32
        %add3A_528 = arith.addi %mul3A_526, %add3A_527 : i32
        %get3A_529 = arith.index_cast %add3A_528 : i32 to index
        %get3A_530 = memref.load %arg40[%get3A_529] : memref<264xf32, #tpu.memory_space<smem>>
        %get3A_531 = arith.index_cast %add3A_528 : i32 to index
        %get3A_532 = memref.load %arg41[%get3A_531] : memref<264xf32, #tpu.memory_space<smem>>
        %get3A_533 = arith.index_cast %add3A_528 : i32 to index
        %get3A_534 = memref.load %arg42[%get3A_533] : memref<264xf32, #tpu.memory_space<smem>>
        %get3A_535 = arith.index_cast %add3A_528 : i32 to index
        %get3A_536 = memref.load %arg43[%get3A_535] : memref<264xf32, #tpu.memory_space<smem>>
        %get3A_537 = arith.index_cast %add3A_528 : i32 to index
        %get3A_538 = memref.load %arg44[%get3A_537] : memref<264xf32, #tpu.memory_space<smem>>
        %add3A_539 = arith.constant 1 : i32
        %add3A_540 = arith.addi %select_n3A_120, %add3A_539 : i32
        %jit3A_541 = arith.constant 2 : i32
        %div3A_542 = arith.divsi %add3A_540, %jit3A_541 : i32
        %sign3A_543 = arith.constant 0 : i32
        %sign3A_544 = arith.cmpi sgt, %add3A_540, %sign3A_543 : i32
        %sign3A_545 = arith.extui %sign3A_544 : i1 to i32
        %sign3A_546 = arith.constant 0 : i32
        %sign3A_547 = arith.cmpi slt, %add3A_540, %sign3A_546 : i32
        %sign3A_548 = arith.extui %sign3A_547 : i1 to i32
        %sign3A_549 = arith.subi %sign3A_545, %sign3A_548 : i32
        %sign3A_550 = arith.constant 0 : i32
        %sign3A_551 = arith.cmpi sgt, %jit3A_541, %sign3A_550 : i32
        %sign3A_552 = arith.extui %sign3A_551 : i1 to i32
        %sign3A_553 = arith.constant 0 : i32
        %sign3A_554 = arith.cmpi slt, %jit3A_541, %sign3A_553 : i32
        %sign3A_555 = arith.extui %sign3A_554 : i1 to i32
        %sign3A_556 = arith.subi %sign3A_552, %sign3A_555 : i32
        %ne3A_557 = arith.cmpi ne, %sign3A_549, %sign3A_556 : i32
        %rem3A_558 = arith.remsi %add3A_540, %jit3A_541 : i32
        %ne3A_559 = arith.constant 0 : i32
        %ne3A_560 = arith.cmpi ne, %rem3A_558, %ne3A_559 : i32
        %and3A_561 = arith.andi %ne3A_557, %ne3A_560 : i1
        %sub3A_562 = arith.constant 1 : i32
        %sub3A_563 = arith.subi %div3A_542, %sub3A_562 : i32
        %select_n3A_564 = arith.select %and3A_561, %sub3A_563, %div3A_542 : i32
        %while3A_565 = arith.constant 0 : i32
        %while3A_566 = arith.constant 0 : i32
        %while3A_567 = arith.subi %select_n3A_564, %while3A_565 : i32
        %while3A_568 = arith.addi %while3A_565, %while3A_567 : i32
        %while3A_569 = arith.constant 1 : i32
        %while3A_570 = arith.divsi %while3A_567, %while3A_569 : i32
        %while3A_571 = arith.muli %while3A_570, %while3A_569 : i32
        %while3A_572 = arith.addi %while3A_565, %while3A_571 : i32
        %while3A_573 = arith.constant 1 : i32
        %while3A_574 = scf.for %while3A_578 = %while3A_565 to %while3A_572 step %while3A_573 iter_args(%while3A_579 = %while3A_566) -> (i32)  : i32 {
          %mul3A_580 = arith.constant 2 : i32
          %mul3A_581 = arith.muli %while3A_578, %mul3A_580 : i32
          %add3A_582 = arith.constant 0 : i32
          %add3A_583 = arith.addi %mul3A_581, %add3A_582 : i32
          %mul3A_584 = arith.constant 16 : i32
          %mul3A_585 = arith.muli %add3A_583, %mul3A_584 : i32
          %get3A_586 = arith.index_cast %mul3A_585 : i32 to index
          %get3A_587 = tpu.vector_load %arg26[%get3A_586] {strides = array<i32>} : memref<1280xf32, #tpu.memory_space<vmem>>, vector<16xf32>,
          %get3A_588 = vector.shape_cast %get3A_587 : vector<16xf32> to vector<16xf32>
          %get3A_589 = arith.index_cast %mul3A_585 : i32 to index
          %get3A_590 = tpu.vector_load %arg27[%get3A_589] {strides = array<i32>} : memref<1280xf32, #tpu.memory_space<vmem>>, vector<16xf32>,
          %get3A_591 = vector.shape_cast %get3A_590 : vector<16xf32> to vector<16xf32>
          %get3A_592 = arith.index_cast %mul3A_585 : i32 to index
          %get3A_593 = tpu.vector_load %arg28[%get3A_592] {strides = array<i32>} : memref<1280xf32, #tpu.memory_space<vmem>>, vector<16xf32>,
          %get3A_594 = vector.shape_cast %get3A_593 : vector<16xf32> to vector<16xf32>
          %get3A_595 = arith.index_cast %mul3A_585 : i32 to index
          %get3A_596 = tpu.vector_load %arg29[%get3A_595] {strides = array<i32>} : memref<1280xf32, #tpu.memory_space<vmem>>, vector<16xf32>,
          %get3A_597 = vector.shape_cast %get3A_596 : vector<16xf32> to vector<16xf32>
          %get3A_598 = arith.index_cast %mul3A_585 : i32 to index
          %get3A_599 = tpu.vector_load %arg30[%get3A_598] {strides = array<i32>} : memref<1280xf32, #tpu.memory_space<vmem>>, vector<16xf32>,
          %get3A_600 = vector.shape_cast %get3A_599 : vector<16xf32> to vector<16xf32>
          %max3A = vector.broadcast %get3A_432 : f32 to vector<16xf32>
          %max3A_601 = arith.maximumf %max3A, %get3A_588 : vector<16xf32>
          %max3A_602 = vector.broadcast %get3A_434 : f32 to vector<16xf32>
          %max3A_603 = arith.maximumf %max3A_602, %get3A_591 : vector<16xf32>
          %min3A = vector.broadcast %get3A_436 : f32 to vector<16xf32>
          %min3A_604 = arith.minimumf %min3A, %get3A_594 : vector<16xf32>
          %min3A_605 = vector.broadcast %get3A_438 : f32 to vector<16xf32>
          %min3A_606 = arith.minimumf %min3A_605, %get3A_597 : vector<16xf32>
          %sub3A_607 = arith.subf %min3A_604, %max3A_601 : vector<16xf32>
          %max3A_608 = arith.constant 0.000000e+00 : f32
          %max3A_609 = vector.broadcast %max3A_608 : f32 to vector<16xf32>
          %max3A_610 = arith.maximumf %sub3A_607, %max3A_609 : vector<16xf32>
          %sub3A_611 = arith.subf %min3A_606, %max3A_603 : vector<16xf32>
          %max3A_612 = arith.constant 0.000000e+00 : f32
          %max3A_613 = vector.broadcast %max3A_612 : f32 to vector<16xf32>
          %max3A_614 = arith.maximumf %sub3A_611, %max3A_613 : vector<16xf32>
          %mul3A_615 = arith.mulf %max3A_610, %max3A_614 : vector<16xf32>
          %add3A_616 = vector.broadcast %get3A_440 : f32 to vector<16xf32>
          %add3A_617 = arith.addf %add3A_616, %get3A_600 : vector<16xf32>
          %sub3A_618 = arith.subf %add3A_617, %mul3A_615 : vector<16xf32>
          %add3A_619 = arith.constant 9.99999971E-10 : f32
          %add3A_620 = vector.broadcast %add3A_619 : f32 to vector<16xf32>
          %add3A_621 = arith.addf %sub3A_618, %add3A_620 : vector<16xf32>
          %div3A_622 = arith.divf %mul3A_615, %add3A_621 : vector<16xf32>
          %gt3A = arith.constant 3.000000e-01 : f32
          %gt3A_623 = vector.broadcast %gt3A : f32 to vector<16xf32>
          %gt3A_624 = arith.cmpf ogt, %div3A_622, %gt3A_623 : vector<16xf32>
          %max3A_625 = vector.broadcast %get3A_446 : f32 to vector<16xf32>
          %max3A_626 = arith.maximumf %max3A_625, %get3A_588 : vector<16xf32>
          %max3A_627 = vector.broadcast %get3A_448 : f32 to vector<16xf32>
          %max3A_628 = arith.maximumf %max3A_627, %get3A_591 : vector<16xf32>
          %min3A_629 = vector.broadcast %get3A_450 : f32 to vector<16xf32>
          %min3A_630 = arith.minimumf %min3A_629, %get3A_594 : vector<16xf32>
          %min3A_631 = vector.broadcast %get3A_452 : f32 to vector<16xf32>
          %min3A_632 = arith.minimumf %min3A_631, %get3A_597 : vector<16xf32>
          %sub3A_633 = arith.subf %min3A_630, %max3A_626 : vector<16xf32>
          %max3A_634 = arith.constant 0.000000e+00 : f32
          %max3A_635 = vector.broadcast %max3A_634 : f32 to vector<16xf32>
          %max3A_636 = arith.maximumf %sub3A_633, %max3A_635 : vector<16xf32>
          %sub3A_637 = arith.subf %min3A_632, %max3A_628 : vector<16xf32>
          %max3A_638 = arith.constant 0.000000e+00 : f32
          %max3A_639 = vector.broadcast %max3A_638 : f32 to vector<16xf32>
          %max3A_640 = arith.maximumf %sub3A_637, %max3A_639 : vector<16xf32>
          %mul3A_641 = arith.mulf %max3A_636, %max3A_640 : vector<16xf32>
          %add3A_642 = vector.broadcast %get3A_454 : f32 to vector<16xf32>
          %add3A_643 = arith.addf %add3A_642, %get3A_600 : vector<16xf32>
          %sub3A_644 = arith.subf %add3A_643, %mul3A_641 : vector<16xf32>
          %add3A_645 = arith.constant 9.99999971E-10 : f32
          %add3A_646 = vector.broadcast %add3A_645 : f32 to vector<16xf32>
          %add3A_647 = arith.addf %sub3A_644, %add3A_646 : vector<16xf32>
          %div3A_648 = arith.divf %mul3A_641, %add3A_647 : vector<16xf32>
          %gt3A_649 = arith.constant 3.000000e-01 : f32
          %gt3A_650 = vector.broadcast %gt3A_649 : f32 to vector<16xf32>
          %gt3A_651 = arith.cmpf ogt, %div3A_648, %gt3A_650 : vector<16xf32>
          %or3A = arith.ori %gt3A_624, %gt3A_651 : vector<16xi1>
          %max3A_652 = vector.broadcast %get3A_460 : f32 to vector<16xf32>
          %max3A_653 = arith.maximumf %max3A_652, %get3A_588 : vector<16xf32>
          %max3A_654 = vector.broadcast %get3A_462 : f32 to vector<16xf32>
          %max3A_655 = arith.maximumf %max3A_654, %get3A_591 : vector<16xf32>
          %min3A_656 = vector.broadcast %get3A_464 : f32 to vector<16xf32>
          %min3A_657 = arith.minimumf %min3A_656, %get3A_594 : vector<16xf32>
          %min3A_658 = vector.broadcast %get3A_466 : f32 to vector<16xf32>
          %min3A_659 = arith.minimumf %min3A_658, %get3A_597 : vector<16xf32>
          %sub3A_660 = arith.subf %min3A_657, %max3A_653 : vector<16xf32>
          %max3A_661 = arith.constant 0.000000e+00 : f32
          %max3A_662 = vector.broadcast %max3A_661 : f32 to vector<16xf32>
          %max3A_663 = arith.maximumf %sub3A_660, %max3A_662 : vector<16xf32>
          %sub3A_664 = arith.subf %min3A_659, %max3A_655 : vector<16xf32>
          %max3A_665 = arith.constant 0.000000e+00 : f32
          %max3A_666 = vector.broadcast %max3A_665 : f32 to vector<16xf32>
          %max3A_667 = arith.maximumf %sub3A_664, %max3A_666 : vector<16xf32>
          %mul3A_668 = arith.mulf %max3A_663, %max3A_667 : vector<16xf32>
          %add3A_669 = vector.broadcast %get3A_468 : f32 to vector<16xf32>
          %add3A_670 = arith.addf %add3A_669, %get3A_600 : vector<16xf32>
          %sub3A_671 = arith.subf %add3A_670, %mul3A_668 : vector<16xf32>
          %add3A_672 = arith.constant 9.99999971E-10 : f32
          %add3A_673 = vector.broadcast %add3A_672 : f32 to vector<16xf32>
          %add3A_674 = arith.addf %sub3A_671, %add3A_673 : vector<16xf32>
          %div3A_675 = arith.divf %mul3A_668, %add3A_674 : vector<16xf32>
          %gt3A_676 = arith.constant 3.000000e-01 : f32
          %gt3A_677 = vector.broadcast %gt3A_676 : f32 to vector<16xf32>
          %gt3A_678 = arith.cmpf ogt, %div3A_675, %gt3A_677 : vector<16xf32>
          %or3A_679 = arith.ori %or3A, %gt3A_678 : vector<16xi1>
          %max3A_680 = vector.broadcast %get3A_474 : f32 to vector<16xf32>
          %max3A_681 = arith.maximumf %max3A_680, %get3A_588 : vector<16xf32>
          %max3A_682 = vector.broadcast %get3A_476 : f32 to vector<16xf32>
          %max3A_683 = arith.maximumf %max3A_682, %get3A_591 : vector<16xf32>
          %min3A_684 = vector.broadcast %get3A_478 : f32 to vector<16xf32>
          %min3A_685 = arith.minimumf %min3A_684, %get3A_594 : vector<16xf32>
          %min3A_686 = vector.broadcast %get3A_480 : f32 to vector<16xf32>
          %min3A_687 = arith.minimumf %min3A_686, %get3A_597 : vector<16xf32>
          %sub3A_688 = arith.subf %min3A_685, %max3A_681 : vector<16xf32>
          %max3A_689 = arith.constant 0.000000e+00 : f32
          %max3A_690 = vector.broadcast %max3A_689 : f32 to vector<16xf32>
          %max3A_691 = arith.maximumf %sub3A_688, %max3A_690 : vector<16xf32>
          %sub3A_692 = arith.subf %min3A_687, %max3A_683 : vector<16xf32>
          %max3A_693 = arith.constant 0.000000e+00 : f32
          %max3A_694 = vector.broadcast %max3A_693 : f32 to vector<16xf32>
          %max3A_695 = arith.maximumf %sub3A_692, %max3A_694 : vector<16xf32>
          %mul3A_696 = arith.mulf %max3A_691, %max3A_695 : vector<16xf32>
          %add3A_697 = vector.broadcast %get3A_482 : f32 to vector<16xf32>
          %add3A_698 = arith.addf %add3A_697, %get3A_600 : vector<16xf32>
          %sub3A_699 = arith.subf %add3A_698, %mul3A_696 : vector<16xf32>
          %add3A_700 = arith.constant 9.99999971E-10 : f32
          %add3A_701 = vector.broadcast %add3A_700 : f32 to vector<16xf32>
          %add3A_702 = arith.addf %sub3A_699, %add3A_701 : vector<16xf32>
          %div3A_703 = arith.divf %mul3A_696, %add3A_702 : vector<16xf32>
          %gt3A_704 = arith.constant 3.000000e-01 : f32
          %gt3A_705 = vector.broadcast %gt3A_704 : f32 to vector<16xf32>
          %gt3A_706 = arith.cmpf ogt, %div3A_703, %gt3A_705 : vector<16xf32>
          %or3A_707 = arith.ori %or3A_679, %gt3A_706 : vector<16xi1>
          %max3A_708 = vector.broadcast %get3A_488 : f32 to vector<16xf32>
          %max3A_709 = arith.maximumf %max3A_708, %get3A_588 : vector<16xf32>
          %max3A_710 = vector.broadcast %get3A_490 : f32 to vector<16xf32>
          %max3A_711 = arith.maximumf %max3A_710, %get3A_591 : vector<16xf32>
          %min3A_712 = vector.broadcast %get3A_492 : f32 to vector<16xf32>
          %min3A_713 = arith.minimumf %min3A_712, %get3A_594 : vector<16xf32>
          %min3A_714 = vector.broadcast %get3A_494 : f32 to vector<16xf32>
          %min3A_715 = arith.minimumf %min3A_714, %get3A_597 : vector<16xf32>
          %sub3A_716 = arith.subf %min3A_713, %max3A_709 : vector<16xf32>
          %max3A_717 = arith.constant 0.000000e+00 : f32
          %max3A_718 = vector.broadcast %max3A_717 : f32 to vector<16xf32>
          %max3A_719 = arith.maximumf %sub3A_716, %max3A_718 : vector<16xf32>
          %sub3A_720 = arith.subf %min3A_715, %max3A_711 : vector<16xf32>
          %max3A_721 = arith.constant 0.000000e+00 : f32
          %max3A_722 = vector.broadcast %max3A_721 : f32 to vector<16xf32>
          %max3A_723 = arith.maximumf %sub3A_720, %max3A_722 : vector<16xf32>
          %mul3A_724 = arith.mulf %max3A_719, %max3A_723 : vector<16xf32>
          %add3A_725 = vector.broadcast %get3A_496 : f32 to vector<16xf32>
          %add3A_726 = arith.addf %add3A_725, %get3A_600 : vector<16xf32>
          %sub3A_727 = arith.subf %add3A_726, %mul3A_724 : vector<16xf32>
          %add3A_728 = arith.constant 9.99999971E-10 : f32
          %add3A_729 = vector.broadcast %add3A_728 : f32 to vector<16xf32>
          %add3A_730 = arith.addf %sub3A_727, %add3A_729 : vector<16xf32>
          %div3A_731 = arith.divf %mul3A_724, %add3A_730 : vector<16xf32>
          %gt3A_732 = arith.constant 3.000000e-01 : f32
          %gt3A_733 = vector.broadcast %gt3A_732 : f32 to vector<16xf32>
          %gt3A_734 = arith.cmpf ogt, %div3A_731, %gt3A_733 : vector<16xf32>
          %or3A_735 = arith.ori %or3A_707, %gt3A_734 : vector<16xi1>
          %max3A_736 = vector.broadcast %get3A_502 : f32 to vector<16xf32>
          %max3A_737 = arith.maximumf %max3A_736, %get3A_588 : vector<16xf32>
          %max3A_738 = vector.broadcast %get3A_504 : f32 to vector<16xf32>
          %max3A_739 = arith.maximumf %max3A_738, %get3A_591 : vector<16xf32>
          %min3A_740 = vector.broadcast %get3A_506 : f32 to vector<16xf32>
          %min3A_741 = arith.minimumf %min3A_740, %get3A_594 : vector<16xf32>
          %min3A_742 = vector.broadcast %get3A_508 : f32 to vector<16xf32>
          %min3A_743 = arith.minimumf %min3A_742, %get3A_597 : vector<16xf32>
          %sub3A_744 = arith.subf %min3A_741, %max3A_737 : vector<16xf32>
          %max3A_745 = arith.constant 0.000000e+00 : f32
          %max3A_746 = vector.broadcast %max3A_745 : f32 to vector<16xf32>
          %max3A_747 = arith.maximumf %sub3A_744, %max3A_746 : vector<16xf32>
          %sub3A_748 = arith.subf %min3A_743, %max3A_739 : vector<16xf32>
          %max3A_749 = arith.constant 0.000000e+00 : f32
          %max3A_750 = vector.broadcast %max3A_749 : f32 to vector<16xf32>
          %max3A_751 = arith.maximumf %sub3A_748, %max3A_750 : vector<16xf32>
          %mul3A_752 = arith.mulf %max3A_747, %max3A_751 : vector<16xf32>
          %add3A_753 = vector.broadcast %get3A_510 : f32 to vector<16xf32>
          %add3A_754 = arith.addf %add3A_753, %get3A_600 : vector<16xf32>
          %sub3A_755 = arith.subf %add3A_754, %mul3A_752 : vector<16xf32>
          %add3A_756 = arith.constant 9.99999971E-10 : f32
          %add3A_757 = vector.broadcast %add3A_756 : f32 to vector<16xf32>
          %add3A_758 = arith.addf %sub3A_755, %add3A_757 : vector<16xf32>
          %div3A_759 = arith.divf %mul3A_752, %add3A_758 : vector<16xf32>
          %gt3A_760 = arith.constant 3.000000e-01 : f32
          %gt3A_761 = vector.broadcast %gt3A_760 : f32 to vector<16xf32>
          %gt3A_762 = arith.cmpf ogt, %div3A_759, %gt3A_761 : vector<16xf32>
          %or3A_763 = arith.ori %or3A_735, %gt3A_762 : vector<16xi1>
          %max3A_764 = vector.broadcast %get3A_516 : f32 to vector<16xf32>
          %max3A_765 = arith.maximumf %max3A_764, %get3A_588 : vector<16xf32>
          %max3A_766 = vector.broadcast %get3A_518 : f32 to vector<16xf32>
          %max3A_767 = arith.maximumf %max3A_766, %get3A_591 : vector<16xf32>
          %min3A_768 = vector.broadcast %get3A_520 : f32 to vector<16xf32>
          %min3A_769 = arith.minimumf %min3A_768, %get3A_594 : vector<16xf32>
          %min3A_770 = vector.broadcast %get3A_522 : f32 to vector<16xf32>
          %min3A_771 = arith.minimumf %min3A_770, %get3A_597 : vector<16xf32>
          %sub3A_772 = arith.subf %min3A_769, %max3A_765 : vector<16xf32>
          %max3A_773 = arith.constant 0.000000e+00 : f32
          %max3A_774 = vector.broadcast %max3A_773 : f32 to vector<16xf32>
          %max3A_775 = arith.maximumf %sub3A_772, %max3A_774 : vector<16xf32>
          %sub3A_776 = arith.subf %min3A_771, %max3A_767 : vector<16xf32>
          %max3A_777 = arith.constant 0.000000e+00 : f32
          %max3A_778 = vector.broadcast %max3A_777 : f32 to vector<16xf32>
          %max3A_779 = arith.maximumf %sub3A_776, %max3A_778 : vector<16xf32>
          %mul3A_780 = arith.mulf %max3A_775, %max3A_779 : vector<16xf32>
          %add3A_781 = vector.broadcast %get3A_524 : f32 to vector<16xf32>
          %add3A_782 = arith.addf %add3A_781, %get3A_600 : vector<16xf32>
          %sub3A_783 = arith.subf %add3A_782, %mul3A_780 : vector<16xf32>
          %add3A_784 = arith.constant 9.99999971E-10 : f32
          %add3A_785 = vector.broadcast %add3A_784 : f32 to vector<16xf32>
          %add3A_786 = arith.addf %sub3A_783, %add3A_785 : vector<16xf32>
          %div3A_787 = arith.divf %mul3A_780, %add3A_786 : vector<16xf32>
          %gt3A_788 = arith.constant 3.000000e-01 : f32
          %gt3A_789 = vector.broadcast %gt3A_788 : f32 to vector<16xf32>
          %gt3A_790 = arith.cmpf ogt, %div3A_787, %gt3A_789 : vector<16xf32>
          %or3A_791 = arith.ori %or3A_763, %gt3A_790 : vector<16xi1>
          %max3A_792 = vector.broadcast %get3A_530 : f32 to vector<16xf32>
          %max3A_793 = arith.maximumf %max3A_792, %get3A_588 : vector<16xf32>
          %max3A_794 = vector.broadcast %get3A_532 : f32 to vector<16xf32>
          %max3A_795 = arith.maximumf %max3A_794, %get3A_591 : vector<16xf32>
          %min3A_796 = vector.broadcast %get3A_534 : f32 to vector<16xf32>
          %min3A_797 = arith.minimumf %min3A_796, %get3A_594 : vector<16xf32>
          %min3A_798 = vector.broadcast %get3A_536 : f32 to vector<16xf32>
          %min3A_799 = arith.minimumf %min3A_798, %get3A_597 : vector<16xf32>
          %sub3A_800 = arith.subf %min3A_797, %max3A_793 : vector<16xf32>
          %max3A_801 = arith.constant 0.000000e+00 : f32
          %max3A_802 = vector.broadcast %max3A_801 : f32 to vector<16xf32>
          %max3A_803 = arith.maximumf %sub3A_800, %max3A_802 : vector<16xf32>
          %sub3A_804 = arith.subf %min3A_799, %max3A_795 : vector<16xf32>
          %max3A_805 = arith.constant 0.000000e+00 : f32
          %max3A_806 = vector.broadcast %max3A_805 : f32 to vector<16xf32>
          %max3A_807 = arith.maximumf %sub3A_804, %max3A_806 : vector<16xf32>
          %mul3A_808 = arith.mulf %max3A_803, %max3A_807 : vector<16xf32>
          %add3A_809 = vector.broadcast %get3A_538 : f32 to vector<16xf32>
          %add3A_810 = arith.addf %add3A_809, %get3A_600 : vector<16xf32>
          %sub3A_811 = arith.subf %add3A_810, %mul3A_808 : vector<16xf32>
          %add3A_812 = arith.constant 9.99999971E-10 : f32
          %add3A_813 = vector.broadcast %add3A_812 : f32 to vector<16xf32>
          %add3A_814 = arith.addf %sub3A_811, %add3A_813 : vector<16xf32>
          %div3A_815 = arith.divf %mul3A_808, %add3A_814 : vector<16xf32>
          %gt3A_816 = arith.constant 3.000000e-01 : f32
          %gt3A_817 = vector.broadcast %gt3A_816 : f32 to vector<16xf32>
          %gt3A_818 = arith.cmpf ogt, %div3A_815, %gt3A_817 : vector<16xf32>
          %or3A_819 = arith.ori %or3A_791, %gt3A_818 : vector<16xi1>
          %get3A_820 = arith.index_cast %mul3A_585 : i32 to index
          %get3A_821 = tpu.vector_load %arg31[%get3A_820] {strides = array<i32>} : memref<1280xf32, #tpu.memory_space<vmem>>, vector<16xf32>,
          %get3A_822 = vector.shape_cast %get3A_821 : vector<16xf32> to vector<16xf32>
          %jit3A_823 = arith.constant 0.000000e+00 : f32
          %broadcast_in_dim3A = vector.broadcast %jit3A_823 : f32 to vector<16xf32>
          %select_n3A_824 = arith.select %or3A_819, %broadcast_in_dim3A, %get3A_822 : vector<16xi1>, vector<16xf32>
          %swap3A = arith.index_cast %mul3A_585 : i32 to index
          %swap3A_825 = tpu.vector_load %arg31[%swap3A] {strides = array<i32>} : memref<1280xf32, #tpu.memory_space<vmem>>, vector<16xf32>,
          %swap3A_826 = vector.shape_cast %swap3A_825 : vector<16xf32> to vector<16xf32>
          %swap3A_827 = vector.shape_cast %select_n3A_824 : vector<16xf32> to vector<16xf32>
          tpu.vector_store %arg31[%swap3A], %swap3A_827 {strides = array<i32>} : memref<1280xf32, #tpu.memory_space<vmem>>, vector<16xf32>,
          %mul3A_828 = arith.constant 2 : i32
          %mul3A_829 = arith.muli %while3A_578, %mul3A_828 : i32
          %add3A_830 = arith.constant 1 : i32
          %add3A_831 = arith.addi %mul3A_829, %add3A_830 : i32
          %mul3A_832 = arith.constant 16 : i32
          %mul3A_833 = arith.muli %add3A_831, %mul3A_832 : i32
          %get3A_834 = arith.index_cast %mul3A_833 : i32 to index
          %get3A_835 = tpu.vector_load %arg26[%get3A_834] {strides = array<i32>} : memref<1280xf32, #tpu.memory_space<vmem>>, vector<16xf32>,
          %get3A_836 = vector.shape_cast %get3A_835 : vector<16xf32> to vector<16xf32>
          %get3A_837 = arith.index_cast %mul3A_833 : i32 to index
          %get3A_838 = tpu.vector_load %arg27[%get3A_837] {strides = array<i32>} : memref<1280xf32, #tpu.memory_space<vmem>>, vector<16xf32>,
          %get3A_839 = vector.shape_cast %get3A_838 : vector<16xf32> to vector<16xf32>
          %get3A_840 = arith.index_cast %mul3A_833 : i32 to index
          %get3A_841 = tpu.vector_load %arg28[%get3A_840] {strides = array<i32>} : memref<1280xf32, #tpu.memory_space<vmem>>, vector<16xf32>,
          %get3A_842 = vector.shape_cast %get3A_841 : vector<16xf32> to vector<16xf32>
          %get3A_843 = arith.index_cast %mul3A_833 : i32 to index
          %get3A_844 = tpu.vector_load %arg29[%get3A_843] {strides = array<i32>} : memref<1280xf32, #tpu.memory_space<vmem>>, vector<16xf32>,
          %get3A_845 = vector.shape_cast %get3A_844 : vector<16xf32> to vector<16xf32>
          %get3A_846 = arith.index_cast %mul3A_833 : i32 to index
          %get3A_847 = tpu.vector_load %arg30[%get3A_846] {strides = array<i32>} : memref<1280xf32, #tpu.memory_space<vmem>>, vector<16xf32>,
          %get3A_848 = vector.shape_cast %get3A_847 : vector<16xf32> to vector<16xf32>
          %max3A_849 = vector.broadcast %get3A_432 : f32 to vector<16xf32>
          %max3A_850 = arith.maximumf %max3A_849, %get3A_836 : vector<16xf32>
          %max3A_851 = vector.broadcast %get3A_434 : f32 to vector<16xf32>
          %max3A_852 = arith.maximumf %max3A_851, %get3A_839 : vector<16xf32>
          %min3A_853 = vector.broadcast %get3A_436 : f32 to vector<16xf32>
          %min3A_854 = arith.minimumf %min3A_853, %get3A_842 : vector<16xf32>
          %min3A_855 = vector.broadcast %get3A_438 : f32 to vector<16xf32>
          %min3A_856 = arith.minimumf %min3A_855, %get3A_845 : vector<16xf32>
          %sub3A_857 = arith.subf %min3A_854, %max3A_850 : vector<16xf32>
          %max3A_858 = arith.constant 0.000000e+00 : f32
          %max3A_859 = vector.broadcast %max3A_858 : f32 to vector<16xf32>
          %max3A_860 = arith.maximumf %sub3A_857, %max3A_859 : vector<16xf32>
          %sub3A_861 = arith.subf %min3A_856, %max3A_852 : vector<16xf32>
          %max3A_862 = arith.constant 0.000000e+00 : f32
          %max3A_863 = vector.broadcast %max3A_862 : f32 to vector<16xf32>
          %max3A_864 = arith.maximumf %sub3A_861, %max3A_863 : vector<16xf32>
          %mul3A_865 = arith.mulf %max3A_860, %max3A_864 : vector<16xf32>
          %add3A_866 = vector.broadcast %get3A_440 : f32 to vector<16xf32>
          %add3A_867 = arith.addf %add3A_866, %get3A_848 : vector<16xf32>
          %sub3A_868 = arith.subf %add3A_867, %mul3A_865 : vector<16xf32>
          %add3A_869 = arith.constant 9.99999971E-10 : f32
          %add3A_870 = vector.broadcast %add3A_869 : f32 to vector<16xf32>
          %add3A_871 = arith.addf %sub3A_868, %add3A_870 : vector<16xf32>
          %div3A_872 = arith.divf %mul3A_865, %add3A_871 : vector<16xf32>
          %gt3A_873 = arith.constant 3.000000e-01 : f32
          %gt3A_874 = vector.broadcast %gt3A_873 : f32 to vector<16xf32>
          %gt3A_875 = arith.cmpf ogt, %div3A_872, %gt3A_874 : vector<16xf32>
          %max3A_876 = vector.broadcast %get3A_446 : f32 to vector<16xf32>
          %max3A_877 = arith.maximumf %max3A_876, %get3A_836 : vector<16xf32>
          %max3A_878 = vector.broadcast %get3A_448 : f32 to vector<16xf32>
          %max3A_879 = arith.maximumf %max3A_878, %get3A_839 : vector<16xf32>
          %min3A_880 = vector.broadcast %get3A_450 : f32 to vector<16xf32>
          %min3A_881 = arith.minimumf %min3A_880, %get3A_842 : vector<16xf32>
          %min3A_882 = vector.broadcast %get3A_452 : f32 to vector<16xf32>
          %min3A_883 = arith.minimumf %min3A_882, %get3A_845 : vector<16xf32>
          %sub3A_884 = arith.subf %min3A_881, %max3A_877 : vector<16xf32>
          %max3A_885 = arith.constant 0.000000e+00 : f32
          %max3A_886 = vector.broadcast %max3A_885 : f32 to vector<16xf32>
          %max3A_887 = arith.maximumf %sub3A_884, %max3A_886 : vector<16xf32>
          %sub3A_888 = arith.subf %min3A_883, %max3A_879 : vector<16xf32>
          %max3A_889 = arith.constant 0.000000e+00 : f32
          %max3A_890 = vector.broadcast %max3A_889 : f32 to vector<16xf32>
          %max3A_891 = arith.maximumf %sub3A_888, %max3A_890 : vector<16xf32>
          %mul3A_892 = arith.mulf %max3A_887, %max3A_891 : vector<16xf32>
          %add3A_893 = vector.broadcast %get3A_454 : f32 to vector<16xf32>
          %add3A_894 = arith.addf %add3A_893, %get3A_848 : vector<16xf32>
          %sub3A_895 = arith.subf %add3A_894, %mul3A_892 : vector<16xf32>
          %add3A_896 = arith.constant 9.99999971E-10 : f32
          %add3A_897 = vector.broadcast %add3A_896 : f32 to vector<16xf32>
          %add3A_898 = arith.addf %sub3A_895, %add3A_897 : vector<16xf32>
          %div3A_899 = arith.divf %mul3A_892, %add3A_898 : vector<16xf32>
          %gt3A_900 = arith.constant 3.000000e-01 : f32
          %gt3A_901 = vector.broadcast %gt3A_900 : f32 to vector<16xf32>
          %gt3A_902 = arith.cmpf ogt, %div3A_899, %gt3A_901 : vector<16xf32>
          %or3A_903 = arith.ori %gt3A_875, %gt3A_902 : vector<16xi1>
          %max3A_904 = vector.broadcast %get3A_460 : f32 to vector<16xf32>
          %max3A_905 = arith.maximumf %max3A_904, %get3A_836 : vector<16xf32>
          %max3A_906 = vector.broadcast %get3A_462 : f32 to vector<16xf32>
          %max3A_907 = arith.maximumf %max3A_906, %get3A_839 : vector<16xf32>
          %min3A_908 = vector.broadcast %get3A_464 : f32 to vector<16xf32>
          %min3A_909 = arith.minimumf %min3A_908, %get3A_842 : vector<16xf32>
          %min3A_910 = vector.broadcast %get3A_466 : f32 to vector<16xf32>
          %min3A_911 = arith.minimumf %min3A_910, %get3A_845 : vector<16xf32>
          %sub3A_912 = arith.subf %min3A_909, %max3A_905 : vector<16xf32>
          %max3A_913 = arith.constant 0.000000e+00 : f32
          %max3A_914 = vector.broadcast %max3A_913 : f32 to vector<16xf32>
          %max3A_915 = arith.maximumf %sub3A_912, %max3A_914 : vector<16xf32>
          %sub3A_916 = arith.subf %min3A_911, %max3A_907 : vector<16xf32>
          %max3A_917 = arith.constant 0.000000e+00 : f32
          %max3A_918 = vector.broadcast %max3A_917 : f32 to vector<16xf32>
          %max3A_919 = arith.maximumf %sub3A_916, %max3A_918 : vector<16xf32>
          %mul3A_920 = arith.mulf %max3A_915, %max3A_919 : vector<16xf32>
          %add3A_921 = vector.broadcast %get3A_468 : f32 to vector<16xf32>
          %add3A_922 = arith.addf %add3A_921, %get3A_848 : vector<16xf32>
          %sub3A_923 = arith.subf %add3A_922, %mul3A_920 : vector<16xf32>
          %add3A_924 = arith.constant 9.99999971E-10 : f32
          %add3A_925 = vector.broadcast %add3A_924 : f32 to vector<16xf32>
          %add3A_926 = arith.addf %sub3A_923, %add3A_925 : vector<16xf32>
          %div3A_927 = arith.divf %mul3A_920, %add3A_926 : vector<16xf32>
          %gt3A_928 = arith.constant 3.000000e-01 : f32
          %gt3A_929 = vector.broadcast %gt3A_928 : f32 to vector<16xf32>
          %gt3A_930 = arith.cmpf ogt, %div3A_927, %gt3A_929 : vector<16xf32>
          %or3A_931 = arith.ori %or3A_903, %gt3A_930 : vector<16xi1>
          %max3A_932 = vector.broadcast %get3A_474 : f32 to vector<16xf32>
          %max3A_933 = arith.maximumf %max3A_932, %get3A_836 : vector<16xf32>
          %max3A_934 = vector.broadcast %get3A_476 : f32 to vector<16xf32>
          %max3A_935 = arith.maximumf %max3A_934, %get3A_839 : vector<16xf32>
          %min3A_936 = vector.broadcast %get3A_478 : f32 to vector<16xf32>
          %min3A_937 = arith.minimumf %min3A_936, %get3A_842 : vector<16xf32>
          %min3A_938 = vector.broadcast %get3A_480 : f32 to vector<16xf32>
          %min3A_939 = arith.minimumf %min3A_938, %get3A_845 : vector<16xf32>
          %sub3A_940 = arith.subf %min3A_937, %max3A_933 : vector<16xf32>
          %max3A_941 = arith.constant 0.000000e+00 : f32
          %max3A_942 = vector.broadcast %max3A_941 : f32 to vector<16xf32>
          %max3A_943 = arith.maximumf %sub3A_940, %max3A_942 : vector<16xf32>
          %sub3A_944 = arith.subf %min3A_939, %max3A_935 : vector<16xf32>
          %max3A_945 = arith.constant 0.000000e+00 : f32
          %max3A_946 = vector.broadcast %max3A_945 : f32 to vector<16xf32>
          %max3A_947 = arith.maximumf %sub3A_944, %max3A_946 : vector<16xf32>
          %mul3A_948 = arith.mulf %max3A_943, %max3A_947 : vector<16xf32>
          %add3A_949 = vector.broadcast %get3A_482 : f32 to vector<16xf32>
          %add3A_950 = arith.addf %add3A_949, %get3A_848 : vector<16xf32>
          %sub3A_951 = arith.subf %add3A_950, %mul3A_948 : vector<16xf32>
          %add3A_952 = arith.constant 9.99999971E-10 : f32
          %add3A_953 = vector.broadcast %add3A_952 : f32 to vector<16xf32>
          %add3A_954 = arith.addf %sub3A_951, %add3A_953 : vector<16xf32>
          %div3A_955 = arith.divf %mul3A_948, %add3A_954 : vector<16xf32>
          %gt3A_956 = arith.constant 3.000000e-01 : f32
          %gt3A_957 = vector.broadcast %gt3A_956 : f32 to vector<16xf32>
          %gt3A_958 = arith.cmpf ogt, %div3A_955, %gt3A_957 : vector<16xf32>
          %or3A_959 = arith.ori %or3A_931, %gt3A_958 : vector<16xi1>
          %max3A_960 = vector.broadcast %get3A_488 : f32 to vector<16xf32>
          %max3A_961 = arith.maximumf %max3A_960, %get3A_836 : vector<16xf32>
          %max3A_962 = vector.broadcast %get3A_490 : f32 to vector<16xf32>
          %max3A_963 = arith.maximumf %max3A_962, %get3A_839 : vector<16xf32>
          %min3A_964 = vector.broadcast %get3A_492 : f32 to vector<16xf32>
          %min3A_965 = arith.minimumf %min3A_964, %get3A_842 : vector<16xf32>
          %min3A_966 = vector.broadcast %get3A_494 : f32 to vector<16xf32>
          %min3A_967 = arith.minimumf %min3A_966, %get3A_845 : vector<16xf32>
          %sub3A_968 = arith.subf %min3A_965, %max3A_961 : vector<16xf32>
          %max3A_969 = arith.constant 0.000000e+00 : f32
          %max3A_970 = vector.broadcast %max3A_969 : f32 to vector<16xf32>
          %max3A_971 = arith.maximumf %sub3A_968, %max3A_970 : vector<16xf32>
          %sub3A_972 = arith.subf %min3A_967, %max3A_963 : vector<16xf32>
          %max3A_973 = arith.constant 0.000000e+00 : f32
          %max3A_974 = vector.broadcast %max3A_973 : f32 to vector<16xf32>
          %max3A_975 = arith.maximumf %sub3A_972, %max3A_974 : vector<16xf32>
          %mul3A_976 = arith.mulf %max3A_971, %max3A_975 : vector<16xf32>
          %add3A_977 = vector.broadcast %get3A_496 : f32 to vector<16xf32>
          %add3A_978 = arith.addf %add3A_977, %get3A_848 : vector<16xf32>
          %sub3A_979 = arith.subf %add3A_978, %mul3A_976 : vector<16xf32>
          %add3A_980 = arith.constant 9.99999971E-10 : f32
          %add3A_981 = vector.broadcast %add3A_980 : f32 to vector<16xf32>
          %add3A_982 = arith.addf %sub3A_979, %add3A_981 : vector<16xf32>
          %div3A_983 = arith.divf %mul3A_976, %add3A_982 : vector<16xf32>
          %gt3A_984 = arith.constant 3.000000e-01 : f32
          %gt3A_985 = vector.broadcast %gt3A_984 : f32 to vector<16xf32>
          %gt3A_986 = arith.cmpf ogt, %div3A_983, %gt3A_985 : vector<16xf32>
          %or3A_987 = arith.ori %or3A_959, %gt3A_986 : vector<16xi1>
          %max3A_988 = vector.broadcast %get3A_502 : f32 to vector<16xf32>
          %max3A_989 = arith.maximumf %max3A_988, %get3A_836 : vector<16xf32>
          %max3A_990 = vector.broadcast %get3A_504 : f32 to vector<16xf32>
          %max3A_991 = arith.maximumf %max3A_990, %get3A_839 : vector<16xf32>
          %min3A_992 = vector.broadcast %get3A_506 : f32 to vector<16xf32>
          %min3A_993 = arith.minimumf %min3A_992, %get3A_842 : vector<16xf32>
          %min3A_994 = vector.broadcast %get3A_508 : f32 to vector<16xf32>
          %min3A_995 = arith.minimumf %min3A_994, %get3A_845 : vector<16xf32>
          %sub3A_996 = arith.subf %min3A_993, %max3A_989 : vector<16xf32>
          %max3A_997 = arith.constant 0.000000e+00 : f32
          %max3A_998 = vector.broadcast %max3A_997 : f32 to vector<16xf32>
          %max3A_999 = arith.maximumf %sub3A_996, %max3A_998 : vector<16xf32>
          %sub3A_1000 = arith.subf %min3A_995, %max3A_991 : vector<16xf32>
          %max3A_1001 = arith.constant 0.000000e+00 : f32
          %max3A_1002 = vector.broadcast %max3A_1001 : f32 to vector<16xf32>
          %max3A_1003 = arith.maximumf %sub3A_1000, %max3A_1002 : vector<16xf32>
          %mul3A_1004 = arith.mulf %max3A_999, %max3A_1003 : vector<16xf32>
          %add3A_1005 = vector.broadcast %get3A_510 : f32 to vector<16xf32>
          %add3A_1006 = arith.addf %add3A_1005, %get3A_848 : vector<16xf32>
          %sub3A_1007 = arith.subf %add3A_1006, %mul3A_1004 : vector<16xf32>
          %add3A_1008 = arith.constant 9.99999971E-10 : f32
          %add3A_1009 = vector.broadcast %add3A_1008 : f32 to vector<16xf32>
          %add3A_1010 = arith.addf %sub3A_1007, %add3A_1009 : vector<16xf32>
          %div3A_1011 = arith.divf %mul3A_1004, %add3A_1010 : vector<16xf32>
          %gt3A_1012 = arith.constant 3.000000e-01 : f32
          %gt3A_1013 = vector.broadcast %gt3A_1012 : f32 to vector<16xf32>
          %gt3A_1014 = arith.cmpf ogt, %div3A_1011, %gt3A_1013 : vector<16xf32>
          %or3A_1015 = arith.ori %or3A_987, %gt3A_1014 : vector<16xi1>
          %max3A_1016 = vector.broadcast %get3A_516 : f32 to vector<16xf32>
          %max3A_1017 = arith.maximumf %max3A_1016, %get3A_836 : vector<16xf32>
          %max3A_1018 = vector.broadcast %get3A_518 : f32 to vector<16xf32>
          %max3A_1019 = arith.maximumf %max3A_1018, %get3A_839 : vector<16xf32>
          %min3A_1020 = vector.broadcast %get3A_520 : f32 to vector<16xf32>
          %min3A_1021 = arith.minimumf %min3A_1020, %get3A_842 : vector<16xf32>
          %min3A_1022 = vector.broadcast %get3A_522 : f32 to vector<16xf32>
          %min3A_1023 = arith.minimumf %min3A_1022, %get3A_845 : vector<16xf32>
          %sub3A_1024 = arith.subf %min3A_1021, %max3A_1017 : vector<16xf32>
          %max3A_1025 = arith.constant 0.000000e+00 : f32
          %max3A_1026 = vector.broadcast %max3A_1025 : f32 to vector<16xf32>
          %max3A_1027 = arith.maximumf %sub3A_1024, %max3A_1026 : vector<16xf32>
          %sub3A_1028 = arith.subf %min3A_1023, %max3A_1019 : vector<16xf32>
          %max3A_1029 = arith.constant 0.000000e+00 : f32
          %max3A_1030 = vector.broadcast %max3A_1029 : f32 to vector<16xf32>
          %max3A_1031 = arith.maximumf %sub3A_1028, %max3A_1030 : vector<16xf32>
          %mul3A_1032 = arith.mulf %max3A_1027, %max3A_1031 : vector<16xf32>
          %add3A_1033 = vector.broadcast %get3A_524 : f32 to vector<16xf32>
          %add3A_1034 = arith.addf %add3A_1033, %get3A_848 : vector<16xf32>
          %sub3A_1035 = arith.subf %add3A_1034, %mul3A_1032 : vector<16xf32>
          %add3A_1036 = arith.constant 9.99999971E-10 : f32
          %add3A_1037 = vector.broadcast %add3A_1036 : f32 to vector<16xf32>
          %add3A_1038 = arith.addf %sub3A_1035, %add3A_1037 : vector<16xf32>
          %div3A_1039 = arith.divf %mul3A_1032, %add3A_1038 : vector<16xf32>
          %gt3A_1040 = arith.constant 3.000000e-01 : f32
          %gt3A_1041 = vector.broadcast %gt3A_1040 : f32 to vector<16xf32>
          %gt3A_1042 = arith.cmpf ogt, %div3A_1039, %gt3A_1041 : vector<16xf32>
          %or3A_1043 = arith.ori %or3A_1015, %gt3A_1042 : vector<16xi1>
          %max3A_1044 = vector.broadcast %get3A_530 : f32 to vector<16xf32>
          %max3A_1045 = arith.maximumf %max3A_1044, %get3A_836 : vector<16xf32>
          %max3A_1046 = vector.broadcast %get3A_532 : f32 to vector<16xf32>
          %max3A_1047 = arith.maximumf %max3A_1046, %get3A_839 : vector<16xf32>
          %min3A_1048 = vector.broadcast %get3A_534 : f32 to vector<16xf32>
          %min3A_1049 = arith.minimumf %min3A_1048, %get3A_842 : vector<16xf32>
          %min3A_1050 = vector.broadcast %get3A_536 : f32 to vector<16xf32>
          %min3A_1051 = arith.minimumf %min3A_1050, %get3A_845 : vector<16xf32>
          %sub3A_1052 = arith.subf %min3A_1049, %max3A_1045 : vector<16xf32>
          %max3A_1053 = arith.constant 0.000000e+00 : f32
          %max3A_1054 = vector.broadcast %max3A_1053 : f32 to vector<16xf32>
          %max3A_1055 = arith.maximumf %sub3A_1052, %max3A_1054 : vector<16xf32>
          %sub3A_1056 = arith.subf %min3A_1051, %max3A_1047 : vector<16xf32>
          %max3A_1057 = arith.constant 0.000000e+00 : f32
          %max3A_1058 = vector.broadcast %max3A_1057 : f32 to vector<16xf32>
          %max3A_1059 = arith.maximumf %sub3A_1056, %max3A_1058 : vector<16xf32>
          %mul3A_1060 = arith.mulf %max3A_1055, %max3A_1059 : vector<16xf32>
          %add3A_1061 = vector.broadcast %get3A_538 : f32 to vector<16xf32>
          %add3A_1062 = arith.addf %add3A_1061, %get3A_848 : vector<16xf32>
          %sub3A_1063 = arith.subf %add3A_1062, %mul3A_1060 : vector<16xf32>
          %add3A_1064 = arith.constant 9.99999971E-10 : f32
          %add3A_1065 = vector.broadcast %add3A_1064 : f32 to vector<16xf32>
          %add3A_1066 = arith.addf %sub3A_1063, %add3A_1065 : vector<16xf32>
          %div3A_1067 = arith.divf %mul3A_1060, %add3A_1066 : vector<16xf32>
          %gt3A_1068 = arith.constant 3.000000e-01 : f32
          %gt3A_1069 = vector.broadcast %gt3A_1068 : f32 to vector<16xf32>
          %gt3A_1070 = arith.cmpf ogt, %div3A_1067, %gt3A_1069 : vector<16xf32>
          %or3A_1071 = arith.ori %or3A_1043, %gt3A_1070 : vector<16xi1>
          %get3A_1072 = arith.index_cast %mul3A_833 : i32 to index
          %get3A_1073 = tpu.vector_load %arg31[%get3A_1072] {strides = array<i32>} : memref<1280xf32, #tpu.memory_space<vmem>>, vector<16xf32>,
          %get3A_1074 = vector.shape_cast %get3A_1073 : vector<16xf32> to vector<16xf32>
          %jit3A_1075 = arith.constant 0.000000e+00 : f32
          %broadcast_in_dim3A_1076 = vector.broadcast %jit3A_1075 : f32 to vector<16xf32>
          %select_n3A_1077 = arith.select %or3A_1071, %broadcast_in_dim3A_1076, %get3A_1074 : vector<16xi1>, vector<16xf32>
          %swap3A_1078 = arith.index_cast %mul3A_833 : i32 to index
          %swap3A_1079 = tpu.vector_load %arg31[%swap3A_1078] {strides = array<i32>} : memref<1280xf32, #tpu.memory_space<vmem>>, vector<16xf32>,
          %swap3A_1080 = vector.shape_cast %swap3A_1079 : vector<16xf32> to vector<16xf32>
          %swap3A_1081 = vector.shape_cast %select_n3A_1077 : vector<16xf32> to vector<16xf32>
          tpu.vector_store %arg31[%swap3A_1078], %swap3A_1081 {strides = array<i32>} : memref<1280xf32, #tpu.memory_space<vmem>>, vector<16xf32>,
          %while3A_1082 = arith.constant 0 : i32
          scf.yield %while3A_1082 : i32
        }
        %while3A_575 = arith.constant 1 : i32
        %while3A_576 = scf.for %while3A_578 = %while3A_572 to %while3A_568 step %while3A_575 iter_args(%while3A_579 = %while3A_574) -> (i32)  : i32 {
          %mul3A_580 = arith.constant 2 : i32
          %mul3A_581 = arith.muli %while3A_578, %mul3A_580 : i32
          %add3A_582 = arith.constant 0 : i32
          %add3A_583 = arith.addi %mul3A_581, %add3A_582 : i32
          %mul3A_584 = arith.constant 16 : i32
          %mul3A_585 = arith.muli %add3A_583, %mul3A_584 : i32
          %get3A_586 = arith.index_cast %mul3A_585 : i32 to index
          %get3A_587 = tpu.vector_load %arg26[%get3A_586] {strides = array<i32>} : memref<1280xf32, #tpu.memory_space<vmem>>, vector<16xf32>,
          %get3A_588 = vector.shape_cast %get3A_587 : vector<16xf32> to vector<16xf32>
          %get3A_589 = arith.index_cast %mul3A_585 : i32 to index
          %get3A_590 = tpu.vector_load %arg27[%get3A_589] {strides = array<i32>} : memref<1280xf32, #tpu.memory_space<vmem>>, vector<16xf32>,
          %get3A_591 = vector.shape_cast %get3A_590 : vector<16xf32> to vector<16xf32>
          %get3A_592 = arith.index_cast %mul3A_585 : i32 to index
          %get3A_593 = tpu.vector_load %arg28[%get3A_592] {strides = array<i32>} : memref<1280xf32, #tpu.memory_space<vmem>>, vector<16xf32>,
          %get3A_594 = vector.shape_cast %get3A_593 : vector<16xf32> to vector<16xf32>
          %get3A_595 = arith.index_cast %mul3A_585 : i32 to index
          %get3A_596 = tpu.vector_load %arg29[%get3A_595] {strides = array<i32>} : memref<1280xf32, #tpu.memory_space<vmem>>, vector<16xf32>,
          %get3A_597 = vector.shape_cast %get3A_596 : vector<16xf32> to vector<16xf32>
          %get3A_598 = arith.index_cast %mul3A_585 : i32 to index
          %get3A_599 = tpu.vector_load %arg30[%get3A_598] {strides = array<i32>} : memref<1280xf32, #tpu.memory_space<vmem>>, vector<16xf32>,
          %get3A_600 = vector.shape_cast %get3A_599 : vector<16xf32> to vector<16xf32>
          %max3A = vector.broadcast %get3A_432 : f32 to vector<16xf32>
          %max3A_601 = arith.maximumf %max3A, %get3A_588 : vector<16xf32>
          %max3A_602 = vector.broadcast %get3A_434 : f32 to vector<16xf32>
          %max3A_603 = arith.maximumf %max3A_602, %get3A_591 : vector<16xf32>
          %min3A = vector.broadcast %get3A_436 : f32 to vector<16xf32>
          %min3A_604 = arith.minimumf %min3A, %get3A_594 : vector<16xf32>
          %min3A_605 = vector.broadcast %get3A_438 : f32 to vector<16xf32>
          %min3A_606 = arith.minimumf %min3A_605, %get3A_597 : vector<16xf32>
          %sub3A_607 = arith.subf %min3A_604, %max3A_601 : vector<16xf32>
          %max3A_608 = arith.constant 0.000000e+00 : f32
          %max3A_609 = vector.broadcast %max3A_608 : f32 to vector<16xf32>
          %max3A_610 = arith.maximumf %sub3A_607, %max3A_609 : vector<16xf32>
          %sub3A_611 = arith.subf %min3A_606, %max3A_603 : vector<16xf32>
          %max3A_612 = arith.constant 0.000000e+00 : f32
          %max3A_613 = vector.broadcast %max3A_612 : f32 to vector<16xf32>
          %max3A_614 = arith.maximumf %sub3A_611, %max3A_613 : vector<16xf32>
          %mul3A_615 = arith.mulf %max3A_610, %max3A_614 : vector<16xf32>
          %add3A_616 = vector.broadcast %get3A_440 : f32 to vector<16xf32>
          %add3A_617 = arith.addf %add3A_616, %get3A_600 : vector<16xf32>
          %sub3A_618 = arith.subf %add3A_617, %mul3A_615 : vector<16xf32>
          %add3A_619 = arith.constant 9.99999971E-10 : f32
          %add3A_620 = vector.broadcast %add3A_619 : f32 to vector<16xf32>
          %add3A_621 = arith.addf %sub3A_618, %add3A_620 : vector<16xf32>
          %div3A_622 = arith.divf %mul3A_615, %add3A_621 : vector<16xf32>
          %gt3A = arith.constant 3.000000e-01 : f32
          %gt3A_623 = vector.broadcast %gt3A : f32 to vector<16xf32>
          %gt3A_624 = arith.cmpf ogt, %div3A_622, %gt3A_623 : vector<16xf32>
          %max3A_625 = vector.broadcast %get3A_446 : f32 to vector<16xf32>
          %max3A_626 = arith.maximumf %max3A_625, %get3A_588 : vector<16xf32>
          %max3A_627 = vector.broadcast %get3A_448 : f32 to vector<16xf32>
          %max3A_628 = arith.maximumf %max3A_627, %get3A_591 : vector<16xf32>
          %min3A_629 = vector.broadcast %get3A_450 : f32 to vector<16xf32>
          %min3A_630 = arith.minimumf %min3A_629, %get3A_594 : vector<16xf32>
          %min3A_631 = vector.broadcast %get3A_452 : f32 to vector<16xf32>
          %min3A_632 = arith.minimumf %min3A_631, %get3A_597 : vector<16xf32>
          %sub3A_633 = arith.subf %min3A_630, %max3A_626 : vector<16xf32>
          %max3A_634 = arith.constant 0.000000e+00 : f32
          %max3A_635 = vector.broadcast %max3A_634 : f32 to vector<16xf32>
          %max3A_636 = arith.maximumf %sub3A_633, %max3A_635 : vector<16xf32>
          %sub3A_637 = arith.subf %min3A_632, %max3A_628 : vector<16xf32>
          %max3A_638 = arith.constant 0.000000e+00 : f32
          %max3A_639 = vector.broadcast %max3A_638 : f32 to vector<16xf32>
          %max3A_640 = arith.maximumf %sub3A_637, %max3A_639 : vector<16xf32>
          %mul3A_641 = arith.mulf %max3A_636, %max3A_640 : vector<16xf32>
          %add3A_642 = vector.broadcast %get3A_454 : f32 to vector<16xf32>
          %add3A_643 = arith.addf %add3A_642, %get3A_600 : vector<16xf32>
          %sub3A_644 = arith.subf %add3A_643, %mul3A_641 : vector<16xf32>
          %add3A_645 = arith.constant 9.99999971E-10 : f32
          %add3A_646 = vector.broadcast %add3A_645 : f32 to vector<16xf32>
          %add3A_647 = arith.addf %sub3A_644, %add3A_646 : vector<16xf32>
          %div3A_648 = arith.divf %mul3A_641, %add3A_647 : vector<16xf32>
          %gt3A_649 = arith.constant 3.000000e-01 : f32
          %gt3A_650 = vector.broadcast %gt3A_649 : f32 to vector<16xf32>
          %gt3A_651 = arith.cmpf ogt, %div3A_648, %gt3A_650 : vector<16xf32>
          %or3A = arith.ori %gt3A_624, %gt3A_651 : vector<16xi1>
          %max3A_652 = vector.broadcast %get3A_460 : f32 to vector<16xf32>
          %max3A_653 = arith.maximumf %max3A_652, %get3A_588 : vector<16xf32>
          %max3A_654 = vector.broadcast %get3A_462 : f32 to vector<16xf32>
          %max3A_655 = arith.maximumf %max3A_654, %get3A_591 : vector<16xf32>
          %min3A_656 = vector.broadcast %get3A_464 : f32 to vector<16xf32>
          %min3A_657 = arith.minimumf %min3A_656, %get3A_594 : vector<16xf32>
          %min3A_658 = vector.broadcast %get3A_466 : f32 to vector<16xf32>
          %min3A_659 = arith.minimumf %min3A_658, %get3A_597 : vector<16xf32>
          %sub3A_660 = arith.subf %min3A_657, %max3A_653 : vector<16xf32>
          %max3A_661 = arith.constant 0.000000e+00 : f32
          %max3A_662 = vector.broadcast %max3A_661 : f32 to vector<16xf32>
          %max3A_663 = arith.maximumf %sub3A_660, %max3A_662 : vector<16xf32>
          %sub3A_664 = arith.subf %min3A_659, %max3A_655 : vector<16xf32>
          %max3A_665 = arith.constant 0.000000e+00 : f32
          %max3A_666 = vector.broadcast %max3A_665 : f32 to vector<16xf32>
          %max3A_667 = arith.maximumf %sub3A_664, %max3A_666 : vector<16xf32>
          %mul3A_668 = arith.mulf %max3A_663, %max3A_667 : vector<16xf32>
          %add3A_669 = vector.broadcast %get3A_468 : f32 to vector<16xf32>
          %add3A_670 = arith.addf %add3A_669, %get3A_600 : vector<16xf32>
          %sub3A_671 = arith.subf %add3A_670, %mul3A_668 : vector<16xf32>
          %add3A_672 = arith.constant 9.99999971E-10 : f32
          %add3A_673 = vector.broadcast %add3A_672 : f32 to vector<16xf32>
          %add3A_674 = arith.addf %sub3A_671, %add3A_673 : vector<16xf32>
          %div3A_675 = arith.divf %mul3A_668, %add3A_674 : vector<16xf32>
          %gt3A_676 = arith.constant 3.000000e-01 : f32
          %gt3A_677 = vector.broadcast %gt3A_676 : f32 to vector<16xf32>
          %gt3A_678 = arith.cmpf ogt, %div3A_675, %gt3A_677 : vector<16xf32>
          %or3A_679 = arith.ori %or3A, %gt3A_678 : vector<16xi1>
          %max3A_680 = vector.broadcast %get3A_474 : f32 to vector<16xf32>
          %max3A_681 = arith.maximumf %max3A_680, %get3A_588 : vector<16xf32>
          %max3A_682 = vector.broadcast %get3A_476 : f32 to vector<16xf32>
          %max3A_683 = arith.maximumf %max3A_682, %get3A_591 : vector<16xf32>
          %min3A_684 = vector.broadcast %get3A_478 : f32 to vector<16xf32>
          %min3A_685 = arith.minimumf %min3A_684, %get3A_594 : vector<16xf32>
          %min3A_686 = vector.broadcast %get3A_480 : f32 to vector<16xf32>
          %min3A_687 = arith.minimumf %min3A_686, %get3A_597 : vector<16xf32>
          %sub3A_688 = arith.subf %min3A_685, %max3A_681 : vector<16xf32>
          %max3A_689 = arith.constant 0.000000e+00 : f32
          %max3A_690 = vector.broadcast %max3A_689 : f32 to vector<16xf32>
          %max3A_691 = arith.maximumf %sub3A_688, %max3A_690 : vector<16xf32>
          %sub3A_692 = arith.subf %min3A_687, %max3A_683 : vector<16xf32>
          %max3A_693 = arith.constant 0.000000e+00 : f32
          %max3A_694 = vector.broadcast %max3A_693 : f32 to vector<16xf32>
          %max3A_695 = arith.maximumf %sub3A_692, %max3A_694 : vector<16xf32>
          %mul3A_696 = arith.mulf %max3A_691, %max3A_695 : vector<16xf32>
          %add3A_697 = vector.broadcast %get3A_482 : f32 to vector<16xf32>
          %add3A_698 = arith.addf %add3A_697, %get3A_600 : vector<16xf32>
          %sub3A_699 = arith.subf %add3A_698, %mul3A_696 : vector<16xf32>
          %add3A_700 = arith.constant 9.99999971E-10 : f32
          %add3A_701 = vector.broadcast %add3A_700 : f32 to vector<16xf32>
          %add3A_702 = arith.addf %sub3A_699, %add3A_701 : vector<16xf32>
          %div3A_703 = arith.divf %mul3A_696, %add3A_702 : vector<16xf32>
          %gt3A_704 = arith.constant 3.000000e-01 : f32
          %gt3A_705 = vector.broadcast %gt3A_704 : f32 to vector<16xf32>
          %gt3A_706 = arith.cmpf ogt, %div3A_703, %gt3A_705 : vector<16xf32>
          %or3A_707 = arith.ori %or3A_679, %gt3A_706 : vector<16xi1>
          %max3A_708 = vector.broadcast %get3A_488 : f32 to vector<16xf32>
          %max3A_709 = arith.maximumf %max3A_708, %get3A_588 : vector<16xf32>
          %max3A_710 = vector.broadcast %get3A_490 : f32 to vector<16xf32>
          %max3A_711 = arith.maximumf %max3A_710, %get3A_591 : vector<16xf32>
          %min3A_712 = vector.broadcast %get3A_492 : f32 to vector<16xf32>
          %min3A_713 = arith.minimumf %min3A_712, %get3A_594 : vector<16xf32>
          %min3A_714 = vector.broadcast %get3A_494 : f32 to vector<16xf32>
          %min3A_715 = arith.minimumf %min3A_714, %get3A_597 : vector<16xf32>
          %sub3A_716 = arith.subf %min3A_713, %max3A_709 : vector<16xf32>
          %max3A_717 = arith.constant 0.000000e+00 : f32
          %max3A_718 = vector.broadcast %max3A_717 : f32 to vector<16xf32>
          %max3A_719 = arith.maximumf %sub3A_716, %max3A_718 : vector<16xf32>
          %sub3A_720 = arith.subf %min3A_715, %max3A_711 : vector<16xf32>
          %max3A_721 = arith.constant 0.000000e+00 : f32
          %max3A_722 = vector.broadcast %max3A_721 : f32 to vector<16xf32>
          %max3A_723 = arith.maximumf %sub3A_720, %max3A_722 : vector<16xf32>
          %mul3A_724 = arith.mulf %max3A_719, %max3A_723 : vector<16xf32>
          %add3A_725 = vector.broadcast %get3A_496 : f32 to vector<16xf32>
          %add3A_726 = arith.addf %add3A_725, %get3A_600 : vector<16xf32>
          %sub3A_727 = arith.subf %add3A_726, %mul3A_724 : vector<16xf32>
          %add3A_728 = arith.constant 9.99999971E-10 : f32
          %add3A_729 = vector.broadcast %add3A_728 : f32 to vector<16xf32>
          %add3A_730 = arith.addf %sub3A_727, %add3A_729 : vector<16xf32>
          %div3A_731 = arith.divf %mul3A_724, %add3A_730 : vector<16xf32>
          %gt3A_732 = arith.constant 3.000000e-01 : f32
          %gt3A_733 = vector.broadcast %gt3A_732 : f32 to vector<16xf32>
          %gt3A_734 = arith.cmpf ogt, %div3A_731, %gt3A_733 : vector<16xf32>
          %or3A_735 = arith.ori %or3A_707, %gt3A_734 : vector<16xi1>
          %max3A_736 = vector.broadcast %get3A_502 : f32 to vector<16xf32>
          %max3A_737 = arith.maximumf %max3A_736, %get3A_588 : vector<16xf32>
          %max3A_738 = vector.broadcast %get3A_504 : f32 to vector<16xf32>
          %max3A_739 = arith.maximumf %max3A_738, %get3A_591 : vector<16xf32>
          %min3A_740 = vector.broadcast %get3A_506 : f32 to vector<16xf32>
          %min3A_741 = arith.minimumf %min3A_740, %get3A_594 : vector<16xf32>
          %min3A_742 = vector.broadcast %get3A_508 : f32 to vector<16xf32>
          %min3A_743 = arith.minimumf %min3A_742, %get3A_597 : vector<16xf32>
          %sub3A_744 = arith.subf %min3A_741, %max3A_737 : vector<16xf32>
          %max3A_745 = arith.constant 0.000000e+00 : f32
          %max3A_746 = vector.broadcast %max3A_745 : f32 to vector<16xf32>
          %max3A_747 = arith.maximumf %sub3A_744, %max3A_746 : vector<16xf32>
          %sub3A_748 = arith.subf %min3A_743, %max3A_739 : vector<16xf32>
          %max3A_749 = arith.constant 0.000000e+00 : f32
          %max3A_750 = vector.broadcast %max3A_749 : f32 to vector<16xf32>
          %max3A_751 = arith.maximumf %sub3A_748, %max3A_750 : vector<16xf32>
          %mul3A_752 = arith.mulf %max3A_747, %max3A_751 : vector<16xf32>
          %add3A_753 = vector.broadcast %get3A_510 : f32 to vector<16xf32>
          %add3A_754 = arith.addf %add3A_753, %get3A_600 : vector<16xf32>
          %sub3A_755 = arith.subf %add3A_754, %mul3A_752 : vector<16xf32>
          %add3A_756 = arith.constant 9.99999971E-10 : f32
          %add3A_757 = vector.broadcast %add3A_756 : f32 to vector<16xf32>
          %add3A_758 = arith.addf %sub3A_755, %add3A_757 : vector<16xf32>
          %div3A_759 = arith.divf %mul3A_752, %add3A_758 : vector<16xf32>
          %gt3A_760 = arith.constant 3.000000e-01 : f32
          %gt3A_761 = vector.broadcast %gt3A_760 : f32 to vector<16xf32>
          %gt3A_762 = arith.cmpf ogt, %div3A_759, %gt3A_761 : vector<16xf32>
          %or3A_763 = arith.ori %or3A_735, %gt3A_762 : vector<16xi1>
          %max3A_764 = vector.broadcast %get3A_516 : f32 to vector<16xf32>
          %max3A_765 = arith.maximumf %max3A_764, %get3A_588 : vector<16xf32>
          %max3A_766 = vector.broadcast %get3A_518 : f32 to vector<16xf32>
          %max3A_767 = arith.maximumf %max3A_766, %get3A_591 : vector<16xf32>
          %min3A_768 = vector.broadcast %get3A_520 : f32 to vector<16xf32>
          %min3A_769 = arith.minimumf %min3A_768, %get3A_594 : vector<16xf32>
          %min3A_770 = vector.broadcast %get3A_522 : f32 to vector<16xf32>
          %min3A_771 = arith.minimumf %min3A_770, %get3A_597 : vector<16xf32>
          %sub3A_772 = arith.subf %min3A_769, %max3A_765 : vector<16xf32>
          %max3A_773 = arith.constant 0.000000e+00 : f32
          %max3A_774 = vector.broadcast %max3A_773 : f32 to vector<16xf32>
          %max3A_775 = arith.maximumf %sub3A_772, %max3A_774 : vector<16xf32>
          %sub3A_776 = arith.subf %min3A_771, %max3A_767 : vector<16xf32>
          %max3A_777 = arith.constant 0.000000e+00 : f32
          %max3A_778 = vector.broadcast %max3A_777 : f32 to vector<16xf32>
          %max3A_779 = arith.maximumf %sub3A_776, %max3A_778 : vector<16xf32>
          %mul3A_780 = arith.mulf %max3A_775, %max3A_779 : vector<16xf32>
          %add3A_781 = vector.broadcast %get3A_524 : f32 to vector<16xf32>
          %add3A_782 = arith.addf %add3A_781, %get3A_600 : vector<16xf32>
          %sub3A_783 = arith.subf %add3A_782, %mul3A_780 : vector<16xf32>
          %add3A_784 = arith.constant 9.99999971E-10 : f32
          %add3A_785 = vector.broadcast %add3A_784 : f32 to vector<16xf32>
          %add3A_786 = arith.addf %sub3A_783, %add3A_785 : vector<16xf32>
          %div3A_787 = arith.divf %mul3A_780, %add3A_786 : vector<16xf32>
          %gt3A_788 = arith.constant 3.000000e-01 : f32
          %gt3A_789 = vector.broadcast %gt3A_788 : f32 to vector<16xf32>
          %gt3A_790 = arith.cmpf ogt, %div3A_787, %gt3A_789 : vector<16xf32>
          %or3A_791 = arith.ori %or3A_763, %gt3A_790 : vector<16xi1>
          %max3A_792 = vector.broadcast %get3A_530 : f32 to vector<16xf32>
          %max3A_793 = arith.maximumf %max3A_792, %get3A_588 : vector<16xf32>
          %max3A_794 = vector.broadcast %get3A_532 : f32 to vector<16xf32>
          %max3A_795 = arith.maximumf %max3A_794, %get3A_591 : vector<16xf32>
          %min3A_796 = vector.broadcast %get3A_534 : f32 to vector<16xf32>
          %min3A_797 = arith.minimumf %min3A_796, %get3A_594 : vector<16xf32>
          %min3A_798 = vector.broadcast %get3A_536 : f32 to vector<16xf32>
          %min3A_799 = arith.minimumf %min3A_798, %get3A_597 : vector<16xf32>
          %sub3A_800 = arith.subf %min3A_797, %max3A_793 : vector<16xf32>
          %max3A_801 = arith.constant 0.000000e+00 : f32
          %max3A_802 = vector.broadcast %max3A_801 : f32 to vector<16xf32>
          %max3A_803 = arith.maximumf %sub3A_800, %max3A_802 : vector<16xf32>
          %sub3A_804 = arith.subf %min3A_799, %max3A_795 : vector<16xf32>
          %max3A_805 = arith.constant 0.000000e+00 : f32
          %max3A_806 = vector.broadcast %max3A_805 : f32 to vector<16xf32>
          %max3A_807 = arith.maximumf %sub3A_804, %max3A_806 : vector<16xf32>
          %mul3A_808 = arith.mulf %max3A_803, %max3A_807 : vector<16xf32>
          %add3A_809 = vector.broadcast %get3A_538 : f32 to vector<16xf32>
          %add3A_810 = arith.addf %add3A_809, %get3A_600 : vector<16xf32>
          %sub3A_811 = arith.subf %add3A_810, %mul3A_808 : vector<16xf32>
          %add3A_812 = arith.constant 9.99999971E-10 : f32
          %add3A_813 = vector.broadcast %add3A_812 : f32 to vector<16xf32>
          %add3A_814 = arith.addf %sub3A_811, %add3A_813 : vector<16xf32>
          %div3A_815 = arith.divf %mul3A_808, %add3A_814 : vector<16xf32>
          %gt3A_816 = arith.constant 3.000000e-01 : f32
          %gt3A_817 = vector.broadcast %gt3A_816 : f32 to vector<16xf32>
          %gt3A_818 = arith.cmpf ogt, %div3A_815, %gt3A_817 : vector<16xf32>
          %or3A_819 = arith.ori %or3A_791, %gt3A_818 : vector<16xi1>
          %get3A_820 = arith.index_cast %mul3A_585 : i32 to index
          %get3A_821 = tpu.vector_load %arg31[%get3A_820] {strides = array<i32>} : memref<1280xf32, #tpu.memory_space<vmem>>, vector<16xf32>,
          %get3A_822 = vector.shape_cast %get3A_821 : vector<16xf32> to vector<16xf32>
          %jit3A_823 = arith.constant 0.000000e+00 : f32
          %broadcast_in_dim3A = vector.broadcast %jit3A_823 : f32 to vector<16xf32>
          %select_n3A_824 = arith.select %or3A_819, %broadcast_in_dim3A, %get3A_822 : vector<16xi1>, vector<16xf32>
          %swap3A = arith.index_cast %mul3A_585 : i32 to index
          %swap3A_825 = tpu.vector_load %arg31[%swap3A] {strides = array<i32>} : memref<1280xf32, #tpu.memory_space<vmem>>, vector<16xf32>,
          %swap3A_826 = vector.shape_cast %swap3A_825 : vector<16xf32> to vector<16xf32>
          %swap3A_827 = vector.shape_cast %select_n3A_824 : vector<16xf32> to vector<16xf32>
          tpu.vector_store %arg31[%swap3A], %swap3A_827 {strides = array<i32>} : memref<1280xf32, #tpu.memory_space<vmem>>, vector<16xf32>,
          %mul3A_828 = arith.constant 2 : i32
          %mul3A_829 = arith.muli %while3A_578, %mul3A_828 : i32
          %add3A_830 = arith.constant 1 : i32
          %add3A_831 = arith.addi %mul3A_829, %add3A_830 : i32
          %mul3A_832 = arith.constant 16 : i32
          %mul3A_833 = arith.muli %add3A_831, %mul3A_832 : i32
          %get3A_834 = arith.index_cast %mul3A_833 : i32 to index
          %get3A_835 = tpu.vector_load %arg26[%get3A_834] {strides = array<i32>} : memref<1280xf32, #tpu.memory_space<vmem>>, vector<16xf32>,
          %get3A_836 = vector.shape_cast %get3A_835 : vector<16xf32> to vector<16xf32>
          %get3A_837 = arith.index_cast %mul3A_833 : i32 to index
          %get3A_838 = tpu.vector_load %arg27[%get3A_837] {strides = array<i32>} : memref<1280xf32, #tpu.memory_space<vmem>>, vector<16xf32>,
          %get3A_839 = vector.shape_cast %get3A_838 : vector<16xf32> to vector<16xf32>
          %get3A_840 = arith.index_cast %mul3A_833 : i32 to index
          %get3A_841 = tpu.vector_load %arg28[%get3A_840] {strides = array<i32>} : memref<1280xf32, #tpu.memory_space<vmem>>, vector<16xf32>,
          %get3A_842 = vector.shape_cast %get3A_841 : vector<16xf32> to vector<16xf32>
          %get3A_843 = arith.index_cast %mul3A_833 : i32 to index
          %get3A_844 = tpu.vector_load %arg29[%get3A_843] {strides = array<i32>} : memref<1280xf32, #tpu.memory_space<vmem>>, vector<16xf32>,
          %get3A_845 = vector.shape_cast %get3A_844 : vector<16xf32> to vector<16xf32>
          %get3A_846 = arith.index_cast %mul3A_833 : i32 to index
          %get3A_847 = tpu.vector_load %arg30[%get3A_846] {strides = array<i32>} : memref<1280xf32, #tpu.memory_space<vmem>>, vector<16xf32>,
          %get3A_848 = vector.shape_cast %get3A_847 : vector<16xf32> to vector<16xf32>
          %max3A_849 = vector.broadcast %get3A_432 : f32 to vector<16xf32>
          %max3A_850 = arith.maximumf %max3A_849, %get3A_836 : vector<16xf32>
          %max3A_851 = vector.broadcast %get3A_434 : f32 to vector<16xf32>
          %max3A_852 = arith.maximumf %max3A_851, %get3A_839 : vector<16xf32>
          %min3A_853 = vector.broadcast %get3A_436 : f32 to vector<16xf32>
          %min3A_854 = arith.minimumf %min3A_853, %get3A_842 : vector<16xf32>
          %min3A_855 = vector.broadcast %get3A_438 : f32 to vector<16xf32>
          %min3A_856 = arith.minimumf %min3A_855, %get3A_845 : vector<16xf32>
          %sub3A_857 = arith.subf %min3A_854, %max3A_850 : vector<16xf32>
          %max3A_858 = arith.constant 0.000000e+00 : f32
          %max3A_859 = vector.broadcast %max3A_858 : f32 to vector<16xf32>
          %max3A_860 = arith.maximumf %sub3A_857, %max3A_859 : vector<16xf32>
          %sub3A_861 = arith.subf %min3A_856, %max3A_852 : vector<16xf32>
          %max3A_862 = arith.constant 0.000000e+00 : f32
          %max3A_863 = vector.broadcast %max3A_862 : f32 to vector<16xf32>
          %max3A_864 = arith.maximumf %sub3A_861, %max3A_863 : vector<16xf32>
          %mul3A_865 = arith.mulf %max3A_860, %max3A_864 : vector<16xf32>
          %add3A_866 = vector.broadcast %get3A_440 : f32 to vector<16xf32>
          %add3A_867 = arith.addf %add3A_866, %get3A_848 : vector<16xf32>
          %sub3A_868 = arith.subf %add3A_867, %mul3A_865 : vector<16xf32>
          %add3A_869 = arith.constant 9.99999971E-10 : f32
          %add3A_870 = vector.broadcast %add3A_869 : f32 to vector<16xf32>
          %add3A_871 = arith.addf %sub3A_868, %add3A_870 : vector<16xf32>
          %div3A_872 = arith.divf %mul3A_865, %add3A_871 : vector<16xf32>
          %gt3A_873 = arith.constant 3.000000e-01 : f32
          %gt3A_874 = vector.broadcast %gt3A_873 : f32 to vector<16xf32>
          %gt3A_875 = arith.cmpf ogt, %div3A_872, %gt3A_874 : vector<16xf32>
          %max3A_876 = vector.broadcast %get3A_446 : f32 to vector<16xf32>
          %max3A_877 = arith.maximumf %max3A_876, %get3A_836 : vector<16xf32>
          %max3A_878 = vector.broadcast %get3A_448 : f32 to vector<16xf32>
          %max3A_879 = arith.maximumf %max3A_878, %get3A_839 : vector<16xf32>
          %min3A_880 = vector.broadcast %get3A_450 : f32 to vector<16xf32>
          %min3A_881 = arith.minimumf %min3A_880, %get3A_842 : vector<16xf32>
          %min3A_882 = vector.broadcast %get3A_452 : f32 to vector<16xf32>
          %min3A_883 = arith.minimumf %min3A_882, %get3A_845 : vector<16xf32>
          %sub3A_884 = arith.subf %min3A_881, %max3A_877 : vector<16xf32>
          %max3A_885 = arith.constant 0.000000e+00 : f32
          %max3A_886 = vector.broadcast %max3A_885 : f32 to vector<16xf32>
          %max3A_887 = arith.maximumf %sub3A_884, %max3A_886 : vector<16xf32>
          %sub3A_888 = arith.subf %min3A_883, %max3A_879 : vector<16xf32>
          %max3A_889 = arith.constant 0.000000e+00 : f32
          %max3A_890 = vector.broadcast %max3A_889 : f32 to vector<16xf32>
          %max3A_891 = arith.maximumf %sub3A_888, %max3A_890 : vector<16xf32>
          %mul3A_892 = arith.mulf %max3A_887, %max3A_891 : vector<16xf32>
          %add3A_893 = vector.broadcast %get3A_454 : f32 to vector<16xf32>
          %add3A_894 = arith.addf %add3A_893, %get3A_848 : vector<16xf32>
          %sub3A_895 = arith.subf %add3A_894, %mul3A_892 : vector<16xf32>
          %add3A_896 = arith.constant 9.99999971E-10 : f32
          %add3A_897 = vector.broadcast %add3A_896 : f32 to vector<16xf32>
          %add3A_898 = arith.addf %sub3A_895, %add3A_897 : vector<16xf32>
          %div3A_899 = arith.divf %mul3A_892, %add3A_898 : vector<16xf32>
          %gt3A_900 = arith.constant 3.000000e-01 : f32
          %gt3A_901 = vector.broadcast %gt3A_900 : f32 to vector<16xf32>
          %gt3A_902 = arith.cmpf ogt, %div3A_899, %gt3A_901 : vector<16xf32>
          %or3A_903 = arith.ori %gt3A_875, %gt3A_902 : vector<16xi1>
          %max3A_904 = vector.broadcast %get3A_460 : f32 to vector<16xf32>
          %max3A_905 = arith.maximumf %max3A_904, %get3A_836 : vector<16xf32>
          %max3A_906 = vector.broadcast %get3A_462 : f32 to vector<16xf32>
          %max3A_907 = arith.maximumf %max3A_906, %get3A_839 : vector<16xf32>
          %min3A_908 = vector.broadcast %get3A_464 : f32 to vector<16xf32>
          %min3A_909 = arith.minimumf %min3A_908, %get3A_842 : vector<16xf32>
          %min3A_910 = vector.broadcast %get3A_466 : f32 to vector<16xf32>
          %min3A_911 = arith.minimumf %min3A_910, %get3A_845 : vector<16xf32>
          %sub3A_912 = arith.subf %min3A_909, %max3A_905 : vector<16xf32>
          %max3A_913 = arith.constant 0.000000e+00 : f32
          %max3A_914 = vector.broadcast %max3A_913 : f32 to vector<16xf32>
          %max3A_915 = arith.maximumf %sub3A_912, %max3A_914 : vector<16xf32>
          %sub3A_916 = arith.subf %min3A_911, %max3A_907 : vector<16xf32>
          %max3A_917 = arith.constant 0.000000e+00 : f32
          %max3A_918 = vector.broadcast %max3A_917 : f32 to vector<16xf32>
          %max3A_919 = arith.maximumf %sub3A_916, %max3A_918 : vector<16xf32>
          %mul3A_920 = arith.mulf %max3A_915, %max3A_919 : vector<16xf32>
          %add3A_921 = vector.broadcast %get3A_468 : f32 to vector<16xf32>
          %add3A_922 = arith.addf %add3A_921, %get3A_848 : vector<16xf32>
          %sub3A_923 = arith.subf %add3A_922, %mul3A_920 : vector<16xf32>
          %add3A_924 = arith.constant 9.99999971E-10 : f32
          %add3A_925 = vector.broadcast %add3A_924 : f32 to vector<16xf32>
          %add3A_926 = arith.addf %sub3A_923, %add3A_925 : vector<16xf32>
          %div3A_927 = arith.divf %mul3A_920, %add3A_926 : vector<16xf32>
          %gt3A_928 = arith.constant 3.000000e-01 : f32
          %gt3A_929 = vector.broadcast %gt3A_928 : f32 to vector<16xf32>
          %gt3A_930 = arith.cmpf ogt, %div3A_927, %gt3A_929 : vector<16xf32>
          %or3A_931 = arith.ori %or3A_903, %gt3A_930 : vector<16xi1>
          %max3A_932 = vector.broadcast %get3A_474 : f32 to vector<16xf32>
          %max3A_933 = arith.maximumf %max3A_932, %get3A_836 : vector<16xf32>
          %max3A_934 = vector.broadcast %get3A_476 : f32 to vector<16xf32>
          %max3A_935 = arith.maximumf %max3A_934, %get3A_839 : vector<16xf32>
          %min3A_936 = vector.broadcast %get3A_478 : f32 to vector<16xf32>
          %min3A_937 = arith.minimumf %min3A_936, %get3A_842 : vector<16xf32>
          %min3A_938 = vector.broadcast %get3A_480 : f32 to vector<16xf32>
          %min3A_939 = arith.minimumf %min3A_938, %get3A_845 : vector<16xf32>
          %sub3A_940 = arith.subf %min3A_937, %max3A_933 : vector<16xf32>
          %max3A_941 = arith.constant 0.000000e+00 : f32
          %max3A_942 = vector.broadcast %max3A_941 : f32 to vector<16xf32>
          %max3A_943 = arith.maximumf %sub3A_940, %max3A_942 : vector<16xf32>
          %sub3A_944 = arith.subf %min3A_939, %max3A_935 : vector<16xf32>
          %max3A_945 = arith.constant 0.000000e+00 : f32
          %max3A_946 = vector.broadcast %max3A_945 : f32 to vector<16xf32>
          %max3A_947 = arith.maximumf %sub3A_944, %max3A_946 : vector<16xf32>
          %mul3A_948 = arith.mulf %max3A_943, %max3A_947 : vector<16xf32>
          %add3A_949 = vector.broadcast %get3A_482 : f32 to vector<16xf32>
          %add3A_950 = arith.addf %add3A_949, %get3A_848 : vector<16xf32>
          %sub3A_951 = arith.subf %add3A_950, %mul3A_948 : vector<16xf32>
          %add3A_952 = arith.constant 9.99999971E-10 : f32
          %add3A_953 = vector.broadcast %add3A_952 : f32 to vector<16xf32>
          %add3A_954 = arith.addf %sub3A_951, %add3A_953 : vector<16xf32>
          %div3A_955 = arith.divf %mul3A_948, %add3A_954 : vector<16xf32>
          %gt3A_956 = arith.constant 3.000000e-01 : f32
          %gt3A_957 = vector.broadcast %gt3A_956 : f32 to vector<16xf32>
          %gt3A_958 = arith.cmpf ogt, %div3A_955, %gt3A_957 : vector<16xf32>
          %or3A_959 = arith.ori %or3A_931, %gt3A_958 : vector<16xi1>
          %max3A_960 = vector.broadcast %get3A_488 : f32 to vector<16xf32>
          %max3A_961 = arith.maximumf %max3A_960, %get3A_836 : vector<16xf32>
          %max3A_962 = vector.broadcast %get3A_490 : f32 to vector<16xf32>
          %max3A_963 = arith.maximumf %max3A_962, %get3A_839 : vector<16xf32>
          %min3A_964 = vector.broadcast %get3A_492 : f32 to vector<16xf32>
          %min3A_965 = arith.minimumf %min3A_964, %get3A_842 : vector<16xf32>
          %min3A_966 = vector.broadcast %get3A_494 : f32 to vector<16xf32>
          %min3A_967 = arith.minimumf %min3A_966, %get3A_845 : vector<16xf32>
          %sub3A_968 = arith.subf %min3A_965, %max3A_961 : vector<16xf32>
          %max3A_969 = arith.constant 0.000000e+00 : f32
          %max3A_970 = vector.broadcast %max3A_969 : f32 to vector<16xf32>
          %max3A_971 = arith.maximumf %sub3A_968, %max3A_970 : vector<16xf32>
          %sub3A_972 = arith.subf %min3A_967, %max3A_963 : vector<16xf32>
          %max3A_973 = arith.constant 0.000000e+00 : f32
          %max3A_974 = vector.broadcast %max3A_973 : f32 to vector<16xf32>
          %max3A_975 = arith.maximumf %sub3A_972, %max3A_974 : vector<16xf32>
          %mul3A_976 = arith.mulf %max3A_971, %max3A_975 : vector<16xf32>
          %add3A_977 = vector.broadcast %get3A_496 : f32 to vector<16xf32>
          %add3A_978 = arith.addf %add3A_977, %get3A_848 : vector<16xf32>
          %sub3A_979 = arith.subf %add3A_978, %mul3A_976 : vector<16xf32>
          %add3A_980 = arith.constant 9.99999971E-10 : f32
          %add3A_981 = vector.broadcast %add3A_980 : f32 to vector<16xf32>
          %add3A_982 = arith.addf %sub3A_979, %add3A_981 : vector<16xf32>
          %div3A_983 = arith.divf %mul3A_976, %add3A_982 : vector<16xf32>
          %gt3A_984 = arith.constant 3.000000e-01 : f32
          %gt3A_985 = vector.broadcast %gt3A_984 : f32 to vector<16xf32>
          %gt3A_986 = arith.cmpf ogt, %div3A_983, %gt3A_985 : vector<16xf32>
          %or3A_987 = arith.ori %or3A_959, %gt3A_986 : vector<16xi1>
          %max3A_988 = vector.broadcast %get3A_502 : f32 to vector<16xf32>
          %max3A_989 = arith.maximumf %max3A_988, %get3A_836 : vector<16xf32>
          %max3A_990 = vector.broadcast %get3A_504 : f32 to vector<16xf32>
          %max3A_991 = arith.maximumf %max3A_990, %get3A_839 : vector<16xf32>
          %min3A_992 = vector.broadcast %get3A_506 : f32 to vector<16xf32>
          %min3A_993 = arith.minimumf %min3A_992, %get3A_842 : vector<16xf32>
          %min3A_994 = vector.broadcast %get3A_508 : f32 to vector<16xf32>
          %min3A_995 = arith.minimumf %min3A_994, %get3A_845 : vector<16xf32>
          %sub3A_996 = arith.subf %min3A_993, %max3A_989 : vector<16xf32>
          %max3A_997 = arith.constant 0.000000e+00 : f32
          %max3A_998 = vector.broadcast %max3A_997 : f32 to vector<16xf32>
          %max3A_999 = arith.maximumf %sub3A_996, %max3A_998 : vector<16xf32>
          %sub3A_1000 = arith.subf %min3A_995, %max3A_991 : vector<16xf32>
          %max3A_1001 = arith.constant 0.000000e+00 : f32
          %max3A_1002 = vector.broadcast %max3A_1001 : f32 to vector<16xf32>
          %max3A_1003 = arith.maximumf %sub3A_1000, %max3A_1002 : vector<16xf32>
          %mul3A_1004 = arith.mulf %max3A_999, %max3A_1003 : vector<16xf32>
          %add3A_1005 = vector.broadcast %get3A_510 : f32 to vector<16xf32>
          %add3A_1006 = arith.addf %add3A_1005, %get3A_848 : vector<16xf32>
          %sub3A_1007 = arith.subf %add3A_1006, %mul3A_1004 : vector<16xf32>
          %add3A_1008 = arith.constant 9.99999971E-10 : f32
          %add3A_1009 = vector.broadcast %add3A_1008 : f32 to vector<16xf32>
          %add3A_1010 = arith.addf %sub3A_1007, %add3A_1009 : vector<16xf32>
          %div3A_1011 = arith.divf %mul3A_1004, %add3A_1010 : vector<16xf32>
          %gt3A_1012 = arith.constant 3.000000e-01 : f32
          %gt3A_1013 = vector.broadcast %gt3A_1012 : f32 to vector<16xf32>
          %gt3A_1014 = arith.cmpf ogt, %div3A_1011, %gt3A_1013 : vector<16xf32>
          %or3A_1015 = arith.ori %or3A_987, %gt3A_1014 : vector<16xi1>
          %max3A_1016 = vector.broadcast %get3A_516 : f32 to vector<16xf32>
          %max3A_1017 = arith.maximumf %max3A_1016, %get3A_836 : vector<16xf32>
          %max3A_1018 = vector.broadcast %get3A_518 : f32 to vector<16xf32>
          %max3A_1019 = arith.maximumf %max3A_1018, %get3A_839 : vector<16xf32>
          %min3A_1020 = vector.broadcast %get3A_520 : f32 to vector<16xf32>
          %min3A_1021 = arith.minimumf %min3A_1020, %get3A_842 : vector<16xf32>
          %min3A_1022 = vector.broadcast %get3A_522 : f32 to vector<16xf32>
          %min3A_1023 = arith.minimumf %min3A_1022, %get3A_845 : vector<16xf32>
          %sub3A_1024 = arith.subf %min3A_1021, %max3A_1017 : vector<16xf32>
          %max3A_1025 = arith.constant 0.000000e+00 : f32
          %max3A_1026 = vector.broadcast %max3A_1025 : f32 to vector<16xf32>
          %max3A_1027 = arith.maximumf %sub3A_1024, %max3A_1026 : vector<16xf32>
          %sub3A_1028 = arith.subf %min3A_1023, %max3A_1019 : vector<16xf32>
          %max3A_1029 = arith.constant 0.000000e+00 : f32
          %max3A_1030 = vector.broadcast %max3A_1029 : f32 to vector<16xf32>
          %max3A_1031 = arith.maximumf %sub3A_1028, %max3A_1030 : vector<16xf32>
          %mul3A_1032 = arith.mulf %max3A_1027, %max3A_1031 : vector<16xf32>
          %add3A_1033 = vector.broadcast %get3A_524 : f32 to vector<16xf32>
          %add3A_1034 = arith.addf %add3A_1033, %get3A_848 : vector<16xf32>
          %sub3A_1035 = arith.subf %add3A_1034, %mul3A_1032 : vector<16xf32>
          %add3A_1036 = arith.constant 9.99999971E-10 : f32
          %add3A_1037 = vector.broadcast %add3A_1036 : f32 to vector<16xf32>
          %add3A_1038 = arith.addf %sub3A_1035, %add3A_1037 : vector<16xf32>
          %div3A_1039 = arith.divf %mul3A_1032, %add3A_1038 : vector<16xf32>
          %gt3A_1040 = arith.constant 3.000000e-01 : f32
          %gt3A_1041 = vector.broadcast %gt3A_1040 : f32 to vector<16xf32>
          %gt3A_1042 = arith.cmpf ogt, %div3A_1039, %gt3A_1041 : vector<16xf32>
          %or3A_1043 = arith.ori %or3A_1015, %gt3A_1042 : vector<16xi1>
          %max3A_1044 = vector.broadcast %get3A_530 : f32 to vector<16xf32>
          %max3A_1045 = arith.maximumf %max3A_1044, %get3A_836 : vector<16xf32>
          %max3A_1046 = vector.broadcast %get3A_532 : f32 to vector<16xf32>
          %max3A_1047 = arith.maximumf %max3A_1046, %get3A_839 : vector<16xf32>
          %min3A_1048 = vector.broadcast %get3A_534 : f32 to vector<16xf32>
          %min3A_1049 = arith.minimumf %min3A_1048, %get3A_842 : vector<16xf32>
          %min3A_1050 = vector.broadcast %get3A_536 : f32 to vector<16xf32>
          %min3A_1051 = arith.minimumf %min3A_1050, %get3A_845 : vector<16xf32>
          %sub3A_1052 = arith.subf %min3A_1049, %max3A_1045 : vector<16xf32>
          %max3A_1053 = arith.constant 0.000000e+00 : f32
          %max3A_1054 = vector.broadcast %max3A_1053 : f32 to vector<16xf32>
          %max3A_1055 = arith.maximumf %sub3A_1052, %max3A_1054 : vector<16xf32>
          %sub3A_1056 = arith.subf %min3A_1051, %max3A_1047 : vector<16xf32>
          %max3A_1057 = arith.constant 0.000000e+00 : f32
          %max3A_1058 = vector.broadcast %max3A_1057 : f32 to vector<16xf32>
          %max3A_1059 = arith.maximumf %sub3A_1056, %max3A_1058 : vector<16xf32>
          %mul3A_1060 = arith.mulf %max3A_1055, %max3A_1059 : vector<16xf32>
          %add3A_1061 = vector.broadcast %get3A_538 : f32 to vector<16xf32>
          %add3A_1062 = arith.addf %add3A_1061, %get3A_848 : vector<16xf32>
          %sub3A_1063 = arith.subf %add3A_1062, %mul3A_1060 : vector<16xf32>
          %add3A_1064 = arith.constant 9.99999971E-10 : f32
          %add3A_1065 = vector.broadcast %add3A_1064 : f32 to vector<16xf32>
          %add3A_1066 = arith.addf %sub3A_1063, %add3A_1065 : vector<16xf32>
          %div3A_1067 = arith.divf %mul3A_1060, %add3A_1066 : vector<16xf32>
          %gt3A_1068 = arith.constant 3.000000e-01 : f32
          %gt3A_1069 = vector.broadcast %gt3A_1068 : f32 to vector<16xf32>
          %gt3A_1070 = arith.cmpf ogt, %div3A_1067, %gt3A_1069 : vector<16xf32>
          %or3A_1071 = arith.ori %or3A_1043, %gt3A_1070 : vector<16xi1>
          %get3A_1072 = arith.index_cast %mul3A_833 : i32 to index
          %get3A_1073 = tpu.vector_load %arg31[%get3A_1072] {strides = array<i32>} : memref<1280xf32, #tpu.memory_space<vmem>>, vector<16xf32>,
          %get3A_1074 = vector.shape_cast %get3A_1073 : vector<16xf32> to vector<16xf32>
          %jit3A_1075 = arith.constant 0.000000e+00 : f32
          %broadcast_in_dim3A_1076 = vector.broadcast %jit3A_1075 : f32 to vector<16xf32>
          %select_n3A_1077 = arith.select %or3A_1071, %broadcast_in_dim3A_1076, %get3A_1074 : vector<16xi1>, vector<16xf32>
          %swap3A_1078 = arith.index_cast %mul3A_833 : i32 to index
          %swap3A_1079 = tpu.vector_load %arg31[%swap3A_1078] {strides = array<i32>} : memref<1280xf32, #tpu.memory_space<vmem>>, vector<16xf32>,
          %swap3A_1080 = vector.shape_cast %swap3A_1079 : vector<16xf32> to vector<16xf32>
          %swap3A_1081 = vector.shape_cast %select_n3A_1077 : vector<16xf32> to vector<16xf32>
          tpu.vector_store %arg31[%swap3A_1078], %swap3A_1081 {strides = array<i32>} : memref<1280xf32, #tpu.memory_space<vmem>>, vector<16xf32>,
          %while3A_1082 = arith.constant 0 : i32
          scf.yield %while3A_1082 : i32
        }
        %while3A_577 = arith.constant 0 : i32
        scf.yield %while3A_577 : i32
      }
      %and3A_347 = arith.constant -128 : i32
      %and3A_348 = arith.andi %select_n3A_120, %and3A_347 : i32
      %mul3A_349 = arith.constant 16 : i32
      %mul3A_350 = arith.muli %and3A_348, %mul3A_349 : i32
      %and3A_351 = arith.constant 64 : i32
      %and3A_352 = arith.andi %select_n3A_120, %and3A_351 : i32
      %ne3A_353 = arith.constant 0 : i32
      %ne3A_354 = arith.cmpi ne, %and3A_352, %ne3A_353 : i32
      %convert_element_type3A_355 = arith.extui %ne3A_354 : i1 to i32
      %cond3A_356 = arith.constant 0 : i32
      %cond3A_357 = arith.cmpi ne, %convert_element_type3A_355, %cond3A_356 : i32
      scf.if %cond3A_357 {
        %multiple_of3A_426 = tpu.assume_multiple %mul3A_350, 16 : i32
        %add3A_427 = arith.addi %multiple_of3A_96, %mul3A_350 : i32
        %multiple_of3A_428 = tpu.assume_multiple %add3A_427, 16 : i32
        "tpu.region"() ({
          %run_scoped3A_429 = tpu.sem_alloc : memref<!tpu.dma_semaphore, #tpu.memory_space<semaphore_mem>>
          %dma_start3A_430 = tpu.memref_slice %arg31[%multiple_of3A_426] : memref<1280xf32, #tpu.memory_space<vmem>> -> memref<1024xf32, #tpu.memory_space<vmem>>
          %dma_start3A_431 = tpu.memref_slice %arg18[%multiple_of3A_428] : memref<21760xf32, #tpu.memory_space<vmem_shared>> -> memref<1024xf32, #tpu.memory_space<vmem_shared>>
          %dma_start3A_432 = tpu.memref_slice %arg18[%multiple_of3A_428] : memref<21760xf32, #tpu.memory_space<vmem_shared>> -> memref<1024xf32, #tpu.memory_space<vmem_shared>>
          %dma_start3A_433 = tpu.memref_slice %arg31[%multiple_of3A_426] : memref<1280xf32, #tpu.memory_space<vmem>> -> memref<1024xf32, #tpu.memory_space<vmem>>
          tpu.enqueue_dma source(%dma_start3A_433 : memref<1024xf32, #tpu.memory_space<vmem>>) target(%dma_start3A_432 : memref<1024xf32, #tpu.memory_space<vmem_shared>>) target_semaphore(%run_scoped3A_429 : memref<!tpu.dma_semaphore, #tpu.memory_space<semaphore_mem>>)
          %dma_wait3A_434 = tpu.memref_slice %arg31[%multiple_of3A_426] : memref<1280xf32, #tpu.memory_space<vmem>> -> memref<1024xf32, #tpu.memory_space<vmem>>
          %dma_wait3A_435 = tpu.memref_slice %arg18[%multiple_of3A_428] : memref<21760xf32, #tpu.memory_space<vmem_shared>> -> memref<1024xf32, #tpu.memory_space<vmem_shared>>
          %dma_wait3A_436 = tpu.memref_slice %arg18[%multiple_of3A_428] : memref<21760xf32, #tpu.memory_space<vmem_shared>> -> memref<1024xf32, #tpu.memory_space<vmem_shared>>
          %dma_wait3A_437 = tpu.memref_slice %arg31[%multiple_of3A_426] : memref<1280xf32, #tpu.memory_space<vmem>> -> memref<1024xf32, #tpu.memory_space<vmem>>
          tpu.wait_dma2 semaphore(%run_scoped3A_429 : memref<!tpu.dma_semaphore, #tpu.memory_space<semaphore_mem>>) src(%dma_wait3A_437 : memref<1024xf32, #tpu.memory_space<vmem>>) dst(%dma_wait3A_436 : memref<1024xf32, #tpu.memory_space<vmem_shared>>)
          tpu.yield
        }) : () -> ()
      } else {
      }
      %and3A_358 = arith.constant -64 : i32
      %and3A_359 = arith.andi %select_n3A_120, %and3A_358 : i32
      %mul3A_360 = arith.constant 16 : i32
      %mul3A_361 = arith.muli %and3A_359, %mul3A_360 : i32
      %and3A_362 = arith.constant 32 : i32
      %and3A_363 = arith.andi %select_n3A_120, %and3A_362 : i32
      %ne3A_364 = arith.constant 0 : i32
      %ne3A_365 = arith.cmpi ne, %and3A_363, %ne3A_364 : i32
      %convert_element_type3A_366 = arith.extui %ne3A_365 : i1 to i32
      %cond3A_367 = arith.constant 0 : i32
      %cond3A_368 = arith.cmpi ne, %convert_element_type3A_366, %cond3A_367 : i32
      scf.if %cond3A_368 {
        %multiple_of3A_426 = tpu.assume_multiple %mul3A_361, 16 : i32
        %add3A_427 = arith.addi %multiple_of3A_96, %mul3A_361 : i32
        %multiple_of3A_428 = tpu.assume_multiple %add3A_427, 16 : i32
        "tpu.region"() ({
          %run_scoped3A_429 = tpu.sem_alloc : memref<!tpu.dma_semaphore, #tpu.memory_space<semaphore_mem>>
          %dma_start3A_430 = tpu.memref_slice %arg31[%multiple_of3A_426] : memref<1280xf32, #tpu.memory_space<vmem>> -> memref<512xf32, #tpu.memory_space<vmem>>
          %dma_start3A_431 = tpu.memref_slice %arg18[%multiple_of3A_428] : memref<21760xf32, #tpu.memory_space<vmem_shared>> -> memref<512xf32, #tpu.memory_space<vmem_shared>>
          %dma_start3A_432 = tpu.memref_slice %arg18[%multiple_of3A_428] : memref<21760xf32, #tpu.memory_space<vmem_shared>> -> memref<512xf32, #tpu.memory_space<vmem_shared>>
          %dma_start3A_433 = tpu.memref_slice %arg31[%multiple_of3A_426] : memref<1280xf32, #tpu.memory_space<vmem>> -> memref<512xf32, #tpu.memory_space<vmem>>
          tpu.enqueue_dma source(%dma_start3A_433 : memref<512xf32, #tpu.memory_space<vmem>>) target(%dma_start3A_432 : memref<512xf32, #tpu.memory_space<vmem_shared>>) target_semaphore(%run_scoped3A_429 : memref<!tpu.dma_semaphore, #tpu.memory_space<semaphore_mem>>)
          %dma_wait3A_434 = tpu.memref_slice %arg31[%multiple_of3A_426] : memref<1280xf32, #tpu.memory_space<vmem>> -> memref<512xf32, #tpu.memory_space<vmem>>
          %dma_wait3A_435 = tpu.memref_slice %arg18[%multiple_of3A_428] : memref<21760xf32, #tpu.memory_space<vmem_shared>> -> memref<512xf32, #tpu.memory_space<vmem_shared>>
          %dma_wait3A_436 = tpu.memref_slice %arg18[%multiple_of3A_428] : memref<21760xf32, #tpu.memory_space<vmem_shared>> -> memref<512xf32, #tpu.memory_space<vmem_shared>>
          %dma_wait3A_437 = tpu.memref_slice %arg31[%multiple_of3A_426] : memref<1280xf32, #tpu.memory_space<vmem>> -> memref<512xf32, #tpu.memory_space<vmem>>
          tpu.wait_dma2 semaphore(%run_scoped3A_429 : memref<!tpu.dma_semaphore, #tpu.memory_space<semaphore_mem>>) src(%dma_wait3A_437 : memref<512xf32, #tpu.memory_space<vmem>>) dst(%dma_wait3A_436 : memref<512xf32, #tpu.memory_space<vmem_shared>>)
          tpu.yield
        }) : () -> ()
      } else {
      }
      %and3A_369 = arith.constant -32 : i32
      %and3A_370 = arith.andi %select_n3A_120, %and3A_369 : i32
      %mul3A_371 = arith.constant 16 : i32
      %mul3A_372 = arith.muli %and3A_370, %mul3A_371 : i32
      %and3A_373 = arith.constant 16 : i32
      %and3A_374 = arith.andi %select_n3A_120, %and3A_373 : i32
      %ne3A_375 = arith.constant 0 : i32
      %ne3A_376 = arith.cmpi ne, %and3A_374, %ne3A_375 : i32
      %convert_element_type3A_377 = arith.extui %ne3A_376 : i1 to i32
      %cond3A_378 = arith.constant 0 : i32
      %cond3A_379 = arith.cmpi ne, %convert_element_type3A_377, %cond3A_378 : i32
      scf.if %cond3A_379 {
        %multiple_of3A_426 = tpu.assume_multiple %mul3A_372, 16 : i32
        %add3A_427 = arith.addi %multiple_of3A_96, %mul3A_372 : i32
        %multiple_of3A_428 = tpu.assume_multiple %add3A_427, 16 : i32
        "tpu.region"() ({
          %run_scoped3A_429 = tpu.sem_alloc : memref<!tpu.dma_semaphore, #tpu.memory_space<semaphore_mem>>
          %dma_start3A_430 = tpu.memref_slice %arg31[%multiple_of3A_426] : memref<1280xf32, #tpu.memory_space<vmem>> -> memref<256xf32, #tpu.memory_space<vmem>>
          %dma_start3A_431 = tpu.memref_slice %arg18[%multiple_of3A_428] : memref<21760xf32, #tpu.memory_space<vmem_shared>> -> memref<256xf32, #tpu.memory_space<vmem_shared>>
          %dma_start3A_432 = tpu.memref_slice %arg18[%multiple_of3A_428] : memref<21760xf32, #tpu.memory_space<vmem_shared>> -> memref<256xf32, #tpu.memory_space<vmem_shared>>
          %dma_start3A_433 = tpu.memref_slice %arg31[%multiple_of3A_426] : memref<1280xf32, #tpu.memory_space<vmem>> -> memref<256xf32, #tpu.memory_space<vmem>>
          tpu.enqueue_dma source(%dma_start3A_433 : memref<256xf32, #tpu.memory_space<vmem>>) target(%dma_start3A_432 : memref<256xf32, #tpu.memory_space<vmem_shared>>) target_semaphore(%run_scoped3A_429 : memref<!tpu.dma_semaphore, #tpu.memory_space<semaphore_mem>>)
          %dma_wait3A_434 = tpu.memref_slice %arg31[%multiple_of3A_426] : memref<1280xf32, #tpu.memory_space<vmem>> -> memref<256xf32, #tpu.memory_space<vmem>>
          %dma_wait3A_435 = tpu.memref_slice %arg18[%multiple_of3A_428] : memref<21760xf32, #tpu.memory_space<vmem_shared>> -> memref<256xf32, #tpu.memory_space<vmem_shared>>
          %dma_wait3A_436 = tpu.memref_slice %arg18[%multiple_of3A_428] : memref<21760xf32, #tpu.memory_space<vmem_shared>> -> memref<256xf32, #tpu.memory_space<vmem_shared>>
          %dma_wait3A_437 = tpu.memref_slice %arg31[%multiple_of3A_426] : memref<1280xf32, #tpu.memory_space<vmem>> -> memref<256xf32, #tpu.memory_space<vmem>>
          tpu.wait_dma2 semaphore(%run_scoped3A_429 : memref<!tpu.dma_semaphore, #tpu.memory_space<semaphore_mem>>) src(%dma_wait3A_437 : memref<256xf32, #tpu.memory_space<vmem>>) dst(%dma_wait3A_436 : memref<256xf32, #tpu.memory_space<vmem_shared>>)
          tpu.yield
        }) : () -> ()
      } else {
      }
      %and3A_380 = arith.constant -16 : i32
      %and3A_381 = arith.andi %select_n3A_120, %and3A_380 : i32
      %mul3A_382 = arith.constant 16 : i32
      %mul3A_383 = arith.muli %and3A_381, %mul3A_382 : i32
      %and3A_384 = arith.constant 8 : i32
      %and3A_385 = arith.andi %select_n3A_120, %and3A_384 : i32
      %ne3A_386 = arith.constant 0 : i32
      %ne3A_387 = arith.cmpi ne, %and3A_385, %ne3A_386 : i32
      %convert_element_type3A_388 = arith.extui %ne3A_387 : i1 to i32
      %cond3A_389 = arith.constant 0 : i32
      %cond3A_390 = arith.cmpi ne, %convert_element_type3A_388, %cond3A_389 : i32
      scf.if %cond3A_390 {
        %multiple_of3A_426 = tpu.assume_multiple %mul3A_383, 16 : i32
        %add3A_427 = arith.addi %multiple_of3A_96, %mul3A_383 : i32
        %multiple_of3A_428 = tpu.assume_multiple %add3A_427, 16 : i32
        "tpu.region"() ({
          %run_scoped3A_429 = tpu.sem_alloc : memref<!tpu.dma_semaphore, #tpu.memory_space<semaphore_mem>>
          %dma_start3A_430 = tpu.memref_slice %arg31[%multiple_of3A_426] : memref<1280xf32, #tpu.memory_space<vmem>> -> memref<128xf32, #tpu.memory_space<vmem>>
          %dma_start3A_431 = tpu.memref_slice %arg18[%multiple_of3A_428] : memref<21760xf32, #tpu.memory_space<vmem_shared>> -> memref<128xf32, #tpu.memory_space<vmem_shared>>
          %dma_start3A_432 = tpu.memref_slice %arg18[%multiple_of3A_428] : memref<21760xf32, #tpu.memory_space<vmem_shared>> -> memref<128xf32, #tpu.memory_space<vmem_shared>>
          %dma_start3A_433 = tpu.memref_slice %arg31[%multiple_of3A_426] : memref<1280xf32, #tpu.memory_space<vmem>> -> memref<128xf32, #tpu.memory_space<vmem>>
          tpu.enqueue_dma source(%dma_start3A_433 : memref<128xf32, #tpu.memory_space<vmem>>) target(%dma_start3A_432 : memref<128xf32, #tpu.memory_space<vmem_shared>>) target_semaphore(%run_scoped3A_429 : memref<!tpu.dma_semaphore, #tpu.memory_space<semaphore_mem>>)
          %dma_wait3A_434 = tpu.memref_slice %arg31[%multiple_of3A_426] : memref<1280xf32, #tpu.memory_space<vmem>> -> memref<128xf32, #tpu.memory_space<vmem>>
          %dma_wait3A_435 = tpu.memref_slice %arg18[%multiple_of3A_428] : memref<21760xf32, #tpu.memory_space<vmem_shared>> -> memref<128xf32, #tpu.memory_space<vmem_shared>>
          %dma_wait3A_436 = tpu.memref_slice %arg18[%multiple_of3A_428] : memref<21760xf32, #tpu.memory_space<vmem_shared>> -> memref<128xf32, #tpu.memory_space<vmem_shared>>
          %dma_wait3A_437 = tpu.memref_slice %arg31[%multiple_of3A_426] : memref<1280xf32, #tpu.memory_space<vmem>> -> memref<128xf32, #tpu.memory_space<vmem>>
          tpu.wait_dma2 semaphore(%run_scoped3A_429 : memref<!tpu.dma_semaphore, #tpu.memory_space<semaphore_mem>>) src(%dma_wait3A_437 : memref<128xf32, #tpu.memory_space<vmem>>) dst(%dma_wait3A_436 : memref<128xf32, #tpu.memory_space<vmem_shared>>)
          tpu.yield
        }) : () -> ()
      } else {
      }
      %and3A_391 = arith.constant -8 : i32
      %and3A_392 = arith.andi %select_n3A_120, %and3A_391 : i32
      %mul3A_393 = arith.constant 16 : i32
      %mul3A_394 = arith.muli %and3A_392, %mul3A_393 : i32
      %and3A_395 = arith.constant 4 : i32
      %and3A_396 = arith.andi %select_n3A_120, %and3A_395 : i32
      %ne3A_397 = arith.constant 0 : i32
      %ne3A_398 = arith.cmpi ne, %and3A_396, %ne3A_397 : i32
      %convert_element_type3A_399 = arith.extui %ne3A_398 : i1 to i32
      %cond3A_400 = arith.constant 0 : i32
      %cond3A_401 = arith.cmpi ne, %convert_element_type3A_399, %cond3A_400 : i32
      scf.if %cond3A_401 {
        %multiple_of3A_426 = tpu.assume_multiple %mul3A_394, 16 : i32
        %add3A_427 = arith.addi %multiple_of3A_96, %mul3A_394 : i32
        %multiple_of3A_428 = tpu.assume_multiple %add3A_427, 16 : i32
        "tpu.region"() ({
          %run_scoped3A_429 = tpu.sem_alloc : memref<!tpu.dma_semaphore, #tpu.memory_space<semaphore_mem>>
          %dma_start3A_430 = tpu.memref_slice %arg31[%multiple_of3A_426] : memref<1280xf32, #tpu.memory_space<vmem>> -> memref<64xf32, #tpu.memory_space<vmem>>
          %dma_start3A_431 = tpu.memref_slice %arg18[%multiple_of3A_428] : memref<21760xf32, #tpu.memory_space<vmem_shared>> -> memref<64xf32, #tpu.memory_space<vmem_shared>>
          %dma_start3A_432 = tpu.memref_slice %arg18[%multiple_of3A_428] : memref<21760xf32, #tpu.memory_space<vmem_shared>> -> memref<64xf32, #tpu.memory_space<vmem_shared>>
          %dma_start3A_433 = tpu.memref_slice %arg31[%multiple_of3A_426] : memref<1280xf32, #tpu.memory_space<vmem>> -> memref<64xf32, #tpu.memory_space<vmem>>
          tpu.enqueue_dma source(%dma_start3A_433 : memref<64xf32, #tpu.memory_space<vmem>>) target(%dma_start3A_432 : memref<64xf32, #tpu.memory_space<vmem_shared>>) target_semaphore(%run_scoped3A_429 : memref<!tpu.dma_semaphore, #tpu.memory_space<semaphore_mem>>)
          %dma_wait3A_434 = tpu.memref_slice %arg31[%multiple_of3A_426] : memref<1280xf32, #tpu.memory_space<vmem>> -> memref<64xf32, #tpu.memory_space<vmem>>
          %dma_wait3A_435 = tpu.memref_slice %arg18[%multiple_of3A_428] : memref<21760xf32, #tpu.memory_space<vmem_shared>> -> memref<64xf32, #tpu.memory_space<vmem_shared>>
          %dma_wait3A_436 = tpu.memref_slice %arg18[%multiple_of3A_428] : memref<21760xf32, #tpu.memory_space<vmem_shared>> -> memref<64xf32, #tpu.memory_space<vmem_shared>>
          %dma_wait3A_437 = tpu.memref_slice %arg31[%multiple_of3A_426] : memref<1280xf32, #tpu.memory_space<vmem>> -> memref<64xf32, #tpu.memory_space<vmem>>
          tpu.wait_dma2 semaphore(%run_scoped3A_429 : memref<!tpu.dma_semaphore, #tpu.memory_space<semaphore_mem>>) src(%dma_wait3A_437 : memref<64xf32, #tpu.memory_space<vmem>>) dst(%dma_wait3A_436 : memref<64xf32, #tpu.memory_space<vmem_shared>>)
          tpu.yield
        }) : () -> ()
      } else {
      }
      %and3A_402 = arith.constant -4 : i32
      %and3A_403 = arith.andi %select_n3A_120, %and3A_402 : i32
      %mul3A_404 = arith.constant 16 : i32
      %mul3A_405 = arith.muli %and3A_403, %mul3A_404 : i32
      %and3A_406 = arith.constant 2 : i32
      %and3A_407 = arith.andi %select_n3A_120, %and3A_406 : i32
      %ne3A_408 = arith.constant 0 : i32
      %ne3A_409 = arith.cmpi ne, %and3A_407, %ne3A_408 : i32
      %convert_element_type3A_410 = arith.extui %ne3A_409 : i1 to i32
      %cond3A_411 = arith.constant 0 : i32
      %cond3A_412 = arith.cmpi ne, %convert_element_type3A_410, %cond3A_411 : i32
      scf.if %cond3A_412 {
        %multiple_of3A_426 = tpu.assume_multiple %mul3A_405, 16 : i32
        %add3A_427 = arith.addi %multiple_of3A_96, %mul3A_405 : i32
        %multiple_of3A_428 = tpu.assume_multiple %add3A_427, 16 : i32
        "tpu.region"() ({
          %run_scoped3A_429 = tpu.sem_alloc : memref<!tpu.dma_semaphore, #tpu.memory_space<semaphore_mem>>
          %dma_start3A_430 = tpu.memref_slice %arg31[%multiple_of3A_426] : memref<1280xf32, #tpu.memory_space<vmem>> -> memref<32xf32, #tpu.memory_space<vmem>>
          %dma_start3A_431 = tpu.memref_slice %arg18[%multiple_of3A_428] : memref<21760xf32, #tpu.memory_space<vmem_shared>> -> memref<32xf32, #tpu.memory_space<vmem_shared>>
          %dma_start3A_432 = tpu.memref_slice %arg18[%multiple_of3A_428] : memref<21760xf32, #tpu.memory_space<vmem_shared>> -> memref<32xf32, #tpu.memory_space<vmem_shared>>
          %dma_start3A_433 = tpu.memref_slice %arg31[%multiple_of3A_426] : memref<1280xf32, #tpu.memory_space<vmem>> -> memref<32xf32, #tpu.memory_space<vmem>>
          tpu.enqueue_dma source(%dma_start3A_433 : memref<32xf32, #tpu.memory_space<vmem>>) target(%dma_start3A_432 : memref<32xf32, #tpu.memory_space<vmem_shared>>) target_semaphore(%run_scoped3A_429 : memref<!tpu.dma_semaphore, #tpu.memory_space<semaphore_mem>>)
          %dma_wait3A_434 = tpu.memref_slice %arg31[%multiple_of3A_426] : memref<1280xf32, #tpu.memory_space<vmem>> -> memref<32xf32, #tpu.memory_space<vmem>>
          %dma_wait3A_435 = tpu.memref_slice %arg18[%multiple_of3A_428] : memref<21760xf32, #tpu.memory_space<vmem_shared>> -> memref<32xf32, #tpu.memory_space<vmem_shared>>
          %dma_wait3A_436 = tpu.memref_slice %arg18[%multiple_of3A_428] : memref<21760xf32, #tpu.memory_space<vmem_shared>> -> memref<32xf32, #tpu.memory_space<vmem_shared>>
          %dma_wait3A_437 = tpu.memref_slice %arg31[%multiple_of3A_426] : memref<1280xf32, #tpu.memory_space<vmem>> -> memref<32xf32, #tpu.memory_space<vmem>>
          tpu.wait_dma2 semaphore(%run_scoped3A_429 : memref<!tpu.dma_semaphore, #tpu.memory_space<semaphore_mem>>) src(%dma_wait3A_437 : memref<32xf32, #tpu.memory_space<vmem>>) dst(%dma_wait3A_436 : memref<32xf32, #tpu.memory_space<vmem_shared>>)
          tpu.yield
        }) : () -> ()
      } else {
      }
      %and3A_413 = arith.constant -2 : i32
      %and3A_414 = arith.andi %select_n3A_120, %and3A_413 : i32
      %mul3A_415 = arith.constant 16 : i32
      %mul3A_416 = arith.muli %and3A_414, %mul3A_415 : i32
      %and3A_417 = arith.constant 1 : i32
      %and3A_418 = arith.andi %select_n3A_120, %and3A_417 : i32
      %ne3A_419 = arith.constant 0 : i32
      %ne3A_420 = arith.cmpi ne, %and3A_418, %ne3A_419 : i32
      %convert_element_type3A_421 = arith.extui %ne3A_420 : i1 to i32
      %cond3A_422 = arith.constant 0 : i32
      %cond3A_423 = arith.cmpi ne, %convert_element_type3A_421, %cond3A_422 : i32
      scf.if %cond3A_423 {
        %multiple_of3A_426 = tpu.assume_multiple %mul3A_416, 16 : i32
        %add3A_427 = arith.addi %multiple_of3A_96, %mul3A_416 : i32
        %multiple_of3A_428 = tpu.assume_multiple %add3A_427, 16 : i32
        "tpu.region"() ({
          %run_scoped3A_429 = tpu.sem_alloc : memref<!tpu.dma_semaphore, #tpu.memory_space<semaphore_mem>>
          %dma_start3A_430 = tpu.memref_slice %arg31[%multiple_of3A_426] : memref<1280xf32, #tpu.memory_space<vmem>> -> memref<16xf32, #tpu.memory_space<vmem>>
          %dma_start3A_431 = tpu.memref_slice %arg18[%multiple_of3A_428] : memref<21760xf32, #tpu.memory_space<vmem_shared>> -> memref<16xf32, #tpu.memory_space<vmem_shared>>
          %dma_start3A_432 = tpu.memref_slice %arg18[%multiple_of3A_428] : memref<21760xf32, #tpu.memory_space<vmem_shared>> -> memref<16xf32, #tpu.memory_space<vmem_shared>>
          %dma_start3A_433 = tpu.memref_slice %arg31[%multiple_of3A_426] : memref<1280xf32, #tpu.memory_space<vmem>> -> memref<16xf32, #tpu.memory_space<vmem>>
          tpu.enqueue_dma source(%dma_start3A_433 : memref<16xf32, #tpu.memory_space<vmem>>) target(%dma_start3A_432 : memref<16xf32, #tpu.memory_space<vmem_shared>>) target_semaphore(%run_scoped3A_429 : memref<!tpu.dma_semaphore, #tpu.memory_space<semaphore_mem>>)
          %dma_wait3A_434 = tpu.memref_slice %arg31[%multiple_of3A_426] : memref<1280xf32, #tpu.memory_space<vmem>> -> memref<16xf32, #tpu.memory_space<vmem>>
          %dma_wait3A_435 = tpu.memref_slice %arg18[%multiple_of3A_428] : memref<21760xf32, #tpu.memory_space<vmem_shared>> -> memref<16xf32, #tpu.memory_space<vmem_shared>>
          %dma_wait3A_436 = tpu.memref_slice %arg18[%multiple_of3A_428] : memref<21760xf32, #tpu.memory_space<vmem_shared>> -> memref<16xf32, #tpu.memory_space<vmem_shared>>
          %dma_wait3A_437 = tpu.memref_slice %arg31[%multiple_of3A_426] : memref<1280xf32, #tpu.memory_space<vmem>> -> memref<16xf32, #tpu.memory_space<vmem>>
          tpu.wait_dma2 semaphore(%run_scoped3A_429 : memref<!tpu.dma_semaphore, #tpu.memory_space<semaphore_mem>>) src(%dma_wait3A_437 : memref<16xf32, #tpu.memory_space<vmem>>) dst(%dma_wait3A_436 : memref<16xf32, #tpu.memory_space<vmem_shared>>)
          tpu.yield
        }) : () -> ()
      } else {
      }
      %barrier3A_424 = arith.constant 0 : index
      tpu.barrier barrier_id(%barrier3A_424)
      %scan3A_425 = arith.constant 0 : i32
      scf.yield %scan3A_425 : i32
    }
    %scan3A_62 = arith.constant 80 : i32
    "tpu.region"() ({
      %run_scoped3A_70 = tpu.sem_alloc : memref<!tpu.dma_semaphore, #tpu.memory_space<semaphore_mem>>
      %dma_start3A = tpu.memref_slice %arg13[%multiple_of3A] : memref<21760xf32, #tpu.memory_space<vmem_shared>> -> memref<1280xf32, #tpu.memory_space<vmem_shared>>
      %dma_start3A_71 = tpu.memref_slice %arg13[%multiple_of3A] : memref<21760xf32, #tpu.memory_space<vmem_shared>> -> memref<1280xf32, #tpu.memory_space<vmem_shared>>
      tpu.enqueue_dma source(%dma_start3A_71 : memref<1280xf32, #tpu.memory_space<vmem_shared>>) target(%arg32 : memref<1280xf32, #tpu.memory_space<vmem>>) target_semaphore(%run_scoped3A_70 : memref<!tpu.dma_semaphore, #tpu.memory_space<semaphore_mem>>)
      %dma_wait3A = tpu.memref_slice %arg13[%multiple_of3A] : memref<21760xf32, #tpu.memory_space<vmem_shared>> -> memref<1280xf32, #tpu.memory_space<vmem_shared>>
      %dma_wait3A_72 = tpu.memref_slice %arg13[%multiple_of3A] : memref<21760xf32, #tpu.memory_space<vmem_shared>> -> memref<1280xf32, #tpu.memory_space<vmem_shared>>
      tpu.wait_dma2 semaphore(%run_scoped3A_70 : memref<!tpu.dma_semaphore, #tpu.memory_space<semaphore_mem>>) src(%dma_wait3A_72 : memref<1280xf32, #tpu.memory_space<vmem_shared>>) dst(%arg32 : memref<1280xf32, #tpu.memory_space<vmem>>)
      tpu.yield
    }) : () -> ()
    "tpu.region"() ({
      %run_scoped3A_70 = tpu.sem_alloc : memref<!tpu.dma_semaphore, #tpu.memory_space<semaphore_mem>>
      %dma_start3A = tpu.memref_slice %arg14[%multiple_of3A] : memref<21760xf32, #tpu.memory_space<vmem_shared>> -> memref<1280xf32, #tpu.memory_space<vmem_shared>>
      %dma_start3A_71 = tpu.memref_slice %arg14[%multiple_of3A] : memref<21760xf32, #tpu.memory_space<vmem_shared>> -> memref<1280xf32, #tpu.memory_space<vmem_shared>>
      tpu.enqueue_dma source(%dma_start3A_71 : memref<1280xf32, #tpu.memory_space<vmem_shared>>) target(%arg33 : memref<1280xf32, #tpu.memory_space<vmem>>) target_semaphore(%run_scoped3A_70 : memref<!tpu.dma_semaphore, #tpu.memory_space<semaphore_mem>>)
      %dma_wait3A = tpu.memref_slice %arg14[%multiple_of3A] : memref<21760xf32, #tpu.memory_space<vmem_shared>> -> memref<1280xf32, #tpu.memory_space<vmem_shared>>
      %dma_wait3A_72 = tpu.memref_slice %arg14[%multiple_of3A] : memref<21760xf32, #tpu.memory_space<vmem_shared>> -> memref<1280xf32, #tpu.memory_space<vmem_shared>>
      tpu.wait_dma2 semaphore(%run_scoped3A_70 : memref<!tpu.dma_semaphore, #tpu.memory_space<semaphore_mem>>) src(%dma_wait3A_72 : memref<1280xf32, #tpu.memory_space<vmem_shared>>) dst(%arg33 : memref<1280xf32, #tpu.memory_space<vmem>>)
      tpu.yield
    }) : () -> ()
    "tpu.region"() ({
      %run_scoped3A_70 = tpu.sem_alloc : memref<!tpu.dma_semaphore, #tpu.memory_space<semaphore_mem>>
      %dma_start3A = tpu.memref_slice %arg15[%multiple_of3A] : memref<21760xf32, #tpu.memory_space<vmem_shared>> -> memref<1280xf32, #tpu.memory_space<vmem_shared>>
      %dma_start3A_71 = tpu.memref_slice %arg15[%multiple_of3A] : memref<21760xf32, #tpu.memory_space<vmem_shared>> -> memref<1280xf32, #tpu.memory_space<vmem_shared>>
      tpu.enqueue_dma source(%dma_start3A_71 : memref<1280xf32, #tpu.memory_space<vmem_shared>>) target(%arg34 : memref<1280xf32, #tpu.memory_space<vmem>>) target_semaphore(%run_scoped3A_70 : memref<!tpu.dma_semaphore, #tpu.memory_space<semaphore_mem>>)
      %dma_wait3A = tpu.memref_slice %arg15[%multiple_of3A] : memref<21760xf32, #tpu.memory_space<vmem_shared>> -> memref<1280xf32, #tpu.memory_space<vmem_shared>>
      %dma_wait3A_72 = tpu.memref_slice %arg15[%multiple_of3A] : memref<21760xf32, #tpu.memory_space<vmem_shared>> -> memref<1280xf32, #tpu.memory_space<vmem_shared>>
      tpu.wait_dma2 semaphore(%run_scoped3A_70 : memref<!tpu.dma_semaphore, #tpu.memory_space<semaphore_mem>>) src(%dma_wait3A_72 : memref<1280xf32, #tpu.memory_space<vmem_shared>>) dst(%arg34 : memref<1280xf32, #tpu.memory_space<vmem>>)
      tpu.yield
    }) : () -> ()
    "tpu.region"() ({
      %run_scoped3A_70 = tpu.sem_alloc : memref<!tpu.dma_semaphore, #tpu.memory_space<semaphore_mem>>
      %dma_start3A = tpu.memref_slice %arg16[%multiple_of3A] : memref<21760xf32, #tpu.memory_space<vmem_shared>> -> memref<1280xf32, #tpu.memory_space<vmem_shared>>
      %dma_start3A_71 = tpu.memref_slice %arg16[%multiple_of3A] : memref<21760xf32, #tpu.memory_space<vmem_shared>> -> memref<1280xf32, #tpu.memory_space<vmem_shared>>
      tpu.enqueue_dma source(%dma_start3A_71 : memref<1280xf32, #tpu.memory_space<vmem_shared>>) target(%arg35 : memref<1280xf32, #tpu.memory_space<vmem>>) target_semaphore(%run_scoped3A_70 : memref<!tpu.dma_semaphore, #tpu.memory_space<semaphore_mem>>)
      %dma_wait3A = tpu.memref_slice %arg16[%multiple_of3A] : memref<21760xf32, #tpu.memory_space<vmem_shared>> -> memref<1280xf32, #tpu.memory_space<vmem_shared>>
      %dma_wait3A_72 = tpu.memref_slice %arg16[%multiple_of3A] : memref<21760xf32, #tpu.memory_space<vmem_shared>> -> memref<1280xf32, #tpu.memory_space<vmem_shared>>
      tpu.wait_dma2 semaphore(%run_scoped3A_70 : memref<!tpu.dma_semaphore, #tpu.memory_space<semaphore_mem>>) src(%dma_wait3A_72 : memref<1280xf32, #tpu.memory_space<vmem_shared>>) dst(%arg35 : memref<1280xf32, #tpu.memory_space<vmem>>)
      tpu.yield
    }) : () -> ()
    "tpu.region"() ({
      %run_scoped3A_70 = tpu.sem_alloc : memref<!tpu.dma_semaphore, #tpu.memory_space<semaphore_mem>>
      %dma_start3A = tpu.memref_slice %arg19[%multiple_of3A] : memref<21760xf32, #tpu.memory_space<vmem_shared>> -> memref<1280xf32, #tpu.memory_space<vmem_shared>>
      %dma_start3A_71 = tpu.memref_slice %arg19[%multiple_of3A] : memref<21760xf32, #tpu.memory_space<vmem_shared>> -> memref<1280xf32, #tpu.memory_space<vmem_shared>>
      tpu.enqueue_dma source(%dma_start3A_71 : memref<1280xf32, #tpu.memory_space<vmem_shared>>) target(%arg36 : memref<1280xf32, #tpu.memory_space<vmem>>) target_semaphore(%run_scoped3A_70 : memref<!tpu.dma_semaphore, #tpu.memory_space<semaphore_mem>>)
      %dma_wait3A = tpu.memref_slice %arg19[%multiple_of3A] : memref<21760xf32, #tpu.memory_space<vmem_shared>> -> memref<1280xf32, #tpu.memory_space<vmem_shared>>
      %dma_wait3A_72 = tpu.memref_slice %arg19[%multiple_of3A] : memref<21760xf32, #tpu.memory_space<vmem_shared>> -> memref<1280xf32, #tpu.memory_space<vmem_shared>>
      tpu.wait_dma2 semaphore(%run_scoped3A_70 : memref<!tpu.dma_semaphore, #tpu.memory_space<semaphore_mem>>) src(%dma_wait3A_72 : memref<1280xf32, #tpu.memory_space<vmem_shared>>) dst(%arg36 : memref<1280xf32, #tpu.memory_space<vmem>>)
      tpu.yield
    }) : () -> ()
    "tpu.region"() ({
      %run_scoped3A_70 = tpu.sem_alloc : memref<!tpu.dma_semaphore, #tpu.memory_space<semaphore_mem>>
      %dma_start3A = tpu.memref_slice %arg18[%multiple_of3A] : memref<21760xf32, #tpu.memory_space<vmem_shared>> -> memref<1280xf32, #tpu.memory_space<vmem_shared>>
      %dma_start3A_71 = tpu.memref_slice %arg18[%multiple_of3A] : memref<21760xf32, #tpu.memory_space<vmem_shared>> -> memref<1280xf32, #tpu.memory_space<vmem_shared>>
      tpu.enqueue_dma source(%dma_start3A_71 : memref<1280xf32, #tpu.memory_space<vmem_shared>>) target(%arg38 : memref<1280xf32, #tpu.memory_space<vmem>>) target_semaphore(%run_scoped3A_70 : memref<!tpu.dma_semaphore, #tpu.memory_space<semaphore_mem>>)
      %dma_wait3A = tpu.memref_slice %arg18[%multiple_of3A] : memref<21760xf32, #tpu.memory_space<vmem_shared>> -> memref<1280xf32, #tpu.memory_space<vmem_shared>>
      %dma_wait3A_72 = tpu.memref_slice %arg18[%multiple_of3A] : memref<21760xf32, #tpu.memory_space<vmem_shared>> -> memref<1280xf32, #tpu.memory_space<vmem_shared>>
      tpu.wait_dma2 semaphore(%run_scoped3A_70 : memref<!tpu.dma_semaphore, #tpu.memory_space<semaphore_mem>>) src(%dma_wait3A_72 : memref<1280xf32, #tpu.memory_space<vmem_shared>>) dst(%arg38 : memref<1280xf32, #tpu.memory_space<vmem>>)
      tpu.yield
    }) : () -> ()
    %scan3A_63 = arith.constant 0 : i32
    %scan3A_64 = arith.constant 0 : i32
    %scan3A_65 = arith.constant 80 : i32
    %scan3A_66 = arith.addi %scan3A_64, %scan3A_65 : i32
    %scan3A_67 = arith.constant 1 : i32
    %scan3A_68 = scf.for %scan3A_70 = %scan3A_64 to %scan3A_66 step %scan3A_67 iter_args(%scan3A_71 = %scan3A_63) -> (i32)  : i32 {
      %mul3A_72 = arith.constant 16 : i32
      %mul3A_73 = arith.muli %scan3A_70, %mul3A_72 : i32
      %get3A = arith.index_cast %mul3A_73 : i32 to index
      %get3A_74 = tpu.vector_load %arg38[%get3A] {strides = array<i32>} : memref<1280xf32, #tpu.memory_space<vmem>>, vector<16xf32>,
      %get3A_75 = vector.shape_cast %get3A_74 : vector<16xf32> to vector<16xf32>
      %gt3A = arith.constant 0.000000e+00 : f32
      %gt3A_76 = vector.broadcast %gt3A : f32 to vector<16xf32>
      %gt3A_77 = arith.cmpf ogt, %get3A_75, %gt3A_76 : vector<16xf32>
      %get3A_78 = arith.index_cast %mul3A_73 : i32 to index
      %get3A_79 = tpu.vector_load %arg32[%get3A_78] {strides = array<i32>} : memref<1280xf32, #tpu.memory_space<vmem>>, vector<16xf32>,
      %get3A_80 = vector.shape_cast %get3A_79 : vector<16xf32> to vector<16xf32>
      %jit3A = arith.constant 0.000000e+00 : f32
      %broadcast_in_dim3A = vector.broadcast %jit3A : f32 to vector<16xf32>
      %select_n3A = arith.select %gt3A_77, %get3A_80, %broadcast_in_dim3A : vector<16xi1>, vector<16xf32>
      %swap3A = arith.index_cast %mul3A_73 : i32 to index
      %swap3A_81 = tpu.vector_load %arg32[%swap3A] {strides = array<i32>} : memref<1280xf32, #tpu.memory_space<vmem>>, vector<16xf32>,
      %swap3A_82 = vector.shape_cast %swap3A_81 : vector<16xf32> to vector<16xf32>
      %swap3A_83 = vector.shape_cast %select_n3A : vector<16xf32> to vector<16xf32>
      tpu.vector_store %arg32[%swap3A], %swap3A_83 {strides = array<i32>} : memref<1280xf32, #tpu.memory_space<vmem>>, vector<16xf32>,
      %get3A_84 = arith.index_cast %mul3A_73 : i32 to index
      %get3A_85 = tpu.vector_load %arg33[%get3A_84] {strides = array<i32>} : memref<1280xf32, #tpu.memory_space<vmem>>, vector<16xf32>,
      %get3A_86 = vector.shape_cast %get3A_85 : vector<16xf32> to vector<16xf32>
      %jit3A_87 = arith.constant 0.000000e+00 : f32
      %broadcast_in_dim3A_88 = vector.broadcast %jit3A_87 : f32 to vector<16xf32>
      %select_n3A_89 = arith.select %gt3A_77, %get3A_86, %broadcast_in_dim3A_88 : vector<16xi1>, vector<16xf32>
      %swap3A_90 = arith.index_cast %mul3A_73 : i32 to index
      %swap3A_91 = tpu.vector_load %arg33[%swap3A_90] {strides = array<i32>} : memref<1280xf32, #tpu.memory_space<vmem>>, vector<16xf32>,
      %swap3A_92 = vector.shape_cast %swap3A_91 : vector<16xf32> to vector<16xf32>
      %swap3A_93 = vector.shape_cast %select_n3A_89 : vector<16xf32> to vector<16xf32>
      tpu.vector_store %arg33[%swap3A_90], %swap3A_93 {strides = array<i32>} : memref<1280xf32, #tpu.memory_space<vmem>>, vector<16xf32>,
      %get3A_94 = arith.index_cast %mul3A_73 : i32 to index
      %get3A_95 = tpu.vector_load %arg34[%get3A_94] {strides = array<i32>} : memref<1280xf32, #tpu.memory_space<vmem>>, vector<16xf32>,
      %get3A_96 = vector.shape_cast %get3A_95 : vector<16xf32> to vector<16xf32>
      %jit3A_97 = arith.constant 0.000000e+00 : f32
      %broadcast_in_dim3A_98 = vector.broadcast %jit3A_97 : f32 to vector<16xf32>
      %select_n3A_99 = arith.select %gt3A_77, %get3A_96, %broadcast_in_dim3A_98 : vector<16xi1>, vector<16xf32>
      %swap3A_100 = arith.index_cast %mul3A_73 : i32 to index
      %swap3A_101 = tpu.vector_load %arg34[%swap3A_100] {strides = array<i32>} : memref<1280xf32, #tpu.memory_space<vmem>>, vector<16xf32>,
      %swap3A_102 = vector.shape_cast %swap3A_101 : vector<16xf32> to vector<16xf32>
      %swap3A_103 = vector.shape_cast %select_n3A_99 : vector<16xf32> to vector<16xf32>
      tpu.vector_store %arg34[%swap3A_100], %swap3A_103 {strides = array<i32>} : memref<1280xf32, #tpu.memory_space<vmem>>, vector<16xf32>,
      %get3A_104 = arith.index_cast %mul3A_73 : i32 to index
      %get3A_105 = tpu.vector_load %arg35[%get3A_104] {strides = array<i32>} : memref<1280xf32, #tpu.memory_space<vmem>>, vector<16xf32>,
      %get3A_106 = vector.shape_cast %get3A_105 : vector<16xf32> to vector<16xf32>
      %jit3A_107 = arith.constant 0.000000e+00 : f32
      %broadcast_in_dim3A_108 = vector.broadcast %jit3A_107 : f32 to vector<16xf32>
      %select_n3A_109 = arith.select %gt3A_77, %get3A_106, %broadcast_in_dim3A_108 : vector<16xi1>, vector<16xf32>
      %swap3A_110 = arith.index_cast %mul3A_73 : i32 to index
      %swap3A_111 = tpu.vector_load %arg35[%swap3A_110] {strides = array<i32>} : memref<1280xf32, #tpu.memory_space<vmem>>, vector<16xf32>,
      %swap3A_112 = vector.shape_cast %swap3A_111 : vector<16xf32> to vector<16xf32>
      %swap3A_113 = vector.shape_cast %select_n3A_109 : vector<16xf32> to vector<16xf32>
      tpu.vector_store %arg35[%swap3A_110], %swap3A_113 {strides = array<i32>} : memref<1280xf32, #tpu.memory_space<vmem>>, vector<16xf32>,
      %get3A_114 = arith.index_cast %mul3A_73 : i32 to index
      %get3A_115 = tpu.vector_load %arg36[%get3A_114] {strides = array<i32>} : memref<1280xf32, #tpu.memory_space<vmem>>, vector<16xf32>,
      %get3A_116 = vector.shape_cast %get3A_115 : vector<16xf32> to vector<16xf32>
      %jit3A_117 = arith.constant 0.000000e+00 : f32
      %broadcast_in_dim3A_118 = vector.broadcast %jit3A_117 : f32 to vector<16xf32>
      %select_n3A_119 = arith.select %gt3A_77, %get3A_116, %broadcast_in_dim3A_118 : vector<16xi1>, vector<16xf32>
      %swap3A_120 = arith.index_cast %mul3A_73 : i32 to index
      %swap3A_121 = tpu.vector_load %arg36[%swap3A_120] {strides = array<i32>} : memref<1280xf32, #tpu.memory_space<vmem>>, vector<16xf32>,
      %swap3A_122 = vector.shape_cast %swap3A_121 : vector<16xf32> to vector<16xf32>
      %swap3A_123 = vector.shape_cast %select_n3A_119 : vector<16xf32> to vector<16xf32>
      tpu.vector_store %arg36[%swap3A_120], %swap3A_123 {strides = array<i32>} : memref<1280xf32, #tpu.memory_space<vmem>>, vector<16xf32>,
      %scan3A_124 = arith.constant 0 : i32
      scf.yield %scan3A_124 : i32
    }
    %scan3A_69 = arith.constant 80 : i32
    "tpu.region"() ({
      %run_scoped3A_70 = tpu.sem_alloc : memref<!tpu.dma_semaphore, #tpu.memory_space<semaphore_mem>>
      %dma_start3A = tpu.memref_slice %arg8[%multiple_of3A] : memref<20480xf32, #tpu.memory_space<hbm>> -> memref<1280xf32, #tpu.memory_space<hbm>>
      %dma_start3A_71 = tpu.memref_slice %arg8[%multiple_of3A] : memref<20480xf32, #tpu.memory_space<hbm>> -> memref<1280xf32, #tpu.memory_space<hbm>>
      tpu.enqueue_dma source(%arg32 : memref<1280xf32, #tpu.memory_space<vmem>>) target(%dma_start3A_71 : memref<1280xf32, #tpu.memory_space<hbm>>) target_semaphore(%run_scoped3A_70 : memref<!tpu.dma_semaphore, #tpu.memory_space<semaphore_mem>>)
      %dma_wait3A = tpu.memref_slice %arg8[%multiple_of3A] : memref<20480xf32, #tpu.memory_space<hbm>> -> memref<1280xf32, #tpu.memory_space<hbm>>
      %dma_wait3A_72 = tpu.memref_slice %arg8[%multiple_of3A] : memref<20480xf32, #tpu.memory_space<hbm>> -> memref<1280xf32, #tpu.memory_space<hbm>>
      tpu.wait_dma2 semaphore(%run_scoped3A_70 : memref<!tpu.dma_semaphore, #tpu.memory_space<semaphore_mem>>) src(%arg32 : memref<1280xf32, #tpu.memory_space<vmem>>) dst(%dma_wait3A_72 : memref<1280xf32, #tpu.memory_space<hbm>>)
      tpu.yield
    }) : () -> ()
    "tpu.region"() ({
      %run_scoped3A_70 = tpu.sem_alloc : memref<!tpu.dma_semaphore, #tpu.memory_space<semaphore_mem>>
      %dma_start3A = tpu.memref_slice %arg9[%multiple_of3A] : memref<20480xf32, #tpu.memory_space<hbm>> -> memref<1280xf32, #tpu.memory_space<hbm>>
      %dma_start3A_71 = tpu.memref_slice %arg9[%multiple_of3A] : memref<20480xf32, #tpu.memory_space<hbm>> -> memref<1280xf32, #tpu.memory_space<hbm>>
      tpu.enqueue_dma source(%arg33 : memref<1280xf32, #tpu.memory_space<vmem>>) target(%dma_start3A_71 : memref<1280xf32, #tpu.memory_space<hbm>>) target_semaphore(%run_scoped3A_70 : memref<!tpu.dma_semaphore, #tpu.memory_space<semaphore_mem>>)
      %dma_wait3A = tpu.memref_slice %arg9[%multiple_of3A] : memref<20480xf32, #tpu.memory_space<hbm>> -> memref<1280xf32, #tpu.memory_space<hbm>>
      %dma_wait3A_72 = tpu.memref_slice %arg9[%multiple_of3A] : memref<20480xf32, #tpu.memory_space<hbm>> -> memref<1280xf32, #tpu.memory_space<hbm>>
      tpu.wait_dma2 semaphore(%run_scoped3A_70 : memref<!tpu.dma_semaphore, #tpu.memory_space<semaphore_mem>>) src(%arg33 : memref<1280xf32, #tpu.memory_space<vmem>>) dst(%dma_wait3A_72 : memref<1280xf32, #tpu.memory_space<hbm>>)
      tpu.yield
    }) : () -> ()
    "tpu.region"() ({
      %run_scoped3A_70 = tpu.sem_alloc : memref<!tpu.dma_semaphore, #tpu.memory_space<semaphore_mem>>
      %dma_start3A = tpu.memref_slice %arg10[%multiple_of3A] : memref<20480xf32, #tpu.memory_space<hbm>> -> memref<1280xf32, #tpu.memory_space<hbm>>
      %dma_start3A_71 = tpu.memref_slice %arg10[%multiple_of3A] : memref<20480xf32, #tpu.memory_space<hbm>> -> memref<1280xf32, #tpu.memory_space<hbm>>
      tpu.enqueue_dma source(%arg34 : memref<1280xf32, #tpu.memory_space<vmem>>) target(%dma_start3A_71 : memref<1280xf32, #tpu.memory_space<hbm>>) target_semaphore(%run_scoped3A_70 : memref<!tpu.dma_semaphore, #tpu.memory_space<semaphore_mem>>)
      %dma_wait3A = tpu.memref_slice %arg10[%multiple_of3A] : memref<20480xf32, #tpu.memory_space<hbm>> -> memref<1280xf32, #tpu.memory_space<hbm>>
      %dma_wait3A_72 = tpu.memref_slice %arg10[%multiple_of3A] : memref<20480xf32, #tpu.memory_space<hbm>> -> memref<1280xf32, #tpu.memory_space<hbm>>
      tpu.wait_dma2 semaphore(%run_scoped3A_70 : memref<!tpu.dma_semaphore, #tpu.memory_space<semaphore_mem>>) src(%arg34 : memref<1280xf32, #tpu.memory_space<vmem>>) dst(%dma_wait3A_72 : memref<1280xf32, #tpu.memory_space<hbm>>)
      tpu.yield
    }) : () -> ()
    "tpu.region"() ({
      %run_scoped3A_70 = tpu.sem_alloc : memref<!tpu.dma_semaphore, #tpu.memory_space<semaphore_mem>>
      %dma_start3A = tpu.memref_slice %arg11[%multiple_of3A] : memref<20480xf32, #tpu.memory_space<hbm>> -> memref<1280xf32, #tpu.memory_space<hbm>>
      %dma_start3A_71 = tpu.memref_slice %arg11[%multiple_of3A] : memref<20480xf32, #tpu.memory_space<hbm>> -> memref<1280xf32, #tpu.memory_space<hbm>>
      tpu.enqueue_dma source(%arg35 : memref<1280xf32, #tpu.memory_space<vmem>>) target(%dma_start3A_71 : memref<1280xf32, #tpu.memory_space<hbm>>) target_semaphore(%run_scoped3A_70 : memref<!tpu.dma_semaphore, #tpu.memory_space<semaphore_mem>>)
      %dma_wait3A = tpu.memref_slice %arg11[%multiple_of3A] : memref<20480xf32, #tpu.memory_space<hbm>> -> memref<1280xf32, #tpu.memory_space<hbm>>
      %dma_wait3A_72 = tpu.memref_slice %arg11[%multiple_of3A] : memref<20480xf32, #tpu.memory_space<hbm>> -> memref<1280xf32, #tpu.memory_space<hbm>>
      tpu.wait_dma2 semaphore(%run_scoped3A_70 : memref<!tpu.dma_semaphore, #tpu.memory_space<semaphore_mem>>) src(%arg35 : memref<1280xf32, #tpu.memory_space<vmem>>) dst(%dma_wait3A_72 : memref<1280xf32, #tpu.memory_space<hbm>>)
      tpu.yield
    }) : () -> ()
    "tpu.region"() ({
      %run_scoped3A_70 = tpu.sem_alloc : memref<!tpu.dma_semaphore, #tpu.memory_space<semaphore_mem>>
      %dma_start3A = tpu.memref_slice %arg12[%multiple_of3A] : memref<20480xf32, #tpu.memory_space<hbm>> -> memref<1280xf32, #tpu.memory_space<hbm>>
      %dma_start3A_71 = tpu.memref_slice %arg12[%multiple_of3A] : memref<20480xf32, #tpu.memory_space<hbm>> -> memref<1280xf32, #tpu.memory_space<hbm>>
      tpu.enqueue_dma source(%arg36 : memref<1280xf32, #tpu.memory_space<vmem>>) target(%dma_start3A_71 : memref<1280xf32, #tpu.memory_space<hbm>>) target_semaphore(%run_scoped3A_70 : memref<!tpu.dma_semaphore, #tpu.memory_space<semaphore_mem>>)
      %dma_wait3A = tpu.memref_slice %arg12[%multiple_of3A] : memref<20480xf32, #tpu.memory_space<hbm>> -> memref<1280xf32, #tpu.memory_space<hbm>>
      %dma_wait3A_72 = tpu.memref_slice %arg12[%multiple_of3A] : memref<20480xf32, #tpu.memory_space<hbm>> -> memref<1280xf32, #tpu.memory_space<hbm>>
      tpu.wait_dma2 semaphore(%run_scoped3A_70 : memref<!tpu.dma_semaphore, #tpu.memory_space<semaphore_mem>>) src(%arg36 : memref<1280xf32, #tpu.memory_space<vmem>>) dst(%dma_wait3A_72 : memref<1280xf32, #tpu.memory_space<hbm>>)
      tpu.yield
    }) : () -> ()
    return
  }
}

</mosaic_0001>

<sc_bundles>
// kernel: kernel.3.cloned.1.call-start
scs
__scs_entry_jumppad:
0x0: {  	(pc) =	sbr.rel $0x88, $3  }
0x1: {  	(tag) =	ssettag $0x0;
	lr =	simm.s32 $0x1  }
0x2: {  	[smem:$0x3F9F] =	sst lr;
	_ =	strace $0xD0000000  }
0x3: {  	_ = 	snop  }
0x4: {  	_ = 	snop  }
0x5: {  	_ = 	snop  }
0x6: {  	_ = 	snop  }
0x7: {  	_ = 	snop  }
__scs_overlays_trampoline_lowered:
0x8: {  	[smem:$0x3FAE] =	sst s0  }
0x9: {  	[smem:$0x3FAF] =	sst s1  }
0xa: {  	[smem:$0x3FB0] =	sst s2  }
0xb: {  	[smem:$0x3FB1] =	sst s3  }
0xc: {  	[smem:$0x3FB2] =	sst s4  }
0xd: {  	[smem:$0x3FB3] =	sst s5  }
0xe: {  	[smem:$0x3FB4] =	sst s6  }
0xf: {  	[smem:$0x3FB5] =	sst s7  }
0x10: {  	[smem:$0x3FB6] =	sst s8  }
0x11: {  	[smem:$0x3FB7] =	sst s9;
	s0 =	simm.s32 @!p0 $0x0  }
0x12: {  	s1 =	sld [smem:$0x3F9D];
	s0 =	simm.s32 @p0 $0x1  }
0x13: {  	[smem:$0x3FB8] =	sst s0;
	s0 =	simm.s32 @!p1 $0x0  }
0x14: {  	s2 =	sld [smem:$0x3F9C];
	s0 =	simm.s32 @p1 $0x1  }
0x15: {  	[smem:$0x3FB9] =	sst s0;
	s0 =	simm.s32 @!p2 $0x0  }
0x16: {  	s3 =	sld [smem:$0x3FDB];
	s0 =	simm.s32 @p2 $0x1  }
0x17: {  	s4 =	simm.s32 $0x1BF5;
	[smem:$0x3FBB] =	sst s0  }
0x18: {  	s0 =	sld [smem:$0x3F9E];
	_ =	swait.ge [sflag:s4], $0x0  }
0x19: {  	s7 =	sld [smem:$0x3F9F]  }
0x1a: {  	s8 =	sadd.s32 $0xFFFFE003, lr  }
0x1b: {  	s9 =	sadd.s32 $0xFFFFFEF7, lr;
	s5 =	simm.s32 $0xFFFFFFFF;
	p2 =	slt.u32 s8, $0xFFFFF086  }
0x1c: {  	p1 =	slt.u32 s9, $0xF7A;
	s5 =	simm.s32 @!p2 $0x0  }
0x1d: {  	s5 =	simm.s32 @p1 $0x1;
	p0 =	seq.s32 s7, s2  }
0x1e: {  	s7 =	smul.u32 @!p0 $0xF7A, s2;
	p2 =	seq.s32 @!p0 s5, $0x0  }
0x1f: {  	s9 =	smul.u32 $0xF7A, s1;
	s8 =	simm.s32 @!p0 $0x1BF5;
	p2 =	por !p2, p0  }
0x20: {  	[sflag:s8] =	ssyncset.s32 @!p0 $0xFFFFF086;
	s6 =	sadd.s32 @!p0 s3, s7;
	s7 =	simm.s32 @!p0 $0x108  }
0x21: {  	s3 =	sadd.s32 s3, s9;
	s6 =	sadd.s32 @!p0 $0x88, s6;
	s7 =	simm.s32 @p2 $0x1082  }
0x22: {  	[simem:s7], [sflag:s8] =	dma.local @!p0 [hbm:s6], $0xF7A  }
0x23: {  	s9 =	sor.u32 $0xD0000000, s2;
	s6 =	simm.s32 $0x108;
	_ =	swait.ge @!p0 [sflag:s8], $0x0  }
0x24: {  	s3 =	sadd.s32 $0x88, s3;
	s6 =	simm.s32 @!p1 $0x1082;
	[sflag:s4] =	ssyncset.s32 $0xFFFFF086  }
0x25: {  	[simem:s6], [sflag:s4] =	dma.local [hbm:s3], $0xF7A  }
0x26: {  	[smem:$0x3F9F] =	sst s1;
	(tag) =	ssettag s2;
	_ =	strace s9  }
0x27: {  	s1 =	sld [smem:$0x3FAF]  }
0x28: {  	s2 =	sld [smem:$0x3FB0]  }
0x29: {  	s4 =	sld [smem:$0x3FB2]  }
0x2a: {  	p0 =	seq.s32 s5, $0x0;
	s5 =	sld [smem:$0x3FB3]  }
0x2b: {  	s6 =	sld [smem:$0x3FB4]  }
0x2c: {  	s7 =	sld [smem:$0x3FB5]  }
0x2d: {  	s3 =	simm.s32 $0x108;
	s8 =	sld [smem:$0x3FB6]  }
0x2e: {  	s3 =	simm.s32 @!p0 $0x1082;
	s9 =	sld [smem:$0x3FB7]  }
0x2f: {  	lr =	sadd.s32 s0, s3;
	s0 =	sld [smem:$0x3FAE]  }
0x30: {  	s3 =	sld [smem:$0x3FB1]  }
0x31: {  	[smem:$0x3FBA] =	sst s10  }
0x32: {  	s10 =	sld [smem:$0x3FB8];
	_ =	sdelay $0x3  }
0x33: {  	p0 =	seq.s32 s10, $0x1;
	s10 =	sld [smem:$0x3FBA];
	_ =	sdelay $0x3  }
0x34: {  	[smem:$0x3FBA] =	sst s10  }
0x35: {  	s10 =	sld [smem:$0x3FB9];
	_ =	sdelay $0x3  }
0x36: {  	p1 =	seq.s32 s10, $0x1;
	s10 =	sld [smem:$0x3FBA];
	_ =	sdelay $0x3  }
0x37: {  	[smem:$0x3FBA] =	sst s10  }
0x38: {  	s10 =	sld [smem:$0x3FBB]  }
0x39: {  	_ = 	snop;
	(pc) =	sbr.ind lr, $3  }
0x3a: {  	_ = 	snop  }
0x3b: {  	_ = 	snop  }
0x3c: {  	p2 =	seq.s32 s10, $0x1;
	s10 =	sld [smem:$0x3FBA]  }
0x3d: {  	_ =	shalt  }
0x3e: {  	_ =	shalt  }
0x3f: {  	_ =	shalt  }
0x40: {  	_ =	shalt  }
0x41: {  	_ =	shalt  }
0x42: {  	_ =	shalt  }
0x43: {  	_ =	shalt  }
0x44: {  	_ =	shalt  }
0x45: {  	_ =	shalt  }
0x46: {  	_ =	shalt  }
0x47: {  	_ =	shalt  }
0x48: {  	_ =	shalt  }
0x49: {  	_ =	shalt  }
0x4a: {  	_ =	shalt  }
0x4b: {  	_ =	shalt  }
0x4c: {  	_ =	shalt  }
0x4d: {  	_ =	shalt  }
0x4e: {  	_ =	shalt  }
0x4f: {  	_ =	shalt  }
0x50: {  	_ =	shalt  }
0x51: {  	_ =	shalt  }
0x52: {  	_ =	shalt  }
0x53: {  	_ =	shalt  }
0x54: {  	_ =	shalt  }
0x55: {  	_ =	shalt  }
0x56: {  	_ =	shalt  }
0x57: {  	_ =	shalt  }
0x58: {  	_ =	shalt  }
0x59: {  	_ =	shalt  }
0x5a: {  	_ =	shalt  }
0x5b: {  	_ =	shalt  }
0x5c: {  	_ =	shalt  }
0x5d: {  	_ =	shalt  }
0x5e: {  	_ =	shalt  }
0x5f: {  	_ =	shalt  }
0x60: {  	_ =	shalt  }
0x61: {  	_ =	shalt  }
0x62: {  	_ =	shalt  }
0x63: {  	_ =	shalt  }
0x64: {  	_ =	shalt  }
0x65: {  	_ =	shalt  }
0x66: {  	_ =	shalt  }
0x67: {  	_ =	shalt  }
0x68: {  	_ =	shalt  }
0x69: {  	_ =	shalt  }
0x6a: {  	_ =	shalt  }
0x6b: {  	_ =	shalt  }
0x6c: {  	_ =	shalt  }
0x6d: {  	_ =	shalt  }
0x6e: {  	_ =	shalt  }
0x6f: {  	_ =	shalt  }
0x70: {  	_ =	shalt  }
0x71: {  	_ =	shalt  }
0x72: {  	_ =	shalt  }
0x73: {  	_ =	shalt  }
0x74: {  	_ =	shalt  }
0x75: {  	_ =	shalt  }
0x76: {  	_ =	shalt  }
0x77: {  	_ =	shalt  }
0x78: {  	_ =	shalt  }
0x79: {  	_ =	shalt  }
0x7a: {  	_ =	shalt  }
0x7b: {  	_ =	shalt  }
0x7c: {  	_ =	shalt  }
0x7d: {  	_ =	shalt  }
0x7e: {  	_ =	shalt  }
0x7f: {  	_ =	shalt  }
0x80: {  	_ =	shalt  }
0x81: {  	_ =	shalt  }
0x82: {  	_ =	shalt  }
0x83: {  	_ =	shalt  }
0x84: {  	_ =	shalt  }
0x85: {  	_ =	shalt  }
0x86: {  	_ =	shalt  }
0x87: {  	_ =	shalt  }
.Lfunc_end0:
.L_simem_size_0:
called_computation_lowered:
.L_overlay_start_0:
0x88: {  	s0 =	sld [smem:$0x3FD9]  }
0x89: {  	s1 =	sld [smem:$0x3FFE];
	_ =	sdelay $0x3  }
0x8a: {  	s0 =	sadd.s32 s1, s0  }
0x8b: {  	[smem:$0x3FC6] =	sst s0  }
0x8c: {  	_ = 	snop  }
0x8d: {  	s0 =	sld [smem:$0x3FD0];
	(tm) =	ssettm $0x1  }
0x8e: {  	s16 =	sld [smem:$0x3FFB];
	_ =	sdelay $0x3  }
0x8f: {  	_ =	strace s16  }
0x90: {  	s1 =	sld [smem:$0x3FFC];
	_ =	sdelay $0x3  }
0x91: {  	_ =	strace s1  }
0x92: {  	s1 =	sld [smem:$0x3FFD];
	_ =	sdelay $0x3  }
0x93: {  	_ =	strace s1  }
0x94: {  	_ =	strace $0x8FFFFFFF  }
0x95: {  	s17 =	sld [smem:$0x3FDB];
	_ =	sdelay $0x1  }
0x96: {  	s2 =	simm.s32 $_scs_section_size  }
0x97: {  	s3 =	simm.s32 $_size__tile_overlayer_lowered;
	s4 =	simm.s32 $_tile_overlayer_lowered  }
0x98: {  	s20 =	simm.s32 $0x1BFF;
	s19 =	sshll.u32 s4, $0x1;
	s1 =	sadd.s32 s2, s17  }
0x99: {  	s5 =	simm.s32 $0x0;
	s18 =	sshll.u32 s3, $0x1;
	s3 =	sadd.s32 s19, s1  }
0x9a: {  	[timem:s5], [sflag:s20] =	dma.local [hbm:s3], s18  }
0x9b: {  	_ =	swait.ge [sflag:s20], s18  }
0x9c: {  	s2 =	ssub.s32 $0x0, s18;
	[sflag:s20] =	ssyncset.done $0x0  }
0x9d: {  	[sflag:s20] =	ssyncadd.s32 s2;
	_ =	sdelay $0x1  }
0x9e: {  	s21 =	simm.s32 $0x1B8B  }
0x9f: {  	_ =	swait.ge [sflag:s21], $0x1  }
0xa0: {  	[sflag:s21] =	ssyncset.done $0x0  }
0xa1: {  	s23 =	simm.s32 $0x1B8E;
	s22 =	sld [smem:$0x3FFE];
	[sflag:s21] =	ssyncadd.s32 $0xFFFFFFFF  }
0xa2: {  	s24 =	simm.s32 $execute0_lowered;
	[smem:$0x3FD2] =	sst s23  }
0xa3: {  	s3 =	sshll.u32 s24, $0x1;
	_ =	strace $0x80000046;
	[dreg:$0x1] =	wrdreg $0xFFFFFFFF  }
0xa4: {  	s25 =	simm.s32 $_size_execute0_lowered;
	s1 =	sadd.s32 s1, s3;
	[dreg:$0x0] =	wrdreg $0x0  }
0xa5: {  	s3 =	sshll.u32 s25, $0x1;
	[dreg:$0x2] =	wrdreg s1  }
0xa6: {  	[dreg:$0x3] =	wrdreg s3  }
0xa7: {  	[dreg:$0x4] =	wrdreg $0xC0  }
0xa8: {  	_ =	task [dreg:s5], $0x5FFFF  }
0xa9: {  	[dreg:$0x1] =	wrdreg $0xFFFFFFFF  }
0xaa: {  	[dreg:$0x0] =	wrdreg $0x60  }
0xab: {  	[dreg:$0x2] =	wrdreg s22  }
0xac: {  	[dreg:$0x3] =	wrdreg s0  }
0xad: {  	[dreg:$0x4] =	wrdreg $0x0  }
0xae: {  	[dreg:$0x5] =	wrdreg $0x5500  }
0xaf: {  	[dreg:$0x6] =	wrdreg $0xAA00  }
0xb0: {  	[dreg:$0x7] =	wrdreg $0xFF00  }
0xb1: {  	[dreg:$0x8] =	wrdreg $0x15400  }
0xb2: {  	[dreg:$0x9] =	wrdreg $0x1A900  }
0xb3: {  	[dreg:$0xa] =	wrdreg $0x1FE00  }
0xb4: {  	[dreg:$0xb] =	wrdreg $0x9  }
0xb5: {  	_ =	task.clear_ibuf [dreg:s5], $0xCFFFF;
	_ =	strace $0x90000046  }
0xb6: {  	s26 =	simm.s32 $0x9;
	_ =	strace $0x80000048  }
0xb7: {  	_ =	swait.ge [sflag:s26], $0x1  }
0xb8: {  	[sflag:s26] =	ssyncadd.s32 $0xFFFFFFFF  }
0xb9: {  	_ =	strace $0x90000048  }
0xba: {  	_ =	sfence  }
0xbb: {  	s28 =	sld [smem:$0x0];
	_ =	sdelay $0x1  }
0xbc: {  	s29 =	srdreg.scid  }
0xbd: {  	s30 =	sshll.u32 s29, $0xD;
	s31 =	sshrl.u32 s29, $0x2  }
0xbe: {  	s2 =	sand.u32 $0x4000, s30;
	s1 =	sand.u32 $0x1, s29;
	s0 =	sadd.s32 s31, s28  }
0xbf: {  	s1 =	sor.u32 s2, s1;
	s0 =	sshll.u32 s0, $0x11  }
0xc0: {  	s0 =	sor.u32 s0, s1  }
0xc1: {  	s0 =	sadd.s32 $0x8F2B, s0  }
0xc2: {  	[sflag:s0] =	ssyncadd.remote.s32 $0x1  }
0xc3: {  	_ =	sfence.sel $0xFFFF  }
0xc4: {  	[dreg:$0x0] =	wrdreg $0xFFFFFFFF;
	(pc) =	sbr.abs _section_cstart, $3  }
0xc5: {  	[dreg:$0x1] =	wrdreg $0xFFFFFFFF  }
0xc6: {  	_ =	task.clear_ibuf [dreg:s5], $0x2FFFF;
	_ =	strace $0x9FFFFFFF  }
0xc7: {  	(tm) =	ssettm $0x7FFFFFFF  }
tec
execute0_lowered:
.L_overlay_start_1:
0x0: {  	(tag) =	ssettag $0x1  }
0x1: {  	s8 =	rddreg [dreg:$0x0]  }
0x2: {  	s9 =	rddreg [dreg:$0x1]  }
0x3: {  	s0 =	rddreg [dreg:$0x8];
	s10 =	simm.s32 $0x0;
	s5 =	stileid.u32  }
0x4: {  	[smem:$0x7FF] =	sst s10;
	s11 =	sshll.u32 s5, $0x8  }
0x5: {  	s15 =	simm.s32 $0x6F30;
	_ =	strace $0x80000047;
	s9 =	sadd.s32 s9, s11  }
0x6: {  	[tilespmem:s15], [sflag:$0x3] =	stream.linear.gather [hbm4b:s9+s10], $0x500, $0x38;
	[tilespmem:$0x7730] =	vst v63  }
0x7: {  	s9 =	simm.s32 $0x3  }
0x8: {  	_ =	swait.ge [sflag:s9], $0x500  }
0x9: {  	s12 =	simm.s32 $0x4C30;
	[sflag:s9] =	ssyncset.done $0x0  }
0xa: {  	s11 =	sadd.s32 $0x2800, s8;
	s10 =	simm.s32 $0x80;
	[sflag:s9] =	ssyncadd.s32 $0xFFFFFB00  }
0xb: {  	[tilespmem:s12], [sflag:$0x3] =	stream.indirect.gather [hbm4b:s11+s10], $0x1, s15, s10, $0xb8;
	[tilespmem:$0x7730] =	vst v63  }
0xc: {  	_ =	swait.ge [sflag:s9], $0x80  }
0xd: {  	[sflag:s9] =	ssyncset.done $0x0  }
0xe: {  	s13 =	simm.s32 $0x5130;
	s12 =	sadd.s32 $0x1400, s8;
	[sflag:s9] =	ssyncadd.s32 $0xFFFFFF80  }
0xf: {  	[tilespmem:s13], [sflag:$0x3] =	stream.indirect.gather [hbm4b:s12+s10], $0x1, s15, s10, $0xb8;
	[tilespmem:$0x7730] =	vst v63  }
0x10: {  	_ =	swait.ge [sflag:s9], $0x80  }
0x11: {  	[sflag:s9] =	ssyncset.done $0x0  }
0x12: {  	s14 =	simm.s32 $0x5630;
	s13 =	sadd.s32 $0x1E00, s8;
	[sflag:s9] =	ssyncadd.s32 $0xFFFFFF80  }
0x13: {  	[tilespmem:s14], [sflag:$0x3] =	stream.indirect.gather [hbm4b:s13+s10], $0x1, s15, s10, $0xb8;
	[tilespmem:$0x7730] =	vst v63  }
0x14: {  	_ =	swait.ge [sflag:s9], $0x80  }
0x15: {  	[sflag:s9] =	ssyncset.done $0x0  }
0x16: {  	s16 =	simm.s32 $0x5B30;
	s14 =	sadd.s32 $0xA00, s8;
	[sflag:s9] =	ssyncadd.s32 $0xFFFFFF80  }
0x17: {  	[tilespmem:s16], [sflag:$0x3] =	stream.indirect.gather [hbm4b:s14+s10], $0x1, s15, s10, $0xb8;
	[tilespmem:$0x7730] =	vst v63  }
0x18: {  	_ =	swait.ge [sflag:s9], $0x80  }
0x19: {  	[sflag:s9] =	ssyncset.done $0x0  }
0x1a: {  	s2 =	simm.s32 $0x6030;
	[sflag:s9] =	ssyncadd.s32 $0xFFFFFF80  }
0x1b: {  	[tilespmem:s2], [sflag:$0x3] =	stream.indirect.gather [hbm4b:s8+s10], $0x1, s15, s10, $0xb8;
	[tilespmem:$0x7730] =	vst v63  }
0x1c: {  	_ =	swait.ge [sflag:s9], $0x80  }
0x1d: {  	[sflag:s9] =	ssyncset.done $0x0  }
0x1e: {  	s3 =	simm.s32 $0x6FB0;
	s4 =	simm.s32 $0x4CB0;
	[sflag:s9] =	ssyncadd.s32 $0xFFFFFF80  }
0x1f: {  	[tilespmem:s4], [sflag:$0x3] =	stream.indirect.gather [hbm4b:s11+s10], $0x1, s3, s10, $0xb8;
	[tilespmem:$0x7730] =	vst v63  }
0x20: {  	_ =	swait.ge [sflag:s9], $0x80  }
0x21: {  	[sflag:s9] =	ssyncset.done $0x0  }
0x22: {  	s6 =	simm.s32 $0x51B0;
	[sflag:s9] =	ssyncadd.s32 $0xFFFFFF80  }
0x23: {  	[tilespmem:s6], [sflag:$0x3] =	stream.indirect.gather [hbm4b:s12+s10], $0x1, s3, s10, $0xb8;
	[tilespmem:$0x7730] =	vst v63  }
0x24: {  	_ =	swait.ge [sflag:s9], $0x80  }
0x25: {  	[sflag:s9] =	ssyncset.done $0x0  }
0x26: {  	s7 =	simm.s32 $0x56B0;
	[sflag:s9] =	ssyncadd.s32 $0xFFFFFF80  }
0x27: {  	[tilespmem:s7], [sflag:$0x3] =	stream.indirect.gather [hbm4b:s13+s10], $0x1, s3, s10, $0xb8;
	[tilespmem:$0x7730] =	vst v63  }
0x28: {  	_ =	swait.ge [sflag:s9], $0x80  }
0x29: {  	[sflag:s9] =	ssyncset.done $0x0  }
0x2a: {  	s17 =	simm.s32 $0x5BB0;
	[sflag:s9] =	ssyncadd.s32 $0xFFFFFF80  }
0x2b: {  	[tilespmem:s17], [sflag:$0x3] =	stream.indirect.gather [hbm4b:s14+s10], $0x1, s3, s10, $0xb8;
	[tilespmem:$0x7730] =	vst v63  }
0x2c: {  	_ =	swait.ge [sflag:s9], $0x80  }
0x2d: {  	[sflag:s9] =	ssyncset.done $0x0  }
0x2e: {  	s18 =	simm.s32 $0x60B0;
	[sflag:s9] =	ssyncadd.s32 $0xFFFFFF80  }
0x2f: {  	[tilespmem:s18], [sflag:$0x3] =	stream.indirect.gather [hbm4b:s8+s10], $0x1, s3, s10, $0xb8;
	[tilespmem:$0x7730] =	vst v63  }
0x30: {  	_ =	swait.ge [sflag:s9], $0x80  }
0x31: {  	[sflag:s9] =	ssyncset.done $0x0  }
0x32: {  	s19 =	simm.s32 $0x7030;
	s20 =	simm.s32 $0x4D30;
	[sflag:s9] =	ssyncadd.s32 $0xFFFFFF80  }
0x33: {  	[tilespmem:s20], [sflag:$0x3] =	stream.indirect.gather [hbm4b:s11+s10], $0x1, s19, s10, $0xb8;
	[tilespmem:$0x7730] =	vst v63  }
0x34: {  	_ =	swait.ge [sflag:s9], $0x80  }
0x35: {  	[sflag:s9] =	ssyncset.done $0x0  }
0x36: {  	s21 =	simm.s32 $0x5230;
	[sflag:s9] =	ssyncadd.s32 $0xFFFFFF80  }
0x37: {  	[tilespmem:s21], [sflag:$0x3] =	stream.indirect.gather [hbm4b:s12+s10], $0x1, s19, s10, $0xb8;
	[tilespmem:$0x7730] =	vst v63  }
0x38: {  	_ =	swait.ge [sflag:s9], $0x80  }
0x39: {  	[sflag:s9] =	ssyncset.done $0x0  }
0x3a: {  	s22 =	simm.s32 $0x5730;
	[sflag:s9] =	ssyncadd.s32 $0xFFFFFF80  }
0x3b: {  	[tilespmem:s22], [sflag:$0x3] =	stream.indirect.gather [hbm4b:s13+s10], $0x1, s19, s10, $0xb8;
	[tilespmem:$0x7730] =	vst v63  }
0x3c: {  	_ =	swait.ge [sflag:s9], $0x80  }
0x3d: {  	[sflag:s9] =	ssyncset.done $0x0  }
0x3e: {  	s23 =	simm.s32 $0x5C30;
	[sflag:s9] =	ssyncadd.s32 $0xFFFFFF80  }
0x3f: {  	[tilespmem:s23], [sflag:$0x3] =	stream.indirect.gather [hbm4b:s14+s10], $0x1, s19, s10, $0xb8;
	[tilespmem:$0x7730] =	vst v63  }
0x40: {  	_ =	swait.ge [sflag:s9], $0x80  }
0x41: {  	[sflag:s9] =	ssyncset.done $0x0  }
0x42: {  	s24 =	simm.s32 $0x6130;
	[sflag:s9] =	ssyncadd.s32 $0xFFFFFF80  }
0x43: {  	[tilespmem:s24], [sflag:$0x3] =	stream.indirect.gather [hbm4b:s8+s10], $0x1, s19, s10, $0xb8;
	[tilespmem:$0x7730] =	vst v63  }
0x44: {  	_ =	swait.ge [sflag:s9], $0x80  }
0x45: {  	[sflag:s9] =	ssyncset.done $0x0  }
0x46: {  	s25 =	simm.s32 $0x70B0;
	s26 =	simm.s32 $0x4DB0;
	[sflag:s9] =	ssyncadd.s32 $0xFFFFFF80  }
0x47: {  	[tilespmem:s26], [sflag:$0x3] =	stream.indirect.gather [hbm4b:s11+s10], $0x1, s25, s10, $0xb8;
	[tilespmem:$0x7730] =	vst v63  }
0x48: {  	_ =	swait.ge [sflag:s9], $0x80  }
0x49: {  	[sflag:s9] =	ssyncset.done $0x0  }
0x4a: {  	s28 =	simm.s32 $0x52B0;
	[sflag:s9] =	ssyncadd.s32 $0xFFFFFF80  }
0x4b: {  	[tilespmem:s28], [sflag:$0x3] =	stream.indirect.gather [hbm4b:s12+s10], $0x1, s25, s10, $0xb8;
	[tilespmem:$0x7730] =	vst v63  }
0x4c: {  	_ =	swait.ge [sflag:s9], $0x80  }
0x4d: {  	[sflag:s9] =	ssyncset.done $0x0  }
0x4e: {  	s29 =	simm.s32 $0x57B0;
	[sflag:s9] =	ssyncadd.s32 $0xFFFFFF80  }
0x4f: {  	[tilespmem:s29], [sflag:$0x3] =	stream.indirect.gather [hbm4b:s13+s10], $0x1, s25, s10, $0xb8;
	[tilespmem:$0x7730] =	vst v63  }
0x50: {  	_ =	swait.ge [sflag:s9], $0x80  }
0x51: {  	[sflag:s9] =	ssyncset.done $0x0  }
0x52: {  	s30 =	simm.s32 $0x5CB0;
	[sflag:s9] =	ssyncadd.s32 $0xFFFFFF80  }
0x53: {  	[tilespmem:s30], [sflag:$0x3] =	stream.indirect.gather [hbm4b:s14+s10], $0x1, s25, s10, $0xb8;
	[tilespmem:$0x7730] =	vst v63  }
0x54: {  	_ =	swait.ge [sflag:s9], $0x80  }
0x55: {  	[sflag:s9] =	ssyncset.done $0x0  }
0x56: {  	s31 =	simm.s32 $0x61B0;
	[sflag:s9] =	ssyncadd.s32 $0xFFFFFF80  }
0x57: {  	[tilespmem:s31], [sflag:$0x3] =	stream.indirect.gather [hbm4b:s8+s10], $0x1, s25, s10, $0xb8;
	[tilespmem:$0x7730] =	vst v63  }
0x58: {  	_ =	swait.ge [sflag:s9], $0x80  }
0x59: {  	[sflag:s9] =	ssyncset.done $0x0  }
0x5a: {  	s1 =	simm.s32 $0x7130;
	s2 =	simm.s32 $0x4E30;
	[sflag:s9] =	ssyncadd.s32 $0xFFFFFF80  }
0x5b: {  	[tilespmem:s2], [sflag:$0x3] =	stream.indirect.gather [hbm4b:s11+s10], $0x1, s1, s10, $0xb8;
	[tilespmem:$0x7730] =	vst v63  }
0x5c: {  	_ =	swait.ge [sflag:s9], $0x80  }
0x5d: {  	[sflag:s9] =	ssyncset.done $0x0  }
0x5e: {  	s3 =	simm.s32 $0x5330;
	[sflag:s9] =	ssyncadd.s32 $0xFFFFFF80  }
0x5f: {  	[tilespmem:s3], [sflag:$0x3] =	stream.indirect.gather [hbm4b:s12+s10], $0x1, s1, s10, $0xb8;
	[tilespmem:$0x7730] =	vst v63  }
0x60: {  	_ =	swait.ge [sflag:s9], $0x80  }
0x61: {  	[sflag:s9] =	ssyncset.done $0x0  }
0x62: {  	s4 =	simm.s32 $0x5830;
	[sflag:s9] =	ssyncadd.s32 $0xFFFFFF80  }
0x63: {  	[tilespmem:s4], [sflag:$0x3] =	stream.indirect.gather [hbm4b:s13+s10], $0x1, s1, s10, $0xb8;
	[tilespmem:$0x7730] =	vst v63  }
0x64: {  	_ =	swait.ge [sflag:s9], $0x80  }
0x65: {  	[sflag:s9] =	ssyncset.done $0x0  }
0x66: {  	s6 =	simm.s32 $0x5D30;
	[sflag:s9] =	ssyncadd.s32 $0xFFFFFF80  }
0x67: {  	[tilespmem:s6], [sflag:$0x3] =	stream.indirect.gather [hbm4b:s14+s10], $0x1, s1, s10, $0xb8;
	[tilespmem:$0x7730] =	vst v63  }
0x68: {  	_ =	swait.ge [sflag:s9], $0x80  }
0x69: {  	[sflag:s9] =	ssyncset.done $0x0  }
0x6a: {  	s7 =	simm.s32 $0x6230;
	[sflag:s9] =	ssyncadd.s32 $0xFFFFFF80  }
0x6b: {  	[tilespmem:s7], [sflag:$0x3] =	stream.indirect.gather [hbm4b:s8+s10], $0x1, s1, s10, $0xb8;
	[tilespmem:$0x7730] =	vst v63  }
0x6c: {  	_ =	swait.ge [sflag:s9], $0x80  }
0x6d: {  	[sflag:s9] =	ssyncset.done $0x0  }
0x6e: {  	s17 =	simm.s32 $0x71B0;
	s18 =	simm.s32 $0x4EB0;
	[sflag:s9] =	ssyncadd.s32 $0xFFFFFF80  }
0x6f: {  	[tilespmem:s18], [sflag:$0x3] =	stream.indirect.gather [hbm4b:s11+s10], $0x1, s17, s10, $0xb8;
	[tilespmem:$0x7730] =	vst v63  }
0x70: {  	_ =	swait.ge [sflag:s9], $0x80  }
0x71: {  	[sflag:s9] =	ssyncset.done $0x0  }
0x72: {  	s19 =	simm.s32 $0x53B0;
	[sflag:s9] =	ssyncadd.s32 $0xFFFFFF80  }
0x73: {  	[tilespmem:s19], [sflag:$0x3] =	stream.indirect.gather [hbm4b:s12+s10], $0x1, s17, s10, $0xb8;
	[tilespmem:$0x7730] =	vst v63  }
0x74: {  	_ =	swait.ge [sflag:s9], $0x80  }
0x75: {  	[sflag:s9] =	ssyncset.done $0x0  }
0x76: {  	s20 =	simm.s32 $0x58B0;
	[sflag:s9] =	ssyncadd.s32 $0xFFFFFF80  }
0x77: {  	[tilespmem:s20], [sflag:$0x3] =	stream.indirect.gather [hbm4b:s13+s10], $0x1, s17, s10, $0xb8;
	[tilespmem:$0x7730] =	vst v63  }
0x78: {  	_ =	swait.ge [sflag:s9], $0x80  }
0x79: {  	[sflag:s9] =	ssyncset.done $0x0  }
0x7a: {  	s21 =	simm.s32 $0x5DB0;
	[sflag:s9] =	ssyncadd.s32 $0xFFFFFF80  }
0x7b: {  	[tilespmem:s21], [sflag:$0x3] =	stream.indirect.gather [hbm4b:s14+s10], $0x1, s17, s10, $0xb8;
	[tilespmem:$0x7730] =	vst v63  }
0x7c: {  	_ =	swait.ge [sflag:s9], $0x80  }
0x7d: {  	[sflag:s9] =	ssyncset.done $0x0  }
0x7e: {  	s22 =	simm.s32 $0x62B0;
	[sflag:s9] =	ssyncadd.s32 $0xFFFFFF80  }
0x7f: {  	[tilespmem:s22], [sflag:$0x3] =	stream.indirect.gather [hbm4b:s8+s10], $0x1, s17, s10, $0xb8;
	[tilespmem:$0x7730] =	vst v63  }
0x80: {  	_ =	swait.ge [sflag:s9], $0x80  }
0x81: {  	[sflag:s9] =	ssyncset.done $0x0  }
0x82: {  	s23 =	simm.s32 $0x7230;
	s24 =	simm.s32 $0x4F30;
	[sflag:s9] =	ssyncadd.s32 $0xFFFFFF80  }
0x83: {  	[tilespmem:s24], [sflag:$0x3] =	stream.indirect.gather [hbm4b:s11+s10], $0x1, s23, s10, $0xb8;
	[tilespmem:$0x7730] =	vst v63  }
0x84: {  	_ =	swait.ge [sflag:s9], $0x80  }
0x85: {  	[sflag:s9] =	ssyncset.done $0x0  }
0x86: {  	s25 =	simm.s32 $0x5430;
	[sflag:s9] =	ssyncadd.s32 $0xFFFFFF80  }
0x87: {  	[tilespmem:s25], [sflag:$0x3] =	stream.indirect.gather [hbm4b:s12+s10], $0x1, s23, s10, $0xb8;
	[tilespmem:$0x7730] =	vst v63  }
0x88: {  	_ =	swait.ge [sflag:s9], $0x80  }
0x89: {  	[sflag:s9] =	ssyncset.done $0x0  }
0x8a: {  	s26 =	simm.s32 $0x5930;
	[sflag:s9] =	ssyncadd.s32 $0xFFFFFF80  }
0x8b: {  	[tilespmem:s26], [sflag:$0x3] =	stream.indirect.gather [hbm4b:s13+s10], $0x1, s23, s10, $0xb8;
	[tilespmem:$0x7730] =	vst v63  }
0x8c: {  	_ =	swait.ge [sflag:s9], $0x80  }
0x8d: {  	[sflag:s9] =	ssyncset.done $0x0  }
0x8e: {  	s28 =	simm.s32 $0x5E30;
	[sflag:s9] =	ssyncadd.s32 $0xFFFFFF80  }
0x8f: {  	[tilespmem:s28], [sflag:$0x3] =	stream.indirect.gather [hbm4b:s14+s10], $0x1, s23, s10, $0xb8;
	[tilespmem:$0x7730] =	vst v63  }
0x90: {  	_ =	swait.ge [sflag:s9], $0x80  }
0x91: {  	[sflag:s9] =	ssyncset.done $0x0  }
0x92: {  	s29 =	simm.s32 $0x6330;
	[sflag:s9] =	ssyncadd.s32 $0xFFFFFF80  }
0x93: {  	[tilespmem:s29], [sflag:$0x3] =	stream.indirect.gather [hbm4b:s8+s10], $0x1, s23, s10, $0xb8;
	[tilespmem:$0x7730] =	vst v63  }
0x94: {  	_ =	swait.ge [sflag:s9], $0x80  }
0x95: {  	[sflag:s9] =	ssyncset.done $0x0  }
0x96: {  	s30 =	simm.s32 $0x72B0;
	s31 =	simm.s32 $0x4FB0;
	[sflag:s9] =	ssyncadd.s32 $0xFFFFFF80  }
0x97: {  	[tilespmem:s31], [sflag:$0x3] =	stream.indirect.gather [hbm4b:s11+s10], $0x1, s30, s10, $0xb8;
	[tilespmem:$0x7730] =	vst v63  }
0x98: {  	_ =	swait.ge [sflag:s9], $0x80  }
0x99: {  	[sflag:s9] =	ssyncset.done $0x0  }
0x9a: {  	s1 =	simm.s32 $0x54B0;
	[sflag:s9] =	ssyncadd.s32 $0xFFFFFF80  }
0x9b: {  	[tilespmem:s1], [sflag:$0x3] =	stream.indirect.gather [hbm4b:s12+s10], $0x1, s30, s10, $0xb8;
	[tilespmem:$0x7730] =	vst v63  }
0x9c: {  	_ =	swait.ge [sflag:s9], $0x80  }
0x9d: {  	[sflag:s9] =	ssyncset.done $0x0  }
0x9e: {  	s2 =	simm.s32 $0x59B0;
	[sflag:s9] =	ssyncadd.s32 $0xFFFFFF80  }
0x9f: {  	[tilespmem:s2], [sflag:$0x3] =	stream.indirect.gather [hbm4b:s13+s10], $0x1, s30, s10, $0xb8;
	[tilespmem:$0x7730] =	vst v63  }
0xa0: {  	_ =	swait.ge [sflag:s9], $0x80  }
0xa1: {  	[sflag:s9] =	ssyncset.done $0x0  }
0xa2: {  	s3 =	simm.s32 $0x5EB0;
	[sflag:s9] =	ssyncadd.s32 $0xFFFFFF80  }
0xa3: {  	[tilespmem:s3], [sflag:$0x3] =	stream.indirect.gather [hbm4b:s14+s10], $0x1, s30, s10, $0xb8;
	[tilespmem:$0x7730] =	vst v63  }
0xa4: {  	_ =	swait.ge [sflag:s9], $0x80  }
0xa5: {  	[sflag:s9] =	ssyncset.done $0x0  }
0xa6: {  	s4 =	simm.s32 $0x63B0;
	[sflag:s9] =	ssyncadd.s32 $0xFFFFFF80  }
0xa7: {  	[tilespmem:s4], [sflag:$0x3] =	stream.indirect.gather [hbm4b:s8+s10], $0x1, s30, s10, $0xb8;
	[tilespmem:$0x7730] =	vst v63  }
0xa8: {  	_ =	swait.ge [sflag:s9], $0x80  }
0xa9: {  	[sflag:s9] =	ssyncset.done $0x0  }
0xaa: {  	s6 =	simm.s32 $0x7330;
	s7 =	simm.s32 $0x5030;
	[sflag:s9] =	ssyncadd.s32 $0xFFFFFF80  }
0xab: {  	[tilespmem:s7], [sflag:$0x3] =	stream.indirect.gather [hbm4b:s11+s10], $0x1, s6, s10, $0xb8;
	[tilespmem:$0x7730] =	vst v63  }
0xac: {  	_ =	swait.ge [sflag:s9], $0x80  }
0xad: {  	[sflag:s9] =	ssyncset.done $0x0  }
0xae: {  	s17 =	simm.s32 $0x5530;
	[sflag:s9] =	ssyncadd.s32 $0xFFFFFF80  }
0xaf: {  	[tilespmem:s17], [sflag:$0x3] =	stream.indirect.gather [hbm4b:s12+s10], $0x1, s6, s10, $0xb8;
	[tilespmem:$0x7730] =	vst v63  }
0xb0: {  	_ =	swait.ge [sflag:s9], $0x80  }
0xb1: {  	[sflag:s9] =	ssyncset.done $0x0  }
0xb2: {  	s18 =	simm.s32 $0x5A30;
	[sflag:s9] =	ssyncadd.s32 $0xFFFFFF80  }
0xb3: {  	[tilespmem:s18], [sflag:$0x3] =	stream.indirect.gather [hbm4b:s13+s10], $0x1, s6, s10, $0xb8;
	[tilespmem:$0x7730] =	vst v63  }
0xb4: {  	_ =	swait.ge [sflag:s9], $0x80  }
0xb5: {  	[sflag:s9] =	ssyncset.done $0x0  }
0xb6: {  	s19 =	simm.s32 $0x5F30;
	[sflag:s9] =	ssyncadd.s32 $0xFFFFFF80  }
0xb7: {  	[tilespmem:s19], [sflag:$0x3] =	stream.indirect.gather [hbm4b:s14+s10], $0x1, s6, s10, $0xb8;
	[tilespmem:$0x7730] =	vst v63  }
0xb8: {  	_ =	swait.ge [sflag:s9], $0x80  }
0xb9: {  	[sflag:s9] =	ssyncset.done $0x0  }
0xba: {  	s20 =	simm.s32 $0x6430;
	[sflag:s9] =	ssyncadd.s32 $0xFFFFFF80  }
0xbb: {  	[tilespmem:s20], [sflag:$0x3] =	stream.indirect.gather [hbm4b:s8+s10], $0x1, s6, s10, $0xb8;
	[tilespmem:$0x7730] =	vst v63  }
0xbc: {  	_ =	swait.ge [sflag:s9], $0x80  }
0xbd: {  	[sflag:s9] =	ssyncset.done $0x0  }
0xbe: {  	s21 =	simm.s32 $0x73B0;
	s22 =	simm.s32 $0x50B0;
	[sflag:s9] =	ssyncadd.s32 $0xFFFFFF80  }
0xbf: {  	[tilespmem:s22], [sflag:$0x3] =	stream.indirect.gather [hbm4b:s11+s10], $0x1, s21, s10, $0xb8;
	[tilespmem:$0x7730] =	vst v63  }
0xc0: {  	_ =	swait.ge [sflag:s9], $0x80  }
0xc1: {  	[sflag:s9] =	ssyncset.done $0x0  }
0xc2: {  	s23 =	simm.s32 $0x55B0;
	[sflag:s9] =	ssyncadd.s32 $0xFFFFFF80  }
0xc3: {  	[tilespmem:s23], [sflag:$0x3] =	stream.indirect.gather [hbm4b:s12+s10], $0x1, s21, s10, $0xb8;
	[tilespmem:$0x7730] =	vst v63  }
0xc4: {  	_ =	swait.ge [sflag:s9], $0x80  }
0xc5: {  	[sflag:s9] =	ssyncset.done $0x0  }
0xc6: {  	s24 =	simm.s32 $0x5AB0;
	[sflag:s9] =	ssyncadd.s32 $0xFFFFFF80  }
0xc7: {  	[tilespmem:s24], [sflag:$0x3] =	stream.indirect.gather [hbm4b:s13+s10], $0x1, s21, s10, $0xb8;
	[tilespmem:$0x7730] =	vst v63  }
0xc8: {  	_ =	swait.ge [sflag:s9], $0x80  }
0xc9: {  	[sflag:s9] =	ssyncset.done $0x0  }
0xca: {  	s25 =	simm.s32 $0x5FB0;
	[sflag:s9] =	ssyncadd.s32 $0xFFFFFF80  }
0xcb: {  	[tilespmem:s25], [sflag:$0x3] =	stream.indirect.gather [hbm4b:s14+s10], $0x1, s21, s10, $0xb8;
	[tilespmem:$0x7730] =	vst v63  }
0xcc: {  	_ =	swait.ge [sflag:s9], $0x80  }
0xcd: {  	[sflag:s9] =	ssyncset.done $0x0  }
0xce: {  	s26 =	simm.s32 $0x64B0;
	[sflag:s9] =	ssyncadd.s32 $0xFFFFFF80  }
0xcf: {  	[tilespmem:s26], [sflag:$0x3] =	stream.indirect.gather [hbm4b:s8+s10], $0x1, s21, s10, $0xb8;
	[tilespmem:$0x7730] =	vst v63  }
0xd0: {  	_ =	swait.ge [sflag:s9], $0x80  }
0xd1: {  	[sflag:s9] =	ssyncset.done $0x0  }
0xd2: {  	[sflag:s9] =	ssyncadd.s32 $0xFFFFFF80;
	s9 =	simm.s32 $0x0  }
0xd3: {  	v0 =	vld [tilespmem:s9+$0x5630]  }
0xd4: {  	v4 =	vld [tilespmem:s9+$0x4C30]  }
0xd5: {  	v5 =	vld [tilespmem:s9+$0x5B30]  }
0xd6: {  	v6 =	vld [tilespmem:s9+$0x5130]  }
0xd7: {  	v7 =	vld [tilespmem:s9+$0x6030]  }
0xd8: {  	s1 =	sadd.s32 $0x3200, s8;
	s10 =	simm.s32 $0x10  }
0xd9: {  	s28 =	sadd.s32 $0x3C00, s8;
	[dreg:$0xe] =	wrdreg s1;
	v1 =	vld [tilespmem:s10+$0x5630]  }
0xda: {  	s29 =	sadd.s32 $0x4600, s8;
	[dreg:$0xd] =	wrdreg s28;
	v3 =	vld [tilespmem:s10+$0x4C30]  }
0xdb: {  	s30 =	sadd.s32 $0x5000, s8;
	[dreg:$0xc] =	wrdreg s29;
	v2 =	vld [tilespmem:s10+$0x5B30];
	v8 =	vsub.f32 v0, v4;
	v9 =	vsub.f32 v5, v6  }
0xdc: {  	s31 =	sadd.s32 $0x5A00, s8;
	[dreg:$0xb] =	wrdreg s30;
	v0 =	vimm.f32 $0.0e+00;
	v4 =	vld [tilespmem:s10+$0x5130];
	vm0 =	vgt.f32 v7, $0.0e+00  }
0xdd: {  	s8 =	simm.s32 $0x80;
	[dreg:$0xa] =	wrdreg s31;
	v5 =	vld [tilespmem:s10+$0x6030];
	v6 =	vmax.f32 v8, $0.0e+00;
	v7 =	vmax.f32 v9, $0.0e+00;
	v8 =	vsel vm0, $0x3F800000, v0  }
.LBB2_1:
0xde: {  	s11 =	sshra.s32 s8, $0x2;
	v6 =	vmul.f32 v7, v6;
	[tilespmem:s9+$0x6A30] =	vst v8;
	v7 =	vmov v1;
	p0 =	sne.s32 s8, $0x13C0  }
.Ltmp0:
0xdf: {  	v1 =	vld [tilespmem:s11+$0x5630];
	v8 =	vmov v3;
	(pc) =	sbr.rel @p0 .LBB2_1-.Ltmp0, $4  }
0xe0: {  	v3 =	vld [tilespmem:s11+$0x4C30];
	[tilespmem:s9+$0x6530] =	vst v6;
	s9 =	smov.u32 s10;
	s10 =	smov.u32 s11  }
0xe1: {  	s8 =	sadd.s32 $0x40, s8;
	v6 =	vsub.f32 v7, v8;
	v7 =	vsub.f32 v2, v4;
	v2 =	vld [tilespmem:s10+$0x5B30]  }
0xe2: {  	v4 =	vld [tilespmem:s10+$0x5130];
	vm0 =	vgt.f32 v5, $0.0e+00  }
0xe3: {  	v6 =	vmax.f32 v6, $0.0e+00;
	v5 =	vld [tilespmem:s10+$0x6030];
	v7 =	vmax.f32 v7, $0.0e+00;
	v8 =	vsel vm0, $0x3F800000, v0  }
0xe4: {  	_ =	sdelay $0x2  }
0xe5: {  	v1 =	vsub.f32 v1, v3;
	v2 =	vsub.f32 v2, v4  }
0xe6: {  	v3 =	vmul.f32 v7, v6  }
0xe7: {  	[tilespmem:s9+$0x6A30] =	vst v8;
	s2 =	smul.u32 $0x500, s5;
	v1 =	vmax.f32 v1, $0.0e+00;
	vm0 =	vgt.f32 v5, $0.0e+00;
	v2 =	vmax.f32 v2, $0.0e+00  }
0xe8: {  	s1 =	rddreg [dreg:$0x2];
	[tilespmem:s9+$0x6530] =	vst v3;
	v0 =	vsel vm0, $0x3F800000, v0;
	v1 =	vmul.f32 v2, v1  }
0xe9: {  	s1 =	sadd.s32 s2, s1;
	[tilespmem:s10+$0x6A30] =	vst v0  }
0xea: {  	s8 =	simm.s32 $0x4C30;
	s17 =	simm.s32 $0x3;
	[dreg:$0x10] =	wrdreg s1;
	[tilespmem:s10+$0x6530] =	vst v1  }
0xeb: {  	[spmem:s1] =	stream.linear.scatter [tilespmem:s8], [sflag:$0x3], $0x500, $0x38;
	[tilespmem:$0x7730] =	vst v63  }
0xec: {  	_ =	swait.ge [sflag:s17], $0x500  }
0xed: {  	[sflag:s17] =	ssyncset.done $0x0  }
0xee: {  	s18 =	rddreg [dreg:$0x3]  }
0xef: {  	s1 =	sadd.s32 s2, s18  }
0xf0: {  	s19 =	simm.s32 $0x5130;
	[sflag:s17] =	ssyncadd.s32 $0xFFFFFB00;
	[dreg:$0x11] =	wrdreg s1  }
0xf1: {  	[spmem:s1] =	stream.linear.scatter [tilespmem:s19], [sflag:$0x3], $0x500, $0x38;
	[tilespmem:$0x7730] =	vst v63  }
0xf2: {  	_ =	swait.ge [sflag:s17], $0x500  }
0xf3: {  	[sflag:s17] =	ssyncset.done $0x0  }
0xf4: {  	s20 =	rddreg [dreg:$0x4]  }
0xf5: {  	s1 =	sadd.s32 s2, s20  }
0xf6: {  	s21 =	simm.s32 $0x5630;
	[sflag:s17] =	ssyncadd.s32 $0xFFFFFB00;
	[dreg:$0x12] =	wrdreg s1  }
0xf7: {  	[spmem:s1] =	stream.linear.scatter [tilespmem:s21], [sflag:$0x3], $0x500, $0x38;
	[tilespmem:$0x7730] =	vst v63  }
0xf8: {  	_ =	swait.ge [sflag:s17], $0x500  }
0xf9: {  	[sflag:s17] =	ssyncset.done $0x0  }
0xfa: {  	s22 =	rddreg [dreg:$0x5]  }
0xfb: {  	s1 =	sadd.s32 s2, s22  }
0xfc: {  	s23 =	simm.s32 $0x5B30;
	[sflag:s17] =	ssyncadd.s32 $0xFFFFFB00;
	[dreg:$0x13] =	wrdreg s1  }
0xfd: {  	[spmem:s1] =	stream.linear.scatter [tilespmem:s23], [sflag:$0x3], $0x500, $0x38;
	[tilespmem:$0x7730] =	vst v63  }
0xfe: {  	_ =	swait.ge [sflag:s17], $0x500  }
0xff: {  	[sflag:s17] =	ssyncset.done $0x0  }
0x100: {  	s24 =	rddreg [dreg:$0x6]  }
0x101: {  	s26 =	simm.s32 $0x6530;
	[sflag:s17] =	ssyncadd.s32 $0xFFFFFB00;
	s25 =	sadd.s32 s2, s24  }
0x102: {  	[spmem:s25] =	stream.linear.scatter [tilespmem:s26], [sflag:$0x3], $0x500, $0x38;
	[tilespmem:$0x7730] =	vst v63  }
0x103: {  	_ =	swait.ge [sflag:s17], $0x500  }
0x104: {  	[sflag:s17] =	ssyncset.done $0x0  }
0x105: {  	s28 =	rddreg [dreg:$0x7]  }
0x106: {  	s1 =	sadd.s32 s2, s28  }
0x107: {  	s29 =	simm.s32 $0x6A30;
	[sflag:s17] =	ssyncadd.s32 $0xFFFFFB00;
	[dreg:$0x14] =	wrdreg s1  }
0x108: {  	[spmem:s1] =	stream.linear.scatter [tilespmem:s29], [sflag:$0x3], $0x500, $0x38;
	[tilespmem:$0x7730] =	vst v63  }
0x109: {  	_ =	swait.ge [sflag:s17], $0x500  }
0x10a: {  	s30 =	sadd.s32 s2, s0;
	[dreg:$0xf] =	wrdreg s2;
	[sflag:s17] =	ssyncset.done $0x0  }
0x10b: {  	s31 =	simm.s32 $0x6030;
	[dreg:$0x15] =	wrdreg s30;
	[sflag:s17] =	ssyncadd.s32 $0xFFFFFB00  }
0x10c: {  	[spmem:s30] =	stream.linear.scatter [tilespmem:s31], [sflag:$0x3], $0x500, $0x38;
	[tilespmem:$0x7730] =	vst v63  }
.Ltmp1:
0x10d: {  	_ =	swait.ge [sflag:s17], $0x500;
	(pc) =	sbr.rel .LBB2_3-.Ltmp1, $4  }
0x10e: {  	[sflag:s17] =	ssyncset.done $0x0  }
0x10f: {  	[sflag:s17] =	ssyncadd.s32 $0xFFFFFB00  }
0x110: {  	[bflag:$0x0] =	sbarrier.arrive $0xFFFF  }
0x111: {  	s7 =	simm.s32 $0x4F00;
	v0 =	vlaneseq.u32;
	s10 =	simm.s32 $0x0;
	s20 =	simm.s32 $0x0  }
.LBB2_17:
0x112: {  	s0 =	rddreg [dreg:$0x17]  }
0x113: {  	p0 =	sgt.u32 s0, $0xF  }
0x114: {  	s1 =	rddreg [dreg:$0x1a];
	s0 =	simm.s32 @!p0 $0x4730  }
0x115: {  	[spmem:s1] =	stream.linear.scatter @!p0 [tilespmem:s0], [sflag:$0x3], $0x400, $0x38;
	[tilespmem:$0x7730] =	vst v63  }
0x116: {  	s0 =	simm.s32 @!p0 $0x3  }
0x117: {  	_ =	swait.ge @!p0 [sflag:s0], $0x400  }
0x118: {  	[sflag:s0] =	ssyncset.done @!p0 $0x0  }
0x119: {  	[sflag:s0] =	ssyncadd.s32 @!p0 $0xFFFFFC00  }
.LBB2_18:
0x11a: {  	s3 =	rddreg [dreg:$0x19]  }
0x11b: {  	s0 =	sand.u32 $0x2000, s3  }
0x11c: {  	s2 =	rddreg [dreg:$0x18];
	p0 =	seq.s32 s0, $0x0  }
0x11d: {  	s4 =	rddreg [dreg:$0x1a];
	s0 =	sand.u32 @!p0 $0x400, s2  }
0x11e: {  	s1 =	sadd.s32 @!p0 s0, s4;
	s0 =	sadd.s32 @!p0 $0x4730, s0  }
0x11f: {  	[spmem:s1] =	stream.linear.scatter @!p0 [tilespmem:s0], [sflag:$0x3], $0x200, $0x38;
	[tilespmem:$0x7730] =	vst v63  }
0x120: {  	s26 =	sand.u32 $0x1000, s3;
	s0 =	simm.s32 @!p0 $0x3  }
0x121: {  	p1 =	seq.s32 s26, $0x0;
	_ =	swait.ge @!p0 [sflag:s0], $0x200  }
0x122: {  	s1 =	sand.u32 @!p1 $0x600, s2;
	[sflag:s0] =	ssyncset.done @!p0 $0x0  }
0x123: {  	[sflag:s0] =	ssyncadd.s32 @!p0 $0xFFFFFE00;
	s0 =	sadd.s32 @!p1 s1, s4;
	s1 =	sadd.s32 @!p1 $0x4730, s1  }
0x124: {  	[spmem:s0] =	stream.linear.scatter @!p1 [tilespmem:s1], [sflag:$0x3], $0x100, $0x38;
	[tilespmem:$0x7730] =	vst v63  }
0x125: {  	s28 =	sand.u32 $0x800, s3;
	s0 =	simm.s32 @!p1 $0x3  }
0x126: {  	p0 =	seq.s32 s28, $0x0;
	_ =	swait.ge @!p1 [sflag:s0], $0x100  }
0x127: {  	s1 =	sand.u32 @!p0 $0x700, s2;
	[sflag:s0] =	ssyncset.done @!p1 $0x0  }
0x128: {  	[sflag:s0] =	ssyncadd.s32 @!p1 $0xFFFFFF00;
	s0 =	sadd.s32 @!p0 s1, s4;
	s1 =	sadd.s32 @!p0 $0x4730, s1  }
0x129: {  	[spmem:s0] =	stream.linear.scatter @!p0 [tilespmem:s1], [sflag:$0x3], $0x80, $0x38;
	[tilespmem:$0x7730] =	vst v63  }
0x12a: {  	s29 =	sand.u32 $0x400, s3;
	s0 =	simm.s32 @!p0 $0x3  }
0x12b: {  	p1 =	seq.s32 s29, $0x0;
	_ =	swait.ge @!p0 [sflag:s0], $0x80  }
0x12c: {  	s1 =	sand.u32 @!p1 $0x780, s2;
	[sflag:s0] =	ssyncset.done @!p0 $0x0  }
0x12d: {  	[sflag:s0] =	ssyncadd.s32 @!p0 $0xFFFFFF80;
	s0 =	sadd.s32 @!p1 s1, s4;
	s1 =	sadd.s32 @!p1 $0x4730, s1  }
0x12e: {  	[spmem:s0] =	stream.linear.scatter @!p1 [tilespmem:s1], [sflag:$0x3], $0x40, $0x38;
	[tilespmem:$0x7730] =	vst v63  }
0x12f: {  	s30 =	sand.u32 $0x200, s3;
	s0 =	simm.s32 @!p1 $0x3  }
0x130: {  	p0 =	seq.s32 s30, $0x0;
	_ =	swait.ge @!p1 [sflag:s0], $0x40  }
0x131: {  	s1 =	sand.u32 @!p0 $0x7C0, s2;
	[sflag:s0] =	ssyncset.done @!p1 $0x0  }
0x132: {  	[sflag:s0] =	ssyncadd.s32 @!p1 $0xFFFFFFC0;
	s0 =	sadd.s32 @!p0 s1, s4;
	s1 =	sadd.s32 @!p0 $0x4730, s1  }
0x133: {  	[spmem:s0] =	stream.linear.scatter @!p0 [tilespmem:s1], [sflag:$0x3], $0x20, $0x38;
	[tilespmem:$0x7730] =	vst v63  }
0x134: {  	s31 =	sand.u32 $0x100, s3;
	s0 =	simm.s32 @!p0 $0x3  }
0x135: {  	p1 =	seq.s32 s31, $0x0;
	_ =	swait.ge @!p0 [sflag:s0], $0x20  }
0x136: {  	s1 =	sand.u32 @!p1 $0x7E0, s2;
	[sflag:s0] =	ssyncset.done @!p0 $0x0  }
0x137: {  	[sflag:s0] =	ssyncadd.s32 @!p0 $0xFFFFFFE0;
	s0 =	sadd.s32 @!p1 s1, s4;
	s1 =	sadd.s32 @!p1 $0x4730, s1  }
0x138: {  	[spmem:s0] =	stream.linear.scatter @!p1 [tilespmem:s1], [sflag:$0x3], $0x10, $0x38;
	[tilespmem:$0x7730] =	vst v63  }
0x139: {  	s0 =	simm.s32 @!p1 $0x3  }
0x13a: {  	_ =	swait.ge @!p1 [sflag:s0], $0x10  }
0x13b: {  	s10 =	rddreg [dreg:$0x17]  }
0x13c: {  	s10 =	sadd.s32 $0x1, s10  }
0x13d: {  	p0 =	sne.s32 s10, $0x50  }
.Ltmp2:
0x13e: {  	[sflag:s0] =	ssyncset.done @!p1 $0x0;
	(pc) =	sbr.rel @!p0 .LBB2_19-.Ltmp2, $4  }
0x13f: {  	[sflag:s0] =	ssyncadd.s32 @!p1 $0xFFFFFFF0  }
0x140: {  	[bflag:$0x0] =	sbarrier.arrive $0xFFFF  }
0x141: {  	s7 =	rddreg [dreg:$0x16]  }
0x142: {  	s5 =	stileid.u32;
	s7 =	sadd.s32 $0xFFFFFF00, s7  }
.LBB2_3:
0x143: {  	s0 =	rddreg [dreg:$0x2]  }
0x144: {  	s13 =	sshll.u32 s10, $0x8;
	s23 =	rddreg [dreg:$0x3]  }
0x145: {  	s1 =	simm.s32 $0x2530;
	s2 =	simm.s32 $0x26B0;
	s25 =	rddreg [dreg:$0x4]  }
0x146: {  	s26 =	simm.s32 $0x2830;
	s29 =	rddreg [dreg:$0x5];
	s14 =	sadd.s32 s13, s0  }
0x147: {  	[tilespmem:s1], [sflag:$0x1] =	stream.linear.gather [spmem:s14], $0x100, $0x38;
	[tilespmem:$0x7730] =	vst v63  }
0x148: {  	s30 =	simm.s32 $0x29B0;
	s3 =	ssub.s32 $0x4F00, s13;
	s24 =	sadd.s32 s13, s23  }
0x149: {  	[tilespmem:s2], [sflag:$0x1] =	stream.linear.gather [spmem:s24], $0x100, $0x38;
	[tilespmem:$0x7730] =	vst v63  }
0x14a: {  	s31 =	rddreg [dreg:$0x6];
	s16 =	sadd.s32 s13, s25;
	s4 =	sshrl.u32 s3, $0x4  }
0x14b: {  	[tilespmem:s26], [sflag:$0x1] =	stream.linear.gather [spmem:s16], $0x100, $0x38;
	[tilespmem:$0x7730] =	vst v63  }
0x14c: {  	s6 =	simm.s32 $0x2B30;
	s17 =	sadd.s32 s13, s29;
	s28 =	smul.u32 s5, s4  }
0x14d: {  	[tilespmem:s30], [sflag:$0x1] =	stream.linear.gather [spmem:s17], $0x100, $0x38;
	[tilespmem:$0x7730] =	vst v63  }
0x14e: {  	s11 =	rddreg [dreg:$0x7];
	s9 =	sadd.s32 s13, s31;
	s16 =	sadd.s32 s28, s13  }
0x14f: {  	[tilespmem:s6], [sflag:$0x1] =	stream.linear.gather [spmem:s9], $0x100, $0x38;
	[tilespmem:$0x7730] =	vst v63  }
0x150: {  	s8 =	simm.s32 $0x2CB0;
	s13 =	sadd.s32 s13, s11;
	s16 =	sadd.s32 $0x100, s16  }
0x151: {  	[tilespmem:s8], [sflag:$0x1] =	stream.linear.gather [spmem:s13], $0x100, $0x38;
	[tilespmem:$0x7730] =	vst v63  }
0x152: {  	s14 =	simm.s32 $0x2E30;
	s12 =	sadd.s32 s16, s0  }
0x153: {  	[tilespmem:s14], [sflag:$0x2] =	stream.linear.gather [spmem:s12], $0x4F0, $0x38;
	[tilespmem:$0x7730] =	vst v63  }
0x154: {  	s18 =	simm.s32 $0x3330;
	s15 =	sadd.s32 s16, s23  }
0x155: {  	[tilespmem:s18], [sflag:$0x2] =	stream.linear.gather [spmem:s15], $0x4F0, $0x38;
	[tilespmem:$0x7730] =	vst v63  }
0x156: {  	s21 =	simm.s32 $0x3830;
	[dreg:$0x19] =	wrdreg s3;
	s19 =	sadd.s32 s16, s25  }
0x157: {  	[tilespmem:s21], [sflag:$0x2] =	stream.linear.gather [spmem:s19], $0x4F0, $0x38;
	[tilespmem:$0x7730] =	vst v63  }
0x158: {  	[dreg:$0x18] =	wrdreg s4;
	s22 =	sadd.s32 s16, s29;
	s23 =	simm.s32 $0x3D30  }
0x159: {  	[tilespmem:s23], [sflag:$0x2] =	stream.linear.gather [spmem:s22], $0x4F0, $0x38;
	[tilespmem:$0x7730] =	vst v63  }
0x15a: {  	s24 =	sadd.s32 s16, s31;
	s25 =	simm.s32 $0x4230;
	s26 =	sadd.s32 s16, s11  }
0x15b: {  	[tilespmem:s25], [sflag:$0x2] =	stream.linear.gather [spmem:s24], $0x4F0, $0x38;
	[tilespmem:$0x7730] =	vst v63  }
0x15c: {  	s28 =	simm.s32 $0x4730;
	s29 =	simm.s32 $0x1;
	[dreg:$0x1a] =	wrdreg s26  }
0x15d: {  	[tilespmem:s28], [sflag:$0x2] =	stream.linear.gather [spmem:s26], $0x4F0, $0x38;
	[tilespmem:$0x7730] =	vst v63  }
0x15e: {  	_ =	swait.ge [sflag:s29], $0x100  }
0x15f: {  	[sflag:s29] =	ssyncset.done $0x0  }
0x160: {  	[sflag:s29] =	ssyncadd.s32 $0xFFFFFF00  }
0x161: {  	_ =	swait.ge [sflag:s29], $0x100  }
0x162: {  	[sflag:s29] =	ssyncset.done $0x0  }
0x163: {  	[sflag:s29] =	ssyncadd.s32 $0xFFFFFF00  }
0x164: {  	_ =	swait.ge [sflag:s29], $0x100  }
0x165: {  	[sflag:s29] =	ssyncset.done $0x0  }
0x166: {  	[sflag:s29] =	ssyncadd.s32 $0xFFFFFF00  }
0x167: {  	_ =	swait.ge [sflag:s29], $0x100  }
0x168: {  	[sflag:s29] =	ssyncset.done $0x0  }
0x169: {  	[sflag:s29] =	ssyncadd.s32 $0xFFFFFF00  }
0x16a: {  	_ =	swait.ge [sflag:s29], $0x100  }
.Ltmp3:
0x16b: {  	[sflag:s29] =	ssyncset.done $0x0;
	(pc) =	sbr.rel .LBB2_4-.Ltmp3, $4  }
0x16c: {  	s30 =	sshrl.u32 s7, $0x8;
	[sflag:s29] =	ssyncadd.s32 $0xFFFFFF00  }
0x16d: {  	s17 =	sadd.s32 $0x1, s30;
	_ =	swait.ge [sflag:s29], $0x100  }
0x16e: {  	s31 =	sshrl.u32 s17, $0x1;
	s17 =	simm.s32 $0x0;
	[sflag:s29] =	ssyncset.done $0x0  }
0x16f: {  	s18 =	simm.s32 $0x0;
	[dreg:$0x1b] =	wrdreg s31;
	[sflag:s29] =	ssyncadd.s32 $0xFFFFFF00  }
.LBB2_7:
0x170: {  	s17 =	sadd.s32 $0x1, s17  }
.LBB2_8:
0x171: {  	s18 =	sadd.s32 $0x1, s18  }
0x172: {  	p0 =	sne.s32 s18, $0x100  }
.Ltmp4:
0x173: {  	_ = 	snop;
	(pc) =	sbr.rel @!p0 .LBB2_9-.Ltmp4, $1  }
0x174: {  	_ =	sdelay $0x3  }
.LBB2_4:
0x175: {  	v1 =	vld [tilespmem:s18+$0x2CB0];
	_ =	sdelay $0x4  }
0x176: {  	(v2sf) =	vpush v1, $0x0;
	_ =	sdelay $0xe  }
0x177: {  	s19 =	spop (v2sf)  }
0x178: {  	p0 =	sgt.f32 s19, $0.0e+00  }
.Ltmp5:
0x179: {  	_ = 	snop;
	(pc) =	sbr.rel @!p0 .LBB2_8-.Ltmp5, $1  }
0x17a: {  	_ =	sdelay $0x3  }
0x17b: {  	v5 =	vld [tilespmem:s18+$0x2530]  }
0x17c: {  	v6 =	vld [tilespmem:s18+$0x26B0]  }
0x17d: {  	s25 =	sand.u32 $0x3FFFFFF0, s18;
	v7 =	vld [tilespmem:s18+$0x2830]  }
0x17e: {  	v8 =	vld [tilespmem:s18+$0x29B0];
	s30 =	sadd.s32 $0x2530, s25  }
0x17f: {  	s19 =	sadd.s32 $0x2830, s25;
	v9 =	vld [tilespmem:s30+$0x0]  }
0x180: {  	s22 =	sadd.s32 $0x26B0, s25;
	v10 =	vld [tilespmem:s19+$0x0]  }
0x181: {  	s23 =	sadd.s32 $0x29B0, s25;
	v11 =	vld [tilespmem:s22+$0x0]  }
0x182: {  	v12 =	vld [tilespmem:s23+$0x0];
	_ =	sdelay $0x1  }
0x183: {  	v13 =	vld [tilespmem:s18+$0x2B30];
	v1 =	vbroadcast v5, $0x0;
	v2 =	vbroadcast v6, $0x0  }
0x184: {  	s24 =	sadd.s32 $0x2B30, s25;
	v3 =	vbroadcast v7, $0x0;
	v4 =	vbroadcast v8, $0x0  }
0x185: {  	v14 =	vld [tilespmem:s24+$0x0];
	(v2sf) =	vpush v5, $0x0;
	v9 =	vmax.f32 v1, v9  }
0x186: {  	v11 =	vmax.f32 v2, v11;
	v10 =	vmin.f32 v3, v10;
	v12 =	vmin.f32 v4, v12  }
0x187: {  	v9 =	vsub.f32 v10, v9;
	v61 =	vsub.f32 v12, v11  }
0x188: {  	v5 =	vbroadcast v13, $0x0;
	(v2sf) =	vpush v6, $0x0  }
0x189: {  	(v2sf) =	vpush v7, $0x0;
	v6 =	vmax.f32 v9, $0.0e+00;
	v62 =	vmax.f32 v61, $0.0e+00  }
0x18a: {  	v7 =	vadd.f32 v14, v5;
	v6 =	vmul.f32 v62, v6;
	_ =	sdelay $0x1  }
0x18b: {  	v7 =	vsub.f32 v7, v6;
	_ =	sdelay $0x1  }
0x18c: {  	(v2sf) =	vpush v8, $0x0;
	v7 =	vadd.f32 $9.999999710e-10, v7  }
0x18d: {  	(v2sf) =	vpush v13, $0x0  }
0x18e: {  	(erf) = vrcp.f32 v7;
	_ =	sdelay $0x4  }
0x18f: {  	s9 =	sshrl.u32 s18, $0x4  }
0x190: {  	s25 =	sadd.s32 $0x2CB0, s25;
	s9 =	sadd.s32 $0xFFFFFFFF, s9;
	s29 =	spop (v2sf)  }
0x191: {  	s31 =	spop (v2sf);
	[smem:s17] =	sst s29;
	s29 =	sadd.s32 $0x180, s17  }
0x192: {  	s0 =	spop (v2sf);
	[smem:s29] =	sst s31;
	s29 =	sadd.s32 $0x300, s17  }
0x193: {  	v7 =	vld [tilespmem:s25+$0x0];
	[smem:s29] =	sst s0;
	s29 =	sadd.s32 $0x1, s9;
	v8 =	vpop (erf)  }
0x194: {  	s26 =	sand.u32 $0xFFFFFFF0, s18;
	p0 =	slt.u32 s29, $0xF;
	v8 =	vmul.f32 v8, v6  }
.Ltmp6:
0x195: {  	v63 =	vor.u32 s26, v0;
	v6 =	vmov s18;
	(pc) =	sbr.rel @!p0 .LBB2_7-.Ltmp6, $4  }
0x196: {  	vm1 =	vgt.u32 v63, v6;
	vm0 =	vgt.f32 v8, $3.000000120e-01  }
0x197: {  	s28 =	sadd.s32 $0x480, s17;
	s8 =	spop (v2sf);
	vm0 =	vmand vm1, vm0  }
0x198: {  	s31 =	sadd.s32 $0x600, s17;
	s1 =	spop (v2sf);
	[smem:s28] =	sst s8;
	v7 =	vsel vm0, $0x0, v7  }
0x199: {  	s30 =	sadd.s32 $0x10, s30;
	[smem:s31] =	sst s1;
	[tilespmem:s25+$0x0] =	vst v7  }
.LBB2_6:
0x19a: {  	v7 =	vld [tilespmem:s30+$0x0];
	s19 =	sadd.s32 $0x10, s19  }
0x19b: {  	s22 =	sadd.s32 $0x10, s22;
	v8 =	vld [tilespmem:s19+$0x0]  }
0x19c: {  	s23 =	sadd.s32 $0x10, s23;
	v9 =	vld [tilespmem:s22+$0x0]  }
0x19d: {  	s29 =	sadd.s32 $0x1, s29;
	v10 =	vld [tilespmem:s23+$0x0]  }
0x19e: {  	p0 =	slt.u32 s29, $0xF;
	_ =	sdelay $0x1  }
0x19f: {  	s24 =	sadd.s32 $0x10, s24  }
0x1a0: {  	v7 =	vmax.f32 v1, v7;
	v11 =	vld [tilespmem:s24+$0x0]  }
0x1a1: {  	v8 =	vmin.f32 v3, v8;
	v9 =	vmax.f32 v2, v9;
	v10 =	vmin.f32 v4, v10  }
0x1a2: {  	v7 =	vsub.f32 v8, v7;
	v8 =	vsub.f32 v10, v9;
	_ =	sdelay $0x1  }
0x1a3: {  	v7 =	vmax.f32 v7, $0.0e+00;
	v8 =	vmax.f32 v8, $0.0e+00  }
0x1a4: {  	v7 =	vmul.f32 v8, v7;
	v8 =	vadd.f32 v11, v5;
	_ =	sdelay $0x1  }
0x1a5: {  	v8 =	vsub.f32 v8, v7;
	_ =	sdelay $0x1  }
0x1a6: {  	v8 =	vadd.f32 $9.999999710e-10, v8;
	_ =	sdelay $0x1  }
0x1a7: {  	(erf) = vrcp.f32 v8;
	_ =	sdelay $0x7  }
0x1a8: {  	s25 =	sadd.s32 $0x10, s25  }
0x1a9: {  	v8 =	vld [tilespmem:s25+$0x0];
	v9 =	vpop (erf)  }
0x1aa: {  	s26 =	sadd.s32 $0x10, s26;
	v7 =	vmul.f32 v9, v7  }
.Ltmp7:
0x1ab: {  	v9 =	vor.u32 s26, v0;
	(pc) =	sbr.rel @p0 .LBB2_6-.Ltmp7, $4  }
0x1ac: {  	vm1 =	vgt.u32 v9, v6;
	vm0 =	vgt.f32 v7, $3.000000120e-01  }
0x1ad: {  	vm0 =	vmand vm1, vm0  }
0x1ae: {  	v7 =	vsel vm0, $0x0, v8  }
0x1af: {  	s30 =	sadd.s32 $0x10, s30;
	[tilespmem:s25+$0x0] =	vst v7  }
.Ltmp8:
0x1b0: {  	_ = 	snop;
	(pc) =	sbr.rel .LBB2_7-.Ltmp8, $1  }
0x1b1: {  	_ =	sdelay $0x3  }
.LBB2_9:
0x1b2: {  	s0 =	sand.u32 $0xF, s10;
	s30 =	sadd.s32 $0x7, s17  }
0x1b3: {  	p0 =	sne.s32 s5, s0;
	s1 =	sand.u32 $0x7, s30;
	s31 =	sshra.s32 s30, $0x1F  }
0x1b4: {  	p2 =	slt.s32 s30, $0x1;
	s0 =	simm.s32 @!p0 $0x2CB0;
	p1 =	sne.s32 s1, $0x0  }
0x1b5: {  	[spmem:s13] =	stream.linear.scatter @!p0 [tilespmem:s0], [sflag:$0x3], $0x100, $0x38;
	[tilespmem:$0x7730] =	vst v63  }
0x1b6: {  	s1 =	sshrl.u32 s31, $0x1D;
	p1 =	por !p2, !p1  }
0x1b7: {  	s0 =	sadd.s32 s1, s30;
	s1 =	simm.s32 $0x1;
	p1 =	por !p1, !p1  }
0x1b8: {  	s0 =	sshrl.u32 s0, $0x3;
	s1 =	simm.s32 @!p1 $0x0  }
0x1b9: {  	s0 =	ssub.s32 s0, s1  }
0x1ba: {  	s13 =	sshll.u32 s0, $0x3  }
0x1bb: {  	p1 =	sle.s32 s13, s17  }
.Ltmp9:
0x1bc: {  	_ = 	snop;
	(pc) =	sbr.rel @p1 .LBB2_12-.Ltmp9, $4  }
0x1bd: {  	[dreg:$0x16] =	wrdreg s7;
	s1 =	simm.s32 @!p0 $0x3  }
0x1be: {  	_ =	swait.ge @!p0 [sflag:s1], $0x100  }
0x1bf: {  	[sflag:s1] =	ssyncset.done @!p0 $0x0  }
0x1c0: {  	[sflag:s1] =	ssyncadd.s32 @!p0 $0xFFFFFF00  }
0x1c1: {  	s0 =	sshll.u32 s17, $0x2;
	s1 =	ssub.s32 s13, s17  }
0x1c2: {  	s0 =	sshra.s32 s0, $0x2;
	p0 =	sne.s32 s1, $0x1  }
.Ltmp10:
0x1c3: {  	s18 =	sadd.s32 $0x180, s0;
	[smem:s0] =	sst s20;
	(pc) =	sbr.rel @!p0 .LBB2_12-.Ltmp10, $4  }
0x1c4: {  	s19 =	sadd.s32 $0x300, s0;
	[smem:s18] =	sst s20  }
0x1c5: {  	s17 =	sadd.s32 $0x480, s0;
	[smem:s19] =	sst s20  }
0x1c6: {  	s22 =	sadd.s32 $0x600, s0;
	[smem:s17] =	sst s20  }
0x1c7: {  	s24 =	sadd.s32 $0xFFFFFFFF, s1;
	s23 =	sadd.s32 $0x1, s0;
	[smem:s22] =	sst s20  }
.LBB2_11:
0x1c8: {  	[smem:s23] =	sst s20;
	p0 =	sne.s32 s24, $0x1  }
.Ltmp11:
0x1c9: {  	s18 =	sadd.s32 $0x1, s18;
	(pc) =	sbr.rel @p0 .LBB2_11-.Ltmp11, $4  }
0x1ca: {  	s19 =	sadd.s32 $0x1, s19;
	[smem:s18] =	sst s20  }
0x1cb: {  	s17 =	sadd.s32 $0x1, s17;
	[smem:s19] =	sst s20  }
0x1cc: {  	s23 =	sadd.s32 $0x1, s23;
	s22 =	sadd.s32 $0x1, s22;
	[smem:s17] =	sst s20  }
0x1cd: {  	s24 =	sadd.s32 $0xFFFFFFFF, s24;
	[smem:s22] =	sst s20  }
.LBB2_12:
0x1ce: {  	[dreg:$0x17] =	wrdreg s10;
	s0 =	simm.s32 $0x2  }
0x1cf: {  	_ =	swait.ge [sflag:s0], $0x4F0  }
0x1d0: {  	[sflag:s0] =	ssyncset.done $0x0  }
0x1d1: {  	[sflag:s0] =	ssyncadd.s32 $0xFFFFFB10  }
0x1d2: {  	_ =	swait.ge [sflag:s0], $0x4F0  }
0x1d3: {  	[sflag:s0] =	ssyncset.done $0x0  }
0x1d4: {  	[sflag:s0] =	ssyncadd.s32 $0xFFFFFB10  }
0x1d5: {  	_ =	swait.ge [sflag:s0], $0x4F0  }
0x1d6: {  	[sflag:s0] =	ssyncset.done $0x0  }
0x1d7: {  	[sflag:s0] =	ssyncadd.s32 $0xFFFFFB10  }
0x1d8: {  	_ =	swait.ge [sflag:s0], $0x4F0  }
0x1d9: {  	[sflag:s0] =	ssyncset.done $0x0  }
0x1da: {  	s1 =	sshra.s32 s13, $0x3;
	[sflag:s0] =	ssyncadd.s32 $0xFFFFFB10  }
0x1db: {  	p0 =	slt.s32 s1, $0x1;
	_ =	swait.ge [sflag:s0], $0x4F0  }
.Ltmp12:
0x1dc: {  	[sflag:s0] =	ssyncset.done $0x0;
	(pc) =	sbr.rel @p0 .LBB2_17-.Ltmp12, $4  }
0x1dd: {  	[sflag:s0] =	ssyncadd.s32 $0xFFFFFB10  }
0x1de: {  	_ =	swait.ge [sflag:s0], $0x4F0  }
0x1df: {  	[sflag:s0] =	ssyncset.done $0x0  }
0x1e0: {  	[dreg:$0x1c] =	wrdreg s1;
	[sflag:s0] =	ssyncadd.s32 $0xFFFFFB10  }
0x1e1: {  	s0 =	rddreg [dreg:$0x17]  }
0x1e2: {  	p0 =	seq.s32 s0, $0x4F  }
.Ltmp13:
0x1e3: {  	_ = 	snop;
	(pc) =	sbr.rel @p0 .LBB2_18-.Ltmp13, $2  }
0x1e4: {  	_ =	sdelay $0x2  }
0x1e5: {  	s1 =	simm.s32 $0x0  }
.LBB2_14:
0x1e6: {  	[dreg:$0x1d] =	wrdreg s1;
	s13 =	sshll.u32 s1, $0x3  }
0x1e7: {  	s0 =	sld [smem:s13+$0x0]  }
0x1e8: {  	s1 =	sld [smem:s13+$0x180]  }
0x1e9: {  	s8 =	sld [smem:s13+$0x300]  }
0x1ea: {  	s9 =	sld [smem:s13+$0x480]  }
0x1eb: {  	s17 =	sld [smem:s13+$0x600]  }
0x1ec: {  	s22 =	sld [smem:s13+$0x1]  }
0x1ed: {  	s23 =	sld [smem:s13+$0x181]  }
0x1ee: {  	s24 =	sld [smem:s13+$0x301]  }
0x1ef: {  	s25 =	sld [smem:s13+$0x481]  }
0x1f0: {  	s26 =	sld [smem:s13+$0x601]  }
0x1f1: {  	s29 =	sld [smem:s13+$0x2]  }
0x1f2: {  	s30 =	sld [smem:s13+$0x182]  }
0x1f3: {  	s31 =	sld [smem:s13+$0x302]  }
0x1f4: {  	s2 =	sld [smem:s13+$0x482]  }
0x1f5: {  	s3 =	sld [smem:s13+$0x602]  }
0x1f6: {  	s4 =	sld [smem:s13+$0x3]  }
0x1f7: {  	s5 =	sld [smem:s13+$0x183]  }
0x1f8: {  	s6 =	sld [smem:s13+$0x303]  }
0x1f9: {  	s7 =	sld [smem:s13+$0x483]  }
0x1fa: {  	s21 =	sld [smem:s13+$0x603]  }
0x1fb: {  	s14 =	sld [smem:s13+$0x4]  }
0x1fc: {  	s15 =	sld [smem:s13+$0x184]  }
0x1fd: {  	s10 =	sld [smem:s13+$0x304]  }
0x1fe: {  	s11 =	sld [smem:s13+$0x484]  }
0x1ff: {  	s16 =	sld [smem:s13+$0x604]  }
0x200: {  	s12 =	sld [smem:s13+$0x5]  }
0x201: {  	s28 =	sld [smem:s13+$0x185]  }
0x202: {  	s18 =	sld [smem:s13+$0x305]  }
0x203: {  	s19 =	sld [smem:s13+$0x485]  }
0x204: {  	v1 =	vmov s0;
	s0 =	sld [smem:s13+$0x605]  }
0x205: {  	v2 =	vmov s1;
	v3 =	vmov s8;
	v4 =	vmov s9;
	s9 =	sld [smem:s13+$0x6]  }
0x206: {  	v5 =	vmov s17;
	v6 =	vmov s22;
	v7 =	vmov s23;
	s17 =	sld [smem:s13+$0x186]  }
0x207: {  	v8 =	vmov s24;
	v9 =	vmov s25;
	v10 =	vmov s26;
	s22 =	sld [smem:s13+$0x306]  }
0x208: {  	v11 =	vmov s29;
	v12 =	vmov s30;
	v13 =	vmov s31;
	s23 =	sld [smem:s13+$0x486]  }
0x209: {  	v14 =	vmov s2;
	v15 =	vmov s3;
	v16 =	vmov s4;
	s24 =	sld [smem:s13+$0x606]  }
0x20a: {  	v17 =	vmov s5;
	v18 =	vmov s6;
	v19 =	vmov s7;
	s25 =	sld [smem:s13+$0x7]  }
0x20b: {  	v20 =	vmov s21;
	v21 =	vmov s14;
	v22 =	vmov s15;
	s26 =	sld [smem:s13+$0x187]  }
0x20c: {  	v23 =	vmov s10;
	v24 =	vmov s11;
	v25 =	vmov s16;
	s29 =	sld [smem:s13+$0x307]  }
0x20d: {  	v26 =	vmov s12;
	v27 =	vmov s28;
	v28 =	vmov s18;
	s30 =	sld [smem:s13+$0x487]  }
0x20e: {  	v29 =	vmov s19;
	s31 =	sld [smem:s13+$0x607];
	v30 =	vmov s0;
	v31 =	vmov s9  }
0x20f: {  	s13 =	simm.s32 $0x4740;
	v32 =	vmov s17;
	v33 =	vmov s22;
	v34 =	vmov s23  }
0x210: {  	v35 =	vmov s24;
	v36 =	vmov s25;
	v37 =	vmov s26;
	s22 =	simm.s32 $0x4240;
	s23 =	simm.s32 $0x3D40;
	s24 =	simm.s32 $0x3840  }
0x211: {  	v38 =	vmov s29;
	v39 =	vmov s30;
	v40 =	vmov s31;
	s25 =	simm.s32 $0x3340;
	s26 =	simm.s32 $0x2E40;
	s17 =	rddreg [dreg:$0x1b]  }
.LBB2_15:
0x212: {  	v41 =	vld [tilespmem:s26+$0xFFFFFFF0]  }
0x213: {  	v42 =	vld [tilespmem:s25+$0xFFFFFFF0]  }
0x214: {  	v43 =	vld [tilespmem:s24+$0xFFFFFFF0]  }
0x215: {  	v44 =	vld [tilespmem:s23+$0xFFFFFFF0];
	_ =	sdelay $0x1  }
0x216: {  	v49 =	vld [tilespmem:s22+$0xFFFFFFF0];
	_ =	sdelay $0x1  }
0x217: {  	v45 =	vmax.f32 v1, v41;
	v46 =	vmax.f32 v2, v42  }
0x218: {  	v47 =	vmin.f32 v3, v43;
	v48 =	vmin.f32 v4, v44;
	v62 =	vmax.f32 v6, v41  }
0x219: {  	v63 =	vmax.f32 v7, v42;
	v50 =	vmin.f32 v8, v43;
	v51 =	vmin.f32 v9, v44  }
0x21a: {  	v54 =	vadd.f32 v49, v5;
	v55 =	vadd.f32 v49, v10;
	v56 =	vmax.f32 v11, v41  }
0x21b: {  	v57 =	vmin.f32 v13, v43;
	v58 =	vmax.f32 v12, v42;
	v60 =	vadd.f32 v49, v15  }
0x21c: {  	v52 =	vmin.f32 v14, v44;
	v61 =	vadd.f32 v49, v20;
	v45 =	vsub.f32 v47, v45  }
0x21d: {  	v59 =	vmax.f32 v16, v41;
	v46 =	vsub.f32 v48, v46;
	v47 =	vsub.f32 v50, v62  }
0x21e: {  	v53 =	vmax.f32 v17, v42;
	v48 =	vsub.f32 v51, v63;
	v50 =	vsub.f32 v57, v56  }
0x21f: {  	v51 =	vsub.f32 v52, v58;
	v45 =	vmax.f32 v45, $0.0e+00;
	v46 =	vmax.f32 v46, $0.0e+00  }
0x220: {  	v47 =	vmax.f32 v47, $0.0e+00;
	v48 =	vmax.f32 v48, $0.0e+00;
	v50 =	vmax.f32 v50, $0.0e+00  }
0x221: {  	v51 =	vmax.f32 v51, $0.0e+00;
	v45 =	vmul.f32 v46, v45;
	v47 =	vmul.f32 v48, v47  }
0x222: {  	v62 =	vmax.f32 v21, v41;
	v63 =	vmax.f32 v22, v42;
	v50 =	vmul.f32 v51, v50  }
0x223: {  	v56 =	vmin.f32 v23, v43;
	v46 =	vsub.f32 v54, v45;
	v48 =	vsub.f32 v55, v47  }
0x224: {  	v54 =	vmin.f32 v18, v43;
	v55 =	vmin.f32 v19, v44;
	v58 =	vsub.f32 v60, v50  }
0x225: {  	v57 =	vmin.f32 v24, v44;
	v52 =	vsub.f32 v54, v59;
	v53 =	vsub.f32 v55, v53  }
0x226: {  	v54 =	vsub.f32 v56, v62;
	v55 =	vsub.f32 v57, v63;
	v62 =	vmax.f32 v26, v41  }
0x227: {  	v63 =	vmin.f32 v28, v43;
	v46 =	vadd.f32 $9.999999710e-10, v46;
	v48 =	vadd.f32 $9.999999710e-10, v48  }
0x228: {  	v52 =	vmax.f32 v52, $0.0e+00;
	v53 =	vmax.f32 v53, $0.0e+00;
	v60 =	vmax.f32 v54, $0.0e+00  }
0x229: {  	v54 =	vsub.f32 v63, v62;
	v63 =	vmax.f32 v31, v41;
	v52 =	vmul.f32 v53, v52  }
0x22a: {  	v41 =	vmax.f32 v36, v41;
	(erf) = vrcp.f32 v46;
	v46 =	vadd.f32 $9.999999710e-10, v58  }
0x22b: {  	v53 =	vadd.f32 v49, v25;
	v59 =	vsub.f32 v61, v52;
	v61 =	vmax.f32 v55, $0.0e+00  }
0x22c: {  	v58 =	vmin.f32 v34, v44;
	(erf) = vrcp.f32 v48;
	v48 =	vmul.f32 v61, v60  }
0x22d: {  	v60 =	vmax.f32 v27, v42;
	v61 =	vmin.f32 v29, v44;
	v44 =	vmin.f32 v39, v44  }
0x22e: {  	v51 =	vadd.f32 $9.999999710e-10, v59;
	v62 =	vsub.f32 v61, v60;
	v60 =	vmin.f32 v33, v43  }
0x22f: {  	v61 =	vmax.f32 v32, v42;
	v42 =	vmax.f32 v37, v42;
	v53 =	vsub.f32 v53, v48  }
0x230: {  	v43 =	vmin.f32 v38, v43;
	v56 =	vsub.f32 v60, v63;
	v57 =	vsub.f32 v58, v61  }
0x231: {  	v54 =	vmax.f32 v54, $0.0e+00;
	v41 =	vsub.f32 v43, v41;
	v42 =	vsub.f32 v44, v42  }
0x232: {  	v63 =	vadd.f32 v49, v35;
	v55 =	vmax.f32 v62, $0.0e+00;
	v62 =	vadd.f32 v49, v30  }
0x233: {  	v56 =	vmax.f32 v56, $0.0e+00;
	v57 =	vmax.f32 v57, $0.0e+00;
	v43 =	vmul.f32 v55, v54  }
0x234: {  	v41 =	vmax.f32 v41, $0.0e+00;
	v42 =	vmax.f32 v42, $0.0e+00;
	v54 =	vmul.f32 v57, v56  }
0x235: {  	v41 =	vmul.f32 v42, v41;
	v56 =	vadd.f32 v49, v40;
	v44 =	vsub.f32 v62, v43  }
0x236: {  	(erf) = vrcp.f32 v46;
	v57 =	vadd.f32 $9.999999710e-10, v53;
	v58 =	vsub.f32 v63, v54  }
0x237: {  	(erf) = vrcp.f32 v51;
	v42 =	vsub.f32 v56, v41;
	v44 =	vadd.f32 $9.999999710e-10, v44  }
0x238: {  	(erf) = vrcp.f32 v57;
	v59 =	vadd.f32 $9.999999710e-10, v58  }
0x239: {  	v42 =	vadd.f32 $9.999999710e-10, v42;
	(erf) = vrcp.f32 v44  }
0x23a: {  	(erf) = vrcp.f32 v59  }
0x23b: {  	(erf) = vrcp.f32 v42;
	_ =	sdelay $0x1  }
0x23c: {  	v60 =	vpop (erf)  }
0x23d: {  	v61 =	vpop (erf)  }
0x23e: {  	v62 =	vpop (erf);
	v44 =	vmul.f32 v61, v47;
	v42 =	vmul.f32 v60, v45  }
0x23f: {  	v45 =	vmul.f32 v62, v50;
	v63 =	vpop (erf)  }
0x240: {  	vm1 =	vgt.f32 v44, $3.000000120e-01;
	v49 =	vmul.f32 v63, v52;
	vm0 =	vgt.f32 v42, $3.000000120e-01;
	v50 =	vpop (erf)  }
0x241: {  	vm14 =	vgt.f32 v45, $3.000000120e-01;
	vm0 =	vmor vm0, vm1;
	v44 =	vmul.f32 v50, v48;
	v51 =	vpop (erf)  }
0x242: {  	vm15 =	vgt.f32 v49, $3.000000120e-01;
	vm0 =	vmor vm14, vm0;
	v52 =	vmul.f32 v51, v43;
	v53 =	vpop (erf)  }
0x243: {  	v55 =	vld [tilespmem:s13+$0xFFFFFFF0];
	vm0 =	vmor vm15, vm0;
	vm4 =	vgt.f32 v44, $3.000000120e-01;
	v43 =	vmul.f32 v53, v54;
	v54 =	vpop (erf)  }
0x244: {  	vm0 =	vmor vm4, vm0;
	vm5 =	vgt.f32 v52, $3.000000120e-01;
	v41 =	vmul.f32 v54, v41  }
0x245: {  	vm0 =	vmor vm5, vm0;
	vm6 =	vgt.f32 v43, $3.000000120e-01  }
0x246: {  	vm0 =	vmor vm6, vm0;
	vm7 =	vgt.f32 v41, $3.000000120e-01  }
0x247: {  	vm0 =	vmor vm7, vm0  }
0x248: {  	v56 =	vsel vm0, $0x0, v55  }
0x249: {  	[tilespmem:s13+$0xFFFFFFF0] =	vst v56  }
0x24a: {  	v41 =	vld [tilespmem:s26+$0x0]  }
0x24b: {  	v42 =	vld [tilespmem:s24+$0x0]  }
0x24c: {  	v43 =	vld [tilespmem:s25+$0x0]  }
0x24d: {  	v44 =	vld [tilespmem:s23+$0x0]  }
0x24e: {  	v47 =	vld [tilespmem:s22+$0x0];
	_ =	sdelay $0x2  }
0x24f: {  	v57 =	vmax.f32 v1, v41  }
0x250: {  	v58 =	vmin.f32 v3, v42;
	v59 =	vmax.f32 v2, v43;
	v60 =	vmin.f32 v4, v44  }
0x251: {  	v61 =	vmax.f32 v6, v41;
	v62 =	vmax.f32 v7, v43;
	v55 =	vadd.f32 v47, v5  }
0x252: {  	v63 =	vmin.f32 v8, v42;
	v56 =	vadd.f32 v47, v10;
	v52 =	vadd.f32 v47, v15  }
0x253: {  	v54 =	vmin.f32 v9, v44;
	v45 =	vsub.f32 v58, v57;
	v46 =	vsub.f32 v60, v59  }
0x254: {  	v48 =	vsub.f32 v63, v61;
	v49 =	vsub.f32 v54, v62  }
0x255: {  	v57 =	vmax.f32 v11, v41;
	v58 =	vmin.f32 v13, v42;
	v59 =	vmax.f32 v12, v43  }
0x256: {  	v60 =	vmin.f32 v14, v44;
	v62 =	vmax.f32 v16, v41;
	v63 =	vmax.f32 v17, v43  }
0x257: {  	v50 =	vsub.f32 v58, v57;
	v61 =	vsub.f32 v60, v59;
	v60 =	vmin.f32 v18, v42  }
0x258: {  	v57 =	vmax.f32 v21, v41;
	v58 =	vmin.f32 v23, v42;
	v59 =	vmax.f32 v22, v43  }
0x259: {  	v45 =	vmax.f32 v45, $0.0e+00;
	v46 =	vmax.f32 v46, $0.0e+00;
	v48 =	vmax.f32 v48, $0.0e+00  }
0x25a: {  	v49 =	vmax.f32 v49, $0.0e+00;
	v62 =	vsub.f32 v60, v62;
	v60 =	vmin.f32 v24, v44  }
0x25b: {  	v45 =	vmul.f32 v46, v45;
	v48 =	vmul.f32 v49, v48;
	v50 =	vmax.f32 v50, $0.0e+00  }
0x25c: {  	v51 =	vmax.f32 v61, $0.0e+00;
	v61 =	vmin.f32 v19, v44;
	v53 =	vsub.f32 v60, v59  }
0x25d: {  	v50 =	vmul.f32 v51, v50;
	v63 =	vsub.f32 v61, v63;
	v51 =	vmax.f32 v62, $0.0e+00  }
0x25e: {  	v61 =	vmax.f32 v26, v41;
	v62 =	vmin.f32 v28, v42;
	v46 =	vsub.f32 v55, v45  }
0x25f: {  	v60 =	vmin.f32 v29, v44;
	v49 =	vsub.f32 v56, v48;
	v54 =	vsub.f32 v62, v61  }
0x260: {  	v61 =	vmax.f32 v31, v41;
	v62 =	vmin.f32 v33, v42;
	v41 =	vmax.f32 v36, v41  }
0x261: {  	v42 =	vmin.f32 v38, v42;
	v56 =	vmax.f32 v63, $0.0e+00;
	v63 =	vmax.f32 v27, v43  }
0x262: {  	v41 =	vsub.f32 v42, v41;
	v46 =	vadd.f32 $9.999999710e-10, v46;
	v51 =	vmul.f32 v56, v51  }
0x263: {  	v55 =	vsub.f32 v60, v63;
	v63 =	vmax.f32 v32, v43;
	v56 =	vsub.f32 v62, v61  }
0x264: {  	v60 =	vmin.f32 v34, v44;
	v43 =	vmax.f32 v37, v43;
	v44 =	vmin.f32 v39, v44  }
0x265: {  	v61 =	vadd.f32 v47, v20;
	v43 =	vsub.f32 v44, v43  }
0x266: {  	(erf) = vrcp.f32 v46;
	v46 =	vadd.f32 $9.999999710e-10, v49;
	v49 =	vsub.f32 v52, v50  }
0x267: {  	v53 =	vmax.f32 v53, $0.0e+00;
	v52 =	vsub.f32 v58, v57;
	v57 =	vsub.f32 v60, v63  }
0x268: {  	v41 =	vmax.f32 v41, $0.0e+00;
	v62 =	vsub.f32 v61, v51;
	v63 =	vadd.f32 v47, v25  }
0x269: {  	v58 =	vmax.f32 v54, $0.0e+00;
	v59 =	vmax.f32 v55, $0.0e+00;
	v60 =	vmax.f32 v56, $0.0e+00  }
0x26a: {  	v43 =	vmax.f32 v43, $0.0e+00;
	v52 =	vmax.f32 v52, $0.0e+00;
	(erf) = vrcp.f32 v46  }
0x26b: {  	v44 =	vadd.f32 $9.999999710e-10, v49;
	v46 =	vadd.f32 $9.999999710e-10, v62;
	v52 =	vmul.f32 v53, v52  }
0x26c: {  	v61 =	vmax.f32 v57, $0.0e+00;
	v49 =	vmul.f32 v59, v58;
	v62 =	vadd.f32 v47, v30  }
0x26d: {  	v54 =	vmul.f32 v61, v60;
	v42 =	vsub.f32 v63, v52;
	v63 =	vadd.f32 v47, v35  }
0x26e: {  	v41 =	vmul.f32 v43, v41;
	v56 =	vsub.f32 v62, v49;
	v47 =	vadd.f32 v47, v40  }
0x26f: {  	(erf) = vrcp.f32 v44;
	v42 =	vadd.f32 $9.999999710e-10, v42;
	v57 =	vsub.f32 v63, v54  }
0x270: {  	(erf) = vrcp.f32 v46;
	v43 =	vadd.f32 $9.999999710e-10, v56;
	v58 =	vsub.f32 v47, v41  }
0x271: {  	(erf) = vrcp.f32 v42;
	v59 =	vadd.f32 $9.999999710e-10, v57  }
0x272: {  	v60 =	vadd.f32 $9.999999710e-10, v58;
	(erf) = vrcp.f32 v43  }
0x273: {  	(erf) = vrcp.f32 v59  }
0x274: {  	(erf) = vrcp.f32 v60;
	_ =	sdelay $0x1  }
0x275: {  	v61 =	vpop (erf)  }
0x276: {  	v62 =	vpop (erf)  }
0x277: {  	v42 =	vmul.f32 v61, v45;
	v43 =	vmul.f32 v62, v48;
	v63 =	vpop (erf)  }
0x278: {  	v48 =	vpop (erf);
	v44 =	vmul.f32 v63, v50  }
0x279: {  	vm8 =	vgt.f32 v42, $3.000000120e-01;
	vm9 =	vgt.f32 v43, $3.000000120e-01;
	v55 =	vmul.f32 v48, v51;
	v53 =	vpop (erf)  }
0x27a: {  	vm0 =	vmor vm8, vm9;
	vm10 =	vgt.f32 v44, $3.000000120e-01;
	v56 =	vpop (erf);
	v57 =	vmul.f32 v53, v52  }
0x27b: {  	vm0 =	vmor vm10, vm0;
	vm11 =	vgt.f32 v55, $3.000000120e-01;
	v58 =	vpop (erf);
	v59 =	vmul.f32 v56, v49  }
0x27c: {  	v62 =	vld [tilespmem:s13+$0x0];
	vm0 =	vmor vm11, vm0;
	vm12 =	vgt.f32 v57, $3.000000120e-01;
	v60 =	vmul.f32 v58, v54;
	v61 =	vpop (erf)  }
0x27d: {  	p0 =	sne.s32 s17, $0x1;
	vm0 =	vmor vm12, vm0;
	vm13 =	vgt.f32 v59, $3.000000120e-01;
	v41 =	vmul.f32 v61, v41  }
.Ltmp14:
0x27e: {  	vm0 =	vmor vm13, vm0;
	vm14 =	vgt.f32 v60, $3.000000120e-01;
	(pc) =	sbr.rel @p0 .LBB2_15-.Ltmp14, $4  }
0x27f: {  	vm0 =	vmor vm14, vm0;
	vm15 =	vgt.f32 v41, $3.000000120e-01  }
0x280: {  	s17 =	sadd.s32 $0xFFFFFFFF, s17;
	vm0 =	vmor vm15, vm0  }
0x281: {  	s22 =	sadd.s32 $0x20, s22;
	s23 =	sadd.s32 $0x20, s23;
	s24 =	sadd.s32 $0x20, s24;
	v63 =	vsel vm0, $0x0, v62  }
0x282: {  	s25 =	sadd.s32 $0x20, s25;
	s26 =	sadd.s32 $0x20, s26;
	[tilespmem:s13+$0x0] =	vst v63;
	s13 =	sadd.s32 $0x20, s13  }
0x283: {  	s1 =	rddreg [dreg:$0x1d]  }
0x284: {  	s0 =	rddreg [dreg:$0x1c];
	s1 =	sadd.s32 $0x1, s1  }
0x285: {  	p0 =	sne.s32 s1, s0  }
.Ltmp15:
0x286: {  	_ = 	snop;
	(pc) =	sbr.rel @p0 .LBB2_14-.Ltmp15, $4  }
.Ltmp16:
0x287: {  	_ = 	snop;
	(pc) =	sbr.rel @!p0 .LBB2_17-.Ltmp16, $4  }
0x288: {  	_ = 	snop  }
0x289: {  	_ = 	snop  }
0x28a: {  	_ = 	snop  }
0x28b: {  	_ = 	snop  }
.LBB2_19:
0x28c: {  	s0 =	simm.s32 $0x4C30;
	s1 =	rddreg [dreg:$0x10];
	s21 =	simm.s32 $0x3  }
0x28d: {  	[tilespmem:s0], [sflag:$0x3] =	stream.linear.gather [spmem:s1], $0x500, $0x38;
	[tilespmem:$0x7730] =	vst v63  }
0x28e: {  	_ =	swait.ge [sflag:s21], $0x500  }
0x28f: {  	[sflag:s21] =	ssyncset.done $0x0  }
0x290: {  	s22 =	simm.s32 $0x5130;
	s2 =	rddreg [dreg:$0x11];
	[sflag:s21] =	ssyncadd.s32 $0xFFFFFB00  }
0x291: {  	[tilespmem:s22], [sflag:$0x3] =	stream.linear.gather [spmem:s2], $0x500, $0x38;
	[tilespmem:$0x7730] =	vst v63  }
0x292: {  	_ =	swait.ge [sflag:s21], $0x500  }
0x293: {  	[sflag:s21] =	ssyncset.done $0x0  }
0x294: {  	s23 =	simm.s32 $0x5630;
	s24 =	rddreg [dreg:$0x12];
	[sflag:s21] =	ssyncadd.s32 $0xFFFFFB00  }
0x295: {  	[tilespmem:s23], [sflag:$0x3] =	stream.linear.gather [spmem:s24], $0x500, $0x38;
	[tilespmem:$0x7730] =	vst v63  }
0x296: {  	_ =	swait.ge [sflag:s21], $0x500  }
0x297: {  	[sflag:s21] =	ssyncset.done $0x0  }
0x298: {  	s25 =	simm.s32 $0x5B30;
	s26 =	rddreg [dreg:$0x13];
	[sflag:s21] =	ssyncadd.s32 $0xFFFFFB00  }
0x299: {  	[tilespmem:s25], [sflag:$0x3] =	stream.linear.gather [spmem:s26], $0x500, $0x38;
	[tilespmem:$0x7730] =	vst v63  }
0x29a: {  	_ =	swait.ge [sflag:s21], $0x500  }
0x29b: {  	[sflag:s21] =	ssyncset.done $0x0  }
0x29c: {  	s28 =	simm.s32 $0x6030;
	s29 =	rddreg [dreg:$0x15];
	[sflag:s21] =	ssyncadd.s32 $0xFFFFFB00  }
0x29d: {  	[tilespmem:s28], [sflag:$0x3] =	stream.linear.gather [spmem:s29], $0x500, $0x38;
	[tilespmem:$0x7730] =	vst v63  }
0x29e: {  	_ =	swait.ge [sflag:s21], $0x500  }
0x29f: {  	[sflag:s21] =	ssyncset.done $0x0  }
0x2a0: {  	s30 =	simm.s32 $0x6A30;
	s31 =	rddreg [dreg:$0x14];
	[sflag:s21] =	ssyncadd.s32 $0xFFFFFB00  }
0x2a1: {  	[tilespmem:s30], [sflag:$0x3] =	stream.linear.gather [spmem:s31], $0x500, $0x38;
	[tilespmem:$0x7730] =	vst v63  }
0x2a2: {  	_ =	swait.ge [sflag:s21], $0x500  }
0x2a3: {  	[sflag:s21] =	ssyncset.done $0x0  }
0x2a4: {  	s2 =	simm.s32 $0x0;
	[sflag:s21] =	ssyncadd.s32 $0xFFFFFB00  }
0x2a5: {  	v0 =	vld [tilespmem:s2+$0x6A30]  }
0x2a6: {  	v1 =	vld [tilespmem:s2+$0x4C30]  }
0x2a7: {  	v2 =	vld [tilespmem:s2+$0x5130]  }
0x2a8: {  	v3 =	vld [tilespmem:s2+$0x5630]  }
0x2a9: {  	v4 =	vld [tilespmem:s2+$0x5B30]  }
0x2aa: {  	v5 =	vld [tilespmem:s2+$0x6030];
	vm0 =	vgt.f32 v0, $0.0e+00  }
0x2ab: {  	s0 =	simm.s32 $0x10;
	v1 =	vnsel vm0, $0x0, v1  }
0x2ac: {  	v0 =	vld [tilespmem:s0+$0x6A30];
	v2 =	vnsel vm0, $0x0, v2;
	[tilespmem:s2+$0x4C30] =	vst v1  }
0x2ad: {  	v3 =	vnsel vm0, $0x0, v3;
	v1 =	vld [tilespmem:s0+$0x4C30];
	[tilespmem:s2+$0x5130] =	vst v2  }
0x2ae: {  	v4 =	vnsel vm0, $0x0, v4;
	v2 =	vld [tilespmem:s0+$0x5130];
	[tilespmem:s2+$0x5630] =	vst v3  }
0x2af: {  	s3 =	simm.s32 $0x80;
	v3 =	vld [tilespmem:s0+$0x5630];
	[tilespmem:s2+$0x5B30] =	vst v4;
	v4 =	vnsel vm0, $0x0, v5  }
.LBB2_20:
0x2b0: {  	p0 =	sne.s32 s3, $0x13C0;
	v5 =	vld [tilespmem:s0+$0x5B30];
	[tilespmem:s2+$0x6030] =	vst v4;
	s2 =	smov.u32 s0  }
0x2b1: {  	vm0 =	vgt.f32 v0, $0.0e+00;
	v4 =	vld [tilespmem:s2+$0x6030]  }
.Ltmp17:
0x2b2: {  	s0 =	sshra.s32 s3, $0x2;
	v1 =	vnsel vm0, $0x0, v1;
	(pc) =	sbr.rel @p0 .LBB2_20-.Ltmp17, $4  }
0x2b3: {  	v0 =	vld [tilespmem:s0+$0x6A30];
	[tilespmem:s2+$0x4C30] =	vst v1;
	v2 =	vnsel vm0, $0x0, v2  }
0x2b4: {  	v1 =	vld [tilespmem:s0+$0x4C30];
	[tilespmem:s2+$0x5130] =	vst v2;
	v3 =	vnsel vm0, $0x0, v3  }
0x2b5: {  	v2 =	vld [tilespmem:s0+$0x5130];
	[tilespmem:s2+$0x5630] =	vst v3;
	v5 =	vnsel vm0, $0x0, v5  }
0x2b6: {  	s3 =	sadd.s32 $0x40, s3;
	v3 =	vld [tilespmem:s0+$0x5630];
	[tilespmem:s2+$0x5B30] =	vst v5;
	v4 =	vnsel vm0, $0x0, v4  }
0x2b7: {  	v5 =	vld [tilespmem:s0+$0x5B30];
	[tilespmem:s2+$0x6030] =	vst v4  }
0x2b8: {  	vm0 =	vgt.f32 v0, $0.0e+00;
	v60 =	vld [tilespmem:s0+$0x6030]  }
0x2b9: {  	v1 =	vnsel vm0, $0x0, v1  }
0x2ba: {  	[tilespmem:s0+$0x4C30] =	vst v1;
	v61 =	vnsel vm0, $0x0, v2  }
0x2bb: {  	[tilespmem:s0+$0x5130] =	vst v61;
	v62 =	vnsel vm0, $0x0, v3  }
0x2bc: {  	s1 =	rddreg [dreg:$0xf];
	[tilespmem:s0+$0x5630] =	vst v62;
	v63 =	vnsel vm0, $0x0, v5  }
0x2bd: {  	s21 =	rddreg [dreg:$0xe];
	s22 =	simm.s32 $0x0;
	s1 =	sshrl.u32 s1, $0x3;
	[tilespmem:s0+$0x5B30] =	vst v63;
	v0 =	vnsel vm0, $0x0, v60  }
0x2be: {  	s3 =	simm.s32 $0x4C30;
	s23 =	simm.s32 $0x3;
	[tilespmem:s0+$0x6030] =	vst v0;
	s0 =	sadd.s32 s21, s1  }
0x2bf: {  	[hbm4b:s0+s22] =	stream.linear.scatter [tilespmem:s3], [sflag:$0x3], $0x500, $0x38;
	[tilespmem:$0x7730] =	vst v63  }
0x2c0: {  	_ =	swait.ge [sflag:s23], $0x500  }
0x2c1: {  	[sflag:s23] =	ssyncset.done $0x0;
	s24 =	rddreg [dreg:$0xd]  }
0x2c2: {  	s4 =	simm.s32 $0x5130;
	s3 =	sadd.s32 s24, s1;
	[sflag:s23] =	ssyncadd.s32 $0xFFFFFB00  }
0x2c3: {  	[hbm4b:s3+s22] =	stream.linear.scatter [tilespmem:s4], [sflag:$0x3], $0x500, $0x38;
	[tilespmem:$0x7730] =	vst v63  }
0x2c4: {  	_ =	swait.ge [sflag:s23], $0x500  }
0x2c5: {  	[sflag:s23] =	ssyncset.done $0x0;
	s25 =	rddreg [dreg:$0xc]  }
0x2c6: {  	s26 =	simm.s32 $0x5630;
	s3 =	sadd.s32 s25, s1;
	[sflag:s23] =	ssyncadd.s32 $0xFFFFFB00  }
0x2c7: {  	[hbm4b:s3+s22] =	stream.linear.scatter [tilespmem:s26], [sflag:$0x3], $0x500, $0x38;
	[tilespmem:$0x7730] =	vst v63  }
0x2c8: {  	_ =	swait.ge [sflag:s23], $0x500  }
0x2c9: {  	[sflag:s23] =	ssyncset.done $0x0;
	s28 =	rddreg [dreg:$0xb]  }
0x2ca: {  	s29 =	simm.s32 $0x5B30;
	s3 =	sadd.s32 s28, s1;
	[sflag:s23] =	ssyncadd.s32 $0xFFFFFB00  }
0x2cb: {  	[hbm4b:s3+s22] =	stream.linear.scatter [tilespmem:s29], [sflag:$0x3], $0x500, $0x38;
	[tilespmem:$0x7730] =	vst v63  }
0x2cc: {  	_ =	swait.ge [sflag:s23], $0x500  }
0x2cd: {  	[sflag:s23] =	ssyncset.done $0x0;
	s30 =	rddreg [dreg:$0xa]  }
0x2ce: {  	s31 =	simm.s32 $0x6030;
	s1 =	sadd.s32 s30, s1;
	[sflag:s23] =	ssyncadd.s32 $0xFFFFFB00  }
0x2cf: {  	[hbm4b:s1+s22] =	stream.linear.scatter [tilespmem:s31], [sflag:$0x3], $0x500, $0x38;
	[tilespmem:$0x7730] =	vst v63  }
0x2d0: {  	_ =	swait.ge [sflag:s23], $0x500  }
0x2d1: {  	[sflag:s23] =	ssyncset.done $0x0  }
0x2d2: {  	[sflag:s23] =	ssyncadd.s32 $0xFFFFFB00  }
0x2d3: {  	_ =	sfence.sel $0x180000  }
0x2d4: {  	[bflag:$0x0] =	sbarrier.arrive $0xFFFF  }
0x2d5: {  	_ =	strace $0x90000047  }
0x2d6: {  	[bflag:$0x2] =	sbarrier.arrive $0xFFFF  }
0x2d7: {  	p0 =	sne.s32 s5, $0x0;
	s0 =	rddreg [dreg:$0x9]  }
0x2d8: {  	s0 =	sadd.s32 @!p0 $0x100000, s0  }
0x2d9: {  	[sflag:s0] =	ssyncadd.tile.s32 @!p0 $0x1;
	_ =	shalt  }
.Lfunc_end2:
_tile_overlayer_lowered:
.L_overlay_start_2:
0x2da: {  	(tag) =	ssettag $0x2  }
0x2db: {  	s0 =	rddreg [dreg:$0x0];
	s2 =	stileid.u32  }
0x2dc: {  	s1 =	rddreg [dreg:$0x1];
	p0 =	sne.s32 s2, $0x0  }
0x2dd: {  	s3 =	rddreg [dreg:$0x2];
	[bflag:$0x3] =	sbarrier.arrive $0xFFFF;
	s2 =	simm.s32 @!p0 $0x1C03  }
0x2de: {  	[timem:s3], [sflag:s2] =	dma.local @!p0 [hbm:s0], s1  }
0x2df: {  	s0 =	simm.s32 @!p0 $0x3  }
0x2e0: {  	_ =	swait.ge @!p0 [sflag:s0], s1  }
0x2e1: {  	s1 =	ssub.s32 @!p0 $0x0, s1;
	[sflag:s0] =	ssyncset.done @!p0 $0x0  }
0x2e2: {  	[sflag:s0] =	ssyncadd.s32 @!p0 s1  }
0x2e3: {  	[bflag:$0x3] =	sbarrier.arrive $0xFFFF  }
0x2e4: {  	_ =	shalt  }

</sc_bundles>
